<compile_context>
chip_gen: v7x
topology: tpu7x:2x2x1
jax: 0.10.2.dev20260603
libtpu: 0.0.44.dev20260713+nightly
codegen_flags: <defaults>
</compile_context>

<pallas_src>
import functools

import jax
import jax.numpy as jnp
from jax import lax
from jax.experimental import pallas as pl
from jax.experimental.pallas import tpu as pltpu
from jax.experimental.pallas import tpu_sc as plsc

N = 10000
E = 320000
HID = 128
TDIM = 16
OUTD = 64

NPART = 32
SEG = 320
SEGP = 336
NP = NPART * SEG
CAP = 11264
CAPU = CAP - 16
CHUNK = 32000
SCAN_U = 8
NG = CAP // 128
FB = 8
NFB = HID // FB

_mesh = plsc.VectorSubcoreMesh(core_axis_name="c", subcore_axis_name="s",
                               num_cores=2, num_subcores=16)
_sc_params = pltpu.CompilerParams(needs_layout_passes=False)

_f32 = jnp.float32
_i32 = jnp.int32


def _wid():
    return lax.axis_index("s") * 2 + lax.axis_index("c")


def _popcount(m):
    c = plsc.all_reduce_population_count(m)
    if c.ndim:
        c = jnp.max(c)
    return c


@functools.partial(
    pl.kernel,
    out_type=[
        jax.ShapeDtypeStruct((NPART, 1, CAP), _i32),
        jax.ShapeDtypeStruct((NPART, 1, CAP), _i32),
        jax.ShapeDtypeStruct((NPART, 1, CAP), _f32),
        jax.ShapeDtypeStruct((NPART, 1, CAP), _f32),
        jax.ShapeDtypeStruct((NPART, 1, 16), _i32),
    ],
    mesh=_mesh,
    scratch_types=[
        pltpu.VMEM((CHUNK,), _i32),
        pltpu.VMEM((CAP,), _i32),
        pltpu.VMEM((CAP,), _i32),
        pltpu.VMEM((CAP,), _i32),
        pltpu.VMEM((CAP,), _f32),
        pltpu.VMEM((CAP,), _f32),
        pltpu.VMEM((16,), _i32),
        pltpu.SemaphoreType.DMA,
    ],
    compiler_params=_sc_params,
)
def _bucket(dst_h, src_h, tsc1_h, tsc2_h,
            src_s, dstl_s, tsc1_s, tsc2_s, cnt_h,
            dst_c, eid_b, src_b, dstl_b, t1_b, t2_b, cnt_b, sem):
    t = _wid()
    zi = jnp.zeros((16,), _i32)
    sent = jnp.full((16,), SEG, _i32)
    lanes = lax.iota(_i32, 16)

    def fill(i, _):
        dstl_b[pl.ds(i * 16, 16)] = sent
        eid_b[pl.ds(i * 16, 16)] = zi
        return 0

    lax.fori_loop(0, CAP // 16, fill, 0)

    tb = t * SEG

    def chunk_body(ch, off):
        base = ch * CHUNK
        pltpu.sync_copy(dst_h.at[pl.ds(base, CHUNK)], dst_c)

        @plsc.parallel_loop(0, CHUNK // 16, carry=off, unroll=SCAN_U)
        def vec_body(i, off):
            vb = i * 16
            d = dst_c[pl.ds(vb, 16)]
            m = lax.shift_right_logical(d * 6554, 21) == t
            o = jnp.minimum(off, CAPU)
            plsc.store_compressed(dstl_b.at[pl.ds(o, 16)], d - tb, mask=m)
            plsc.store_compressed(eid_b.at[pl.ds(o, 16)],
                                  lanes + (base + vb), mask=m)
            return off + _popcount(m)

        return vec_body

    off = lax.fori_loop(0, E // CHUNK, chunk_body, jnp.int32(0))
    cnt_b[pl.ds(0, 16)] = jnp.broadcast_to(jnp.minimum(off, CAPU), (16,))

    def gat(g, _):
        idx = eid_b.at[pl.ds(g * 128, 128)]
        c1 = pltpu.async_copy(src_h.at[idx], src_b.at[pl.ds(g * 128, 128)],
                              sem)
        c2 = pltpu.async_copy(tsc1_h.at[idx], t1_b.at[pl.ds(g * 128, 128)],
                              sem)
        c3 = pltpu.async_copy(tsc2_h.at[idx], t2_b.at[pl.ds(g * 128, 128)],
                              sem)
        c1.wait()
        c2.wait()
        c3.wait()
        return 0

    lax.fori_loop(0, NG, gat, 0)

    pltpu.sync_copy(cnt_b, cnt_h.at[t, 0])
    pltpu.sync_copy(src_b, src_s.at[t, 0])
    pltpu.sync_copy(dstl_b, dstl_s.at[t, 0])
    pltpu.sync_copy(t1_b, tsc1_s.at[t, 0])
    pltpu.sync_copy(t2_b, tsc2_s.at[t, 0])


@functools.partial(
    pl.kernel,
    out_type=jax.ShapeDtypeStruct((NPART, HID, SEG), _f32),
    mesh=_mesh,
    scratch_types=[
        pltpu.VMEM((CAP,), _i32),
        pltpu.VMEM((CAP,), _i32),
        pltpu.VMEM((CAP,), _f32),
        pltpu.VMEM((NP,), _f32),
        pltpu.VMEM((SEGP,), _f32),
        pltpu.VMEM((SEGP,), _f32),
        pltpu.VMEM((FB, NP), _f32),
        pltpu.VMEM((FB, SEG), _f32),
        pltpu.VMEM((16,), _i32),
    ],
    compiler_params=_sc_params,
)
def _layer(hT, ai, aj, src_s, dstl_s, tsc_s, cnt_h, msg_p,
           src_b, dstl_b, val_b, aj_b, ai_b, s_tbl, h_blk, out_b, cnt_b):
    t = _wid()
    pltpu.sync_copy(src_s.at[t, 0], src_b)
    pltpu.sync_copy(dstl_s.at[t, 0], dstl_b)
    pltpu.sync_copy(tsc_s.at[t, 0], val_b)
    pltpu.sync_copy(aj, aj_b)
    pltpu.sync_copy(ai.at[t, 0], ai_b)
    pltpu.sync_copy(cnt_h.at[t, 0], cnt_b)
    cnt = jnp.max(cnt_b[pl.ds(0, 16)])
    nv = lax.div(cnt + 15, 16)

    zf = jnp.zeros((16,), _f32)

    def zs(i, _):
        s_tbl[pl.ds(i * 16, 16)] = zf
        return 0

    lax.fori_loop(0, SEGP // 16, zs, 0)

    @plsc.parallel_loop(0, nv, unroll=4)
    def p1(j):
        vb = j * 16
        dl = dstl_b[pl.ds(vb, 16)]
        sv = src_b[pl.ds(vb, 16)]
        ts = val_b[pl.ds(vb, 16)]
        a = plsc.load_gather(ai_b, [dl]) + plsc.load_gather(aj_b, [sv]) + ts
        a = jnp.where(a >= 0, a, a * 0.01)
        e = jnp.exp(a)
        plsc.addupdate_scatter(s_tbl, [dl], e, mask=dl < SEG)
        val_b[pl.ds(vb, 16)] = e

    @plsc.parallel_loop(0, nv, unroll=4)
    def p2(j):
        vb = j * 16
        dl = dstl_b[pl.ds(vb, 16)]
        e = val_b[pl.ds(vb, 16)]
        s = plsc.load_gather(s_tbl, [dl])
        an = e / (s + 1e-16)
        val_b[pl.ds(vb, 16)] = jnp.where(dl < SEG, an, 0.0)

    fidxs = [jnp.full((16,), f, _i32) for f in range(FB)]

    def p3(fb, _):
        pltpu.sync_copy(hT.at[fb], h_blk)
        for f in range(FB):
            def zo(i, _, f=f):
                out_b[f, pl.ds(i * 16, 16)] = zf
                return 0
            lax.fori_loop(0, SEG // 16, zo, 0)

        @plsc.parallel_loop(0, nv, unroll=4)
        def p3v(j):
            vb = j * 16
            sv = src_b[pl.ds(vb, 16)]
            dl = dstl_b[pl.ds(vb, 16)]
            an = val_b[pl.ds(vb, 16)]
            m = dl < SEG
            for f in range(FB):
                v = plsc.load_gather(h_blk, [fidxs[f], sv])
                plsc.addupdate_scatter(out_b, [fidxs[f], dl], v * an, mask=m)

        pltpu.sync_copy(out_b, msg_p.at[t, pl.ds(fb * FB, FB), :])
        return 0

    lax.fori_loop(0, NFB, p3, 0)


_HI = jax.lax.Precision.HIGHEST


def _node_outs(h, wai, waj, hT_r, ai_r, aj_r):
    hT_r[...] = h.reshape(NFB, FB, NP)
    ai_r[...] = lax.dot_general(wai, h, (((1,), (0,)), ((), ())),
                                precision=_HI,
                                preferred_element_type=_f32).reshape(
                                    1, NPART, SEG)
    aj_r[...] = lax.dot_general(waj, h, (((1,), (0,)), ((), ())),
                                precision=_HI,
                                preferred_element_type=_f32).reshape(
                                    1, NPART, SEG)


def _tc_first_body(x_r, w_r, b_r, wai_r, waj_r, hT_r, ai_r, aj_r):
    h = lax.dot_general(w_r[...], x_r[...], (((1,), (1,)), ((), ())),
                        precision=_HI, preferred_element_type=_f32)
    h = h + b_r[...][:, None]
    h = jnp.concatenate([h, jnp.zeros((HID, NP - N), _f32)], axis=1)
    _node_outs(h, wai_r[...], waj_r[...], hT_r, ai_r, aj_r)


_node_out_shapes = [
    jax.ShapeDtypeStruct((NFB, FB, NP), _f32),
    jax.ShapeDtypeStruct((1, NPART, SEG), _f32),
    jax.ShapeDtypeStruct((1, NPART, SEG), _f32),
]

_tc_first = pl.pallas_call(_tc_first_body, out_shape=_node_out_shapes)


def _tc_hidden_body(m_r, w_r, b_r, wai_r, waj_r, hT_r, ai_r, aj_r):
    xT = jnp.maximum(m_r[...], 0.0)
    h = lax.dot_general(w_r[...], xT, (((1,), (1,)), ((), ())),
                        precision=_HI, preferred_element_type=_f32)
    h = h.reshape(HID, NP) + b_r[...][:, None]
    _node_outs(h, wai_r[...], waj_r[...], hT_r, ai_r, aj_r)


_tc_hidden = pl.pallas_call(_tc_hidden_body, out_shape=_node_out_shapes)


E2 = 327680
_TR = 2560
_TBR = 320


def _tc_tsc_body(et_r, wt1_r, bt1_r, wat1_r, ba1_r, wt2_r, bt2_r, wat2_r,
                 ba2_r, t1_r, t2_r):
    et = et_r[...]
    for wt_r, bt_r, wat_r, ba_r, o_r in (
            (wt1_r, bt1_r, wat1_r, ba1_r, t1_r),
            (wt2_r, bt2_r, wat2_r, ba2_r, t2_r)):
        wt = wt_r[...]
        bt = bt_r[...]
        wat = wat_r[...]
        acc = jnp.full((_TBR, 128), ba_r[...][0], _f32)
        for k in range(TDIM):
            acc = acc + wat[k] * jnp.sin(et * wt[k, 0] + bt[k])
        o_r[...] = acc


_tc_tsc = pl.pallas_call(
    _tc_tsc_body,
    grid=(_TR // _TBR,),
    in_specs=[
        pl.BlockSpec((_TBR, 128), lambda i: (i, 0)),
        pl.BlockSpec((TDIM, 1), lambda i: (0, 0)),
        pl.BlockSpec((TDIM,), lambda i: (0,)),
        pl.BlockSpec((TDIM,), lambda i: (0,)),
        pl.BlockSpec((1,), lambda i: (0,)),
        pl.BlockSpec((TDIM, 1), lambda i: (0, 0)),
        pl.BlockSpec((TDIM,), lambda i: (0,)),
        pl.BlockSpec((TDIM,), lambda i: (0,)),
        pl.BlockSpec((1,), lambda i: (0,)),
    ],
    out_specs=[
        pl.BlockSpec((_TBR, 128), lambda i: (i, 0)),
        pl.BlockSpec((_TBR, 128), lambda i: (i, 0)),
    ],
    out_shape=[
        jax.ShapeDtypeStruct((_TR, 128), _f32),
        jax.ShapeDtypeStruct((_TR, 128), _f32),
    ],
)


def _tc_final_body(m_r, wc_r, bc_r, o_r):
    r = lax.dot_general(m_r[...], wc_r[...], (((1,), (1,)), ((), ())),
                        precision=_HI, preferred_element_type=_f32)
    o_r[...] = r.reshape(NP, OUTD)[:N] + bc_r[...][None, :]


_tc_final = pl.pallas_call(
    _tc_final_body,
    out_shape=jax.ShapeDtypeStruct((N, OUTD), _f32),
)


def _pad_a(a):
    return jnp.pad(a[0], ((0, 0), (0, SEGP - SEG))).reshape(NPART, 1, SEGP)


def kernel(x, edge_index, edge_time,
           W1, b1, Wa1, ba1, Wt1, bt1,
           W2, b2, Wa2, ba2, Wt2, bt2,
           Wc, bc):
    src = edge_index[0]
    dst = edge_index[1]
    et2d = jnp.pad(edge_time.reshape(E), (0, E2 - E)).reshape(_TR, 128)
    t1_2d, t2_2d = _tc_tsc(et2d, Wt1, bt1, Wa1[0, 2 * HID:], ba1,
                           Wt2, bt2, Wa2[0, 2 * HID:], ba2)
    tsc1 = t1_2d.reshape(E2)[:E]
    tsc2 = t2_2d.reshape(E2)[:E]
    src_s, dstl_s, tsc1_s, tsc2_s, cnt = _bucket(dst, src, tsc1, tsc2)
    hT1, ai1, aj1 = _tc_first(x, W1, b1, Wa1[:, :HID], Wa1[:, HID:2 * HID])
    msg1 = _layer(hT1, _pad_a(ai1), aj1.reshape(NP), src_s, dstl_s,
                  tsc1_s, cnt)
    hT2, ai2, aj2 = _tc_hidden(msg1, W2, b2, Wa2[:, :HID],
                               Wa2[:, HID:2 * HID])
    msg2 = _layer(hT2, _pad_a(ai2), aj2.reshape(NP), src_s, dstl_s,
                  tsc2_s, cnt)
    return _tc_final(msg2, Wc, bc)

# --- scband reference (transcript-rebuilt; emitter-appended) ---
"""Pipeline reference for scband-tgat-60979945669280 (READ-ONLY COPY).

The authoritative reference and input builder live on the scoring server;
editing this copy changes nothing except your own understanding.
"""

import jax, jax.numpy as jnp
import numpy as np

N = 10000
E = 320000
IN_DIM = 128
HID = 128
OUT = 64
TDIM = 16


def setup_inputs(seed: int = 0) -> dict:
    key = jax.random.key(seed)
    ks = jax.random.split(key, 20)
    x = jax.random.normal(ks[0], (N, IN_DIM), dtype=jnp.float32)
    edge_index = jax.random.randint(ks[1], (2, E), 0, N, dtype=jnp.int32)
    edge_time = jax.random.uniform(ks[2], (E, 1), dtype=jnp.float32)
    def lin(k, out_f, in_f):
        s = 1.0 / np.sqrt(in_f)
        kw, kb = jax.random.split(k)
        W = jax.random.uniform(kw, (out_f, in_f), dtype=jnp.float32, minval=-s, maxval=s)
        b = jax.random.uniform(kb, (out_f,), dtype=jnp.float32, minval=-s, maxval=s)
        return W, b
    W1, b1 = lin(ks[3], HID, IN_DIM)
    Wa1, ba1 = lin(ks[4], 1, 2 * HID + TDIM)
    Wt1, bt1 = lin(ks[5], TDIM, 1)
    W2, b2 = lin(ks[6], HID, HID)
    Wa2, ba2 = lin(ks[7], 1, 2 * HID + TDIM)
    Wt2, bt2 = lin(ks[8], TDIM, 1)
    Wc, bc = lin(ks[9], OUT, HID)
    return {
        'x': x, 'edge_index': edge_index, 'edge_time': edge_time,
        'W1': W1, 'b1': b1, 'Wa1': Wa1, 'ba1': ba1, 'Wt1': Wt1, 'bt1': bt1,
        'W2': W2, 'b2': b2, 'Wa2': Wa2, 'ba2': ba2, 'Wt2': Wt2, 'bt2': bt2,
        'Wc': Wc, 'bc': bc,
    }


def _segment_softmax(alpha, index, num_segments):
    m = jax.ops.segment_max(alpha, index, num_segments)
    m = jnp.where(jnp.isfinite(m), m, 0.0)
    a = jnp.exp(alpha - m[index])
    s = jax.ops.segment_sum(a, index, num_segments)
    return a / (s[index] + 1e-16)


def _temporal_gat_conv(x, edge_index, edge_time, Wl, bl, Wa, ba, Wt, bt):
    src = edge_index[0]
    dst = edge_index[1]
    # TemporalEncoding: sin(Linear(timestamps))
    t_enc = jnp.sin(edge_time @ Wt.T + bt)
    # message: lin applied to x_i and x_j (same lin => transform nodes once, then gather)
    h = x @ Wl.T + bl
    x_i = h[dst]
    x_j = h[src]
    alpha_input = jnp.concatenate([x_i, x_j, t_enc], axis=1)
    alpha = alpha_input @ Wa.T + ba
    alpha = jnp.where(alpha >= 0, alpha, 0.01 * alpha)  # leaky_relu default slope
    alpha = _segment_softmax(alpha, dst, x.shape[0])
    msg = x_j * alpha
    return jax.ops.segment_sum(msg, dst, x.shape[0])  # aggr='add'


def reference(x, edge_index, edge_time,
              W1, b1, Wa1, ba1, Wt1, bt1,
              W2, b2, Wa2, ba2, Wt2, bt2,
              Wc, bc):
    h = _temporal_gat_conv(x, edge_index, edge_time, W1, b1, Wa1, ba1, Wt1, bt1)
    h = jax.nn.relu(h)
    # dropout p=0.3 is identity in eval mode
    h = _temporal_gat_conv(h, edge_index, edge_time, W2, b2, Wa2, ba2, Wt2, bt2)
    return h @ Wc.T + bc

if __name__ == "__main__":
    import jax
    _d = setup_inputs()
    print(jax.jit(kernel)(*tuple(_d.values())))

</pallas_src>

<mosaic_0001>
#map = affine_map<(d0, d1) -> (0)>
#map1 = affine_map<(d0, d1) -> (0, 0, 0)>
module attributes {stable_mosaic.version = 14 : i64} {
  func.func @_bucket(%arg0: i32, %arg1: i32, %arg2: memref<320000xi32, #tpu.memory_space<hbm>>, %arg3: memref<320000xi32, #tpu.memory_space<hbm>>, %arg4: memref<320000xf32, #tpu.memory_space<hbm>>, %arg5: memref<320000xf32, #tpu.memory_space<hbm>>, %arg6: memref<32x1x11264xi32, #tpu.memory_space<hbm>>, %arg7: memref<32x1x11264xi32, #tpu.memory_space<hbm>>, %arg8: memref<32x1x11264xf32, #tpu.memory_space<hbm>>, %arg9: memref<32x1x11264xf32, #tpu.memory_space<hbm>>, %arg10: memref<32x1x16xi32, #tpu.memory_space<hbm>>, %arg11: memref<32000xi32, #tpu.memory_space<vmem>>, %arg12: memref<11264xi32, #tpu.memory_space<vmem>>, %arg13: memref<11264xi32, #tpu.memory_space<vmem>>, %arg14: memref<11264xi32, #tpu.memory_space<vmem>>, %arg15: memref<11264xf32, #tpu.memory_space<vmem>>, %arg16: memref<11264xf32, #tpu.memory_space<vmem>>, %arg17: memref<16xi32, #tpu.memory_space<vmem>>, %arg18: memref<!tpu.dma_semaphore, #tpu.memory_space<semaphore_mem>>) attributes {dimension_semantics = [#tpu.dimension_semantics<core_parallel>, #tpu.dimension_semantics<subcore_parallel>], iteration_bounds = array<i64: 2, 16>, scalar_prefetch = 0 : i64, scratch_operands = 8 : i64, tpu.core_type = #tpu.core_type<sc_vector_subcore>, window_params = [{transform_indices = #map}, {transform_indices = #map}, {transform_indices = #map}, {transform_indices = #map}, {transform_indices = #map1}, {transform_indices = #map1}, {transform_indices = #map1}, {transform_indices = #map1}, {transform_indices = #map1}]} {
    %mul3A = arith.constant 2 : i32
    %mul3A_0 = arith.muli %arg1, %mul3A : i32
    %add3A = arith.addi %mul3A_0, %arg0 : i32
    %broadcast_in_dim3A = arith.constant 0 : i32
    %broadcast_in_dim3A_1 = vector.broadcast %broadcast_in_dim3A : i32 to vector<16xi32>
    %broadcast_in_dim3A_2 = arith.constant 320 : i32
    %broadcast_in_dim3A_3 = vector.broadcast %broadcast_in_dim3A_2 : i32 to vector<16xi32>
    %iota3A = tpu.iota {dimensions = array<i32: 0>} : vector<16xi32>
    %scan3A = arith.constant 0 : i32
    %scan3A_4 = arith.constant 0 : i32
    %scan3A_5 = arith.constant 704 : i32
    %scan3A_6 = arith.addi %scan3A_4, %scan3A_5 : i32
    %scan3A_7 = arith.constant 1 : i32
    %scan3A_8 = scf.for %scan3A_33 = %scan3A_4 to %scan3A_6 step %scan3A_7 iter_args(%scan3A_34 = %scan3A) -> (i32)  : i32 {
      %mul3A_35 = arith.constant 16 : i32
      %mul3A_36 = arith.muli %scan3A_33, %mul3A_35 : i32
      %swap3A_37 = arith.index_cast %mul3A_36 : i32 to index
      %swap3A_38 = tpu.vector_load %arg14[%swap3A_37] {strides = array<i32>} : memref<11264xi32, #tpu.memory_space<vmem>>, vector<16xi32>,
      tpu.vector_store %arg14[%swap3A_37], %broadcast_in_dim3A_3 {strides = array<i32>} : memref<11264xi32, #tpu.memory_space<vmem>>, vector<16xi32>,
      %mul3A_39 = arith.constant 16 : i32
      %mul3A_40 = arith.muli %scan3A_33, %mul3A_39 : i32
      %swap3A_41 = arith.index_cast %mul3A_40 : i32 to index
      %swap3A_42 = tpu.vector_load %arg12[%swap3A_41] {strides = array<i32>} : memref<11264xi32, #tpu.memory_space<vmem>>, vector<16xi32>,
      tpu.vector_store %arg12[%swap3A_41], %broadcast_in_dim3A_1 {strides = array<i32>} : memref<11264xi32, #tpu.memory_space<vmem>>, vector<16xi32>,
      %scan3A_43 = arith.constant 0 : i32
      scf.yield %scan3A_43 : i32
    }
    %scan3A_9 = arith.constant 704 : i32
    %mul3A_10 = arith.constant 320 : i32
    %mul3A_11 = arith.muli %add3A, %mul3A_10 : i32
    %scan3A_12 = arith.constant 0 : i32
    %scan3A_13 = arith.constant 0 : i32
    %scan3A_14 = arith.constant 10 : i32
    %scan3A_15 = arith.addi %scan3A_13, %scan3A_14 : i32
    %scan3A_16 = arith.constant 1 : i32
    %scan3A_17 = scf.for %scan3A_33 = %scan3A_13 to %scan3A_15 step %scan3A_16 iter_args(%scan3A_34 = %scan3A_12) -> (i32)  : i32 {
      %mul3A_35 = arith.constant 32000 : i32
      %mul3A_36 = arith.muli %scan3A_33, %mul3A_35 : i32
      "tpu.region"() ({
        %run_scoped3A_40 = tpu.sem_alloc : memref<!tpu.dma_semaphore, #tpu.memory_space<semaphore_mem>>
        %dma_start3A = tpu.memref_slice %arg2[%mul3A_36] : memref<320000xi32, #tpu.memory_space<hbm>> -> memref<32000xi32, #tpu.memory_space<hbm>>
        %dma_start3A_41 = tpu.memref_slice %arg2[%mul3A_36] : memref<320000xi32, #tpu.memory_space<hbm>> -> memref<32000xi32, #tpu.memory_space<hbm>>
        tpu.enqueue_dma source(%dma_start3A_41 : memref<32000xi32, #tpu.memory_space<hbm>>) target(%arg11 : memref<32000xi32, #tpu.memory_space<vmem>>) target_semaphore(%run_scoped3A_40 : memref<!tpu.dma_semaphore, #tpu.memory_space<semaphore_mem>>)
        %dma_wait3A = tpu.memref_slice %arg2[%mul3A_36] : memref<320000xi32, #tpu.memory_space<hbm>> -> memref<32000xi32, #tpu.memory_space<hbm>>
        %dma_wait3A_42 = tpu.memref_slice %arg2[%mul3A_36] : memref<320000xi32, #tpu.memory_space<hbm>> -> memref<32000xi32, #tpu.memory_space<hbm>>
        tpu.wait_dma2 semaphore(%run_scoped3A_40 : memref<!tpu.dma_semaphore, #tpu.memory_space<semaphore_mem>>) src(%dma_wait3A_42 : memref<32000xi32, #tpu.memory_space<hbm>>) dst(%arg11 : memref<32000xi32, #tpu.memory_space<vmem>>)
        tpu.yield
      }) : () -> ()
      %parallel_loop3A = arith.constant 0 : i32
      %parallel_loop3A_37 = arith.constant 2000 : i32
      %parallel_loop3A_38 = arith.constant 1 : i32
      %parallel_loop3A_39 = scf.for %parallel_loop3A_40 = %parallel_loop3A to %parallel_loop3A_37 step %parallel_loop3A_38 iter_args(%parallel_loop3A_41 = %scan3A_34) -> (i32)  : i32 {
        %parallel_loop3A_42 = arith.constant 16 : i32
        %parallel_loop3A_43 = arith.muli %parallel_loop3A_40, %parallel_loop3A_42 : i32
        %parallel_loop3A_44 = arith.index_cast %parallel_loop3A_43 : i32 to index
        %parallel_loop3A_45 = tpu.vector_load %arg11[%parallel_loop3A_44] {strides = array<i32>} : memref<32000xi32, #tpu.memory_space<vmem>>, vector<16xi32>,
        %parallel_loop3A_46 = arith.constant 6554 : i32
        %parallel_loop3A_47 = vector.broadcast %parallel_loop3A_46 : i32 to vector<16xi32>
        %parallel_loop3A_48 = arith.muli %parallel_loop3A_45, %parallel_loop3A_47 : vector<16xi32>
        %parallel_loop3A_49 = arith.constant 21 : i32
        %parallel_loop3A_50 = vector.broadcast %parallel_loop3A_49 : i32 to vector<16xi32>
        %parallel_loop3A_51 = arith.shrui %parallel_loop3A_48, %parallel_loop3A_50 : vector<16xi32>
        %parallel_loop3A_52 = vector.broadcast %add3A : i32 to vector<16xi32>
        %parallel_loop3A_53 = arith.cmpi eq, %parallel_loop3A_51, %parallel_loop3A_52 : vector<16xi32>
        %parallel_loop3A_54 = arith.constant 11248 : i32
        %parallel_loop3A_55 = arith.minsi %parallel_loop3A_41, %parallel_loop3A_54 : i32
        %parallel_loop3A_56 = vector.broadcast %mul3A_11 : i32 to vector<16xi32>
        %parallel_loop3A_57 = arith.subi %parallel_loop3A_45, %parallel_loop3A_56 : vector<16xi32>
        %parallel_loop3A_58 = arith.index_cast %parallel_loop3A_55 : i32 to index
        %parallel_loop3A_59 = tpu.vector_load %arg14[%parallel_loop3A_58] masked %parallel_loop3A_53 {strides = array<i32>} : memref<11264xi32, #tpu.memory_space<vmem>>, vector<16xi32>, vector<16xi1>
        tpu.vector_store %arg14[%parallel_loop3A_58], %parallel_loop3A_57 masked %parallel_loop3A_53 {strides = array<i32>} : memref<11264xi32, #tpu.memory_space<vmem>>, vector<16xi32>, vector<16xi1>
        %parallel_loop3A_60 = arith.addi %mul3A_36, %parallel_loop3A_43 : i32
        %parallel_loop3A_61 = vector.broadcast %parallel_loop3A_60 : i32 to vector<16xi32>
        %parallel_loop3A_62 = arith.addi %iota3A, %parallel_loop3A_61 : vector<16xi32>
        %parallel_loop3A_63 = arith.index_cast %parallel_loop3A_55 : i32 to index
        %parallel_loop3A_64 = tpu.vector_load %arg12[%parallel_loop3A_63] masked %parallel_loop3A_53 {strides = array<i32>} : memref<11264xi32, #tpu.memory_space<vmem>>, vector<16xi32>, vector<16xi1>
        tpu.vector_store %arg12[%parallel_loop3A_63], %parallel_loop3A_62 masked %parallel_loop3A_53 {strides = array<i32>} : memref<11264xi32, #tpu.memory_space<vmem>>, vector<16xi32>, vector<16xi1>
        %parallel_loop3A_65 = tpu.all_reduce %parallel_loop3A_53 {dim = 0 : i64, kind = #tpu.reduction_kind<sum>} : vector<16xi1> -> vector<16xi32>
        %parallel_loop3A_66 = arith.constant true
        %parallel_loop3A_67 = vector.broadcast %parallel_loop3A_66 : i1 to vector<16xi1>
        %parallel_loop3A_68 = arith.constant -2147483648 : i32
        %parallel_loop3A_69 = vector.broadcast %parallel_loop3A_68 : i32 to vector<16xi32>
        %parallel_loop3A_70 = arith.xori %parallel_loop3A_65, %parallel_loop3A_69 : vector<16xi32>
        %parallel_loop3A_71 = tpu.scan <max>, %parallel_loop3A_70 masked %parallel_loop3A_67 : vector<16xi32>, vector<16xi1> -> vector<16xi32>
        %parallel_loop3A_72 = arith.xori %parallel_loop3A_71, %parallel_loop3A_69 : vector<16xi32>
        %parallel_loop3A_73 = vector.extract %parallel_loop3A_72[15] : i32 from vector<16xi32>
        %parallel_loop3A_74 = arith.addi %parallel_loop3A_41, %parallel_loop3A_73 : i32
        scf.yield %parallel_loop3A_74 : i32
      } {sc.loop_unroll_factor = 8 : i64, sc.parallel_access}
      scf.yield %parallel_loop3A_39 : i32
    }
    %scan3A_18 = arith.constant 10 : i32
    %min3A = arith.constant 11248 : i32
    %min3A_19 = arith.minsi %scan3A_17, %min3A : i32
    %broadcast_in_dim3A_20 = vector.broadcast %min3A_19 : i32 to vector<16xi32>
    %swap3A = arith.constant 0 : index
    %swap3A_21 = tpu.vector_load %arg17[%swap3A] {strides = array<i32>} : memref<16xi32, #tpu.memory_space<vmem>>, vector<16xi32>,
    tpu.vector_store %arg17[%swap3A], %broadcast_in_dim3A_20 {strides = array<i32>} : memref<16xi32, #tpu.memory_space<vmem>>, vector<16xi32>,
    %scan3A_22 = arith.constant 0 : i32
    %scan3A_23 = arith.constant 0 : i32
    %scan3A_24 = arith.constant 88 : i32
    %scan3A_25 = arith.addi %scan3A_23, %scan3A_24 : i32
    %scan3A_26 = arith.constant 1 : i32
    %scan3A_27 = scf.for %scan3A_33 = %scan3A_23 to %scan3A_25 step %scan3A_26 iter_args(%scan3A_34 = %scan3A_22) -> (i32)  : i32 {
      %mul3A_35 = arith.constant 128 : i32
      %mul3A_36 = arith.muli %scan3A_33, %mul3A_35 : i32
      %mul3A_37 = arith.constant 128 : i32
      %mul3A_38 = arith.muli %scan3A_33, %mul3A_37 : i32
      %dma_start3A = tpu.memref_slice %arg13[%mul3A_38] : memref<11264xi32, #tpu.memory_space<vmem>> -> memref<128xi32, #tpu.memory_space<vmem>>
      %dma_start3A_39 = tpu.memref_slice %arg12[%mul3A_36] : memref<11264xi32, #tpu.memory_space<vmem>> -> memref<128xi32, #tpu.memory_space<vmem>>
      %dma_start3A_40 = arith.constant 0 : i32
      %dma_start3A_41 = tpu.memref_slice %arg3[%dma_start3A_40] : memref<320000xi32, #tpu.memory_space<hbm>> -> memref<320000xi32, #tpu.memory_space<hbm>>
      tpu.enqueue_indirect_dma source(%dma_start3A_41 : memref<320000xi32, #tpu.memory_space<hbm>>) target(%dma_start3A : memref<128xi32, #tpu.memory_space<vmem>>) offsets(%dma_start3A_39 : memref<128xi32, #tpu.memory_space<vmem>>) semaphore(%arg18 : memref<!tpu.dma_semaphore, #tpu.memory_space<semaphore_mem>>)
      %mul3A_42 = arith.constant 128 : i32
      %mul3A_43 = arith.muli %scan3A_33, %mul3A_42 : i32
      %dma_start3A_44 = tpu.memref_slice %arg15[%mul3A_43] : memref<11264xf32, #tpu.memory_space<vmem>> -> memref<128xf32, #tpu.memory_space<vmem>>
      %dma_start3A_45 = tpu.memref_slice %arg12[%mul3A_36] : memref<11264xi32, #tpu.memory_space<vmem>> -> memref<128xi32, #tpu.memory_space<vmem>>
      %dma_start3A_46 = arith.constant 0 : i32
      %dma_start3A_47 = tpu.memref_slice %arg4[%dma_start3A_46] : memref<320000xf32, #tpu.memory_space<hbm>> -> memref<320000xf32, #tpu.memory_space<hbm>>
      tpu.enqueue_indirect_dma source(%dma_start3A_47 : memref<320000xf32, #tpu.memory_space<hbm>>) target(%dma_start3A_44 : memref<128xf32, #tpu.memory_space<vmem>>) offsets(%dma_start3A_45 : memref<128xi32, #tpu.memory_space<vmem>>) semaphore(%arg18 : memref<!tpu.dma_semaphore, #tpu.memory_space<semaphore_mem>>)
      %mul3A_48 = arith.constant 128 : i32
      %mul3A_49 = arith.muli %scan3A_33, %mul3A_48 : i32
      %dma_start3A_50 = tpu.memref_slice %arg16[%mul3A_49] : memref<11264xf32, #tpu.memory_space<vmem>> -> memref<128xf32, #tpu.memory_space<vmem>>
      %dma_start3A_51 = tpu.memref_slice %arg12[%mul3A_36] : memref<11264xi32, #tpu.memory_space<vmem>> -> memref<128xi32, #tpu.memory_space<vmem>>
      %dma_start3A_52 = arith.constant 0 : i32
      %dma_start3A_53 = tpu.memref_slice %arg5[%dma_start3A_52] : memref<320000xf32, #tpu.memory_space<hbm>> -> memref<320000xf32, #tpu.memory_space<hbm>>
      tpu.enqueue_indirect_dma source(%dma_start3A_53 : memref<320000xf32, #tpu.memory_space<hbm>>) target(%dma_start3A_50 : memref<128xf32, #tpu.memory_space<vmem>>) offsets(%dma_start3A_51 : memref<128xi32, #tpu.memory_space<vmem>>) semaphore(%arg18 : memref<!tpu.dma_semaphore, #tpu.memory_space<semaphore_mem>>)
      %dma_wait3A = tpu.memref_slice %arg13[%mul3A_38] : memref<11264xi32, #tpu.memory_space<vmem>> -> memref<128xi32, #tpu.memory_space<vmem>>
      %dma_wait3A_54 = tpu.memref_slice %arg12[%mul3A_36] : memref<11264xi32, #tpu.memory_space<vmem>> -> memref<128xi32, #tpu.memory_space<vmem>>
      %dma_wait3A_55 = arith.constant 0 : i32
      %dma_wait3A_56 = tpu.memref_slice %arg3[%dma_wait3A_55] : memref<320000xi32, #tpu.memory_space<hbm>> -> memref<320000xi32, #tpu.memory_space<hbm>>
      tpu.wait_indirect_dma semaphore(%arg18 : memref<!tpu.dma_semaphore, #tpu.memory_space<semaphore_mem>>) src(%dma_wait3A_56 : memref<320000xi32, #tpu.memory_space<hbm>>) dst(%dma_wait3A : memref<128xi32, #tpu.memory_space<vmem>>)
      %dma_wait3A_57 = tpu.memref_slice %arg15[%mul3A_43] : memref<11264xf32, #tpu.memory_space<vmem>> -> memref<128xf32, #tpu.memory_space<vmem>>
      %dma_wait3A_58 = tpu.memref_slice %arg12[%mul3A_36] : memref<11264xi32, #tpu.memory_space<vmem>> -> memref<128xi32, #tpu.memory_space<vmem>>
      %dma_wait3A_59 = arith.constant 0 : i32
      %dma_wait3A_60 = tpu.memref_slice %arg4[%dma_wait3A_59] : memref<320000xf32, #tpu.memory_space<hbm>> -> memref<320000xf32, #tpu.memory_space<hbm>>
      tpu.wait_indirect_dma semaphore(%arg18 : memref<!tpu.dma_semaphore, #tpu.memory_space<semaphore_mem>>) src(%dma_wait3A_60 : memref<320000xf32, #tpu.memory_space<hbm>>) dst(%dma_wait3A_57 : memref<128xf32, #tpu.memory_space<vmem>>)
      %dma_wait3A_61 = tpu.memref_slice %arg16[%mul3A_49] : memref<11264xf32, #tpu.memory_space<vmem>> -> memref<128xf32, #tpu.memory_space<vmem>>
      %dma_wait3A_62 = tpu.memref_slice %arg12[%mul3A_36] : memref<11264xi32, #tpu.memory_space<vmem>> -> memref<128xi32, #tpu.memory_space<vmem>>
      %dma_wait3A_63 = arith.constant 0 : i32
      %dma_wait3A_64 = tpu.memref_slice %arg5[%dma_wait3A_63] : memref<320000xf32, #tpu.memory_space<hbm>> -> memref<320000xf32, #tpu.memory_space<hbm>>
      tpu.wait_indirect_dma semaphore(%arg18 : memref<!tpu.dma_semaphore, #tpu.memory_space<semaphore_mem>>) src(%dma_wait3A_64 : memref<320000xf32, #tpu.memory_space<hbm>>) dst(%dma_wait3A_61 : memref<128xf32, #tpu.memory_space<vmem>>)
      %scan3A_65 = arith.constant 0 : i32
      scf.yield %scan3A_65 : i32
    }
    %scan3A_28 = arith.constant 88 : i32
    %run_scoped3A = arith.constant 0 : i32
    "tpu.region"() ({
      %run_scoped3A_33 = tpu.sem_alloc : memref<!tpu.dma_semaphore, #tpu.memory_space<semaphore_mem>>
      %dma_start3A = arith.constant 0 : i32
      %dma_start3A_34 = tpu.memref_slice %arg10[%add3A, %run_scoped3A, %dma_start3A] : memref<32x1x16xi32, #tpu.memory_space<hbm>> -> memref<1x1x16xi32, #tpu.memory_space<hbm>>
      %dma_start3A_35 = tpu.memref_squeeze %dma_start3A_34 : memref<1x1x16xi32, #tpu.memory_space<hbm>> -> memref<16xi32, #tpu.memory_space<hbm>>
      %dma_start3A_36 = arith.constant 0 : i32
      %dma_start3A_37 = tpu.memref_slice %arg10[%add3A, %run_scoped3A, %dma_start3A_36] : memref<32x1x16xi32, #tpu.memory_space<hbm>> -> memref<1x1x16xi32, #tpu.memory_space<hbm>>
      %dma_start3A_38 = tpu.memref_squeeze %dma_start3A_37 : memref<1x1x16xi32, #tpu.memory_space<hbm>> -> memref<16xi32, #tpu.memory_space<hbm>>
      tpu.enqueue_dma source(%arg17 : memref<16xi32, #tpu.memory_space<vmem>>) target(%dma_start3A_38 : memref<16xi32, #tpu.memory_space<hbm>>) target_semaphore(%run_scoped3A_33 : memref<!tpu.dma_semaphore, #tpu.memory_space<semaphore_mem>>)
      %dma_wait3A = arith.constant 0 : i32
      %dma_wait3A_39 = tpu.memref_slice %arg10[%add3A, %run_scoped3A, %dma_wait3A] : memref<32x1x16xi32, #tpu.memory_space<hbm>> -> memref<1x1x16xi32, #tpu.memory_space<hbm>>
      %dma_wait3A_40 = tpu.memref_squeeze %dma_wait3A_39 : memref<1x1x16xi32, #tpu.memory_space<hbm>> -> memref<16xi32, #tpu.memory_space<hbm>>
      %dma_wait3A_41 = arith.constant 0 : i32
      %dma_wait3A_42 = tpu.memref_slice %arg10[%add3A, %run_scoped3A, %dma_wait3A_41] : memref<32x1x16xi32, #tpu.memory_space<hbm>> -> memref<1x1x16xi32, #tpu.memory_space<hbm>>
      %dma_wait3A_43 = tpu.memref_squeeze %dma_wait3A_42 : memref<1x1x16xi32, #tpu.memory_space<hbm>> -> memref<16xi32, #tpu.memory_space<hbm>>
      tpu.wait_dma2 semaphore(%run_scoped3A_33 : memref<!tpu.dma_semaphore, #tpu.memory_space<semaphore_mem>>) src(%arg17 : memref<16xi32, #tpu.memory_space<vmem>>) dst(%dma_wait3A_43 : memref<16xi32, #tpu.memory_space<hbm>>)
      tpu.yield
    }) : () -> ()
    %run_scoped3A_29 = arith.constant 0 : i32
    "tpu.region"() ({
      %run_scoped3A_33 = tpu.sem_alloc : memref<!tpu.dma_semaphore, #tpu.memory_space<semaphore_mem>>
      %dma_start3A = arith.constant 0 : i32
      %dma_start3A_34 = tpu.memref_slice %arg6[%add3A, %run_scoped3A_29, %dma_start3A] : memref<32x1x11264xi32, #tpu.memory_space<hbm>> -> memref<1x1x11264xi32, #tpu.memory_space<hbm>>
      %dma_start3A_35 = tpu.memref_squeeze %dma_start3A_34 : memref<1x1x11264xi32, #tpu.memory_space<hbm>> -> memref<11264xi32, #tpu.memory_space<hbm>>
      %dma_start3A_36 = arith.constant 0 : i32
      %dma_start3A_37 = tpu.memref_slice %arg6[%add3A, %run_scoped3A_29, %dma_start3A_36] : memref<32x1x11264xi32, #tpu.memory_space<hbm>> -> memref<1x1x11264xi32, #tpu.memory_space<hbm>>
      %dma_start3A_38 = tpu.memref_squeeze %dma_start3A_37 : memref<1x1x11264xi32, #tpu.memory_space<hbm>> -> memref<11264xi32, #tpu.memory_space<hbm>>
      tpu.enqueue_dma source(%arg13 : memref<11264xi32, #tpu.memory_space<vmem>>) target(%dma_start3A_38 : memref<11264xi32, #tpu.memory_space<hbm>>) target_semaphore(%run_scoped3A_33 : memref<!tpu.dma_semaphore, #tpu.memory_space<semaphore_mem>>)
      %dma_wait3A = arith.constant 0 : i32
      %dma_wait3A_39 = tpu.memref_slice %arg6[%add3A, %run_scoped3A_29, %dma_wait3A] : memref<32x1x11264xi32, #tpu.memory_space<hbm>> -> memref<1x1x11264xi32, #tpu.memory_space<hbm>>
      %dma_wait3A_40 = tpu.memref_squeeze %dma_wait3A_39 : memref<1x1x11264xi32, #tpu.memory_space<hbm>> -> memref<11264xi32, #tpu.memory_space<hbm>>
      %dma_wait3A_41 = arith.constant 0 : i32
      %dma_wait3A_42 = tpu.memref_slice %arg6[%add3A, %run_scoped3A_29, %dma_wait3A_41] : memref<32x1x11264xi32, #tpu.memory_space<hbm>> -> memref<1x1x11264xi32, #tpu.memory_space<hbm>>
      %dma_wait3A_43 = tpu.memref_squeeze %dma_wait3A_42 : memref<1x1x11264xi32, #tpu.memory_space<hbm>> -> memref<11264xi32, #tpu.memory_space<hbm>>
      tpu.wait_dma2 semaphore(%run_scoped3A_33 : memref<!tpu.dma_semaphore, #tpu.memory_space<semaphore_mem>>) src(%arg13 : memref<11264xi32, #tpu.memory_space<vmem>>) dst(%dma_wait3A_43 : memref<11264xi32, #tpu.memory_space<hbm>>)
      tpu.yield
    }) : () -> ()
    %run_scoped3A_30 = arith.constant 0 : i32
    "tpu.region"() ({
      %run_scoped3A_33 = tpu.sem_alloc : memref<!tpu.dma_semaphore, #tpu.memory_space<semaphore_mem>>
      %dma_start3A = arith.constant 0 : i32
      %dma_start3A_34 = tpu.memref_slice %arg7[%add3A, %run_scoped3A_30, %dma_start3A] : memref<32x1x11264xi32, #tpu.memory_space<hbm>> -> memref<1x1x11264xi32, #tpu.memory_space<hbm>>
      %dma_start3A_35 = tpu.memref_squeeze %dma_start3A_34 : memref<1x1x11264xi32, #tpu.memory_space<hbm>> -> memref<11264xi32, #tpu.memory_space<hbm>>
      %dma_start3A_36 = arith.constant 0 : i32
      %dma_start3A_37 = tpu.memref_slice %arg7[%add3A, %run_scoped3A_30, %dma_start3A_36] : memref<32x1x11264xi32, #tpu.memory_space<hbm>> -> memref<1x1x11264xi32, #tpu.memory_space<hbm>>
      %dma_start3A_38 = tpu.memref_squeeze %dma_start3A_37 : memref<1x1x11264xi32, #tpu.memory_space<hbm>> -> memref<11264xi32, #tpu.memory_space<hbm>>
      tpu.enqueue_dma source(%arg14 : memref<11264xi32, #tpu.memory_space<vmem>>) target(%dma_start3A_38 : memref<11264xi32, #tpu.memory_space<hbm>>) target_semaphore(%run_scoped3A_33 : memref<!tpu.dma_semaphore, #tpu.memory_space<semaphore_mem>>)
      %dma_wait3A = arith.constant 0 : i32
      %dma_wait3A_39 = tpu.memref_slice %arg7[%add3A, %run_scoped3A_30, %dma_wait3A] : memref<32x1x11264xi32, #tpu.memory_space<hbm>> -> memref<1x1x11264xi32, #tpu.memory_space<hbm>>
      %dma_wait3A_40 = tpu.memref_squeeze %dma_wait3A_39 : memref<1x1x11264xi32, #tpu.memory_space<hbm>> -> memref<11264xi32, #tpu.memory_space<hbm>>
      %dma_wait3A_41 = arith.constant 0 : i32
      %dma_wait3A_42 = tpu.memref_slice %arg7[%add3A, %run_scoped3A_30, %dma_wait3A_41] : memref<32x1x11264xi32, #tpu.memory_space<hbm>> -> memref<1x1x11264xi32, #tpu.memory_space<hbm>>
      %dma_wait3A_43 = tpu.memref_squeeze %dma_wait3A_42 : memref<1x1x11264xi32, #tpu.memory_space<hbm>> -> memref<11264xi32, #tpu.memory_space<hbm>>
      tpu.wait_dma2 semaphore(%run_scoped3A_33 : memref<!tpu.dma_semaphore, #tpu.memory_space<semaphore_mem>>) src(%arg14 : memref<11264xi32, #tpu.memory_space<vmem>>) dst(%dma_wait3A_43 : memref<11264xi32, #tpu.memory_space<hbm>>)
      tpu.yield
    }) : () -> ()
    %run_scoped3A_31 = arith.constant 0 : i32
    "tpu.region"() ({
      %run_scoped3A_33 = tpu.sem_alloc : memref<!tpu.dma_semaphore, #tpu.memory_space<semaphore_mem>>
      %dma_start3A = arith.constant 0 : i32
      %dma_start3A_34 = tpu.memref_slice %arg8[%add3A, %run_scoped3A_31, %dma_start3A] : memref<32x1x11264xf32, #tpu.memory_space<hbm>> -> memref<1x1x11264xf32, #tpu.memory_space<hbm>>
      %dma_start3A_35 = tpu.memref_squeeze %dma_start3A_34 : memref<1x1x11264xf32, #tpu.memory_space<hbm>> -> memref<11264xf32, #tpu.memory_space<hbm>>
      %dma_start3A_36 = arith.constant 0 : i32
      %dma_start3A_37 = tpu.memref_slice %arg8[%add3A, %run_scoped3A_31, %dma_start3A_36] : memref<32x1x11264xf32, #tpu.memory_space<hbm>> -> memref<1x1x11264xf32, #tpu.memory_space<hbm>>
      %dma_start3A_38 = tpu.memref_squeeze %dma_start3A_37 : memref<1x1x11264xf32, #tpu.memory_space<hbm>> -> memref<11264xf32, #tpu.memory_space<hbm>>
      tpu.enqueue_dma source(%arg15 : memref<11264xf32, #tpu.memory_space<vmem>>) target(%dma_start3A_38 : memref<11264xf32, #tpu.memory_space<hbm>>) target_semaphore(%run_scoped3A_33 : memref<!tpu.dma_semaphore, #tpu.memory_space<semaphore_mem>>)
      %dma_wait3A = arith.constant 0 : i32
      %dma_wait3A_39 = tpu.memref_slice %arg8[%add3A, %run_scoped3A_31, %dma_wait3A] : memref<32x1x11264xf32, #tpu.memory_space<hbm>> -> memref<1x1x11264xf32, #tpu.memory_space<hbm>>
      %dma_wait3A_40 = tpu.memref_squeeze %dma_wait3A_39 : memref<1x1x11264xf32, #tpu.memory_space<hbm>> -> memref<11264xf32, #tpu.memory_space<hbm>>
      %dma_wait3A_41 = arith.constant 0 : i32
      %dma_wait3A_42 = tpu.memref_slice %arg8[%add3A, %run_scoped3A_31, %dma_wait3A_41] : memref<32x1x11264xf32, #tpu.memory_space<hbm>> -> memref<1x1x11264xf32, #tpu.memory_space<hbm>>
      %dma_wait3A_43 = tpu.memref_squeeze %dma_wait3A_42 : memref<1x1x11264xf32, #tpu.memory_space<hbm>> -> memref<11264xf32, #tpu.memory_space<hbm>>
      tpu.wait_dma2 semaphore(%run_scoped3A_33 : memref<!tpu.dma_semaphore, #tpu.memory_space<semaphore_mem>>) src(%arg15 : memref<11264xf32, #tpu.memory_space<vmem>>) dst(%dma_wait3A_43 : memref<11264xf32, #tpu.memory_space<hbm>>)
      tpu.yield
    }) : () -> ()
    %run_scoped3A_32 = arith.constant 0 : i32
    "tpu.region"() ({
      %run_scoped3A_33 = tpu.sem_alloc : memref<!tpu.dma_semaphore, #tpu.memory_space<semaphore_mem>>
      %dma_start3A = arith.constant 0 : i32
      %dma_start3A_34 = tpu.memref_slice %arg9[%add3A, %run_scoped3A_32, %dma_start3A] : memref<32x1x11264xf32, #tpu.memory_space<hbm>> -> memref<1x1x11264xf32, #tpu.memory_space<hbm>>
      %dma_start3A_35 = tpu.memref_squeeze %dma_start3A_34 : memref<1x1x11264xf32, #tpu.memory_space<hbm>> -> memref<11264xf32, #tpu.memory_space<hbm>>
      %dma_start3A_36 = arith.constant 0 : i32
      %dma_start3A_37 = tpu.memref_slice %arg9[%add3A, %run_scoped3A_32, %dma_start3A_36] : memref<32x1x11264xf32, #tpu.memory_space<hbm>> -> memref<1x1x11264xf32, #tpu.memory_space<hbm>>
      %dma_start3A_38 = tpu.memref_squeeze %dma_start3A_37 : memref<1x1x11264xf32, #tpu.memory_space<hbm>> -> memref<11264xf32, #tpu.memory_space<hbm>>
      tpu.enqueue_dma source(%arg16 : memref<11264xf32, #tpu.memory_space<vmem>>) target(%dma_start3A_38 : memref<11264xf32, #tpu.memory_space<hbm>>) target_semaphore(%run_scoped3A_33 : memref<!tpu.dma_semaphore, #tpu.memory_space<semaphore_mem>>)
      %dma_wait3A = arith.constant 0 : i32
      %dma_wait3A_39 = tpu.memref_slice %arg9[%add3A, %run_scoped3A_32, %dma_wait3A] : memref<32x1x11264xf32, #tpu.memory_space<hbm>> -> memref<1x1x11264xf32, #tpu.memory_space<hbm>>
      %dma_wait3A_40 = tpu.memref_squeeze %dma_wait3A_39 : memref<1x1x11264xf32, #tpu.memory_space<hbm>> -> memref<11264xf32, #tpu.memory_space<hbm>>
      %dma_wait3A_41 = arith.constant 0 : i32
      %dma_wait3A_42 = tpu.memref_slice %arg9[%add3A, %run_scoped3A_32, %dma_wait3A_41] : memref<32x1x11264xf32, #tpu.memory_space<hbm>> -> memref<1x1x11264xf32, #tpu.memory_space<hbm>>
      %dma_wait3A_43 = tpu.memref_squeeze %dma_wait3A_42 : memref<1x1x11264xf32, #tpu.memory_space<hbm>> -> memref<11264xf32, #tpu.memory_space<hbm>>
      tpu.wait_dma2 semaphore(%run_scoped3A_33 : memref<!tpu.dma_semaphore, #tpu.memory_space<semaphore_mem>>) src(%arg16 : memref<11264xf32, #tpu.memory_space<vmem>>) dst(%dma_wait3A_43 : memref<11264xf32, #tpu.memory_space<hbm>>)
      tpu.yield
    }) : () -> ()
    return
  }
}

#map = affine_map<(d0, d1) -> (0, 0, 0)>
#map1 = affine_map<(d0, d1) -> (0)>
module attributes {stable_mosaic.version = 14 : i64} {
  func.func @_layer(%arg0: i32, %arg1: i32, %arg2: memref<16x8x10240xf32, #tpu.memory_space<hbm>>, %arg3: memref<32x1x336xf32, #tpu.memory_space<hbm>>, %arg4: memref<10240xf32, #tpu.memory_space<hbm>>, %arg5: memref<32x1x11264xi32, #tpu.memory_space<hbm>>, %arg6: memref<32x1x11264xi32, #tpu.memory_space<hbm>>, %arg7: memref<32x1x11264xf32, #tpu.memory_space<hbm>>, %arg8: memref<32x1x16xi32, #tpu.memory_space<hbm>>, %arg9: memref<32x128x320xf32, #tpu.memory_space<hbm>>, %arg10: memref<11264xi32, #tpu.memory_space<vmem>>, %arg11: memref<11264xi32, #tpu.memory_space<vmem>>, %arg12: memref<11264xf32, #tpu.memory_space<vmem>>, %arg13: memref<10240xf32, #tpu.memory_space<vmem>>, %arg14: memref<336xf32, #tpu.memory_space<vmem>>, %arg15: memref<336xf32, #tpu.memory_space<vmem>>, %arg16: memref<8x10240xf32, #tpu.memory_space<vmem>>, %arg17: memref<8x320xf32, #tpu.memory_space<vmem>>, %arg18: memref<16xi32, #tpu.memory_space<vmem>>) attributes {dimension_semantics = [#tpu.dimension_semantics<core_parallel>, #tpu.dimension_semantics<subcore_parallel>], iteration_bounds = array<i64: 2, 16>, scalar_prefetch = 0 : i64, scratch_operands = 9 : i64, tpu.core_type = #tpu.core_type<sc_vector_subcore>, window_params = [{transform_indices = #map}, {transform_indices = #map}, {transform_indices = #map1}, {transform_indices = #map}, {transform_indices = #map}, {transform_indices = #map}, {transform_indices = #map}, {transform_indices = #map}]} {
    %mul3A = arith.constant 2 : i32
    %mul3A_0 = arith.muli %arg1, %mul3A : i32
    %add3A = arith.addi %mul3A_0, %arg0 : i32
    %run_scoped3A = arith.constant 0 : i32
    "tpu.region"() ({
      %run_scoped3A_49 = tpu.sem_alloc : memref<!tpu.dma_semaphore, #tpu.memory_space<semaphore_mem>>
      %dma_start3A = arith.constant 0 : i32
      %dma_start3A_50 = tpu.memref_slice %arg5[%add3A, %run_scoped3A, %dma_start3A] : memref<32x1x11264xi32, #tpu.memory_space<hbm>> -> memref<1x1x11264xi32, #tpu.memory_space<hbm>>
      %dma_start3A_51 = tpu.memref_squeeze %dma_start3A_50 : memref<1x1x11264xi32, #tpu.memory_space<hbm>> -> memref<11264xi32, #tpu.memory_space<hbm>>
      %dma_start3A_52 = arith.constant 0 : i32
      %dma_start3A_53 = tpu.memref_slice %arg5[%add3A, %run_scoped3A, %dma_start3A_52] : memref<32x1x11264xi32, #tpu.memory_space<hbm>> -> memref<1x1x11264xi32, #tpu.memory_space<hbm>>
      %dma_start3A_54 = tpu.memref_squeeze %dma_start3A_53 : memref<1x1x11264xi32, #tpu.memory_space<hbm>> -> memref<11264xi32, #tpu.memory_space<hbm>>
      tpu.enqueue_dma source(%dma_start3A_54 : memref<11264xi32, #tpu.memory_space<hbm>>) target(%arg10 : memref<11264xi32, #tpu.memory_space<vmem>>) target_semaphore(%run_scoped3A_49 : memref<!tpu.dma_semaphore, #tpu.memory_space<semaphore_mem>>)
      %dma_wait3A = arith.constant 0 : i32
      %dma_wait3A_55 = tpu.memref_slice %arg5[%add3A, %run_scoped3A, %dma_wait3A] : memref<32x1x11264xi32, #tpu.memory_space<hbm>> -> memref<1x1x11264xi32, #tpu.memory_space<hbm>>
      %dma_wait3A_56 = tpu.memref_squeeze %dma_wait3A_55 : memref<1x1x11264xi32, #tpu.memory_space<hbm>> -> memref<11264xi32, #tpu.memory_space<hbm>>
      %dma_wait3A_57 = arith.constant 0 : i32
      %dma_wait3A_58 = tpu.memref_slice %arg5[%add3A, %run_scoped3A, %dma_wait3A_57] : memref<32x1x11264xi32, #tpu.memory_space<hbm>> -> memref<1x1x11264xi32, #tpu.memory_space<hbm>>
      %dma_wait3A_59 = tpu.memref_squeeze %dma_wait3A_58 : memref<1x1x11264xi32, #tpu.memory_space<hbm>> -> memref<11264xi32, #tpu.memory_space<hbm>>
      tpu.wait_dma2 semaphore(%run_scoped3A_49 : memref<!tpu.dma_semaphore, #tpu.memory_space<semaphore_mem>>) src(%dma_wait3A_59 : memref<11264xi32, #tpu.memory_space<hbm>>) dst(%arg10 : memref<11264xi32, #tpu.memory_space<vmem>>)
      tpu.yield
    }) : () -> ()
    %run_scoped3A_1 = arith.constant 0 : i32
    "tpu.region"() ({
      %run_scoped3A_49 = tpu.sem_alloc : memref<!tpu.dma_semaphore, #tpu.memory_space<semaphore_mem>>
      %dma_start3A = arith.constant 0 : i32
      %dma_start3A_50 = tpu.memref_slice %arg6[%add3A, %run_scoped3A_1, %dma_start3A] : memref<32x1x11264xi32, #tpu.memory_space<hbm>> -> memref<1x1x11264xi32, #tpu.memory_space<hbm>>
      %dma_start3A_51 = tpu.memref_squeeze %dma_start3A_50 : memref<1x1x11264xi32, #tpu.memory_space<hbm>> -> memref<11264xi32, #tpu.memory_space<hbm>>
      %dma_start3A_52 = arith.constant 0 : i32
      %dma_start3A_53 = tpu.memref_slice %arg6[%add3A, %run_scoped3A_1, %dma_start3A_52] : memref<32x1x11264xi32, #tpu.memory_space<hbm>> -> memref<1x1x11264xi32, #tpu.memory_space<hbm>>
      %dma_start3A_54 = tpu.memref_squeeze %dma_start3A_53 : memref<1x1x11264xi32, #tpu.memory_space<hbm>> -> memref<11264xi32, #tpu.memory_space<hbm>>
      tpu.enqueue_dma source(%dma_start3A_54 : memref<11264xi32, #tpu.memory_space<hbm>>) target(%arg11 : memref<11264xi32, #tpu.memory_space<vmem>>) target_semaphore(%run_scoped3A_49 : memref<!tpu.dma_semaphore, #tpu.memory_space<semaphore_mem>>)
      %dma_wait3A = arith.constant 0 : i32
      %dma_wait3A_55 = tpu.memref_slice %arg6[%add3A, %run_scoped3A_1, %dma_wait3A] : memref<32x1x11264xi32, #tpu.memory_space<hbm>> -> memref<1x1x11264xi32, #tpu.memory_space<hbm>>
      %dma_wait3A_56 = tpu.memref_squeeze %dma_wait3A_55 : memref<1x1x11264xi32, #tpu.memory_space<hbm>> -> memref<11264xi32, #tpu.memory_space<hbm>>
      %dma_wait3A_57 = arith.constant 0 : i32
      %dma_wait3A_58 = tpu.memref_slice %arg6[%add3A, %run_scoped3A_1, %dma_wait3A_57] : memref<32x1x11264xi32, #tpu.memory_space<hbm>> -> memref<1x1x11264xi32, #tpu.memory_space<hbm>>
      %dma_wait3A_59 = tpu.memref_squeeze %dma_wait3A_58 : memref<1x1x11264xi32, #tpu.memory_space<hbm>> -> memref<11264xi32, #tpu.memory_space<hbm>>
      tpu.wait_dma2 semaphore(%run_scoped3A_49 : memref<!tpu.dma_semaphore, #tpu.memory_space<semaphore_mem>>) src(%dma_wait3A_59 : memref<11264xi32, #tpu.memory_space<hbm>>) dst(%arg11 : memref<11264xi32, #tpu.memory_space<vmem>>)
      tpu.yield
    }) : () -> ()
    %run_scoped3A_2 = arith.constant 0 : i32
    "tpu.region"() ({
      %run_scoped3A_49 = tpu.sem_alloc : memref<!tpu.dma_semaphore, #tpu.memory_space<semaphore_mem>>
      %dma_start3A = arith.constant 0 : i32
      %dma_start3A_50 = tpu.memref_slice %arg7[%add3A, %run_scoped3A_2, %dma_start3A] : memref<32x1x11264xf32, #tpu.memory_space<hbm>> -> memref<1x1x11264xf32, #tpu.memory_space<hbm>>
      %dma_start3A_51 = tpu.memref_squeeze %dma_start3A_50 : memref<1x1x11264xf32, #tpu.memory_space<hbm>> -> memref<11264xf32, #tpu.memory_space<hbm>>
      %dma_start3A_52 = arith.constant 0 : i32
      %dma_start3A_53 = tpu.memref_slice %arg7[%add3A, %run_scoped3A_2, %dma_start3A_52] : memref<32x1x11264xf32, #tpu.memory_space<hbm>> -> memref<1x1x11264xf32, #tpu.memory_space<hbm>>
      %dma_start3A_54 = tpu.memref_squeeze %dma_start3A_53 : memref<1x1x11264xf32, #tpu.memory_space<hbm>> -> memref<11264xf32, #tpu.memory_space<hbm>>
      tpu.enqueue_dma source(%dma_start3A_54 : memref<11264xf32, #tpu.memory_space<hbm>>) target(%arg12 : memref<11264xf32, #tpu.memory_space<vmem>>) target_semaphore(%run_scoped3A_49 : memref<!tpu.dma_semaphore, #tpu.memory_space<semaphore_mem>>)
      %dma_wait3A = arith.constant 0 : i32
      %dma_wait3A_55 = tpu.memref_slice %arg7[%add3A, %run_scoped3A_2, %dma_wait3A] : memref<32x1x11264xf32, #tpu.memory_space<hbm>> -> memref<1x1x11264xf32, #tpu.memory_space<hbm>>
      %dma_wait3A_56 = tpu.memref_squeeze %dma_wait3A_55 : memref<1x1x11264xf32, #tpu.memory_space<hbm>> -> memref<11264xf32, #tpu.memory_space<hbm>>
      %dma_wait3A_57 = arith.constant 0 : i32
      %dma_wait3A_58 = tpu.memref_slice %arg7[%add3A, %run_scoped3A_2, %dma_wait3A_57] : memref<32x1x11264xf32, #tpu.memory_space<hbm>> -> memref<1x1x11264xf32, #tpu.memory_space<hbm>>
      %dma_wait3A_59 = tpu.memref_squeeze %dma_wait3A_58 : memref<1x1x11264xf32, #tpu.memory_space<hbm>> -> memref<11264xf32, #tpu.memory_space<hbm>>
      tpu.wait_dma2 semaphore(%run_scoped3A_49 : memref<!tpu.dma_semaphore, #tpu.memory_space<semaphore_mem>>) src(%dma_wait3A_59 : memref<11264xf32, #tpu.memory_space<hbm>>) dst(%arg12 : memref<11264xf32, #tpu.memory_space<vmem>>)
      tpu.yield
    }) : () -> ()
    "tpu.region"() ({
      %run_scoped3A_49 = tpu.sem_alloc : memref<!tpu.dma_semaphore, #tpu.memory_space<semaphore_mem>>
      tpu.enqueue_dma source(%arg4 : memref<10240xf32, #tpu.memory_space<hbm>>) target(%arg13 : memref<10240xf32, #tpu.memory_space<vmem>>) target_semaphore(%run_scoped3A_49 : memref<!tpu.dma_semaphore, #tpu.memory_space<semaphore_mem>>)
      tpu.wait_dma2 semaphore(%run_scoped3A_49 : memref<!tpu.dma_semaphore, #tpu.memory_space<semaphore_mem>>) src(%arg4 : memref<10240xf32, #tpu.memory_space<hbm>>) dst(%arg13 : memref<10240xf32, #tpu.memory_space<vmem>>)
      tpu.yield
    }) : () -> ()
    %run_scoped3A_3 = arith.constant 0 : i32
    "tpu.region"() ({
      %run_scoped3A_49 = tpu.sem_alloc : memref<!tpu.dma_semaphore, #tpu.memory_space<semaphore_mem>>
      %dma_start3A = arith.constant 0 : i32
      %dma_start3A_50 = tpu.memref_slice %arg3[%add3A, %run_scoped3A_3, %dma_start3A] : memref<32x1x336xf32, #tpu.memory_space<hbm>> -> memref<1x1x336xf32, #tpu.memory_space<hbm>>
      %dma_start3A_51 = tpu.memref_squeeze %dma_start3A_50 : memref<1x1x336xf32, #tpu.memory_space<hbm>> -> memref<336xf32, #tpu.memory_space<hbm>>
      %dma_start3A_52 = arith.constant 0 : i32
      %dma_start3A_53 = tpu.memref_slice %arg3[%add3A, %run_scoped3A_3, %dma_start3A_52] : memref<32x1x336xf32, #tpu.memory_space<hbm>> -> memref<1x1x336xf32, #tpu.memory_space<hbm>>
      %dma_start3A_54 = tpu.memref_squeeze %dma_start3A_53 : memref<1x1x336xf32, #tpu.memory_space<hbm>> -> memref<336xf32, #tpu.memory_space<hbm>>
      tpu.enqueue_dma source(%dma_start3A_54 : memref<336xf32, #tpu.memory_space<hbm>>) target(%arg14 : memref<336xf32, #tpu.memory_space<vmem>>) target_semaphore(%run_scoped3A_49 : memref<!tpu.dma_semaphore, #tpu.memory_space<semaphore_mem>>)
      %dma_wait3A = arith.constant 0 : i32
      %dma_wait3A_55 = tpu.memref_slice %arg3[%add3A, %run_scoped3A_3, %dma_wait3A] : memref<32x1x336xf32, #tpu.memory_space<hbm>> -> memref<1x1x336xf32, #tpu.memory_space<hbm>>
      %dma_wait3A_56 = tpu.memref_squeeze %dma_wait3A_55 : memref<1x1x336xf32, #tpu.memory_space<hbm>> -> memref<336xf32, #tpu.memory_space<hbm>>
      %dma_wait3A_57 = arith.constant 0 : i32
      %dma_wait3A_58 = tpu.memref_slice %arg3[%add3A, %run_scoped3A_3, %dma_wait3A_57] : memref<32x1x336xf32, #tpu.memory_space<hbm>> -> memref<1x1x336xf32, #tpu.memory_space<hbm>>
      %dma_wait3A_59 = tpu.memref_squeeze %dma_wait3A_58 : memref<1x1x336xf32, #tpu.memory_space<hbm>> -> memref<336xf32, #tpu.memory_space<hbm>>
      tpu.wait_dma2 semaphore(%run_scoped3A_49 : memref<!tpu.dma_semaphore, #tpu.memory_space<semaphore_mem>>) src(%dma_wait3A_59 : memref<336xf32, #tpu.memory_space<hbm>>) dst(%arg14 : memref<336xf32, #tpu.memory_space<vmem>>)
      tpu.yield
    }) : () -> ()
    %run_scoped3A_4 = arith.constant 0 : i32
    "tpu.region"() ({
      %run_scoped3A_49 = tpu.sem_alloc : memref<!tpu.dma_semaphore, #tpu.memory_space<semaphore_mem>>
      %dma_start3A = arith.constant 0 : i32
      %dma_start3A_50 = tpu.memref_slice %arg8[%add3A, %run_scoped3A_4, %dma_start3A] : memref<32x1x16xi32, #tpu.memory_space<hbm>> -> memref<1x1x16xi32, #tpu.memory_space<hbm>>
      %dma_start3A_51 = tpu.memref_squeeze %dma_start3A_50 : memref<1x1x16xi32, #tpu.memory_space<hbm>> -> memref<16xi32, #tpu.memory_space<hbm>>
      %dma_start3A_52 = arith.constant 0 : i32
      %dma_start3A_53 = tpu.memref_slice %arg8[%add3A, %run_scoped3A_4, %dma_start3A_52] : memref<32x1x16xi32, #tpu.memory_space<hbm>> -> memref<1x1x16xi32, #tpu.memory_space<hbm>>
      %dma_start3A_54 = tpu.memref_squeeze %dma_start3A_53 : memref<1x1x16xi32, #tpu.memory_space<hbm>> -> memref<16xi32, #tpu.memory_space<hbm>>
      tpu.enqueue_dma source(%dma_start3A_54 : memref<16xi32, #tpu.memory_space<hbm>>) target(%arg18 : memref<16xi32, #tpu.memory_space<vmem>>) target_semaphore(%run_scoped3A_49 : memref<!tpu.dma_semaphore, #tpu.memory_space<semaphore_mem>>)
      %dma_wait3A = arith.constant 0 : i32
      %dma_wait3A_55 = tpu.memref_slice %arg8[%add3A, %run_scoped3A_4, %dma_wait3A] : memref<32x1x16xi32, #tpu.memory_space<hbm>> -> memref<1x1x16xi32, #tpu.memory_space<hbm>>
      %dma_wait3A_56 = tpu.memref_squeeze %dma_wait3A_55 : memref<1x1x16xi32, #tpu.memory_space<hbm>> -> memref<16xi32, #tpu.memory_space<hbm>>
      %dma_wait3A_57 = arith.constant 0 : i32
      %dma_wait3A_58 = tpu.memref_slice %arg8[%add3A, %run_scoped3A_4, %dma_wait3A_57] : memref<32x1x16xi32, #tpu.memory_space<hbm>> -> memref<1x1x16xi32, #tpu.memory_space<hbm>>
      %dma_wait3A_59 = tpu.memref_squeeze %dma_wait3A_58 : memref<1x1x16xi32, #tpu.memory_space<hbm>> -> memref<16xi32, #tpu.memory_space<hbm>>
      tpu.wait_dma2 semaphore(%run_scoped3A_49 : memref<!tpu.dma_semaphore, #tpu.memory_space<semaphore_mem>>) src(%dma_wait3A_59 : memref<16xi32, #tpu.memory_space<hbm>>) dst(%arg18 : memref<16xi32, #tpu.memory_space<vmem>>)
      tpu.yield
    }) : () -> ()
    %get3A = arith.constant 0 : index
    %get3A_5 = tpu.vector_load %arg18[%get3A] {strides = array<i32>} : memref<16xi32, #tpu.memory_space<vmem>>, vector<16xi32>,
    %reduce_max3A = arith.constant true
    %reduce_max3A_6 = vector.broadcast %reduce_max3A : i1 to vector<16xi1>
    %reduce_max3A_7 = arith.constant -2147483648 : i32
    %reduce_max3A_8 = vector.broadcast %reduce_max3A_7 : i32 to vector<16xi32>
    %reduce_max3A_9 = arith.xori %get3A_5, %reduce_max3A_8 : vector<16xi32>
    %reduce_max3A_10 = tpu.scan <max>, %reduce_max3A_9 masked %reduce_max3A_6 : vector<16xi32>, vector<16xi1> -> vector<16xi32>
    %reduce_max3A_11 = arith.xori %reduce_max3A_10, %reduce_max3A_8 : vector<16xi32>
    %reduce_max3A_12 = vector.extract %reduce_max3A_11[15] : i32 from vector<16xi32>
    %add3A_13 = arith.constant 15 : i32
    %add3A_14 = arith.addi %reduce_max3A_12, %add3A_13 : i32
    %div3A = arith.constant 16 : i32
    %div3A_15 = arith.divsi %add3A_14, %div3A : i32
    %broadcast_in_dim3A = arith.constant 0.000000e+00 : f32
    %broadcast_in_dim3A_16 = vector.broadcast %broadcast_in_dim3A : f32 to vector<16xf32>
    %scan3A = arith.constant 0 : i32
    %scan3A_17 = arith.constant 0 : i32
    %scan3A_18 = arith.constant 21 : i32
    %scan3A_19 = arith.addi %scan3A_17, %scan3A_18 : i32
    %scan3A_20 = arith.constant 1 : i32
    %scan3A_21 = scf.for %scan3A_49 = %scan3A_17 to %scan3A_19 step %scan3A_20 iter_args(%scan3A_50 = %scan3A) -> (i32)  : i32 {
      %mul3A_51 = arith.constant 16 : i32
      %mul3A_52 = arith.muli %scan3A_49, %mul3A_51 : i32
      %swap3A = arith.index_cast %mul3A_52 : i32 to index
      %swap3A_53 = tpu.vector_load %arg15[%swap3A] {strides = array<i32>} : memref<336xf32, #tpu.memory_space<vmem>>, vector<16xf32>,
      tpu.vector_store %arg15[%swap3A], %broadcast_in_dim3A_16 {strides = array<i32>} : memref<336xf32, #tpu.memory_space<vmem>>, vector<16xf32>,
      %scan3A_54 = arith.constant 0 : i32
      scf.yield %scan3A_54 : i32
    }
    %scan3A_22 = arith.constant 21 : i32
    %parallel_loop3A = arith.constant 0 : i32
    %parallel_loop3A_23 = arith.constant 1 : i32
    scf.for %parallel_loop3A_49 = %parallel_loop3A to %div3A_15 step %parallel_loop3A_23  : i32 {
      %parallel_loop3A_50 = arith.constant 16 : i32
      %parallel_loop3A_51 = arith.muli %parallel_loop3A_49, %parallel_loop3A_50 : i32
      %parallel_loop3A_52 = arith.index_cast %parallel_loop3A_51 : i32 to index
      %parallel_loop3A_53 = tpu.vector_load %arg11[%parallel_loop3A_52] {strides = array<i32>} : memref<11264xi32, #tpu.memory_space<vmem>>, vector<16xi32>,
      %parallel_loop3A_54 = arith.index_cast %parallel_loop3A_51 : i32 to index
      %parallel_loop3A_55 = tpu.vector_load %arg10[%parallel_loop3A_54] {strides = array<i32>} : memref<11264xi32, #tpu.memory_space<vmem>>, vector<16xi32>,
      %parallel_loop3A_56 = arith.index_cast %parallel_loop3A_51 : i32 to index
      %parallel_loop3A_57 = tpu.vector_load %arg12[%parallel_loop3A_56] {strides = array<i32>} : memref<11264xf32, #tpu.memory_space<vmem>>, vector<16xf32>,
      %parallel_loop3A_58 = tpu.vector_load_idx %arg14[%parallel_loop3A_53] : memref<336xf32, #tpu.memory_space<vmem>>[vector<16xi32>], vector<16xf32>,
      %parallel_loop3A_59 = tpu.vector_load_idx %arg13[%parallel_loop3A_55] : memref<10240xf32, #tpu.memory_space<vmem>>[vector<16xi32>], vector<16xf32>,
      %parallel_loop3A_60 = arith.addf %parallel_loop3A_58, %parallel_loop3A_59 : vector<16xf32>
      %parallel_loop3A_61 = arith.addf %parallel_loop3A_60, %parallel_loop3A_57 : vector<16xf32>
      %parallel_loop3A_62 = arith.constant 0.000000e+00 : f32
      %parallel_loop3A_63 = vector.broadcast %parallel_loop3A_62 : f32 to vector<16xf32>
      %parallel_loop3A_64 = arith.cmpf oge, %parallel_loop3A_61, %parallel_loop3A_63 : vector<16xf32>
      %parallel_loop3A_65 = arith.constant 0.00999999977 : f32
      %parallel_loop3A_66 = vector.broadcast %parallel_loop3A_65 : f32 to vector<16xf32>
      %parallel_loop3A_67 = arith.mulf %parallel_loop3A_61, %parallel_loop3A_66 : vector<16xf32>
      %parallel_loop3A_68 = arith.select %parallel_loop3A_64, %parallel_loop3A_61, %parallel_loop3A_67 : vector<16xi1>, vector<16xf32>
      %parallel_loop3A_69 = math.exp %parallel_loop3A_68 : vector<16xf32>
      %parallel_loop3A_70 = arith.constant 320 : i32
      %parallel_loop3A_71 = vector.broadcast %parallel_loop3A_70 : i32 to vector<16xi32>
      %parallel_loop3A_72 = arith.cmpi slt, %parallel_loop3A_53, %parallel_loop3A_71 : vector<16xi32>
      tpu.vector_store_idx %arg15[%parallel_loop3A_53], %parallel_loop3A_69 masked %parallel_loop3A_72 {add = true} : memref<336xf32, #tpu.memory_space<vmem>>[vector<16xi32>], vector<16xf32>, vector<16xi1>
      %parallel_loop3A_73 = arith.index_cast %parallel_loop3A_51 : i32 to index
      %parallel_loop3A_74 = tpu.vector_load %arg12[%parallel_loop3A_73] {strides = array<i32>} : memref<11264xf32, #tpu.memory_space<vmem>>, vector<16xf32>,
      tpu.vector_store %arg12[%parallel_loop3A_73], %parallel_loop3A_69 {strides = array<i32>} : memref<11264xf32, #tpu.memory_space<vmem>>, vector<16xf32>,
    } {sc.loop_unroll_factor = 4 : i64, sc.parallel_access}
    %parallel_loop3A_24 = arith.constant 0 : i32
    %parallel_loop3A_25 = arith.constant 1 : i32
    scf.for %parallel_loop3A_49 = %parallel_loop3A_24 to %div3A_15 step %parallel_loop3A_25  : i32 {
      %parallel_loop3A_50 = arith.constant 16 : i32
      %parallel_loop3A_51 = arith.muli %parallel_loop3A_49, %parallel_loop3A_50 : i32
      %parallel_loop3A_52 = arith.index_cast %parallel_loop3A_51 : i32 to index
      %parallel_loop3A_53 = tpu.vector_load %arg11[%parallel_loop3A_52] {strides = array<i32>} : memref<11264xi32, #tpu.memory_space<vmem>>, vector<16xi32>,
      %parallel_loop3A_54 = arith.index_cast %parallel_loop3A_51 : i32 to index
      %parallel_loop3A_55 = tpu.vector_load %arg12[%parallel_loop3A_54] {strides = array<i32>} : memref<11264xf32, #tpu.memory_space<vmem>>, vector<16xf32>,
      %parallel_loop3A_56 = tpu.vector_load_idx %arg15[%parallel_loop3A_53] : memref<336xf32, #tpu.memory_space<vmem>>[vector<16xi32>], vector<16xf32>,
      %parallel_loop3A_57 = arith.constant 1.000000e-16 : f32
      %parallel_loop3A_58 = vector.broadcast %parallel_loop3A_57 : f32 to vector<16xf32>
      %parallel_loop3A_59 = arith.addf %parallel_loop3A_56, %parallel_loop3A_58 : vector<16xf32>
      %parallel_loop3A_60 = arith.divf %parallel_loop3A_55, %parallel_loop3A_59 : vector<16xf32>
      %parallel_loop3A_61 = arith.constant 320 : i32
      %parallel_loop3A_62 = vector.broadcast %parallel_loop3A_61 : i32 to vector<16xi32>
      %parallel_loop3A_63 = arith.cmpi slt, %parallel_loop3A_53, %parallel_loop3A_62 : vector<16xi32>
      %parallel_loop3A_64 = arith.constant 0.000000e+00 : f32
      %parallel_loop3A_65 = vector.broadcast %parallel_loop3A_64 : f32 to vector<16xf32>
      %parallel_loop3A_66 = arith.select %parallel_loop3A_63, %parallel_loop3A_60, %parallel_loop3A_65 : vector<16xi1>, vector<16xf32>
      %parallel_loop3A_67 = arith.index_cast %parallel_loop3A_51 : i32 to index
      %parallel_loop3A_68 = tpu.vector_load %arg12[%parallel_loop3A_67] {strides = array<i32>} : memref<11264xf32, #tpu.memory_space<vmem>>, vector<16xf32>,
      tpu.vector_store %arg12[%parallel_loop3A_67], %parallel_loop3A_66 {strides = array<i32>} : memref<11264xf32, #tpu.memory_space<vmem>>, vector<16xf32>,
    } {sc.loop_unroll_factor = 4 : i64, sc.parallel_access}
    %broadcast_in_dim3A_26 = arith.constant 0 : i32
    %broadcast_in_dim3A_27 = vector.broadcast %broadcast_in_dim3A_26 : i32 to vector<16xi32>
    %broadcast_in_dim3A_28 = arith.constant 1 : i32
    %broadcast_in_dim3A_29 = vector.broadcast %broadcast_in_dim3A_28 : i32 to vector<16xi32>
    %broadcast_in_dim3A_30 = arith.constant 2 : i32
    %broadcast_in_dim3A_31 = vector.broadcast %broadcast_in_dim3A_30 : i32 to vector<16xi32>
    %broadcast_in_dim3A_32 = arith.constant 3 : i32
    %broadcast_in_dim3A_33 = vector.broadcast %broadcast_in_dim3A_32 : i32 to vector<16xi32>
    %broadcast_in_dim3A_34 = arith.constant 4 : i32
    %broadcast_in_dim3A_35 = vector.broadcast %broadcast_in_dim3A_34 : i32 to vector<16xi32>
    %broadcast_in_dim3A_36 = arith.constant 5 : i32
    %broadcast_in_dim3A_37 = vector.broadcast %broadcast_in_dim3A_36 : i32 to vector<16xi32>
    %broadcast_in_dim3A_38 = arith.constant 6 : i32
    %broadcast_in_dim3A_39 = vector.broadcast %broadcast_in_dim3A_38 : i32 to vector<16xi32>
    %broadcast_in_dim3A_40 = arith.constant 7 : i32
    %broadcast_in_dim3A_41 = vector.broadcast %broadcast_in_dim3A_40 : i32 to vector<16xi32>
    %scan3A_42 = arith.constant 0 : i32
    %scan3A_43 = arith.constant 0 : i32
    %scan3A_44 = arith.constant 16 : i32
    %scan3A_45 = arith.addi %scan3A_43, %scan3A_44 : i32
    %scan3A_46 = arith.constant 1 : i32
    %scan3A_47 = scf.for %scan3A_49 = %scan3A_43 to %scan3A_45 step %scan3A_46 iter_args(%scan3A_50 = %scan3A_42) -> (i32)  : i32 {
      "tpu.region"() ({
        %run_scoped3A_112 = tpu.sem_alloc : memref<!tpu.dma_semaphore, #tpu.memory_space<semaphore_mem>>
        %dma_start3A = arith.constant 0 : i32
        %dma_start3A_113 = arith.constant 0 : i32
        %dma_start3A_114 = tpu.memref_slice %arg2[%scan3A_49, %dma_start3A, %dma_start3A_113] : memref<16x8x10240xf32, #tpu.memory_space<hbm>> -> memref<1x8x10240xf32, #tpu.memory_space<hbm>>
        %dma_start3A_115 = tpu.memref_squeeze %dma_start3A_114 : memref<1x8x10240xf32, #tpu.memory_space<hbm>> -> memref<8x10240xf32, #tpu.memory_space<hbm>>
        %dma_start3A_116 = arith.constant 0 : i32
        %dma_start3A_117 = arith.constant 0 : i32
        %dma_start3A_118 = tpu.memref_slice %arg2[%scan3A_49, %dma_start3A_116, %dma_start3A_117] : memref<16x8x10240xf32, #tpu.memory_space<hbm>> -> memref<1x8x10240xf32, #tpu.memory_space<hbm>>
        %dma_start3A_119 = tpu.memref_squeeze %dma_start3A_118 : memref<1x8x10240xf32, #tpu.memory_space<hbm>> -> memref<8x10240xf32, #tpu.memory_space<hbm>>
        tpu.enqueue_dma source(%dma_start3A_119 : memref<8x10240xf32, #tpu.memory_space<hbm>>) target(%arg16 : memref<8x10240xf32, #tpu.memory_space<vmem>>) target_semaphore(%run_scoped3A_112 : memref<!tpu.dma_semaphore, #tpu.memory_space<semaphore_mem>>)
        %dma_wait3A = arith.constant 0 : i32
        %dma_wait3A_120 = arith.constant 0 : i32
        %dma_wait3A_121 = tpu.memref_slice %arg2[%scan3A_49, %dma_wait3A, %dma_wait3A_120] : memref<16x8x10240xf32, #tpu.memory_space<hbm>> -> memref<1x8x10240xf32, #tpu.memory_space<hbm>>
        %dma_wait3A_122 = tpu.memref_squeeze %dma_wait3A_121 : memref<1x8x10240xf32, #tpu.memory_space<hbm>> -> memref<8x10240xf32, #tpu.memory_space<hbm>>
        %dma_wait3A_123 = arith.constant 0 : i32
        %dma_wait3A_124 = arith.constant 0 : i32
        %dma_wait3A_125 = tpu.memref_slice %arg2[%scan3A_49, %dma_wait3A_123, %dma_wait3A_124] : memref<16x8x10240xf32, #tpu.memory_space<hbm>> -> memref<1x8x10240xf32, #tpu.memory_space<hbm>>
        %dma_wait3A_126 = tpu.memref_squeeze %dma_wait3A_125 : memref<1x8x10240xf32, #tpu.memory_space<hbm>> -> memref<8x10240xf32, #tpu.memory_space<hbm>>
        tpu.wait_dma2 semaphore(%run_scoped3A_112 : memref<!tpu.dma_semaphore, #tpu.memory_space<semaphore_mem>>) src(%dma_wait3A_126 : memref<8x10240xf32, #tpu.memory_space<hbm>>) dst(%arg16 : memref<8x10240xf32, #tpu.memory_space<vmem>>)
        tpu.yield
      }) : () -> ()
      %scan3A_51 = arith.constant 0 : i32
      %scan3A_52 = arith.constant 0 : i32
      %scan3A_53 = arith.constant 20 : i32
      %scan3A_54 = arith.addi %scan3A_52, %scan3A_53 : i32
      %scan3A_55 = arith.constant 1 : i32
      %scan3A_56 = scf.for %scan3A_112 = %scan3A_52 to %scan3A_54 step %scan3A_55 iter_args(%scan3A_113 = %scan3A_51) -> (i32)  : i32 {
        %mul3A_114 = arith.constant 16 : i32
        %mul3A_115 = arith.muli %scan3A_112, %mul3A_114 : i32
        %swap3A = arith.constant 0 : i32
        %swap3A_116 = arith.index_cast %swap3A : i32 to index
        %swap3A_117 = arith.index_cast %mul3A_115 : i32 to index
        %swap3A_118 = tpu.vector_load %arg17[%swap3A_116, %swap3A_117] {strides = array<i32>} : memref<8x320xf32, #tpu.memory_space<vmem>>, vector<16xf32>,
        tpu.vector_store %arg17[%swap3A_116, %swap3A_117], %broadcast_in_dim3A_16 {strides = array<i32>} : memref<8x320xf32, #tpu.memory_space<vmem>>, vector<16xf32>,
        %scan3A_119 = arith.constant 0 : i32
        scf.yield %scan3A_119 : i32
      }
      %scan3A_57 = arith.constant 20 : i32
      %scan3A_58 = arith.constant 0 : i32
      %scan3A_59 = arith.constant 0 : i32
      %scan3A_60 = arith.constant 20 : i32
      %scan3A_61 = arith.addi %scan3A_59, %scan3A_60 : i32
      %scan3A_62 = arith.constant 1 : i32
      %scan3A_63 = scf.for %scan3A_112 = %scan3A_59 to %scan3A_61 step %scan3A_62 iter_args(%scan3A_113 = %scan3A_58) -> (i32)  : i32 {
        %mul3A_114 = arith.constant 16 : i32
        %mul3A_115 = arith.muli %scan3A_112, %mul3A_114 : i32
        %swap3A = arith.constant 1 : i32
        %swap3A_116 = arith.index_cast %swap3A : i32 to index
        %swap3A_117 = arith.index_cast %mul3A_115 : i32 to index
        %swap3A_118 = tpu.vector_load %arg17[%swap3A_116, %swap3A_117] {strides = array<i32>} : memref<8x320xf32, #tpu.memory_space<vmem>>, vector<16xf32>,
        tpu.vector_store %arg17[%swap3A_116, %swap3A_117], %broadcast_in_dim3A_16 {strides = array<i32>} : memref<8x320xf32, #tpu.memory_space<vmem>>, vector<16xf32>,
        %scan3A_119 = arith.constant 0 : i32
        scf.yield %scan3A_119 : i32
      }
      %scan3A_64 = arith.constant 20 : i32
      %scan3A_65 = arith.constant 0 : i32
      %scan3A_66 = arith.constant 0 : i32
      %scan3A_67 = arith.constant 20 : i32
      %scan3A_68 = arith.addi %scan3A_66, %scan3A_67 : i32
      %scan3A_69 = arith.constant 1 : i32
      %scan3A_70 = scf.for %scan3A_112 = %scan3A_66 to %scan3A_68 step %scan3A_69 iter_args(%scan3A_113 = %scan3A_65) -> (i32)  : i32 {
        %mul3A_114 = arith.constant 16 : i32
        %mul3A_115 = arith.muli %scan3A_112, %mul3A_114 : i32
        %swap3A = arith.constant 2 : i32
        %swap3A_116 = arith.index_cast %swap3A : i32 to index
        %swap3A_117 = arith.index_cast %mul3A_115 : i32 to index
        %swap3A_118 = tpu.vector_load %arg17[%swap3A_116, %swap3A_117] {strides = array<i32>} : memref<8x320xf32, #tpu.memory_space<vmem>>, vector<16xf32>,
        tpu.vector_store %arg17[%swap3A_116, %swap3A_117], %broadcast_in_dim3A_16 {strides = array<i32>} : memref<8x320xf32, #tpu.memory_space<vmem>>, vector<16xf32>,
        %scan3A_119 = arith.constant 0 : i32
        scf.yield %scan3A_119 : i32
      }
      %scan3A_71 = arith.constant 20 : i32
      %scan3A_72 = arith.constant 0 : i32
      %scan3A_73 = arith.constant 0 : i32
      %scan3A_74 = arith.constant 20 : i32
      %scan3A_75 = arith.addi %scan3A_73, %scan3A_74 : i32
      %scan3A_76 = arith.constant 1 : i32
      %scan3A_77 = scf.for %scan3A_112 = %scan3A_73 to %scan3A_75 step %scan3A_76 iter_args(%scan3A_113 = %scan3A_72) -> (i32)  : i32 {
        %mul3A_114 = arith.constant 16 : i32
        %mul3A_115 = arith.muli %scan3A_112, %mul3A_114 : i32
        %swap3A = arith.constant 3 : i32
        %swap3A_116 = arith.index_cast %swap3A : i32 to index
        %swap3A_117 = arith.index_cast %mul3A_115 : i32 to index
        %swap3A_118 = tpu.vector_load %arg17[%swap3A_116, %swap3A_117] {strides = array<i32>} : memref<8x320xf32, #tpu.memory_space<vmem>>, vector<16xf32>,
        tpu.vector_store %arg17[%swap3A_116, %swap3A_117], %broadcast_in_dim3A_16 {strides = array<i32>} : memref<8x320xf32, #tpu.memory_space<vmem>>, vector<16xf32>,
        %scan3A_119 = arith.constant 0 : i32
        scf.yield %scan3A_119 : i32
      }
      %scan3A_78 = arith.constant 20 : i32
      %scan3A_79 = arith.constant 0 : i32
      %scan3A_80 = arith.constant 0 : i32
      %scan3A_81 = arith.constant 20 : i32
      %scan3A_82 = arith.addi %scan3A_80, %scan3A_81 : i32
      %scan3A_83 = arith.constant 1 : i32
      %scan3A_84 = scf.for %scan3A_112 = %scan3A_80 to %scan3A_82 step %scan3A_83 iter_args(%scan3A_113 = %scan3A_79) -> (i32)  : i32 {
        %mul3A_114 = arith.constant 16 : i32
        %mul3A_115 = arith.muli %scan3A_112, %mul3A_114 : i32
        %swap3A = arith.constant 4 : i32
        %swap3A_116 = arith.index_cast %swap3A : i32 to index
        %swap3A_117 = arith.index_cast %mul3A_115 : i32 to index
        %swap3A_118 = tpu.vector_load %arg17[%swap3A_116, %swap3A_117] {strides = array<i32>} : memref<8x320xf32, #tpu.memory_space<vmem>>, vector<16xf32>,
        tpu.vector_store %arg17[%swap3A_116, %swap3A_117], %broadcast_in_dim3A_16 {strides = array<i32>} : memref<8x320xf32, #tpu.memory_space<vmem>>, vector<16xf32>,
        %scan3A_119 = arith.constant 0 : i32
        scf.yield %scan3A_119 : i32
      }
      %scan3A_85 = arith.constant 20 : i32
      %scan3A_86 = arith.constant 0 : i32
      %scan3A_87 = arith.constant 0 : i32
      %scan3A_88 = arith.constant 20 : i32
      %scan3A_89 = arith.addi %scan3A_87, %scan3A_88 : i32
      %scan3A_90 = arith.constant 1 : i32
      %scan3A_91 = scf.for %scan3A_112 = %scan3A_87 to %scan3A_89 step %scan3A_90 iter_args(%scan3A_113 = %scan3A_86) -> (i32)  : i32 {
        %mul3A_114 = arith.constant 16 : i32
        %mul3A_115 = arith.muli %scan3A_112, %mul3A_114 : i32
        %swap3A = arith.constant 5 : i32
        %swap3A_116 = arith.index_cast %swap3A : i32 to index
        %swap3A_117 = arith.index_cast %mul3A_115 : i32 to index
        %swap3A_118 = tpu.vector_load %arg17[%swap3A_116, %swap3A_117] {strides = array<i32>} : memref<8x320xf32, #tpu.memory_space<vmem>>, vector<16xf32>,
        tpu.vector_store %arg17[%swap3A_116, %swap3A_117], %broadcast_in_dim3A_16 {strides = array<i32>} : memref<8x320xf32, #tpu.memory_space<vmem>>, vector<16xf32>,
        %scan3A_119 = arith.constant 0 : i32
        scf.yield %scan3A_119 : i32
      }
      %scan3A_92 = arith.constant 20 : i32
      %scan3A_93 = arith.constant 0 : i32
      %scan3A_94 = arith.constant 0 : i32
      %scan3A_95 = arith.constant 20 : i32
      %scan3A_96 = arith.addi %scan3A_94, %scan3A_95 : i32
      %scan3A_97 = arith.constant 1 : i32
      %scan3A_98 = scf.for %scan3A_112 = %scan3A_94 to %scan3A_96 step %scan3A_97 iter_args(%scan3A_113 = %scan3A_93) -> (i32)  : i32 {
        %mul3A_114 = arith.constant 16 : i32
        %mul3A_115 = arith.muli %scan3A_112, %mul3A_114 : i32
        %swap3A = arith.constant 6 : i32
        %swap3A_116 = arith.index_cast %swap3A : i32 to index
        %swap3A_117 = arith.index_cast %mul3A_115 : i32 to index
        %swap3A_118 = tpu.vector_load %arg17[%swap3A_116, %swap3A_117] {strides = array<i32>} : memref<8x320xf32, #tpu.memory_space<vmem>>, vector<16xf32>,
        tpu.vector_store %arg17[%swap3A_116, %swap3A_117], %broadcast_in_dim3A_16 {strides = array<i32>} : memref<8x320xf32, #tpu.memory_space<vmem>>, vector<16xf32>,
        %scan3A_119 = arith.constant 0 : i32
        scf.yield %scan3A_119 : i32
      }
      %scan3A_99 = arith.constant 20 : i32
      %scan3A_100 = arith.constant 0 : i32
      %scan3A_101 = arith.constant 0 : i32
      %scan3A_102 = arith.constant 20 : i32
      %scan3A_103 = arith.addi %scan3A_101, %scan3A_102 : i32
      %scan3A_104 = arith.constant 1 : i32
      %scan3A_105 = scf.for %scan3A_112 = %scan3A_101 to %scan3A_103 step %scan3A_104 iter_args(%scan3A_113 = %scan3A_100) -> (i32)  : i32 {
        %mul3A_114 = arith.constant 16 : i32
        %mul3A_115 = arith.muli %scan3A_112, %mul3A_114 : i32
        %swap3A = arith.constant 7 : i32
        %swap3A_116 = arith.index_cast %swap3A : i32 to index
        %swap3A_117 = arith.index_cast %mul3A_115 : i32 to index
        %swap3A_118 = tpu.vector_load %arg17[%swap3A_116, %swap3A_117] {strides = array<i32>} : memref<8x320xf32, #tpu.memory_space<vmem>>, vector<16xf32>,
        tpu.vector_store %arg17[%swap3A_116, %swap3A_117], %broadcast_in_dim3A_16 {strides = array<i32>} : memref<8x320xf32, #tpu.memory_space<vmem>>, vector<16xf32>,
        %scan3A_119 = arith.constant 0 : i32
        scf.yield %scan3A_119 : i32
      }
      %scan3A_106 = arith.constant 20 : i32
      %parallel_loop3A_107 = arith.constant 0 : i32
      %parallel_loop3A_108 = arith.constant 1 : i32
      scf.for %parallel_loop3A_112 = %parallel_loop3A_107 to %div3A_15 step %parallel_loop3A_108  : i32 {
        %parallel_loop3A_113 = arith.constant 16 : i32
        %parallel_loop3A_114 = arith.muli %parallel_loop3A_112, %parallel_loop3A_113 : i32
        %parallel_loop3A_115 = arith.index_cast %parallel_loop3A_114 : i32 to index
        %parallel_loop3A_116 = tpu.vector_load %arg10[%parallel_loop3A_115] {strides = array<i32>} : memref<11264xi32, #tpu.memory_space<vmem>>, vector<16xi32>,
        %parallel_loop3A_117 = arith.index_cast %parallel_loop3A_114 : i32 to index
        %parallel_loop3A_118 = tpu.vector_load %arg11[%parallel_loop3A_117] {strides = array<i32>} : memref<11264xi32, #tpu.memory_space<vmem>>, vector<16xi32>,
        %parallel_loop3A_119 = arith.index_cast %parallel_loop3A_114 : i32 to index
        %parallel_loop3A_120 = tpu.vector_load %arg12[%parallel_loop3A_119] {strides = array<i32>} : memref<11264xf32, #tpu.memory_space<vmem>>, vector<16xf32>,
        %parallel_loop3A_121 = arith.constant 320 : i32
        %parallel_loop3A_122 = vector.broadcast %parallel_loop3A_121 : i32 to vector<16xi32>
        %parallel_loop3A_123 = arith.cmpi slt, %parallel_loop3A_118, %parallel_loop3A_122 : vector<16xi32>
        %parallel_loop3A_124 = tpu.vector_load_idx %arg16[%broadcast_in_dim3A_27, %parallel_loop3A_116] : memref<8x10240xf32, #tpu.memory_space<vmem>>[vector<16xi32>, vector<16xi32>], vector<16xf32>,
        %parallel_loop3A_125 = arith.mulf %parallel_loop3A_124, %parallel_loop3A_120 : vector<16xf32>
        tpu.vector_store_idx %arg17[%broadcast_in_dim3A_27, %parallel_loop3A_118], %parallel_loop3A_125 masked %parallel_loop3A_123 {add = true} : memref<8x320xf32, #tpu.memory_space<vmem>>[vector<16xi32>, vector<16xi32>], vector<16xf32>, vector<16xi1>
        %parallel_loop3A_126 = tpu.vector_load_idx %arg16[%broadcast_in_dim3A_29, %parallel_loop3A_116] : memref<8x10240xf32, #tpu.memory_space<vmem>>[vector<16xi32>, vector<16xi32>], vector<16xf32>,
        %parallel_loop3A_127 = arith.mulf %parallel_loop3A_126, %parallel_loop3A_120 : vector<16xf32>
        tpu.vector_store_idx %arg17[%broadcast_in_dim3A_29, %parallel_loop3A_118], %parallel_loop3A_127 masked %parallel_loop3A_123 {add = true} : memref<8x320xf32, #tpu.memory_space<vmem>>[vector<16xi32>, vector<16xi32>], vector<16xf32>, vector<16xi1>
        %parallel_loop3A_128 = tpu.vector_load_idx %arg16[%broadcast_in_dim3A_31, %parallel_loop3A_116] : memref<8x10240xf32, #tpu.memory_space<vmem>>[vector<16xi32>, vector<16xi32>], vector<16xf32>,
        %parallel_loop3A_129 = arith.mulf %parallel_loop3A_128, %parallel_loop3A_120 : vector<16xf32>
        tpu.vector_store_idx %arg17[%broadcast_in_dim3A_31, %parallel_loop3A_118], %parallel_loop3A_129 masked %parallel_loop3A_123 {add = true} : memref<8x320xf32, #tpu.memory_space<vmem>>[vector<16xi32>, vector<16xi32>], vector<16xf32>, vector<16xi1>
        %parallel_loop3A_130 = tpu.vector_load_idx %arg16[%broadcast_in_dim3A_33, %parallel_loop3A_116] : memref<8x10240xf32, #tpu.memory_space<vmem>>[vector<16xi32>, vector<16xi32>], vector<16xf32>,
        %parallel_loop3A_131 = arith.mulf %parallel_loop3A_130, %parallel_loop3A_120 : vector<16xf32>
        tpu.vector_store_idx %arg17[%broadcast_in_dim3A_33, %parallel_loop3A_118], %parallel_loop3A_131 masked %parallel_loop3A_123 {add = true} : memref<8x320xf32, #tpu.memory_space<vmem>>[vector<16xi32>, vector<16xi32>], vector<16xf32>, vector<16xi1>
        %parallel_loop3A_132 = tpu.vector_load_idx %arg16[%broadcast_in_dim3A_35, %parallel_loop3A_116] : memref<8x10240xf32, #tpu.memory_space<vmem>>[vector<16xi32>, vector<16xi32>], vector<16xf32>,
        %parallel_loop3A_133 = arith.mulf %parallel_loop3A_132, %parallel_loop3A_120 : vector<16xf32>
        tpu.vector_store_idx %arg17[%broadcast_in_dim3A_35, %parallel_loop3A_118], %parallel_loop3A_133 masked %parallel_loop3A_123 {add = true} : memref<8x320xf32, #tpu.memory_space<vmem>>[vector<16xi32>, vector<16xi32>], vector<16xf32>, vector<16xi1>
        %parallel_loop3A_134 = tpu.vector_load_idx %arg16[%broadcast_in_dim3A_37, %parallel_loop3A_116] : memref<8x10240xf32, #tpu.memory_space<vmem>>[vector<16xi32>, vector<16xi32>], vector<16xf32>,
        %parallel_loop3A_135 = arith.mulf %parallel_loop3A_134, %parallel_loop3A_120 : vector<16xf32>
        tpu.vector_store_idx %arg17[%broadcast_in_dim3A_37, %parallel_loop3A_118], %parallel_loop3A_135 masked %parallel_loop3A_123 {add = true} : memref<8x320xf32, #tpu.memory_space<vmem>>[vector<16xi32>, vector<16xi32>], vector<16xf32>, vector<16xi1>
        %parallel_loop3A_136 = tpu.vector_load_idx %arg16[%broadcast_in_dim3A_39, %parallel_loop3A_116] : memref<8x10240xf32, #tpu.memory_space<vmem>>[vector<16xi32>, vector<16xi32>], vector<16xf32>,
        %parallel_loop3A_137 = arith.mulf %parallel_loop3A_136, %parallel_loop3A_120 : vector<16xf32>
        tpu.vector_store_idx %arg17[%broadcast_in_dim3A_39, %parallel_loop3A_118], %parallel_loop3A_137 masked %parallel_loop3A_123 {add = true} : memref<8x320xf32, #tpu.memory_space<vmem>>[vector<16xi32>, vector<16xi32>], vector<16xf32>, vector<16xi1>
        %parallel_loop3A_138 = tpu.vector_load_idx %arg16[%broadcast_in_dim3A_41, %parallel_loop3A_116] : memref<8x10240xf32, #tpu.memory_space<vmem>>[vector<16xi32>, vector<16xi32>], vector<16xf32>,
        %parallel_loop3A_139 = arith.mulf %parallel_loop3A_138, %parallel_loop3A_120 : vector<16xf32>
        tpu.vector_store_idx %arg17[%broadcast_in_dim3A_41, %parallel_loop3A_118], %parallel_loop3A_139 masked %parallel_loop3A_123 {add = true} : memref<8x320xf32, #tpu.memory_space<vmem>>[vector<16xi32>, vector<16xi32>], vector<16xf32>, vector<16xi1>
      } {sc.loop_unroll_factor = 4 : i64, sc.parallel_access}
      %mul3A_109 = arith.constant 8 : i32
      %mul3A_110 = arith.muli %scan3A_49, %mul3A_109 : i32
      "tpu.region"() ({
        %run_scoped3A_112 = tpu.sem_alloc : memref<!tpu.dma_semaphore, #tpu.memory_space<semaphore_mem>>
        %dma_start3A = arith.constant 0 : i32
        %dma_start3A_113 = tpu.memref_slice %arg9[%add3A, %mul3A_110, %dma_start3A] : memref<32x128x320xf32, #tpu.memory_space<hbm>> -> memref<1x8x320xf32, #tpu.memory_space<hbm>>
        %dma_start3A_114 = tpu.memref_squeeze %dma_start3A_113 : memref<1x8x320xf32, #tpu.memory_space<hbm>> -> memref<8x320xf32, #tpu.memory_space<hbm>>
        %dma_start3A_115 = arith.constant 0 : i32
        %dma_start3A_116 = tpu.memref_slice %arg9[%add3A, %mul3A_110, %dma_start3A_115] : memref<32x128x320xf32, #tpu.memory_space<hbm>> -> memref<1x8x320xf32, #tpu.memory_space<hbm>>
        %dma_start3A_117 = tpu.memref_squeeze %dma_start3A_116 : memref<1x8x320xf32, #tpu.memory_space<hbm>> -> memref<8x320xf32, #tpu.memory_space<hbm>>
        tpu.enqueue_dma source(%arg17 : memref<8x320xf32, #tpu.memory_space<vmem>>) target(%dma_start3A_117 : memref<8x320xf32, #tpu.memory_space<hbm>>) target_semaphore(%run_scoped3A_112 : memref<!tpu.dma_semaphore, #tpu.memory_space<semaphore_mem>>)
        %dma_wait3A = arith.constant 0 : i32
        %dma_wait3A_118 = tpu.memref_slice %arg9[%add3A, %mul3A_110, %dma_wait3A] : memref<32x128x320xf32, #tpu.memory_space<hbm>> -> memref<1x8x320xf32, #tpu.memory_space<hbm>>
        %dma_wait3A_119 = tpu.memref_squeeze %dma_wait3A_118 : memref<1x8x320xf32, #tpu.memory_space<hbm>> -> memref<8x320xf32, #tpu.memory_space<hbm>>
        %dma_wait3A_120 = arith.constant 0 : i32
        %dma_wait3A_121 = tpu.memref_slice %arg9[%add3A, %mul3A_110, %dma_wait3A_120] : memref<32x128x320xf32, #tpu.memory_space<hbm>> -> memref<1x8x320xf32, #tpu.memory_space<hbm>>
        %dma_wait3A_122 = tpu.memref_squeeze %dma_wait3A_121 : memref<1x8x320xf32, #tpu.memory_space<hbm>> -> memref<8x320xf32, #tpu.memory_space<hbm>>
        tpu.wait_dma2 semaphore(%run_scoped3A_112 : memref<!tpu.dma_semaphore, #tpu.memory_space<semaphore_mem>>) src(%arg17 : memref<8x320xf32, #tpu.memory_space<vmem>>) dst(%dma_wait3A_122 : memref<8x320xf32, #tpu.memory_space<hbm>>)
        tpu.yield
      }) : () -> ()
      %scan3A_111 = arith.constant 0 : i32
      scf.yield %scan3A_111 : i32
    }
    %scan3A_48 = arith.constant 16 : i32
    return
  }
}

#map = affine_map<(d0, d1) -> (0, 0, 0)>
#map1 = affine_map<(d0, d1) -> (0)>
module attributes {stable_mosaic.version = 14 : i64} {
  func.func @_layer(%arg0: i32, %arg1: i32, %arg2: memref<16x8x10240xf32, #tpu.memory_space<hbm>>, %arg3: memref<32x1x336xf32, #tpu.memory_space<hbm>>, %arg4: memref<10240xf32, #tpu.memory_space<hbm>>, %arg5: memref<32x1x11264xi32, #tpu.memory_space<hbm>>, %arg6: memref<32x1x11264xi32, #tpu.memory_space<hbm>>, %arg7: memref<32x1x11264xf32, #tpu.memory_space<hbm>>, %arg8: memref<32x1x16xi32, #tpu.memory_space<hbm>>, %arg9: memref<32x128x320xf32, #tpu.memory_space<hbm>>, %arg10: memref<11264xi32, #tpu.memory_space<vmem>>, %arg11: memref<11264xi32, #tpu.memory_space<vmem>>, %arg12: memref<11264xf32, #tpu.memory_space<vmem>>, %arg13: memref<10240xf32, #tpu.memory_space<vmem>>, %arg14: memref<336xf32, #tpu.memory_space<vmem>>, %arg15: memref<336xf32, #tpu.memory_space<vmem>>, %arg16: memref<8x10240xf32, #tpu.memory_space<vmem>>, %arg17: memref<8x320xf32, #tpu.memory_space<vmem>>, %arg18: memref<16xi32, #tpu.memory_space<vmem>>) attributes {dimension_semantics = [#tpu.dimension_semantics<core_parallel>, #tpu.dimension_semantics<subcore_parallel>], iteration_bounds = array<i64: 2, 16>, scalar_prefetch = 0 : i64, scratch_operands = 9 : i64, tpu.core_type = #tpu.core_type<sc_vector_subcore>, window_params = [{transform_indices = #map}, {transform_indices = #map}, {transform_indices = #map1}, {transform_indices = #map}, {transform_indices = #map}, {transform_indices = #map}, {transform_indices = #map}, {transform_indices = #map}]} {
    %mul3A = arith.constant 2 : i32
    %mul3A_0 = arith.muli %arg1, %mul3A : i32
    %add3A = arith.addi %mul3A_0, %arg0 : i32
    %run_scoped3A = arith.constant 0 : i32
    "tpu.region"() ({
      %run_scoped3A_49 = tpu.sem_alloc : memref<!tpu.dma_semaphore, #tpu.memory_space<semaphore_mem>>
      %dma_start3A = arith.constant 0 : i32
      %dma_start3A_50 = tpu.memref_slice %arg5[%add3A, %run_scoped3A, %dma_start3A] : memref<32x1x11264xi32, #tpu.memory_space<hbm>> -> memref<1x1x11264xi32, #tpu.memory_space<hbm>>
      %dma_start3A_51 = tpu.memref_squeeze %dma_start3A_50 : memref<1x1x11264xi32, #tpu.memory_space<hbm>> -> memref<11264xi32, #tpu.memory_space<hbm>>
      %dma_start3A_52 = arith.constant 0 : i32
      %dma_start3A_53 = tpu.memref_slice %arg5[%add3A, %run_scoped3A, %dma_start3A_52] : memref<32x1x11264xi32, #tpu.memory_space<hbm>> -> memref<1x1x11264xi32, #tpu.memory_space<hbm>>
      %dma_start3A_54 = tpu.memref_squeeze %dma_start3A_53 : memref<1x1x11264xi32, #tpu.memory_space<hbm>> -> memref<11264xi32, #tpu.memory_space<hbm>>
      tpu.enqueue_dma source(%dma_start3A_54 : memref<11264xi32, #tpu.memory_space<hbm>>) target(%arg10 : memref<11264xi32, #tpu.memory_space<vmem>>) target_semaphore(%run_scoped3A_49 : memref<!tpu.dma_semaphore, #tpu.memory_space<semaphore_mem>>)
      %dma_wait3A = arith.constant 0 : i32
      %dma_wait3A_55 = tpu.memref_slice %arg5[%add3A, %run_scoped3A, %dma_wait3A] : memref<32x1x11264xi32, #tpu.memory_space<hbm>> -> memref<1x1x11264xi32, #tpu.memory_space<hbm>>
      %dma_wait3A_56 = tpu.memref_squeeze %dma_wait3A_55 : memref<1x1x11264xi32, #tpu.memory_space<hbm>> -> memref<11264xi32, #tpu.memory_space<hbm>>
      %dma_wait3A_57 = arith.constant 0 : i32
      %dma_wait3A_58 = tpu.memref_slice %arg5[%add3A, %run_scoped3A, %dma_wait3A_57] : memref<32x1x11264xi32, #tpu.memory_space<hbm>> -> memref<1x1x11264xi32, #tpu.memory_space<hbm>>
      %dma_wait3A_59 = tpu.memref_squeeze %dma_wait3A_58 : memref<1x1x11264xi32, #tpu.memory_space<hbm>> -> memref<11264xi32, #tpu.memory_space<hbm>>
      tpu.wait_dma2 semaphore(%run_scoped3A_49 : memref<!tpu.dma_semaphore, #tpu.memory_space<semaphore_mem>>) src(%dma_wait3A_59 : memref<11264xi32, #tpu.memory_space<hbm>>) dst(%arg10 : memref<11264xi32, #tpu.memory_space<vmem>>)
      tpu.yield
    }) : () -> ()
    %run_scoped3A_1 = arith.constant 0 : i32
    "tpu.region"() ({
      %run_scoped3A_49 = tpu.sem_alloc : memref<!tpu.dma_semaphore, #tpu.memory_space<semaphore_mem>>
      %dma_start3A = arith.constant 0 : i32
      %dma_start3A_50 = tpu.memref_slice %arg6[%add3A, %run_scoped3A_1, %dma_start3A] : memref<32x1x11264xi32, #tpu.memory_space<hbm>> -> memref<1x1x11264xi32, #tpu.memory_space<hbm>>
      %dma_start3A_51 = tpu.memref_squeeze %dma_start3A_50 : memref<1x1x11264xi32, #tpu.memory_space<hbm>> -> memref<11264xi32, #tpu.memory_space<hbm>>
      %dma_start3A_52 = arith.constant 0 : i32
      %dma_start3A_53 = tpu.memref_slice %arg6[%add3A, %run_scoped3A_1, %dma_start3A_52] : memref<32x1x11264xi32, #tpu.memory_space<hbm>> -> memref<1x1x11264xi32, #tpu.memory_space<hbm>>
      %dma_start3A_54 = tpu.memref_squeeze %dma_start3A_53 : memref<1x1x11264xi32, #tpu.memory_space<hbm>> -> memref<11264xi32, #tpu.memory_space<hbm>>
      tpu.enqueue_dma source(%dma_start3A_54 : memref<11264xi32, #tpu.memory_space<hbm>>) target(%arg11 : memref<11264xi32, #tpu.memory_space<vmem>>) target_semaphore(%run_scoped3A_49 : memref<!tpu.dma_semaphore, #tpu.memory_space<semaphore_mem>>)
      %dma_wait3A = arith.constant 0 : i32
      %dma_wait3A_55 = tpu.memref_slice %arg6[%add3A, %run_scoped3A_1, %dma_wait3A] : memref<32x1x11264xi32, #tpu.memory_space<hbm>> -> memref<1x1x11264xi32, #tpu.memory_space<hbm>>
      %dma_wait3A_56 = tpu.memref_squeeze %dma_wait3A_55 : memref<1x1x11264xi32, #tpu.memory_space<hbm>> -> memref<11264xi32, #tpu.memory_space<hbm>>
      %dma_wait3A_57 = arith.constant 0 : i32
      %dma_wait3A_58 = tpu.memref_slice %arg6[%add3A, %run_scoped3A_1, %dma_wait3A_57] : memref<32x1x11264xi32, #tpu.memory_space<hbm>> -> memref<1x1x11264xi32, #tpu.memory_space<hbm>>
      %dma_wait3A_59 = tpu.memref_squeeze %dma_wait3A_58 : memref<1x1x11264xi32, #tpu.memory_space<hbm>> -> memref<11264xi32, #tpu.memory_space<hbm>>
      tpu.wait_dma2 semaphore(%run_scoped3A_49 : memref<!tpu.dma_semaphore, #tpu.memory_space<semaphore_mem>>) src(%dma_wait3A_59 : memref<11264xi32, #tpu.memory_space<hbm>>) dst(%arg11 : memref<11264xi32, #tpu.memory_space<vmem>>)
      tpu.yield
    }) : () -> ()
    %run_scoped3A_2 = arith.constant 0 : i32
    "tpu.region"() ({
      %run_scoped3A_49 = tpu.sem_alloc : memref<!tpu.dma_semaphore, #tpu.memory_space<semaphore_mem>>
      %dma_start3A = arith.constant 0 : i32
      %dma_start3A_50 = tpu.memref_slice %arg7[%add3A, %run_scoped3A_2, %dma_start3A] : memref<32x1x11264xf32, #tpu.memory_space<hbm>> -> memref<1x1x11264xf32, #tpu.memory_space<hbm>>
      %dma_start3A_51 = tpu.memref_squeeze %dma_start3A_50 : memref<1x1x11264xf32, #tpu.memory_space<hbm>> -> memref<11264xf32, #tpu.memory_space<hbm>>
      %dma_start3A_52 = arith.constant 0 : i32
      %dma_start3A_53 = tpu.memref_slice %arg7[%add3A, %run_scoped3A_2, %dma_start3A_52] : memref<32x1x11264xf32, #tpu.memory_space<hbm>> -> memref<1x1x11264xf32, #tpu.memory_space<hbm>>
      %dma_start3A_54 = tpu.memref_squeeze %dma_start3A_53 : memref<1x1x11264xf32, #tpu.memory_space<hbm>> -> memref<11264xf32, #tpu.memory_space<hbm>>
      tpu.enqueue_dma source(%dma_start3A_54 : memref<11264xf32, #tpu.memory_space<hbm>>) target(%arg12 : memref<11264xf32, #tpu.memory_space<vmem>>) target_semaphore(%run_scoped3A_49 : memref<!tpu.dma_semaphore, #tpu.memory_space<semaphore_mem>>)
      %dma_wait3A = arith.constant 0 : i32
      %dma_wait3A_55 = tpu.memref_slice %arg7[%add3A, %run_scoped3A_2, %dma_wait3A] : memref<32x1x11264xf32, #tpu.memory_space<hbm>> -> memref<1x1x11264xf32, #tpu.memory_space<hbm>>
      %dma_wait3A_56 = tpu.memref_squeeze %dma_wait3A_55 : memref<1x1x11264xf32, #tpu.memory_space<hbm>> -> memref<11264xf32, #tpu.memory_space<hbm>>
      %dma_wait3A_57 = arith.constant 0 : i32
      %dma_wait3A_58 = tpu.memref_slice %arg7[%add3A, %run_scoped3A_2, %dma_wait3A_57] : memref<32x1x11264xf32, #tpu.memory_space<hbm>> -> memref<1x1x11264xf32, #tpu.memory_space<hbm>>
      %dma_wait3A_59 = tpu.memref_squeeze %dma_wait3A_58 : memref<1x1x11264xf32, #tpu.memory_space<hbm>> -> memref<11264xf32, #tpu.memory_space<hbm>>
      tpu.wait_dma2 semaphore(%run_scoped3A_49 : memref<!tpu.dma_semaphore, #tpu.memory_space<semaphore_mem>>) src(%dma_wait3A_59 : memref<11264xf32, #tpu.memory_space<hbm>>) dst(%arg12 : memref<11264xf32, #tpu.memory_space<vmem>>)
      tpu.yield
    }) : () -> ()
    "tpu.region"() ({
      %run_scoped3A_49 = tpu.sem_alloc : memref<!tpu.dma_semaphore, #tpu.memory_space<semaphore_mem>>
      tpu.enqueue_dma source(%arg4 : memref<10240xf32, #tpu.memory_space<hbm>>) target(%arg13 : memref<10240xf32, #tpu.memory_space<vmem>>) target_semaphore(%run_scoped3A_49 : memref<!tpu.dma_semaphore, #tpu.memory_space<semaphore_mem>>)
      tpu.wait_dma2 semaphore(%run_scoped3A_49 : memref<!tpu.dma_semaphore, #tpu.memory_space<semaphore_mem>>) src(%arg4 : memref<10240xf32, #tpu.memory_space<hbm>>) dst(%arg13 : memref<10240xf32, #tpu.memory_space<vmem>>)
      tpu.yield
    }) : () -> ()
    %run_scoped3A_3 = arith.constant 0 : i32
    "tpu.region"() ({
      %run_scoped3A_49 = tpu.sem_alloc : memref<!tpu.dma_semaphore, #tpu.memory_space<semaphore_mem>>
      %dma_start3A = arith.constant 0 : i32
      %dma_start3A_50 = tpu.memref_slice %arg3[%add3A, %run_scoped3A_3, %dma_start3A] : memref<32x1x336xf32, #tpu.memory_space<hbm>> -> memref<1x1x336xf32, #tpu.memory_space<hbm>>
      %dma_start3A_51 = tpu.memref_squeeze %dma_start3A_50 : memref<1x1x336xf32, #tpu.memory_space<hbm>> -> memref<336xf32, #tpu.memory_space<hbm>>
      %dma_start3A_52 = arith.constant 0 : i32
      %dma_start3A_53 = tpu.memref_slice %arg3[%add3A, %run_scoped3A_3, %dma_start3A_52] : memref<32x1x336xf32, #tpu.memory_space<hbm>> -> memref<1x1x336xf32, #tpu.memory_space<hbm>>
      %dma_start3A_54 = tpu.memref_squeeze %dma_start3A_53 : memref<1x1x336xf32, #tpu.memory_space<hbm>> -> memref<336xf32, #tpu.memory_space<hbm>>
      tpu.enqueue_dma source(%dma_start3A_54 : memref<336xf32, #tpu.memory_space<hbm>>) target(%arg14 : memref<336xf32, #tpu.memory_space<vmem>>) target_semaphore(%run_scoped3A_49 : memref<!tpu.dma_semaphore, #tpu.memory_space<semaphore_mem>>)
      %dma_wait3A = arith.constant 0 : i32
      %dma_wait3A_55 = tpu.memref_slice %arg3[%add3A, %run_scoped3A_3, %dma_wait3A] : memref<32x1x336xf32, #tpu.memory_space<hbm>> -> memref<1x1x336xf32, #tpu.memory_space<hbm>>
      %dma_wait3A_56 = tpu.memref_squeeze %dma_wait3A_55 : memref<1x1x336xf32, #tpu.memory_space<hbm>> -> memref<336xf32, #tpu.memory_space<hbm>>
      %dma_wait3A_57 = arith.constant 0 : i32
      %dma_wait3A_58 = tpu.memref_slice %arg3[%add3A, %run_scoped3A_3, %dma_wait3A_57] : memref<32x1x336xf32, #tpu.memory_space<hbm>> -> memref<1x1x336xf32, #tpu.memory_space<hbm>>
      %dma_wait3A_59 = tpu.memref_squeeze %dma_wait3A_58 : memref<1x1x336xf32, #tpu.memory_space<hbm>> -> memref<336xf32, #tpu.memory_space<hbm>>
      tpu.wait_dma2 semaphore(%run_scoped3A_49 : memref<!tpu.dma_semaphore, #tpu.memory_space<semaphore_mem>>) src(%dma_wait3A_59 : memref<336xf32, #tpu.memory_space<hbm>>) dst(%arg14 : memref<336xf32, #tpu.memory_space<vmem>>)
      tpu.yield
    }) : () -> ()
    %run_scoped3A_4 = arith.constant 0 : i32
    "tpu.region"() ({
      %run_scoped3A_49 = tpu.sem_alloc : memref<!tpu.dma_semaphore, #tpu.memory_space<semaphore_mem>>
      %dma_start3A = arith.constant 0 : i32
      %dma_start3A_50 = tpu.memref_slice %arg8[%add3A, %run_scoped3A_4, %dma_start3A] : memref<32x1x16xi32, #tpu.memory_space<hbm>> -> memref<1x1x16xi32, #tpu.memory_space<hbm>>
      %dma_start3A_51 = tpu.memref_squeeze %dma_start3A_50 : memref<1x1x16xi32, #tpu.memory_space<hbm>> -> memref<16xi32, #tpu.memory_space<hbm>>
      %dma_start3A_52 = arith.constant 0 : i32
      %dma_start3A_53 = tpu.memref_slice %arg8[%add3A, %run_scoped3A_4, %dma_start3A_52] : memref<32x1x16xi32, #tpu.memory_space<hbm>> -> memref<1x1x16xi32, #tpu.memory_space<hbm>>
      %dma_start3A_54 = tpu.memref_squeeze %dma_start3A_53 : memref<1x1x16xi32, #tpu.memory_space<hbm>> -> memref<16xi32, #tpu.memory_space<hbm>>
      tpu.enqueue_dma source(%dma_start3A_54 : memref<16xi32, #tpu.memory_space<hbm>>) target(%arg18 : memref<16xi32, #tpu.memory_space<vmem>>) target_semaphore(%run_scoped3A_49 : memref<!tpu.dma_semaphore, #tpu.memory_space<semaphore_mem>>)
      %dma_wait3A = arith.constant 0 : i32
      %dma_wait3A_55 = tpu.memref_slice %arg8[%add3A, %run_scoped3A_4, %dma_wait3A] : memref<32x1x16xi32, #tpu.memory_space<hbm>> -> memref<1x1x16xi32, #tpu.memory_space<hbm>>
      %dma_wait3A_56 = tpu.memref_squeeze %dma_wait3A_55 : memref<1x1x16xi32, #tpu.memory_space<hbm>> -> memref<16xi32, #tpu.memory_space<hbm>>
      %dma_wait3A_57 = arith.constant 0 : i32
      %dma_wait3A_58 = tpu.memref_slice %arg8[%add3A, %run_scoped3A_4, %dma_wait3A_57] : memref<32x1x16xi32, #tpu.memory_space<hbm>> -> memref<1x1x16xi32, #tpu.memory_space<hbm>>
      %dma_wait3A_59 = tpu.memref_squeeze %dma_wait3A_58 : memref<1x1x16xi32, #tpu.memory_space<hbm>> -> memref<16xi32, #tpu.memory_space<hbm>>
      tpu.wait_dma2 semaphore(%run_scoped3A_49 : memref<!tpu.dma_semaphore, #tpu.memory_space<semaphore_mem>>) src(%dma_wait3A_59 : memref<16xi32, #tpu.memory_space<hbm>>) dst(%arg18 : memref<16xi32, #tpu.memory_space<vmem>>)
      tpu.yield
    }) : () -> ()
    %get3A = arith.constant 0 : index
    %get3A_5 = tpu.vector_load %arg18[%get3A] {strides = array<i32>} : memref<16xi32, #tpu.memory_space<vmem>>, vector<16xi32>,
    %reduce_max3A = arith.constant true
    %reduce_max3A_6 = vector.broadcast %reduce_max3A : i1 to vector<16xi1>
    %reduce_max3A_7 = arith.constant -2147483648 : i32
    %reduce_max3A_8 = vector.broadcast %reduce_max3A_7 : i32 to vector<16xi32>
    %reduce_max3A_9 = arith.xori %get3A_5, %reduce_max3A_8 : vector<16xi32>
    %reduce_max3A_10 = tpu.scan <max>, %reduce_max3A_9 masked %reduce_max3A_6 : vector<16xi32>, vector<16xi1> -> vector<16xi32>
    %reduce_max3A_11 = arith.xori %reduce_max3A_10, %reduce_max3A_8 : vector<16xi32>
    %reduce_max3A_12 = vector.extract %reduce_max3A_11[15] : i32 from vector<16xi32>
    %add3A_13 = arith.constant 15 : i32
    %add3A_14 = arith.addi %reduce_max3A_12, %add3A_13 : i32
    %div3A = arith.constant 16 : i32
    %div3A_15 = arith.divsi %add3A_14, %div3A : i32
    %broadcast_in_dim3A = arith.constant 0.000000e+00 : f32
    %broadcast_in_dim3A_16 = vector.broadcast %broadcast_in_dim3A : f32 to vector<16xf32>
    %scan3A = arith.constant 0 : i32
    %scan3A_17 = arith.constant 0 : i32
    %scan3A_18 = arith.constant 21 : i32
    %scan3A_19 = arith.addi %scan3A_17, %scan3A_18 : i32
    %scan3A_20 = arith.constant 1 : i32
    %scan3A_21 = scf.for %scan3A_49 = %scan3A_17 to %scan3A_19 step %scan3A_20 iter_args(%scan3A_50 = %scan3A) -> (i32)  : i32 {
      %mul3A_51 = arith.constant 16 : i32
      %mul3A_52 = arith.muli %scan3A_49, %mul3A_51 : i32
      %swap3A = arith.index_cast %mul3A_52 : i32 to index
      %swap3A_53 = tpu.vector_load %arg15[%swap3A] {strides = array<i32>} : memref<336xf32, #tpu.memory_space<vmem>>, vector<16xf32>,
      tpu.vector_store %arg15[%swap3A], %broadcast_in_dim3A_16 {strides = array<i32>} : memref<336xf32, #tpu.memory_space<vmem>>, vector<16xf32>,
      %scan3A_54 = arith.constant 0 : i32
      scf.yield %scan3A_54 : i32
    }
    %scan3A_22 = arith.constant 21 : i32
    %parallel_loop3A = arith.constant 0 : i32
    %parallel_loop3A_23 = arith.constant 1 : i32
    scf.for %parallel_loop3A_49 = %parallel_loop3A to %div3A_15 step %parallel_loop3A_23  : i32 {
      %parallel_loop3A_50 = arith.constant 16 : i32
      %parallel_loop3A_51 = arith.muli %parallel_loop3A_49, %parallel_loop3A_50 : i32
      %parallel_loop3A_52 = arith.index_cast %parallel_loop3A_51 : i32 to index
      %parallel_loop3A_53 = tpu.vector_load %arg11[%parallel_loop3A_52] {strides = array<i32>} : memref<11264xi32, #tpu.memory_space<vmem>>, vector<16xi32>,
      %parallel_loop3A_54 = arith.index_cast %parallel_loop3A_51 : i32 to index
      %parallel_loop3A_55 = tpu.vector_load %arg10[%parallel_loop3A_54] {strides = array<i32>} : memref<11264xi32, #tpu.memory_space<vmem>>, vector<16xi32>,
      %parallel_loop3A_56 = arith.index_cast %parallel_loop3A_51 : i32 to index
      %parallel_loop3A_57 = tpu.vector_load %arg12[%parallel_loop3A_56] {strides = array<i32>} : memref<11264xf32, #tpu.memory_space<vmem>>, vector<16xf32>,
      %parallel_loop3A_58 = tpu.vector_load_idx %arg14[%parallel_loop3A_53] : memref<336xf32, #tpu.memory_space<vmem>>[vector<16xi32>], vector<16xf32>,
      %parallel_loop3A_59 = tpu.vector_load_idx %arg13[%parallel_loop3A_55] : memref<10240xf32, #tpu.memory_space<vmem>>[vector<16xi32>], vector<16xf32>,
      %parallel_loop3A_60 = arith.addf %parallel_loop3A_58, %parallel_loop3A_59 : vector<16xf32>
      %parallel_loop3A_61 = arith.addf %parallel_loop3A_60, %parallel_loop3A_57 : vector<16xf32>
      %parallel_loop3A_62 = arith.constant 0.000000e+00 : f32
      %parallel_loop3A_63 = vector.broadcast %parallel_loop3A_62 : f32 to vector<16xf32>
      %parallel_loop3A_64 = arith.cmpf oge, %parallel_loop3A_61, %parallel_loop3A_63 : vector<16xf32>
      %parallel_loop3A_65 = arith.constant 0.00999999977 : f32
      %parallel_loop3A_66 = vector.broadcast %parallel_loop3A_65 : f32 to vector<16xf32>
      %parallel_loop3A_67 = arith.mulf %parallel_loop3A_61, %parallel_loop3A_66 : vector<16xf32>
      %parallel_loop3A_68 = arith.select %parallel_loop3A_64, %parallel_loop3A_61, %parallel_loop3A_67 : vector<16xi1>, vector<16xf32>
      %parallel_loop3A_69 = math.exp %parallel_loop3A_68 : vector<16xf32>
      %parallel_loop3A_70 = arith.constant 320 : i32
      %parallel_loop3A_71 = vector.broadcast %parallel_loop3A_70 : i32 to vector<16xi32>
      %parallel_loop3A_72 = arith.cmpi slt, %parallel_loop3A_53, %parallel_loop3A_71 : vector<16xi32>
      tpu.vector_store_idx %arg15[%parallel_loop3A_53], %parallel_loop3A_69 masked %parallel_loop3A_72 {add = true} : memref<336xf32, #tpu.memory_space<vmem>>[vector<16xi32>], vector<16xf32>, vector<16xi1>
      %parallel_loop3A_73 = arith.index_cast %parallel_loop3A_51 : i32 to index
      %parallel_loop3A_74 = tpu.vector_load %arg12[%parallel_loop3A_73] {strides = array<i32>} : memref<11264xf32, #tpu.memory_space<vmem>>, vector<16xf32>,
      tpu.vector_store %arg12[%parallel_loop3A_73], %parallel_loop3A_69 {strides = array<i32>} : memref<11264xf32, #tpu.memory_space<vmem>>, vector<16xf32>,
    } {sc.loop_unroll_factor = 4 : i64, sc.parallel_access}
    %parallel_loop3A_24 = arith.constant 0 : i32
    %parallel_loop3A_25 = arith.constant 1 : i32
    scf.for %parallel_loop3A_49 = %parallel_loop3A_24 to %div3A_15 step %parallel_loop3A_25  : i32 {
      %parallel_loop3A_50 = arith.constant 16 : i32
      %parallel_loop3A_51 = arith.muli %parallel_loop3A_49, %parallel_loop3A_50 : i32
      %parallel_loop3A_52 = arith.index_cast %parallel_loop3A_51 : i32 to index
      %parallel_loop3A_53 = tpu.vector_load %arg11[%parallel_loop3A_52] {strides = array<i32>} : memref<11264xi32, #tpu.memory_space<vmem>>, vector<16xi32>,
      %parallel_loop3A_54 = arith.index_cast %parallel_loop3A_51 : i32 to index
      %parallel_loop3A_55 = tpu.vector_load %arg12[%parallel_loop3A_54] {strides = array<i32>} : memref<11264xf32, #tpu.memory_space<vmem>>, vector<16xf32>,
      %parallel_loop3A_56 = tpu.vector_load_idx %arg15[%parallel_loop3A_53] : memref<336xf32, #tpu.memory_space<vmem>>[vector<16xi32>], vector<16xf32>,
      %parallel_loop3A_57 = arith.constant 1.000000e-16 : f32
      %parallel_loop3A_58 = vector.broadcast %parallel_loop3A_57 : f32 to vector<16xf32>
      %parallel_loop3A_59 = arith.addf %parallel_loop3A_56, %parallel_loop3A_58 : vector<16xf32>
      %parallel_loop3A_60 = arith.divf %parallel_loop3A_55, %parallel_loop3A_59 : vector<16xf32>
      %parallel_loop3A_61 = arith.constant 320 : i32
      %parallel_loop3A_62 = vector.broadcast %parallel_loop3A_61 : i32 to vector<16xi32>
      %parallel_loop3A_63 = arith.cmpi slt, %parallel_loop3A_53, %parallel_loop3A_62 : vector<16xi32>
      %parallel_loop3A_64 = arith.constant 0.000000e+00 : f32
      %parallel_loop3A_65 = vector.broadcast %parallel_loop3A_64 : f32 to vector<16xf32>
      %parallel_loop3A_66 = arith.select %parallel_loop3A_63, %parallel_loop3A_60, %parallel_loop3A_65 : vector<16xi1>, vector<16xf32>
      %parallel_loop3A_67 = arith.index_cast %parallel_loop3A_51 : i32 to index
      %parallel_loop3A_68 = tpu.vector_load %arg12[%parallel_loop3A_67] {strides = array<i32>} : memref<11264xf32, #tpu.memory_space<vmem>>, vector<16xf32>,
      tpu.vector_store %arg12[%parallel_loop3A_67], %parallel_loop3A_66 {strides = array<i32>} : memref<11264xf32, #tpu.memory_space<vmem>>, vector<16xf32>,
    } {sc.loop_unroll_factor = 4 : i64, sc.parallel_access}
    %broadcast_in_dim3A_26 = arith.constant 0 : i32
    %broadcast_in_dim3A_27 = vector.broadcast %broadcast_in_dim3A_26 : i32 to vector<16xi32>
    %broadcast_in_dim3A_28 = arith.constant 1 : i32
    %broadcast_in_dim3A_29 = vector.broadcast %broadcast_in_dim3A_28 : i32 to vector<16xi32>
    %broadcast_in_dim3A_30 = arith.constant 2 : i32
    %broadcast_in_dim3A_31 = vector.broadcast %broadcast_in_dim3A_30 : i32 to vector<16xi32>
    %broadcast_in_dim3A_32 = arith.constant 3 : i32
    %broadcast_in_dim3A_33 = vector.broadcast %broadcast_in_dim3A_32 : i32 to vector<16xi32>
    %broadcast_in_dim3A_34 = arith.constant 4 : i32
    %broadcast_in_dim3A_35 = vector.broadcast %broadcast_in_dim3A_34 : i32 to vector<16xi32>
    %broadcast_in_dim3A_36 = arith.constant 5 : i32
    %broadcast_in_dim3A_37 = vector.broadcast %broadcast_in_dim3A_36 : i32 to vector<16xi32>
    %broadcast_in_dim3A_38 = arith.constant 6 : i32
    %broadcast_in_dim3A_39 = vector.broadcast %broadcast_in_dim3A_38 : i32 to vector<16xi32>
    %broadcast_in_dim3A_40 = arith.constant 7 : i32
    %broadcast_in_dim3A_41 = vector.broadcast %broadcast_in_dim3A_40 : i32 to vector<16xi32>
    %scan3A_42 = arith.constant 0 : i32
    %scan3A_43 = arith.constant 0 : i32
    %scan3A_44 = arith.constant 16 : i32
    %scan3A_45 = arith.addi %scan3A_43, %scan3A_44 : i32
    %scan3A_46 = arith.constant 1 : i32
    %scan3A_47 = scf.for %scan3A_49 = %scan3A_43 to %scan3A_45 step %scan3A_46 iter_args(%scan3A_50 = %scan3A_42) -> (i32)  : i32 {
      "tpu.region"() ({
        %run_scoped3A_112 = tpu.sem_alloc : memref<!tpu.dma_semaphore, #tpu.memory_space<semaphore_mem>>
        %dma_start3A = arith.constant 0 : i32
        %dma_start3A_113 = arith.constant 0 : i32
        %dma_start3A_114 = tpu.memref_slice %arg2[%scan3A_49, %dma_start3A, %dma_start3A_113] : memref<16x8x10240xf32, #tpu.memory_space<hbm>> -> memref<1x8x10240xf32, #tpu.memory_space<hbm>>
        %dma_start3A_115 = tpu.memref_squeeze %dma_start3A_114 : memref<1x8x10240xf32, #tpu.memory_space<hbm>> -> memref<8x10240xf32, #tpu.memory_space<hbm>>
        %dma_start3A_116 = arith.constant 0 : i32
        %dma_start3A_117 = arith.constant 0 : i32
        %dma_start3A_118 = tpu.memref_slice %arg2[%scan3A_49, %dma_start3A_116, %dma_start3A_117] : memref<16x8x10240xf32, #tpu.memory_space<hbm>> -> memref<1x8x10240xf32, #tpu.memory_space<hbm>>
        %dma_start3A_119 = tpu.memref_squeeze %dma_start3A_118 : memref<1x8x10240xf32, #tpu.memory_space<hbm>> -> memref<8x10240xf32, #tpu.memory_space<hbm>>
        tpu.enqueue_dma source(%dma_start3A_119 : memref<8x10240xf32, #tpu.memory_space<hbm>>) target(%arg16 : memref<8x10240xf32, #tpu.memory_space<vmem>>) target_semaphore(%run_scoped3A_112 : memref<!tpu.dma_semaphore, #tpu.memory_space<semaphore_mem>>)
        %dma_wait3A = arith.constant 0 : i32
        %dma_wait3A_120 = arith.constant 0 : i32
        %dma_wait3A_121 = tpu.memref_slice %arg2[%scan3A_49, %dma_wait3A, %dma_wait3A_120] : memref<16x8x10240xf32, #tpu.memory_space<hbm>> -> memref<1x8x10240xf32, #tpu.memory_space<hbm>>
        %dma_wait3A_122 = tpu.memref_squeeze %dma_wait3A_121 : memref<1x8x10240xf32, #tpu.memory_space<hbm>> -> memref<8x10240xf32, #tpu.memory_space<hbm>>
        %dma_wait3A_123 = arith.constant 0 : i32
        %dma_wait3A_124 = arith.constant 0 : i32
        %dma_wait3A_125 = tpu.memref_slice %arg2[%scan3A_49, %dma_wait3A_123, %dma_wait3A_124] : memref<16x8x10240xf32, #tpu.memory_space<hbm>> -> memref<1x8x10240xf32, #tpu.memory_space<hbm>>
        %dma_wait3A_126 = tpu.memref_squeeze %dma_wait3A_125 : memref<1x8x10240xf32, #tpu.memory_space<hbm>> -> memref<8x10240xf32, #tpu.memory_space<hbm>>
        tpu.wait_dma2 semaphore(%run_scoped3A_112 : memref<!tpu.dma_semaphore, #tpu.memory_space<semaphore_mem>>) src(%dma_wait3A_126 : memref<8x10240xf32, #tpu.memory_space<hbm>>) dst(%arg16 : memref<8x10240xf32, #tpu.memory_space<vmem>>)
        tpu.yield
      }) : () -> ()
      %scan3A_51 = arith.constant 0 : i32
      %scan3A_52 = arith.constant 0 : i32
      %scan3A_53 = arith.constant 20 : i32
      %scan3A_54 = arith.addi %scan3A_52, %scan3A_53 : i32
      %scan3A_55 = arith.constant 1 : i32
      %scan3A_56 = scf.for %scan3A_112 = %scan3A_52 to %scan3A_54 step %scan3A_55 iter_args(%scan3A_113 = %scan3A_51) -> (i32)  : i32 {
        %mul3A_114 = arith.constant 16 : i32
        %mul3A_115 = arith.muli %scan3A_112, %mul3A_114 : i32
        %swap3A = arith.constant 0 : i32
        %swap3A_116 = arith.index_cast %swap3A : i32 to index
        %swap3A_117 = arith.index_cast %mul3A_115 : i32 to index
        %swap3A_118 = tpu.vector_load %arg17[%swap3A_116, %swap3A_117] {strides = array<i32>} : memref<8x320xf32, #tpu.memory_space<vmem>>, vector<16xf32>,
        tpu.vector_store %arg17[%swap3A_116, %swap3A_117], %broadcast_in_dim3A_16 {strides = array<i32>} : memref<8x320xf32, #tpu.memory_space<vmem>>, vector<16xf32>,
        %scan3A_119 = arith.constant 0 : i32
        scf.yield %scan3A_119 : i32
      }
      %scan3A_57 = arith.constant 20 : i32
      %scan3A_58 = arith.constant 0 : i32
      %scan3A_59 = arith.constant 0 : i32
      %scan3A_60 = arith.constant 20 : i32
      %scan3A_61 = arith.addi %scan3A_59, %scan3A_60 : i32
      %scan3A_62 = arith.constant 1 : i32
      %scan3A_63 = scf.for %scan3A_112 = %scan3A_59 to %scan3A_61 step %scan3A_62 iter_args(%scan3A_113 = %scan3A_58) -> (i32)  : i32 {
        %mul3A_114 = arith.constant 16 : i32
        %mul3A_115 = arith.muli %scan3A_112, %mul3A_114 : i32
        %swap3A = arith.constant 1 : i32
        %swap3A_116 = arith.index_cast %swap3A : i32 to index
        %swap3A_117 = arith.index_cast %mul3A_115 : i32 to index
        %swap3A_118 = tpu.vector_load %arg17[%swap3A_116, %swap3A_117] {strides = array<i32>} : memref<8x320xf32, #tpu.memory_space<vmem>>, vector<16xf32>,
        tpu.vector_store %arg17[%swap3A_116, %swap3A_117], %broadcast_in_dim3A_16 {strides = array<i32>} : memref<8x320xf32, #tpu.memory_space<vmem>>, vector<16xf32>,
        %scan3A_119 = arith.constant 0 : i32
        scf.yield %scan3A_119 : i32
      }
      %scan3A_64 = arith.constant 20 : i32
      %scan3A_65 = arith.constant 0 : i32
      %scan3A_66 = arith.constant 0 : i32
      %scan3A_67 = arith.constant 20 : i32
      %scan3A_68 = arith.addi %scan3A_66, %scan3A_67 : i32
      %scan3A_69 = arith.constant 1 : i32
      %scan3A_70 = scf.for %scan3A_112 = %scan3A_66 to %scan3A_68 step %scan3A_69 iter_args(%scan3A_113 = %scan3A_65) -> (i32)  : i32 {
        %mul3A_114 = arith.constant 16 : i32
        %mul3A_115 = arith.muli %scan3A_112, %mul3A_114 : i32
        %swap3A = arith.constant 2 : i32
        %swap3A_116 = arith.index_cast %swap3A : i32 to index
        %swap3A_117 = arith.index_cast %mul3A_115 : i32 to index
        %swap3A_118 = tpu.vector_load %arg17[%swap3A_116, %swap3A_117] {strides = array<i32>} : memref<8x320xf32, #tpu.memory_space<vmem>>, vector<16xf32>,
        tpu.vector_store %arg17[%swap3A_116, %swap3A_117], %broadcast_in_dim3A_16 {strides = array<i32>} : memref<8x320xf32, #tpu.memory_space<vmem>>, vector<16xf32>,
        %scan3A_119 = arith.constant 0 : i32
        scf.yield %scan3A_119 : i32
      }
      %scan3A_71 = arith.constant 20 : i32
      %scan3A_72 = arith.constant 0 : i32
      %scan3A_73 = arith.constant 0 : i32
      %scan3A_74 = arith.constant 20 : i32
      %scan3A_75 = arith.addi %scan3A_73, %scan3A_74 : i32
      %scan3A_76 = arith.constant 1 : i32
      %scan3A_77 = scf.for %scan3A_112 = %scan3A_73 to %scan3A_75 step %scan3A_76 iter_args(%scan3A_113 = %scan3A_72) -> (i32)  : i32 {
        %mul3A_114 = arith.constant 16 : i32
        %mul3A_115 = arith.muli %scan3A_112, %mul3A_114 : i32
        %swap3A = arith.constant 3 : i32
        %swap3A_116 = arith.index_cast %swap3A : i32 to index
        %swap3A_117 = arith.index_cast %mul3A_115 : i32 to index
        %swap3A_118 = tpu.vector_load %arg17[%swap3A_116, %swap3A_117] {strides = array<i32>} : memref<8x320xf32, #tpu.memory_space<vmem>>, vector<16xf32>,
        tpu.vector_store %arg17[%swap3A_116, %swap3A_117], %broadcast_in_dim3A_16 {strides = array<i32>} : memref<8x320xf32, #tpu.memory_space<vmem>>, vector<16xf32>,
        %scan3A_119 = arith.constant 0 : i32
        scf.yield %scan3A_119 : i32
      }
      %scan3A_78 = arith.constant 20 : i32
      %scan3A_79 = arith.constant 0 : i32
      %scan3A_80 = arith.constant 0 : i32
      %scan3A_81 = arith.constant 20 : i32
      %scan3A_82 = arith.addi %scan3A_80, %scan3A_81 : i32
      %scan3A_83 = arith.constant 1 : i32
      %scan3A_84 = scf.for %scan3A_112 = %scan3A_80 to %scan3A_82 step %scan3A_83 iter_args(%scan3A_113 = %scan3A_79) -> (i32)  : i32 {
        %mul3A_114 = arith.constant 16 : i32
        %mul3A_115 = arith.muli %scan3A_112, %mul3A_114 : i32
        %swap3A = arith.constant 4 : i32
        %swap3A_116 = arith.index_cast %swap3A : i32 to index
        %swap3A_117 = arith.index_cast %mul3A_115 : i32 to index
        %swap3A_118 = tpu.vector_load %arg17[%swap3A_116, %swap3A_117] {strides = array<i32>} : memref<8x320xf32, #tpu.memory_space<vmem>>, vector<16xf32>,
        tpu.vector_store %arg17[%swap3A_116, %swap3A_117], %broadcast_in_dim3A_16 {strides = array<i32>} : memref<8x320xf32, #tpu.memory_space<vmem>>, vector<16xf32>,
        %scan3A_119 = arith.constant 0 : i32
        scf.yield %scan3A_119 : i32
      }
      %scan3A_85 = arith.constant 20 : i32
      %scan3A_86 = arith.constant 0 : i32
      %scan3A_87 = arith.constant 0 : i32
      %scan3A_88 = arith.constant 20 : i32
      %scan3A_89 = arith.addi %scan3A_87, %scan3A_88 : i32
      %scan3A_90 = arith.constant 1 : i32
      %scan3A_91 = scf.for %scan3A_112 = %scan3A_87 to %scan3A_89 step %scan3A_90 iter_args(%scan3A_113 = %scan3A_86) -> (i32)  : i32 {
        %mul3A_114 = arith.constant 16 : i32
        %mul3A_115 = arith.muli %scan3A_112, %mul3A_114 : i32
        %swap3A = arith.constant 5 : i32
        %swap3A_116 = arith.index_cast %swap3A : i32 to index
        %swap3A_117 = arith.index_cast %mul3A_115 : i32 to index
        %swap3A_118 = tpu.vector_load %arg17[%swap3A_116, %swap3A_117] {strides = array<i32>} : memref<8x320xf32, #tpu.memory_space<vmem>>, vector<16xf32>,
        tpu.vector_store %arg17[%swap3A_116, %swap3A_117], %broadcast_in_dim3A_16 {strides = array<i32>} : memref<8x320xf32, #tpu.memory_space<vmem>>, vector<16xf32>,
        %scan3A_119 = arith.constant 0 : i32
        scf.yield %scan3A_119 : i32
      }
      %scan3A_92 = arith.constant 20 : i32
      %scan3A_93 = arith.constant 0 : i32
      %scan3A_94 = arith.constant 0 : i32
      %scan3A_95 = arith.constant 20 : i32
      %scan3A_96 = arith.addi %scan3A_94, %scan3A_95 : i32
      %scan3A_97 = arith.constant 1 : i32
      %scan3A_98 = scf.for %scan3A_112 = %scan3A_94 to %scan3A_96 step %scan3A_97 iter_args(%scan3A_113 = %scan3A_93) -> (i32)  : i32 {
        %mul3A_114 = arith.constant 16 : i32
        %mul3A_115 = arith.muli %scan3A_112, %mul3A_114 : i32
        %swap3A = arith.constant 6 : i32
        %swap3A_116 = arith.index_cast %swap3A : i32 to index
        %swap3A_117 = arith.index_cast %mul3A_115 : i32 to index
        %swap3A_118 = tpu.vector_load %arg17[%swap3A_116, %swap3A_117] {strides = array<i32>} : memref<8x320xf32, #tpu.memory_space<vmem>>, vector<16xf32>,
        tpu.vector_store %arg17[%swap3A_116, %swap3A_117], %broadcast_in_dim3A_16 {strides = array<i32>} : memref<8x320xf32, #tpu.memory_space<vmem>>, vector<16xf32>,
        %scan3A_119 = arith.constant 0 : i32
        scf.yield %scan3A_119 : i32
      }
      %scan3A_99 = arith.constant 20 : i32
      %scan3A_100 = arith.constant 0 : i32
      %scan3A_101 = arith.constant 0 : i32
      %scan3A_102 = arith.constant 20 : i32
      %scan3A_103 = arith.addi %scan3A_101, %scan3A_102 : i32
      %scan3A_104 = arith.constant 1 : i32
      %scan3A_105 = scf.for %scan3A_112 = %scan3A_101 to %scan3A_103 step %scan3A_104 iter_args(%scan3A_113 = %scan3A_100) -> (i32)  : i32 {
        %mul3A_114 = arith.constant 16 : i32
        %mul3A_115 = arith.muli %scan3A_112, %mul3A_114 : i32
        %swap3A = arith.constant 7 : i32
        %swap3A_116 = arith.index_cast %swap3A : i32 to index
        %swap3A_117 = arith.index_cast %mul3A_115 : i32 to index
        %swap3A_118 = tpu.vector_load %arg17[%swap3A_116, %swap3A_117] {strides = array<i32>} : memref<8x320xf32, #tpu.memory_space<vmem>>, vector<16xf32>,
        tpu.vector_store %arg17[%swap3A_116, %swap3A_117], %broadcast_in_dim3A_16 {strides = array<i32>} : memref<8x320xf32, #tpu.memory_space<vmem>>, vector<16xf32>,
        %scan3A_119 = arith.constant 0 : i32
        scf.yield %scan3A_119 : i32
      }
      %scan3A_106 = arith.constant 20 : i32
      %parallel_loop3A_107 = arith.constant 0 : i32
      %parallel_loop3A_108 = arith.constant 1 : i32
      scf.for %parallel_loop3A_112 = %parallel_loop3A_107 to %div3A_15 step %parallel_loop3A_108  : i32 {
        %parallel_loop3A_113 = arith.constant 16 : i32
        %parallel_loop3A_114 = arith.muli %parallel_loop3A_112, %parallel_loop3A_113 : i32
        %parallel_loop3A_115 = arith.index_cast %parallel_loop3A_114 : i32 to index
        %parallel_loop3A_116 = tpu.vector_load %arg10[%parallel_loop3A_115] {strides = array<i32>} : memref<11264xi32, #tpu.memory_space<vmem>>, vector<16xi32>,
        %parallel_loop3A_117 = arith.index_cast %parallel_loop3A_114 : i32 to index
        %parallel_loop3A_118 = tpu.vector_load %arg11[%parallel_loop3A_117] {strides = array<i32>} : memref<11264xi32, #tpu.memory_space<vmem>>, vector<16xi32>,
        %parallel_loop3A_119 = arith.index_cast %parallel_loop3A_114 : i32 to index
        %parallel_loop3A_120 = tpu.vector_load %arg12[%parallel_loop3A_119] {strides = array<i32>} : memref<11264xf32, #tpu.memory_space<vmem>>, vector<16xf32>,
        %parallel_loop3A_121 = arith.constant 320 : i32
        %parallel_loop3A_122 = vector.broadcast %parallel_loop3A_121 : i32 to vector<16xi32>
        %parallel_loop3A_123 = arith.cmpi slt, %parallel_loop3A_118, %parallel_loop3A_122 : vector<16xi32>
        %parallel_loop3A_124 = tpu.vector_load_idx %arg16[%broadcast_in_dim3A_27, %parallel_loop3A_116] : memref<8x10240xf32, #tpu.memory_space<vmem>>[vector<16xi32>, vector<16xi32>], vector<16xf32>,
        %parallel_loop3A_125 = arith.mulf %parallel_loop3A_124, %parallel_loop3A_120 : vector<16xf32>
        tpu.vector_store_idx %arg17[%broadcast_in_dim3A_27, %parallel_loop3A_118], %parallel_loop3A_125 masked %parallel_loop3A_123 {add = true} : memref<8x320xf32, #tpu.memory_space<vmem>>[vector<16xi32>, vector<16xi32>], vector<16xf32>, vector<16xi1>
        %parallel_loop3A_126 = tpu.vector_load_idx %arg16[%broadcast_in_dim3A_29, %parallel_loop3A_116] : memref<8x10240xf32, #tpu.memory_space<vmem>>[vector<16xi32>, vector<16xi32>], vector<16xf32>,
        %parallel_loop3A_127 = arith.mulf %parallel_loop3A_126, %parallel_loop3A_120 : vector<16xf32>
        tpu.vector_store_idx %arg17[%broadcast_in_dim3A_29, %parallel_loop3A_118], %parallel_loop3A_127 masked %parallel_loop3A_123 {add = true} : memref<8x320xf32, #tpu.memory_space<vmem>>[vector<16xi32>, vector<16xi32>], vector<16xf32>, vector<16xi1>
        %parallel_loop3A_128 = tpu.vector_load_idx %arg16[%broadcast_in_dim3A_31, %parallel_loop3A_116] : memref<8x10240xf32, #tpu.memory_space<vmem>>[vector<16xi32>, vector<16xi32>], vector<16xf32>,
        %parallel_loop3A_129 = arith.mulf %parallel_loop3A_128, %parallel_loop3A_120 : vector<16xf32>
        tpu.vector_store_idx %arg17[%broadcast_in_dim3A_31, %parallel_loop3A_118], %parallel_loop3A_129 masked %parallel_loop3A_123 {add = true} : memref<8x320xf32, #tpu.memory_space<vmem>>[vector<16xi32>, vector<16xi32>], vector<16xf32>, vector<16xi1>
        %parallel_loop3A_130 = tpu.vector_load_idx %arg16[%broadcast_in_dim3A_33, %parallel_loop3A_116] : memref<8x10240xf32, #tpu.memory_space<vmem>>[vector<16xi32>, vector<16xi32>], vector<16xf32>,
        %parallel_loop3A_131 = arith.mulf %parallel_loop3A_130, %parallel_loop3A_120 : vector<16xf32>
        tpu.vector_store_idx %arg17[%broadcast_in_dim3A_33, %parallel_loop3A_118], %parallel_loop3A_131 masked %parallel_loop3A_123 {add = true} : memref<8x320xf32, #tpu.memory_space<vmem>>[vector<16xi32>, vector<16xi32>], vector<16xf32>, vector<16xi1>
        %parallel_loop3A_132 = tpu.vector_load_idx %arg16[%broadcast_in_dim3A_35, %parallel_loop3A_116] : memref<8x10240xf32, #tpu.memory_space<vmem>>[vector<16xi32>, vector<16xi32>], vector<16xf32>,
        %parallel_loop3A_133 = arith.mulf %parallel_loop3A_132, %parallel_loop3A_120 : vector<16xf32>
        tpu.vector_store_idx %arg17[%broadcast_in_dim3A_35, %parallel_loop3A_118], %parallel_loop3A_133 masked %parallel_loop3A_123 {add = true} : memref<8x320xf32, #tpu.memory_space<vmem>>[vector<16xi32>, vector<16xi32>], vector<16xf32>, vector<16xi1>
        %parallel_loop3A_134 = tpu.vector_load_idx %arg16[%broadcast_in_dim3A_37, %parallel_loop3A_116] : memref<8x10240xf32, #tpu.memory_space<vmem>>[vector<16xi32>, vector<16xi32>], vector<16xf32>,
        %parallel_loop3A_135 = arith.mulf %parallel_loop3A_134, %parallel_loop3A_120 : vector<16xf32>
        tpu.vector_store_idx %arg17[%broadcast_in_dim3A_37, %parallel_loop3A_118], %parallel_loop3A_135 masked %parallel_loop3A_123 {add = true} : memref<8x320xf32, #tpu.memory_space<vmem>>[vector<16xi32>, vector<16xi32>], vector<16xf32>, vector<16xi1>
        %parallel_loop3A_136 = tpu.vector_load_idx %arg16[%broadcast_in_dim3A_39, %parallel_loop3A_116] : memref<8x10240xf32, #tpu.memory_space<vmem>>[vector<16xi32>, vector<16xi32>], vector<16xf32>,
        %parallel_loop3A_137 = arith.mulf %parallel_loop3A_136, %parallel_loop3A_120 : vector<16xf32>
        tpu.vector_store_idx %arg17[%broadcast_in_dim3A_39, %parallel_loop3A_118], %parallel_loop3A_137 masked %parallel_loop3A_123 {add = true} : memref<8x320xf32, #tpu.memory_space<vmem>>[vector<16xi32>, vector<16xi32>], vector<16xf32>, vector<16xi1>
        %parallel_loop3A_138 = tpu.vector_load_idx %arg16[%broadcast_in_dim3A_41, %parallel_loop3A_116] : memref<8x10240xf32, #tpu.memory_space<vmem>>[vector<16xi32>, vector<16xi32>], vector<16xf32>,
        %parallel_loop3A_139 = arith.mulf %parallel_loop3A_138, %parallel_loop3A_120 : vector<16xf32>
        tpu.vector_store_idx %arg17[%broadcast_in_dim3A_41, %parallel_loop3A_118], %parallel_loop3A_139 masked %parallel_loop3A_123 {add = true} : memref<8x320xf32, #tpu.memory_space<vmem>>[vector<16xi32>, vector<16xi32>], vector<16xf32>, vector<16xi1>
      } {sc.loop_unroll_factor = 4 : i64, sc.parallel_access}
      %mul3A_109 = arith.constant 8 : i32
      %mul3A_110 = arith.muli %scan3A_49, %mul3A_109 : i32
      "tpu.region"() ({
        %run_scoped3A_112 = tpu.sem_alloc : memref<!tpu.dma_semaphore, #tpu.memory_space<semaphore_mem>>
        %dma_start3A = arith.constant 0 : i32
        %dma_start3A_113 = tpu.memref_slice %arg9[%add3A, %mul3A_110, %dma_start3A] : memref<32x128x320xf32, #tpu.memory_space<hbm>> -> memref<1x8x320xf32, #tpu.memory_space<hbm>>
        %dma_start3A_114 = tpu.memref_squeeze %dma_start3A_113 : memref<1x8x320xf32, #tpu.memory_space<hbm>> -> memref<8x320xf32, #tpu.memory_space<hbm>>
        %dma_start3A_115 = arith.constant 0 : i32
        %dma_start3A_116 = tpu.memref_slice %arg9[%add3A, %mul3A_110, %dma_start3A_115] : memref<32x128x320xf32, #tpu.memory_space<hbm>> -> memref<1x8x320xf32, #tpu.memory_space<hbm>>
        %dma_start3A_117 = tpu.memref_squeeze %dma_start3A_116 : memref<1x8x320xf32, #tpu.memory_space<hbm>> -> memref<8x320xf32, #tpu.memory_space<hbm>>
        tpu.enqueue_dma source(%arg17 : memref<8x320xf32, #tpu.memory_space<vmem>>) target(%dma_start3A_117 : memref<8x320xf32, #tpu.memory_space<hbm>>) target_semaphore(%run_scoped3A_112 : memref<!tpu.dma_semaphore, #tpu.memory_space<semaphore_mem>>)
        %dma_wait3A = arith.constant 0 : i32
        %dma_wait3A_118 = tpu.memref_slice %arg9[%add3A, %mul3A_110, %dma_wait3A] : memref<32x128x320xf32, #tpu.memory_space<hbm>> -> memref<1x8x320xf32, #tpu.memory_space<hbm>>
        %dma_wait3A_119 = tpu.memref_squeeze %dma_wait3A_118 : memref<1x8x320xf32, #tpu.memory_space<hbm>> -> memref<8x320xf32, #tpu.memory_space<hbm>>
        %dma_wait3A_120 = arith.constant 0 : i32
        %dma_wait3A_121 = tpu.memref_slice %arg9[%add3A, %mul3A_110, %dma_wait3A_120] : memref<32x128x320xf32, #tpu.memory_space<hbm>> -> memref<1x8x320xf32, #tpu.memory_space<hbm>>
        %dma_wait3A_122 = tpu.memref_squeeze %dma_wait3A_121 : memref<1x8x320xf32, #tpu.memory_space<hbm>> -> memref<8x320xf32, #tpu.memory_space<hbm>>
        tpu.wait_dma2 semaphore(%run_scoped3A_112 : memref<!tpu.dma_semaphore, #tpu.memory_space<semaphore_mem>>) src(%arg17 : memref<8x320xf32, #tpu.memory_space<vmem>>) dst(%dma_wait3A_122 : memref<8x320xf32, #tpu.memory_space<hbm>>)
        tpu.yield
      }) : () -> ()
      %scan3A_111 = arith.constant 0 : i32
      scf.yield %scan3A_111 : i32
    }
    %scan3A_48 = arith.constant 16 : i32
    return
  }
}

module attributes {stable_mosaic.version = 14 : i64} {
  func.func @_tc_tsc_body(%arg0: i32, %arg1: memref<320x128xf32, #tpu.memory_space<vmem>>, %arg2: memref<16x1xf32, #tpu.memory_space<vmem>>, %arg3: memref<16xf32, #tpu.memory_space<vmem>>, %arg4: memref<16xf32, #tpu.memory_space<vmem>>, %arg5: memref<1xf32, #tpu.memory_space<vmem>>, %arg6: memref<16x1xf32, #tpu.memory_space<vmem>>, %arg7: memref<16xf32, #tpu.memory_space<vmem>>, %arg8: memref<16xf32, #tpu.memory_space<vmem>>, %arg9: memref<1xf32, #tpu.memory_space<vmem>>, %arg10: memref<320x128xf32, #tpu.memory_space<vmem>>, %arg11: memref<320x128xf32, #tpu.memory_space<vmem>>) attributes {dimension_semantics = [#tpu.dimension_semantics<arbitrary>], iteration_bounds = array<i64: 8>, scalar_prefetch = 0 : i64, scratch_operands = 0 : i64, tpu.core_type = #tpu.core_type<tc>, window_params = [{transform_indices = @transform_0, window_bounds = array<i64: 320, 128>}, {pipeline_mode = #tpu.pipeline_mode<synchronous>, transform_indices = @transform_1, window_bounds = array<i64: 16, 1>}, {pipeline_mode = #tpu.pipeline_mode<synchronous>, transform_indices = @transform_2, window_bounds = array<i64: 16>}, {pipeline_mode = #tpu.pipeline_mode<synchronous>, transform_indices = @transform_3, window_bounds = array<i64: 16>}, {pipeline_mode = #tpu.pipeline_mode<synchronous>, transform_indices = @transform_4, window_bounds = array<i64: 1>}, {pipeline_mode = #tpu.pipeline_mode<synchronous>, transform_indices = @transform_5, window_bounds = array<i64: 16, 1>}, {pipeline_mode = #tpu.pipeline_mode<synchronous>, transform_indices = @transform_6, window_bounds = array<i64: 16>}, {pipeline_mode = #tpu.pipeline_mode<synchronous>, transform_indices = @transform_7, window_bounds = array<i64: 16>}, {pipeline_mode = #tpu.pipeline_mode<synchronous>, transform_indices = @transform_8, window_bounds = array<i64: 1>}, {transform_indices = @transform_9, window_bounds = array<i64: 320, 128>}, {transform_indices = @transform_10, window_bounds = array<i64: 320, 128>}]} {
    %get3A = arith.constant 0 : index
    %get3A_0 = arith.constant 0 : index
    %get3A_1 = vector.load %arg1[%get3A, %get3A_0] : memref<320x128xf32, #tpu.memory_space<vmem>>, vector<320x128xf32>
    %get3A_2 = arith.constant 0 : index
    %get3A_3 = arith.constant 0 : index
    %get3A_4 = vector.load %arg2[%get3A_2, %get3A_3] : memref<16x1xf32, #tpu.memory_space<vmem>>, vector<16x1xf32>
    %get3A_5 = arith.constant 0 : index
    %get3A_6 = vector.load %arg3[%get3A_5] : memref<16xf32, #tpu.memory_space<vmem>>, vector<16xf32>
    %get3A_7 = arith.constant 0 : index
    %get3A_8 = vector.load %arg4[%get3A_7] : memref<16xf32, #tpu.memory_space<vmem>>, vector<16xf32>
    %get3A_9 = arith.constant 0 : index
    %get3A_10 = vector.load %arg5[%get3A_9] : memref<1xf32, #tpu.memory_space<vmem>>, vector<1xf32>
    %squeeze3A = vector.extract %get3A_10[0] : f32 from vector<1xf32>
    %broadcast_in_dim3A = vector.broadcast %squeeze3A : f32 to vector<320x128xf32>
    %slice3A = vector.extract_strided_slice %get3A_8 {offsets = [0], sizes = [1], strides = [1]} : vector<16xf32> to vector<1xf32>
    %squeeze3A_11 = vector.extract %slice3A[0] : f32 from vector<1xf32>
    %slice3A_12 = vector.extract_strided_slice %get3A_4 {offsets = [0, 0], sizes = [1, 1], strides = [1, 1]} : vector<16x1xf32> to vector<1x1xf32>
    %squeeze3A_13 = vector.extract %slice3A_12[0, 0] : f32 from vector<1x1xf32>
    %mul3A = vector.broadcast %squeeze3A_13 : f32 to vector<320x128xf32>
    %mul3A_14 = arith.mulf %get3A_1, %mul3A : vector<320x128xf32>
    %slice3A_15 = vector.extract_strided_slice %get3A_6 {offsets = [0], sizes = [1], strides = [1]} : vector<16xf32> to vector<1xf32>
    %squeeze3A_16 = vector.extract %slice3A_15[0] : f32 from vector<1xf32>
    %add3A = vector.broadcast %squeeze3A_16 : f32 to vector<320x128xf32>
    %add3A_17 = arith.addf %mul3A_14, %add3A : vector<320x128xf32>
    %sin3A = math.sin %add3A_17 : vector<320x128xf32>
    %mul3A_18 = vector.broadcast %squeeze3A_11 : f32 to vector<320x128xf32>
    %mul3A_19 = arith.mulf %mul3A_18, %sin3A : vector<320x128xf32>
    %add3A_20 = arith.addf %broadcast_in_dim3A, %mul3A_19 : vector<320x128xf32>
    %slice3A_21 = vector.extract_strided_slice %get3A_8 {offsets = [1], sizes = [1], strides = [1]} : vector<16xf32> to vector<1xf32>
    %squeeze3A_22 = vector.extract %slice3A_21[0] : f32 from vector<1xf32>
    %slice3A_23 = vector.extract_strided_slice %get3A_4 {offsets = [1, 0], sizes = [1, 1], strides = [1, 1]} : vector<16x1xf32> to vector<1x1xf32>
    %squeeze3A_24 = vector.extract %slice3A_23[0, 0] : f32 from vector<1x1xf32>
    %mul3A_25 = vector.broadcast %squeeze3A_24 : f32 to vector<320x128xf32>
    %mul3A_26 = arith.mulf %get3A_1, %mul3A_25 : vector<320x128xf32>
    %slice3A_27 = vector.extract_strided_slice %get3A_6 {offsets = [1], sizes = [1], strides = [1]} : vector<16xf32> to vector<1xf32>
    %squeeze3A_28 = vector.extract %slice3A_27[0] : f32 from vector<1xf32>
    %add3A_29 = vector.broadcast %squeeze3A_28 : f32 to vector<320x128xf32>
    %add3A_30 = arith.addf %mul3A_26, %add3A_29 : vector<320x128xf32>
    %sin3A_31 = math.sin %add3A_30 : vector<320x128xf32>
    %mul3A_32 = vector.broadcast %squeeze3A_22 : f32 to vector<320x128xf32>
    %mul3A_33 = arith.mulf %mul3A_32, %sin3A_31 : vector<320x128xf32>
    %add3A_34 = arith.addf %add3A_20, %mul3A_33 : vector<320x128xf32>
    %slice3A_35 = vector.extract_strided_slice %get3A_8 {offsets = [2], sizes = [1], strides = [1]} : vector<16xf32> to vector<1xf32>
    %squeeze3A_36 = vector.extract %slice3A_35[0] : f32 from vector<1xf32>
    %slice3A_37 = vector.extract_strided_slice %get3A_4 {offsets = [2, 0], sizes = [1, 1], strides = [1, 1]} : vector<16x1xf32> to vector<1x1xf32>
    %squeeze3A_38 = vector.extract %slice3A_37[0, 0] : f32 from vector<1x1xf32>
    %mul3A_39 = vector.broadcast %squeeze3A_38 : f32 to vector<320x128xf32>
    %mul3A_40 = arith.mulf %get3A_1, %mul3A_39 : vector<320x128xf32>
    %slice3A_41 = vector.extract_strided_slice %get3A_6 {offsets = [2], sizes = [1], strides = [1]} : vector<16xf32> to vector<1xf32>
    %squeeze3A_42 = vector.extract %slice3A_41[0] : f32 from vector<1xf32>
    %add3A_43 = vector.broadcast %squeeze3A_42 : f32 to vector<320x128xf32>
    %add3A_44 = arith.addf %mul3A_40, %add3A_43 : vector<320x128xf32>
    %sin3A_45 = math.sin %add3A_44 : vector<320x128xf32>
    %mul3A_46 = vector.broadcast %squeeze3A_36 : f32 to vector<320x128xf32>
    %mul3A_47 = arith.mulf %mul3A_46, %sin3A_45 : vector<320x128xf32>
    %add3A_48 = arith.addf %add3A_34, %mul3A_47 : vector<320x128xf32>
    %slice3A_49 = vector.extract_strided_slice %get3A_8 {offsets = [3], sizes = [1], strides = [1]} : vector<16xf32> to vector<1xf32>
    %squeeze3A_50 = vector.extract %slice3A_49[0] : f32 from vector<1xf32>
    %slice3A_51 = vector.extract_strided_slice %get3A_4 {offsets = [3, 0], sizes = [1, 1], strides = [1, 1]} : vector<16x1xf32> to vector<1x1xf32>
    %squeeze3A_52 = vector.extract %slice3A_51[0, 0] : f32 from vector<1x1xf32>
    %mul3A_53 = vector.broadcast %squeeze3A_52 : f32 to vector<320x128xf32>
    %mul3A_54 = arith.mulf %get3A_1, %mul3A_53 : vector<320x128xf32>
    %slice3A_55 = vector.extract_strided_slice %get3A_6 {offsets = [3], sizes = [1], strides = [1]} : vector<16xf32> to vector<1xf32>
    %squeeze3A_56 = vector.extract %slice3A_55[0] : f32 from vector<1xf32>
    %add3A_57 = vector.broadcast %squeeze3A_56 : f32 to vector<320x128xf32>
    %add3A_58 = arith.addf %mul3A_54, %add3A_57 : vector<320x128xf32>
    %sin3A_59 = math.sin %add3A_58 : vector<320x128xf32>
    %mul3A_60 = vector.broadcast %squeeze3A_50 : f32 to vector<320x128xf32>
    %mul3A_61 = arith.mulf %mul3A_60, %sin3A_59 : vector<320x128xf32>
    %add3A_62 = arith.addf %add3A_48, %mul3A_61 : vector<320x128xf32>
    %slice3A_63 = vector.extract_strided_slice %get3A_8 {offsets = [4], sizes = [1], strides = [1]} : vector<16xf32> to vector<1xf32>
    %squeeze3A_64 = vector.extract %slice3A_63[0] : f32 from vector<1xf32>
    %slice3A_65 = vector.extract_strided_slice %get3A_4 {offsets = [4, 0], sizes = [1, 1], strides = [1, 1]} : vector<16x1xf32> to vector<1x1xf32>
    %squeeze3A_66 = vector.extract %slice3A_65[0, 0] : f32 from vector<1x1xf32>
    %mul3A_67 = vector.broadcast %squeeze3A_66 : f32 to vector<320x128xf32>
    %mul3A_68 = arith.mulf %get3A_1, %mul3A_67 : vector<320x128xf32>
    %slice3A_69 = vector.extract_strided_slice %get3A_6 {offsets = [4], sizes = [1], strides = [1]} : vector<16xf32> to vector<1xf32>
    %squeeze3A_70 = vector.extract %slice3A_69[0] : f32 from vector<1xf32>
    %add3A_71 = vector.broadcast %squeeze3A_70 : f32 to vector<320x128xf32>
    %add3A_72 = arith.addf %mul3A_68, %add3A_71 : vector<320x128xf32>
    %sin3A_73 = math.sin %add3A_72 : vector<320x128xf32>
    %mul3A_74 = vector.broadcast %squeeze3A_64 : f32 to vector<320x128xf32>
    %mul3A_75 = arith.mulf %mul3A_74, %sin3A_73 : vector<320x128xf32>
    %add3A_76 = arith.addf %add3A_62, %mul3A_75 : vector<320x128xf32>
    %slice3A_77 = vector.extract_strided_slice %get3A_8 {offsets = [5], sizes = [1], strides = [1]} : vector<16xf32> to vector<1xf32>
    %squeeze3A_78 = vector.extract %slice3A_77[0] : f32 from vector<1xf32>
    %slice3A_79 = vector.extract_strided_slice %get3A_4 {offsets = [5, 0], sizes = [1, 1], strides = [1, 1]} : vector<16x1xf32> to vector<1x1xf32>
    %squeeze3A_80 = vector.extract %slice3A_79[0, 0] : f32 from vector<1x1xf32>
    %mul3A_81 = vector.broadcast %squeeze3A_80 : f32 to vector<320x128xf32>
    %mul3A_82 = arith.mulf %get3A_1, %mul3A_81 : vector<320x128xf32>
    %slice3A_83 = vector.extract_strided_slice %get3A_6 {offsets = [5], sizes = [1], strides = [1]} : vector<16xf32> to vector<1xf32>
    %squeeze3A_84 = vector.extract %slice3A_83[0] : f32 from vector<1xf32>
    %add3A_85 = vector.broadcast %squeeze3A_84 : f32 to vector<320x128xf32>
    %add3A_86 = arith.addf %mul3A_82, %add3A_85 : vector<320x128xf32>
    %sin3A_87 = math.sin %add3A_86 : vector<320x128xf32>
    %mul3A_88 = vector.broadcast %squeeze3A_78 : f32 to vector<320x128xf32>
    %mul3A_89 = arith.mulf %mul3A_88, %sin3A_87 : vector<320x128xf32>
    %add3A_90 = arith.addf %add3A_76, %mul3A_89 : vector<320x128xf32>
    %slice3A_91 = vector.extract_strided_slice %get3A_8 {offsets = [6], sizes = [1], strides = [1]} : vector<16xf32> to vector<1xf32>
    %squeeze3A_92 = vector.extract %slice3A_91[0] : f32 from vector<1xf32>
    %slice3A_93 = vector.extract_strided_slice %get3A_4 {offsets = [6, 0], sizes = [1, 1], strides = [1, 1]} : vector<16x1xf32> to vector<1x1xf32>
    %squeeze3A_94 = vector.extract %slice3A_93[0, 0] : f32 from vector<1x1xf32>
    %mul3A_95 = vector.broadcast %squeeze3A_94 : f32 to vector<320x128xf32>
    %mul3A_96 = arith.mulf %get3A_1, %mul3A_95 : vector<320x128xf32>
    %slice3A_97 = vector.extract_strided_slice %get3A_6 {offsets = [6], sizes = [1], strides = [1]} : vector<16xf32> to vector<1xf32>
    %squeeze3A_98 = vector.extract %slice3A_97[0] : f32 from vector<1xf32>
    %add3A_99 = vector.broadcast %squeeze3A_98 : f32 to vector<320x128xf32>
    %add3A_100 = arith.addf %mul3A_96, %add3A_99 : vector<320x128xf32>
    %sin3A_101 = math.sin %add3A_100 : vector<320x128xf32>
    %mul3A_102 = vector.broadcast %squeeze3A_92 : f32 to vector<320x128xf32>
    %mul3A_103 = arith.mulf %mul3A_102, %sin3A_101 : vector<320x128xf32>
    %add3A_104 = arith.addf %add3A_90, %mul3A_103 : vector<320x128xf32>
    %slice3A_105 = vector.extract_strided_slice %get3A_8 {offsets = [7], sizes = [1], strides = [1]} : vector<16xf32> to vector<1xf32>
    %squeeze3A_106 = vector.extract %slice3A_105[0] : f32 from vector<1xf32>
    %slice3A_107 = vector.extract_strided_slice %get3A_4 {offsets = [7, 0], sizes = [1, 1], strides = [1, 1]} : vector<16x1xf32> to vector<1x1xf32>
    %squeeze3A_108 = vector.extract %slice3A_107[0, 0] : f32 from vector<1x1xf32>
    %mul3A_109 = vector.broadcast %squeeze3A_108 : f32 to vector<320x128xf32>
    %mul3A_110 = arith.mulf %get3A_1, %mul3A_109 : vector<320x128xf32>
    %slice3A_111 = vector.extract_strided_slice %get3A_6 {offsets = [7], sizes = [1], strides = [1]} : vector<16xf32> to vector<1xf32>
    %squeeze3A_112 = vector.extract %slice3A_111[0] : f32 from vector<1xf32>
    %add3A_113 = vector.broadcast %squeeze3A_112 : f32 to vector<320x128xf32>
    %add3A_114 = arith.addf %mul3A_110, %add3A_113 : vector<320x128xf32>
    %sin3A_115 = math.sin %add3A_114 : vector<320x128xf32>
    %mul3A_116 = vector.broadcast %squeeze3A_106 : f32 to vector<320x128xf32>
    %mul3A_117 = arith.mulf %mul3A_116, %sin3A_115 : vector<320x128xf32>
    %add3A_118 = arith.addf %add3A_104, %mul3A_117 : vector<320x128xf32>
    %slice3A_119 = vector.extract_strided_slice %get3A_8 {offsets = [8], sizes = [1], strides = [1]} : vector<16xf32> to vector<1xf32>
    %squeeze3A_120 = vector.extract %slice3A_119[0] : f32 from vector<1xf32>
    %slice3A_121 = vector.extract_strided_slice %get3A_4 {offsets = [8, 0], sizes = [1, 1], strides = [1, 1]} : vector<16x1xf32> to vector<1x1xf32>
    %squeeze3A_122 = vector.extract %slice3A_121[0, 0] : f32 from vector<1x1xf32>
    %mul3A_123 = vector.broadcast %squeeze3A_122 : f32 to vector<320x128xf32>
    %mul3A_124 = arith.mulf %get3A_1, %mul3A_123 : vector<320x128xf32>
    %slice3A_125 = vector.extract_strided_slice %get3A_6 {offsets = [8], sizes = [1], strides = [1]} : vector<16xf32> to vector<1xf32>
    %squeeze3A_126 = vector.extract %slice3A_125[0] : f32 from vector<1xf32>
    %add3A_127 = vector.broadcast %squeeze3A_126 : f32 to vector<320x128xf32>
    %add3A_128 = arith.addf %mul3A_124, %add3A_127 : vector<320x128xf32>
    %sin3A_129 = math.sin %add3A_128 : vector<320x128xf32>
    %mul3A_130 = vector.broadcast %squeeze3A_120 : f32 to vector<320x128xf32>
    %mul3A_131 = arith.mulf %mul3A_130, %sin3A_129 : vector<320x128xf32>
    %add3A_132 = arith.addf %add3A_118, %mul3A_131 : vector<320x128xf32>
    %slice3A_133 = vector.extract_strided_slice %get3A_8 {offsets = [9], sizes = [1], strides = [1]} : vector<16xf32> to vector<1xf32>
    %squeeze3A_134 = vector.extract %slice3A_133[0] : f32 from vector<1xf32>
    %slice3A_135 = vector.extract_strided_slice %get3A_4 {offsets = [9, 0], sizes = [1, 1], strides = [1, 1]} : vector<16x1xf32> to vector<1x1xf32>
    %squeeze3A_136 = vector.extract %slice3A_135[0, 0] : f32 from vector<1x1xf32>
    %mul3A_137 = vector.broadcast %squeeze3A_136 : f32 to vector<320x128xf32>
    %mul3A_138 = arith.mulf %get3A_1, %mul3A_137 : vector<320x128xf32>
    %slice3A_139 = vector.extract_strided_slice %get3A_6 {offsets = [9], sizes = [1], strides = [1]} : vector<16xf32> to vector<1xf32>
    %squeeze3A_140 = vector.extract %slice3A_139[0] : f32 from vector<1xf32>
    %add3A_141 = vector.broadcast %squeeze3A_140 : f32 to vector<320x128xf32>
    %add3A_142 = arith.addf %mul3A_138, %add3A_141 : vector<320x128xf32>
    %sin3A_143 = math.sin %add3A_142 : vector<320x128xf32>
    %mul3A_144 = vector.broadcast %squeeze3A_134 : f32 to vector<320x128xf32>
    %mul3A_145 = arith.mulf %mul3A_144, %sin3A_143 : vector<320x128xf32>
    %add3A_146 = arith.addf %add3A_132, %mul3A_145 : vector<320x128xf32>
    %slice3A_147 = vector.extract_strided_slice %get3A_8 {offsets = [10], sizes = [1], strides = [1]} : vector<16xf32> to vector<1xf32>
    %squeeze3A_148 = vector.extract %slice3A_147[0] : f32 from vector<1xf32>
    %slice3A_149 = vector.extract_strided_slice %get3A_4 {offsets = [10, 0], sizes = [1, 1], strides = [1, 1]} : vector<16x1xf32> to vector<1x1xf32>
    %squeeze3A_150 = vector.extract %slice3A_149[0, 0] : f32 from vector<1x1xf32>
    %mul3A_151 = vector.broadcast %squeeze3A_150 : f32 to vector<320x128xf32>
    %mul3A_152 = arith.mulf %get3A_1, %mul3A_151 : vector<320x128xf32>
    %slice3A_153 = vector.extract_strided_slice %get3A_6 {offsets = [10], sizes = [1], strides = [1]} : vector<16xf32> to vector<1xf32>
    %squeeze3A_154 = vector.extract %slice3A_153[0] : f32 from vector<1xf32>
    %add3A_155 = vector.broadcast %squeeze3A_154 : f32 to vector<320x128xf32>
    %add3A_156 = arith.addf %mul3A_152, %add3A_155 : vector<320x128xf32>
    %sin3A_157 = math.sin %add3A_156 : vector<320x128xf32>
    %mul3A_158 = vector.broadcast %squeeze3A_148 : f32 to vector<320x128xf32>
    %mul3A_159 = arith.mulf %mul3A_158, %sin3A_157 : vector<320x128xf32>
    %add3A_160 = arith.addf %add3A_146, %mul3A_159 : vector<320x128xf32>
    %slice3A_161 = vector.extract_strided_slice %get3A_8 {offsets = [11], sizes = [1], strides = [1]} : vector<16xf32> to vector<1xf32>
    %squeeze3A_162 = vector.extract %slice3A_161[0] : f32 from vector<1xf32>
    %slice3A_163 = vector.extract_strided_slice %get3A_4 {offsets = [11, 0], sizes = [1, 1], strides = [1, 1]} : vector<16x1xf32> to vector<1x1xf32>
    %squeeze3A_164 = vector.extract %slice3A_163[0, 0] : f32 from vector<1x1xf32>
    %mul3A_165 = vector.broadcast %squeeze3A_164 : f32 to vector<320x128xf32>
    %mul3A_166 = arith.mulf %get3A_1, %mul3A_165 : vector<320x128xf32>
    %slice3A_167 = vector.extract_strided_slice %get3A_6 {offsets = [11], sizes = [1], strides = [1]} : vector<16xf32> to vector<1xf32>
    %squeeze3A_168 = vector.extract %slice3A_167[0] : f32 from vector<1xf32>
    %add3A_169 = vector.broadcast %squeeze3A_168 : f32 to vector<320x128xf32>
    %add3A_170 = arith.addf %mul3A_166, %add3A_169 : vector<320x128xf32>
    %sin3A_171 = math.sin %add3A_170 : vector<320x128xf32>
    %mul3A_172 = vector.broadcast %squeeze3A_162 : f32 to vector<320x128xf32>
    %mul3A_173 = arith.mulf %mul3A_172, %sin3A_171 : vector<320x128xf32>
    %add3A_174 = arith.addf %add3A_160, %mul3A_173 : vector<320x128xf32>
    %slice3A_175 = vector.extract_strided_slice %get3A_8 {offsets = [12], sizes = [1], strides = [1]} : vector<16xf32> to vector<1xf32>
    %squeeze3A_176 = vector.extract %slice3A_175[0] : f32 from vector<1xf32>
    %slice3A_177 = vector.extract_strided_slice %get3A_4 {offsets = [12, 0], sizes = [1, 1], strides = [1, 1]} : vector<16x1xf32> to vector<1x1xf32>
    %squeeze3A_178 = vector.extract %slice3A_177[0, 0] : f32 from vector<1x1xf32>
    %mul3A_179 = vector.broadcast %squeeze3A_178 : f32 to vector<320x128xf32>
    %mul3A_180 = arith.mulf %get3A_1, %mul3A_179 : vector<320x128xf32>
    %slice3A_181 = vector.extract_strided_slice %get3A_6 {offsets = [12], sizes = [1], strides = [1]} : vector<16xf32> to vector<1xf32>
    %squeeze3A_182 = vector.extract %slice3A_181[0] : f32 from vector<1xf32>
    %add3A_183 = vector.broadcast %squeeze3A_182 : f32 to vector<320x128xf32>
    %add3A_184 = arith.addf %mul3A_180, %add3A_183 : vector<320x128xf32>
    %sin3A_185 = math.sin %add3A_184 : vector<320x128xf32>
    %mul3A_186 = vector.broadcast %squeeze3A_176 : f32 to vector<320x128xf32>
    %mul3A_187 = arith.mulf %mul3A_186, %sin3A_185 : vector<320x128xf32>
    %add3A_188 = arith.addf %add3A_174, %mul3A_187 : vector<320x128xf32>
    %slice3A_189 = vector.extract_strided_slice %get3A_8 {offsets = [13], sizes = [1], strides = [1]} : vector<16xf32> to vector<1xf32>
    %squeeze3A_190 = vector.extract %slice3A_189[0] : f32 from vector<1xf32>
    %slice3A_191 = vector.extract_strided_slice %get3A_4 {offsets = [13, 0], sizes = [1, 1], strides = [1, 1]} : vector<16x1xf32> to vector<1x1xf32>
    %squeeze3A_192 = vector.extract %slice3A_191[0, 0] : f32 from vector<1x1xf32>
    %mul3A_193 = vector.broadcast %squeeze3A_192 : f32 to vector<320x128xf32>
    %mul3A_194 = arith.mulf %get3A_1, %mul3A_193 : vector<320x128xf32>
    %slice3A_195 = vector.extract_strided_slice %get3A_6 {offsets = [13], sizes = [1], strides = [1]} : vector<16xf32> to vector<1xf32>
    %squeeze3A_196 = vector.extract %slice3A_195[0] : f32 from vector<1xf32>
    %add3A_197 = vector.broadcast %squeeze3A_196 : f32 to vector<320x128xf32>
    %add3A_198 = arith.addf %mul3A_194, %add3A_197 : vector<320x128xf32>
    %sin3A_199 = math.sin %add3A_198 : vector<320x128xf32>
    %mul3A_200 = vector.broadcast %squeeze3A_190 : f32 to vector<320x128xf32>
    %mul3A_201 = arith.mulf %mul3A_200, %sin3A_199 : vector<320x128xf32>
    %add3A_202 = arith.addf %add3A_188, %mul3A_201 : vector<320x128xf32>
    %slice3A_203 = vector.extract_strided_slice %get3A_8 {offsets = [14], sizes = [1], strides = [1]} : vector<16xf32> to vector<1xf32>
    %squeeze3A_204 = vector.extract %slice3A_203[0] : f32 from vector<1xf32>
    %slice3A_205 = vector.extract_strided_slice %get3A_4 {offsets = [14, 0], sizes = [1, 1], strides = [1, 1]} : vector<16x1xf32> to vector<1x1xf32>
    %squeeze3A_206 = vector.extract %slice3A_205[0, 0] : f32 from vector<1x1xf32>
    %mul3A_207 = vector.broadcast %squeeze3A_206 : f32 to vector<320x128xf32>
    %mul3A_208 = arith.mulf %get3A_1, %mul3A_207 : vector<320x128xf32>
    %slice3A_209 = vector.extract_strided_slice %get3A_6 {offsets = [14], sizes = [1], strides = [1]} : vector<16xf32> to vector<1xf32>
    %squeeze3A_210 = vector.extract %slice3A_209[0] : f32 from vector<1xf32>
    %add3A_211 = vector.broadcast %squeeze3A_210 : f32 to vector<320x128xf32>
    %add3A_212 = arith.addf %mul3A_208, %add3A_211 : vector<320x128xf32>
    %sin3A_213 = math.sin %add3A_212 : vector<320x128xf32>
    %mul3A_214 = vector.broadcast %squeeze3A_204 : f32 to vector<320x128xf32>
    %mul3A_215 = arith.mulf %mul3A_214, %sin3A_213 : vector<320x128xf32>
    %add3A_216 = arith.addf %add3A_202, %mul3A_215 : vector<320x128xf32>
    %slice3A_217 = vector.extract_strided_slice %get3A_8 {offsets = [15], sizes = [1], strides = [1]} : vector<16xf32> to vector<1xf32>
    %squeeze3A_218 = vector.extract %slice3A_217[0] : f32 from vector<1xf32>
    %slice3A_219 = vector.extract_strided_slice %get3A_4 {offsets = [15, 0], sizes = [1, 1], strides = [1, 1]} : vector<16x1xf32> to vector<1x1xf32>
    %squeeze3A_220 = vector.extract %slice3A_219[0, 0] : f32 from vector<1x1xf32>
    %mul3A_221 = vector.broadcast %squeeze3A_220 : f32 to vector<320x128xf32>
    %mul3A_222 = arith.mulf %get3A_1, %mul3A_221 : vector<320x128xf32>
    %slice3A_223 = vector.extract_strided_slice %get3A_6 {offsets = [15], sizes = [1], strides = [1]} : vector<16xf32> to vector<1xf32>
    %squeeze3A_224 = vector.extract %slice3A_223[0] : f32 from vector<1xf32>
    %add3A_225 = vector.broadcast %squeeze3A_224 : f32 to vector<320x128xf32>
    %add3A_226 = arith.addf %mul3A_222, %add3A_225 : vector<320x128xf32>
    %sin3A_227 = math.sin %add3A_226 : vector<320x128xf32>
    %mul3A_228 = vector.broadcast %squeeze3A_218 : f32 to vector<320x128xf32>
    %mul3A_229 = arith.mulf %mul3A_228, %sin3A_227 : vector<320x128xf32>
    %add3A_230 = arith.addf %add3A_216, %mul3A_229 : vector<320x128xf32>
    %swap3A = arith.constant 0 : index
    %swap3A_231 = arith.constant 0 : index
    %swap3A_232 = vector.load %arg10[%swap3A, %swap3A_231] : memref<320x128xf32, #tpu.memory_space<vmem>>, vector<320x128xf32>
    tpu.vector_store %arg10[%swap3A, %swap3A_231], %add3A_230 {strides = array<i32>} : memref<320x128xf32, #tpu.memory_space<vmem>>, vector<320x128xf32>,
    %get3A_233 = arith.constant 0 : index
    %get3A_234 = arith.constant 0 : index
    %get3A_235 = vector.load %arg6[%get3A_233, %get3A_234] : memref<16x1xf32, #tpu.memory_space<vmem>>, vector<16x1xf32>
    %get3A_236 = arith.constant 0 : index
    %get3A_237 = vector.load %arg7[%get3A_236] : memref<16xf32, #tpu.memory_space<vmem>>, vector<16xf32>
    %get3A_238 = arith.constant 0 : index
    %get3A_239 = vector.load %arg8[%get3A_238] : memref<16xf32, #tpu.memory_space<vmem>>, vector<16xf32>
    %get3A_240 = arith.constant 0 : index
    %get3A_241 = vector.load %arg9[%get3A_240] : memref<1xf32, #tpu.memory_space<vmem>>, vector<1xf32>
    %squeeze3A_242 = vector.extract %get3A_241[0] : f32 from vector<1xf32>
    %broadcast_in_dim3A_243 = vector.broadcast %squeeze3A_242 : f32 to vector<320x128xf32>
    %slice3A_244 = vector.extract_strided_slice %get3A_239 {offsets = [0], sizes = [1], strides = [1]} : vector<16xf32> to vector<1xf32>
    %squeeze3A_245 = vector.extract %slice3A_244[0] : f32 from vector<1xf32>
    %slice3A_246 = vector.extract_strided_slice %get3A_235 {offsets = [0, 0], sizes = [1, 1], strides = [1, 1]} : vector<16x1xf32> to vector<1x1xf32>
    %squeeze3A_247 = vector.extract %slice3A_246[0, 0] : f32 from vector<1x1xf32>
    %mul3A_248 = vector.broadcast %squeeze3A_247 : f32 to vector<320x128xf32>
    %mul3A_249 = arith.mulf %get3A_1, %mul3A_248 : vector<320x128xf32>
    %slice3A_250 = vector.extract_strided_slice %get3A_237 {offsets = [0], sizes = [1], strides = [1]} : vector<16xf32> to vector<1xf32>
    %squeeze3A_251 = vector.extract %slice3A_250[0] : f32 from vector<1xf32>
    %add3A_252 = vector.broadcast %squeeze3A_251 : f32 to vector<320x128xf32>
    %add3A_253 = arith.addf %mul3A_249, %add3A_252 : vector<320x128xf32>
    %sin3A_254 = math.sin %add3A_253 : vector<320x128xf32>
    %mul3A_255 = vector.broadcast %squeeze3A_245 : f32 to vector<320x128xf32>
    %mul3A_256 = arith.mulf %mul3A_255, %sin3A_254 : vector<320x128xf32>
    %add3A_257 = arith.addf %broadcast_in_dim3A_243, %mul3A_256 : vector<320x128xf32>
    %slice3A_258 = vector.extract_strided_slice %get3A_239 {offsets = [1], sizes = [1], strides = [1]} : vector<16xf32> to vector<1xf32>
    %squeeze3A_259 = vector.extract %slice3A_258[0] : f32 from vector<1xf32>
    %slice3A_260 = vector.extract_strided_slice %get3A_235 {offsets = [1, 0], sizes = [1, 1], strides = [1, 1]} : vector<16x1xf32> to vector<1x1xf32>
    %squeeze3A_261 = vector.extract %slice3A_260[0, 0] : f32 from vector<1x1xf32>
    %mul3A_262 = vector.broadcast %squeeze3A_261 : f32 to vector<320x128xf32>
    %mul3A_263 = arith.mulf %get3A_1, %mul3A_262 : vector<320x128xf32>
    %slice3A_264 = vector.extract_strided_slice %get3A_237 {offsets = [1], sizes = [1], strides = [1]} : vector<16xf32> to vector<1xf32>
    %squeeze3A_265 = vector.extract %slice3A_264[0] : f32 from vector<1xf32>
    %add3A_266 = vector.broadcast %squeeze3A_265 : f32 to vector<320x128xf32>
    %add3A_267 = arith.addf %mul3A_263, %add3A_266 : vector<320x128xf32>
    %sin3A_268 = math.sin %add3A_267 : vector<320x128xf32>
    %mul3A_269 = vector.broadcast %squeeze3A_259 : f32 to vector<320x128xf32>
    %mul3A_270 = arith.mulf %mul3A_269, %sin3A_268 : vector<320x128xf32>
    %add3A_271 = arith.addf %add3A_257, %mul3A_270 : vector<320x128xf32>
    %slice3A_272 = vector.extract_strided_slice %get3A_239 {offsets = [2], sizes = [1], strides = [1]} : vector<16xf32> to vector<1xf32>
    %squeeze3A_273 = vector.extract %slice3A_272[0] : f32 from vector<1xf32>
    %slice3A_274 = vector.extract_strided_slice %get3A_235 {offsets = [2, 0], sizes = [1, 1], strides = [1, 1]} : vector<16x1xf32> to vector<1x1xf32>
    %squeeze3A_275 = vector.extract %slice3A_274[0, 0] : f32 from vector<1x1xf32>
    %mul3A_276 = vector.broadcast %squeeze3A_275 : f32 to vector<320x128xf32>
    %mul3A_277 = arith.mulf %get3A_1, %mul3A_276 : vector<320x128xf32>
    %slice3A_278 = vector.extract_strided_slice %get3A_237 {offsets = [2], sizes = [1], strides = [1]} : vector<16xf32> to vector<1xf32>
    %squeeze3A_279 = vector.extract %slice3A_278[0] : f32 from vector<1xf32>
    %add3A_280 = vector.broadcast %squeeze3A_279 : f32 to vector<320x128xf32>
    %add3A_281 = arith.addf %mul3A_277, %add3A_280 : vector<320x128xf32>
    %sin3A_282 = math.sin %add3A_281 : vector<320x128xf32>
    %mul3A_283 = vector.broadcast %squeeze3A_273 : f32 to vector<320x128xf32>
    %mul3A_284 = arith.mulf %mul3A_283, %sin3A_282 : vector<320x128xf32>
    %add3A_285 = arith.addf %add3A_271, %mul3A_284 : vector<320x128xf32>
    %slice3A_286 = vector.extract_strided_slice %get3A_239 {offsets = [3], sizes = [1], strides = [1]} : vector<16xf32> to vector<1xf32>
    %squeeze3A_287 = vector.extract %slice3A_286[0] : f32 from vector<1xf32>
    %slice3A_288 = vector.extract_strided_slice %get3A_235 {offsets = [3, 0], sizes = [1, 1], strides = [1, 1]} : vector<16x1xf32> to vector<1x1xf32>
    %squeeze3A_289 = vector.extract %slice3A_288[0, 0] : f32 from vector<1x1xf32>
    %mul3A_290 = vector.broadcast %squeeze3A_289 : f32 to vector<320x128xf32>
    %mul3A_291 = arith.mulf %get3A_1, %mul3A_290 : vector<320x128xf32>
    %slice3A_292 = vector.extract_strided_slice %get3A_237 {offsets = [3], sizes = [1], strides = [1]} : vector<16xf32> to vector<1xf32>
    %squeeze3A_293 = vector.extract %slice3A_292[0] : f32 from vector<1xf32>
    %add3A_294 = vector.broadcast %squeeze3A_293 : f32 to vector<320x128xf32>
    %add3A_295 = arith.addf %mul3A_291, %add3A_294 : vector<320x128xf32>
    %sin3A_296 = math.sin %add3A_295 : vector<320x128xf32>
    %mul3A_297 = vector.broadcast %squeeze3A_287 : f32 to vector<320x128xf32>
    %mul3A_298 = arith.mulf %mul3A_297, %sin3A_296 : vector<320x128xf32>
    %add3A_299 = arith.addf %add3A_285, %mul3A_298 : vector<320x128xf32>
    %slice3A_300 = vector.extract_strided_slice %get3A_239 {offsets = [4], sizes = [1], strides = [1]} : vector<16xf32> to vector<1xf32>
    %squeeze3A_301 = vector.extract %slice3A_300[0] : f32 from vector<1xf32>
    %slice3A_302 = vector.extract_strided_slice %get3A_235 {offsets = [4, 0], sizes = [1, 1], strides = [1, 1]} : vector<16x1xf32> to vector<1x1xf32>
    %squeeze3A_303 = vector.extract %slice3A_302[0, 0] : f32 from vector<1x1xf32>
    %mul3A_304 = vector.broadcast %squeeze3A_303 : f32 to vector<320x128xf32>
    %mul3A_305 = arith.mulf %get3A_1, %mul3A_304 : vector<320x128xf32>
    %slice3A_306 = vector.extract_strided_slice %get3A_237 {offsets = [4], sizes = [1], strides = [1]} : vector<16xf32> to vector<1xf32>
    %squeeze3A_307 = vector.extract %slice3A_306[0] : f32 from vector<1xf32>
    %add3A_308 = vector.broadcast %squeeze3A_307 : f32 to vector<320x128xf32>
    %add3A_309 = arith.addf %mul3A_305, %add3A_308 : vector<320x128xf32>
    %sin3A_310 = math.sin %add3A_309 : vector<320x128xf32>
    %mul3A_311 = vector.broadcast %squeeze3A_301 : f32 to vector<320x128xf32>
    %mul3A_312 = arith.mulf %mul3A_311, %sin3A_310 : vector<320x128xf32>
    %add3A_313 = arith.addf %add3A_299, %mul3A_312 : vector<320x128xf32>
    %slice3A_314 = vector.extract_strided_slice %get3A_239 {offsets = [5], sizes = [1], strides = [1]} : vector<16xf32> to vector<1xf32>
    %squeeze3A_315 = vector.extract %slice3A_314[0] : f32 from vector<1xf32>
    %slice3A_316 = vector.extract_strided_slice %get3A_235 {offsets = [5, 0], sizes = [1, 1], strides = [1, 1]} : vector<16x1xf32> to vector<1x1xf32>
    %squeeze3A_317 = vector.extract %slice3A_316[0, 0] : f32 from vector<1x1xf32>
    %mul3A_318 = vector.broadcast %squeeze3A_317 : f32 to vector<320x128xf32>
    %mul3A_319 = arith.mulf %get3A_1, %mul3A_318 : vector<320x128xf32>
    %slice3A_320 = vector.extract_strided_slice %get3A_237 {offsets = [5], sizes = [1], strides = [1]} : vector<16xf32> to vector<1xf32>
    %squeeze3A_321 = vector.extract %slice3A_320[0] : f32 from vector<1xf32>
    %add3A_322 = vector.broadcast %squeeze3A_321 : f32 to vector<320x128xf32>
    %add3A_323 = arith.addf %mul3A_319, %add3A_322 : vector<320x128xf32>
    %sin3A_324 = math.sin %add3A_323 : vector<320x128xf32>
    %mul3A_325 = vector.broadcast %squeeze3A_315 : f32 to vector<320x128xf32>
    %mul3A_326 = arith.mulf %mul3A_325, %sin3A_324 : vector<320x128xf32>
    %add3A_327 = arith.addf %add3A_313, %mul3A_326 : vector<320x128xf32>
    %slice3A_328 = vector.extract_strided_slice %get3A_239 {offsets = [6], sizes = [1], strides = [1]} : vector<16xf32> to vector<1xf32>
    %squeeze3A_329 = vector.extract %slice3A_328[0] : f32 from vector<1xf32>
    %slice3A_330 = vector.extract_strided_slice %get3A_235 {offsets = [6, 0], sizes = [1, 1], strides = [1, 1]} : vector<16x1xf32> to vector<1x1xf32>
    %squeeze3A_331 = vector.extract %slice3A_330[0, 0] : f32 from vector<1x1xf32>
    %mul3A_332 = vector.broadcast %squeeze3A_331 : f32 to vector<320x128xf32>
    %mul3A_333 = arith.mulf %get3A_1, %mul3A_332 : vector<320x128xf32>
    %slice3A_334 = vector.extract_strided_slice %get3A_237 {offsets = [6], sizes = [1], strides = [1]} : vector<16xf32> to vector<1xf32>
    %squeeze3A_335 = vector.extract %slice3A_334[0] : f32 from vector<1xf32>
    %add3A_336 = vector.broadcast %squeeze3A_335 : f32 to vector<320x128xf32>
    %add3A_337 = arith.addf %mul3A_333, %add3A_336 : vector<320x128xf32>
    %sin3A_338 = math.sin %add3A_337 : vector<320x128xf32>
    %mul3A_339 = vector.broadcast %squeeze3A_329 : f32 to vector<320x128xf32>
    %mul3A_340 = arith.mulf %mul3A_339, %sin3A_338 : vector<320x128xf32>
    %add3A_341 = arith.addf %add3A_327, %mul3A_340 : vector<320x128xf32>
    %slice3A_342 = vector.extract_strided_slice %get3A_239 {offsets = [7], sizes = [1], strides = [1]} : vector<16xf32> to vector<1xf32>
    %squeeze3A_343 = vector.extract %slice3A_342[0] : f32 from vector<1xf32>
    %slice3A_344 = vector.extract_strided_slice %get3A_235 {offsets = [7, 0], sizes = [1, 1], strides = [1, 1]} : vector<16x1xf32> to vector<1x1xf32>
    %squeeze3A_345 = vector.extract %slice3A_344[0, 0] : f32 from vector<1x1xf32>
    %mul3A_346 = vector.broadcast %squeeze3A_345 : f32 to vector<320x128xf32>
    %mul3A_347 = arith.mulf %get3A_1, %mul3A_346 : vector<320x128xf32>
    %slice3A_348 = vector.extract_strided_slice %get3A_237 {offsets = [7], sizes = [1], strides = [1]} : vector<16xf32> to vector<1xf32>
    %squeeze3A_349 = vector.extract %slice3A_348[0] : f32 from vector<1xf32>
    %add3A_350 = vector.broadcast %squeeze3A_349 : f32 to vector<320x128xf32>
    %add3A_351 = arith.addf %mul3A_347, %add3A_350 : vector<320x128xf32>
    %sin3A_352 = math.sin %add3A_351 : vector<320x128xf32>
    %mul3A_353 = vector.broadcast %squeeze3A_343 : f32 to vector<320x128xf32>
    %mul3A_354 = arith.mulf %mul3A_353, %sin3A_352 : vector<320x128xf32>
    %add3A_355 = arith.addf %add3A_341, %mul3A_354 : vector<320x128xf32>
    %slice3A_356 = vector.extract_strided_slice %get3A_239 {offsets = [8], sizes = [1], strides = [1]} : vector<16xf32> to vector<1xf32>
    %squeeze3A_357 = vector.extract %slice3A_356[0] : f32 from vector<1xf32>
    %slice3A_358 = vector.extract_strided_slice %get3A_235 {offsets = [8, 0], sizes = [1, 1], strides = [1, 1]} : vector<16x1xf32> to vector<1x1xf32>
    %squeeze3A_359 = vector.extract %slice3A_358[0, 0] : f32 from vector<1x1xf32>
    %mul3A_360 = vector.broadcast %squeeze3A_359 : f32 to vector<320x128xf32>
    %mul3A_361 = arith.mulf %get3A_1, %mul3A_360 : vector<320x128xf32>
    %slice3A_362 = vector.extract_strided_slice %get3A_237 {offsets = [8], sizes = [1], strides = [1]} : vector<16xf32> to vector<1xf32>
    %squeeze3A_363 = vector.extract %slice3A_362[0] : f32 from vector<1xf32>
    %add3A_364 = vector.broadcast %squeeze3A_363 : f32 to vector<320x128xf32>
    %add3A_365 = arith.addf %mul3A_361, %add3A_364 : vector<320x128xf32>
    %sin3A_366 = math.sin %add3A_365 : vector<320x128xf32>
    %mul3A_367 = vector.broadcast %squeeze3A_357 : f32 to vector<320x128xf32>
    %mul3A_368 = arith.mulf %mul3A_367, %sin3A_366 : vector<320x128xf32>
    %add3A_369 = arith.addf %add3A_355, %mul3A_368 : vector<320x128xf32>
    %slice3A_370 = vector.extract_strided_slice %get3A_239 {offsets = [9], sizes = [1], strides = [1]} : vector<16xf32> to vector<1xf32>
    %squeeze3A_371 = vector.extract %slice3A_370[0] : f32 from vector<1xf32>
    %slice3A_372 = vector.extract_strided_slice %get3A_235 {offsets = [9, 0], sizes = [1, 1], strides = [1, 1]} : vector<16x1xf32> to vector<1x1xf32>
    %squeeze3A_373 = vector.extract %slice3A_372[0, 0] : f32 from vector<1x1xf32>
    %mul3A_374 = vector.broadcast %squeeze3A_373 : f32 to vector<320x128xf32>
    %mul3A_375 = arith.mulf %get3A_1, %mul3A_374 : vector<320x128xf32>
    %slice3A_376 = vector.extract_strided_slice %get3A_237 {offsets = [9], sizes = [1], strides = [1]} : vector<16xf32> to vector<1xf32>
    %squeeze3A_377 = vector.extract %slice3A_376[0] : f32 from vector<1xf32>
    %add3A_378 = vector.broadcast %squeeze3A_377 : f32 to vector<320x128xf32>
    %add3A_379 = arith.addf %mul3A_375, %add3A_378 : vector<320x128xf32>
    %sin3A_380 = math.sin %add3A_379 : vector<320x128xf32>
    %mul3A_381 = vector.broadcast %squeeze3A_371 : f32 to vector<320x128xf32>
    %mul3A_382 = arith.mulf %mul3A_381, %sin3A_380 : vector<320x128xf32>
    %add3A_383 = arith.addf %add3A_369, %mul3A_382 : vector<320x128xf32>
    %slice3A_384 = vector.extract_strided_slice %get3A_239 {offsets = [10], sizes = [1], strides = [1]} : vector<16xf32> to vector<1xf32>
    %squeeze3A_385 = vector.extract %slice3A_384[0] : f32 from vector<1xf32>
    %slice3A_386 = vector.extract_strided_slice %get3A_235 {offsets = [10, 0], sizes = [1, 1], strides = [1, 1]} : vector<16x1xf32> to vector<1x1xf32>
    %squeeze3A_387 = vector.extract %slice3A_386[0, 0] : f32 from vector<1x1xf32>
    %mul3A_388 = vector.broadcast %squeeze3A_387 : f32 to vector<320x128xf32>
    %mul3A_389 = arith.mulf %get3A_1, %mul3A_388 : vector<320x128xf32>
    %slice3A_390 = vector.extract_strided_slice %get3A_237 {offsets = [10], sizes = [1], strides = [1]} : vector<16xf32> to vector<1xf32>
    %squeeze3A_391 = vector.extract %slice3A_390[0] : f32 from vector<1xf32>
    %add3A_392 = vector.broadcast %squeeze3A_391 : f32 to vector<320x128xf32>
    %add3A_393 = arith.addf %mul3A_389, %add3A_392 : vector<320x128xf32>
    %sin3A_394 = math.sin %add3A_393 : vector<320x128xf32>
    %mul3A_395 = vector.broadcast %squeeze3A_385 : f32 to vector<320x128xf32>
    %mul3A_396 = arith.mulf %mul3A_395, %sin3A_394 : vector<320x128xf32>
    %add3A_397 = arith.addf %add3A_383, %mul3A_396 : vector<320x128xf32>
    %slice3A_398 = vector.extract_strided_slice %get3A_239 {offsets = [11], sizes = [1], strides = [1]} : vector<16xf32> to vector<1xf32>
    %squeeze3A_399 = vector.extract %slice3A_398[0] : f32 from vector<1xf32>
    %slice3A_400 = vector.extract_strided_slice %get3A_235 {offsets = [11, 0], sizes = [1, 1], strides = [1, 1]} : vector<16x1xf32> to vector<1x1xf32>
    %squeeze3A_401 = vector.extract %slice3A_400[0, 0] : f32 from vector<1x1xf32>
    %mul3A_402 = vector.broadcast %squeeze3A_401 : f32 to vector<320x128xf32>
    %mul3A_403 = arith.mulf %get3A_1, %mul3A_402 : vector<320x128xf32>
    %slice3A_404 = vector.extract_strided_slice %get3A_237 {offsets = [11], sizes = [1], strides = [1]} : vector<16xf32> to vector<1xf32>
    %squeeze3A_405 = vector.extract %slice3A_404[0] : f32 from vector<1xf32>
    %add3A_406 = vector.broadcast %squeeze3A_405 : f32 to vector<320x128xf32>
    %add3A_407 = arith.addf %mul3A_403, %add3A_406 : vector<320x128xf32>
    %sin3A_408 = math.sin %add3A_407 : vector<320x128xf32>
    %mul3A_409 = vector.broadcast %squeeze3A_399 : f32 to vector<320x128xf32>
    %mul3A_410 = arith.mulf %mul3A_409, %sin3A_408 : vector<320x128xf32>
    %add3A_411 = arith.addf %add3A_397, %mul3A_410 : vector<320x128xf32>
    %slice3A_412 = vector.extract_strided_slice %get3A_239 {offsets = [12], sizes = [1], strides = [1]} : vector<16xf32> to vector<1xf32>
    %squeeze3A_413 = vector.extract %slice3A_412[0] : f32 from vector<1xf32>
    %slice3A_414 = vector.extract_strided_slice %get3A_235 {offsets = [12, 0], sizes = [1, 1], strides = [1, 1]} : vector<16x1xf32> to vector<1x1xf32>
    %squeeze3A_415 = vector.extract %slice3A_414[0, 0] : f32 from vector<1x1xf32>
    %mul3A_416 = vector.broadcast %squeeze3A_415 : f32 to vector<320x128xf32>
    %mul3A_417 = arith.mulf %get3A_1, %mul3A_416 : vector<320x128xf32>
    %slice3A_418 = vector.extract_strided_slice %get3A_237 {offsets = [12], sizes = [1], strides = [1]} : vector<16xf32> to vector<1xf32>
    %squeeze3A_419 = vector.extract %slice3A_418[0] : f32 from vector<1xf32>
    %add3A_420 = vector.broadcast %squeeze3A_419 : f32 to vector<320x128xf32>
    %add3A_421 = arith.addf %mul3A_417, %add3A_420 : vector<320x128xf32>
    %sin3A_422 = math.sin %add3A_421 : vector<320x128xf32>
    %mul3A_423 = vector.broadcast %squeeze3A_413 : f32 to vector<320x128xf32>
    %mul3A_424 = arith.mulf %mul3A_423, %sin3A_422 : vector<320x128xf32>
    %add3A_425 = arith.addf %add3A_411, %mul3A_424 : vector<320x128xf32>
    %slice3A_426 = vector.extract_strided_slice %get3A_239 {offsets = [13], sizes = [1], strides = [1]} : vector<16xf32> to vector<1xf32>
    %squeeze3A_427 = vector.extract %slice3A_426[0] : f32 from vector<1xf32>
    %slice3A_428 = vector.extract_strided_slice %get3A_235 {offsets = [13, 0], sizes = [1, 1], strides = [1, 1]} : vector<16x1xf32> to vector<1x1xf32>
    %squeeze3A_429 = vector.extract %slice3A_428[0, 0] : f32 from vector<1x1xf32>
    %mul3A_430 = vector.broadcast %squeeze3A_429 : f32 to vector<320x128xf32>
    %mul3A_431 = arith.mulf %get3A_1, %mul3A_430 : vector<320x128xf32>
    %slice3A_432 = vector.extract_strided_slice %get3A_237 {offsets = [13], sizes = [1], strides = [1]} : vector<16xf32> to vector<1xf32>
    %squeeze3A_433 = vector.extract %slice3A_432[0] : f32 from vector<1xf32>
    %add3A_434 = vector.broadcast %squeeze3A_433 : f32 to vector<320x128xf32>
    %add3A_435 = arith.addf %mul3A_431, %add3A_434 : vector<320x128xf32>
    %sin3A_436 = math.sin %add3A_435 : vector<320x128xf32>
    %mul3A_437 = vector.broadcast %squeeze3A_427 : f32 to vector<320x128xf32>
    %mul3A_438 = arith.mulf %mul3A_437, %sin3A_436 : vector<320x128xf32>
    %add3A_439 = arith.addf %add3A_425, %mul3A_438 : vector<320x128xf32>
    %slice3A_440 = vector.extract_strided_slice %get3A_239 {offsets = [14], sizes = [1], strides = [1]} : vector<16xf32> to vector<1xf32>
    %squeeze3A_441 = vector.extract %slice3A_440[0] : f32 from vector<1xf32>
    %slice3A_442 = vector.extract_strided_slice %get3A_235 {offsets = [14, 0], sizes = [1, 1], strides = [1, 1]} : vector<16x1xf32> to vector<1x1xf32>
    %squeeze3A_443 = vector.extract %slice3A_442[0, 0] : f32 from vector<1x1xf32>
    %mul3A_444 = vector.broadcast %squeeze3A_443 : f32 to vector<320x128xf32>
    %mul3A_445 = arith.mulf %get3A_1, %mul3A_444 : vector<320x128xf32>
    %slice3A_446 = vector.extract_strided_slice %get3A_237 {offsets = [14], sizes = [1], strides = [1]} : vector<16xf32> to vector<1xf32>
    %squeeze3A_447 = vector.extract %slice3A_446[0] : f32 from vector<1xf32>
    %add3A_448 = vector.broadcast %squeeze3A_447 : f32 to vector<320x128xf32>
    %add3A_449 = arith.addf %mul3A_445, %add3A_448 : vector<320x128xf32>
    %sin3A_450 = math.sin %add3A_449 : vector<320x128xf32>
    %mul3A_451 = vector.broadcast %squeeze3A_441 : f32 to vector<320x128xf32>
    %mul3A_452 = arith.mulf %mul3A_451, %sin3A_450 : vector<320x128xf32>
    %add3A_453 = arith.addf %add3A_439, %mul3A_452 : vector<320x128xf32>
    %slice3A_454 = vector.extract_strided_slice %get3A_239 {offsets = [15], sizes = [1], strides = [1]} : vector<16xf32> to vector<1xf32>
    %squeeze3A_455 = vector.extract %slice3A_454[0] : f32 from vector<1xf32>
    %slice3A_456 = vector.extract_strided_slice %get3A_235 {offsets = [15, 0], sizes = [1, 1], strides = [1, 1]} : vector<16x1xf32> to vector<1x1xf32>
    %squeeze3A_457 = vector.extract %slice3A_456[0, 0] : f32 from vector<1x1xf32>
    %mul3A_458 = vector.broadcast %squeeze3A_457 : f32 to vector<320x128xf32>
    %mul3A_459 = arith.mulf %get3A_1, %mul3A_458 : vector<320x128xf32>
    %slice3A_460 = vector.extract_strided_slice %get3A_237 {offsets = [15], sizes = [1], strides = [1]} : vector<16xf32> to vector<1xf32>
    %squeeze3A_461 = vector.extract %slice3A_460[0] : f32 from vector<1xf32>
    %add3A_462 = vector.broadcast %squeeze3A_461 : f32 to vector<320x128xf32>
    %add3A_463 = arith.addf %mul3A_459, %add3A_462 : vector<320x128xf32>
    %sin3A_464 = math.sin %add3A_463 : vector<320x128xf32>
    %mul3A_465 = vector.broadcast %squeeze3A_455 : f32 to vector<320x128xf32>
    %mul3A_466 = arith.mulf %mul3A_465, %sin3A_464 : vector<320x128xf32>
    %add3A_467 = arith.addf %add3A_453, %mul3A_466 : vector<320x128xf32>
    %swap3A_468 = arith.constant 0 : index
    %swap3A_469 = arith.constant 0 : index
    %swap3A_470 = vector.load %arg11[%swap3A_468, %swap3A_469] : memref<320x128xf32, #tpu.memory_space<vmem>>, vector<320x128xf32>
    tpu.vector_store %arg11[%swap3A_468, %swap3A_469], %add3A_467 {strides = array<i32>} : memref<320x128xf32, #tpu.memory_space<vmem>>, vector<320x128xf32>,
    return
  }
  func.func @transform_0(%arg0: i32) -> (i32, i32) {
    %c0_i32 = arith.constant 0 : i32
    %c0_i32_0 = arith.constant 0 : i32
    return %arg0, %c0_i32 : i32, i32
  }
  func.func @transform_1(%arg0: i32) -> (i32, i32) {
    %c0_i32 = arith.constant 0 : i32
    %c0_i32_0 = arith.constant 0 : i32
    %c0_i32_1 = arith.constant 0 : i32
    return %c0_i32, %c0_i32_0 : i32, i32
  }
  func.func @transform_2(%arg0: i32) -> i32 {
    %c0_i32 = arith.constant 0 : i32
    %c0_i32_0 = arith.constant 0 : i32
    return %c0_i32 : i32
  }
  func.func @transform_3(%arg0: i32) -> i32 {
    %c0_i32 = arith.constant 0 : i32
    %c0_i32_0 = arith.constant 0 : i32
    return %c0_i32 : i32
  }
  func.func @transform_4(%arg0: i32) -> i32 {
    %c0_i32 = arith.constant 0 : i32
    %c0_i32_0 = arith.constant 0 : i32
    return %c0_i32 : i32
  }
  func.func @transform_5(%arg0: i32) -> (i32, i32) {
    %c0_i32 = arith.constant 0 : i32
    %c0_i32_0 = arith.constant 0 : i32
    %c0_i32_1 = arith.constant 0 : i32
    return %c0_i32, %c0_i32_0 : i32, i32
  }
  func.func @transform_6(%arg0: i32) -> i32 {
    %c0_i32 = arith.constant 0 : i32
    %c0_i32_0 = arith.constant 0 : i32
    return %c0_i32 : i32
  }
  func.func @transform_7(%arg0: i32) -> i32 {
    %c0_i32 = arith.constant 0 : i32
    %c0_i32_0 = arith.constant 0 : i32
    return %c0_i32 : i32
  }
  func.func @transform_8(%arg0: i32) -> i32 {
    %c0_i32 = arith.constant 0 : i32
    %c0_i32_0 = arith.constant 0 : i32
    return %c0_i32 : i32
  }
  func.func @transform_9(%arg0: i32) -> (i32, i32) {
    %c0_i32 = arith.constant 0 : i32
    %c0_i32_0 = arith.constant 0 : i32
    return %arg0, %c0_i32 : i32, i32
  }
  func.func @transform_10(%arg0: i32) -> (i32, i32) {
    %c0_i32 = arith.constant 0 : i32
    %c0_i32_0 = arith.constant 0 : i32
    return %arg0, %c0_i32 : i32, i32
  }
}

module attributes {stable_mosaic.version = 14 : i64} {
  func.func @_tc_first_body(%arg0: memref<10000x128xf32, #tpu.memory_space<vmem>>, %arg1: memref<128x128xf32, #tpu.memory_space<vmem>>, %arg2: memref<128xf32, #tpu.memory_space<vmem>>, %arg3: memref<1x128xf32, #tpu.memory_space<vmem>>, %arg4: memref<1x128xf32, #tpu.memory_space<vmem>>, %arg5: memref<16x8x10240xf32, #tpu.memory_space<vmem>>, %arg6: memref<1x32x320xf32, #tpu.memory_space<vmem>>, %arg7: memref<1x32x320xf32, #tpu.memory_space<vmem>>) attributes {dimension_semantics = [], scalar_prefetch = 0 : i64, scratch_operands = 0 : i64, tpu.core_type = #tpu.core_type<tc>} {
    %get3A = arith.constant 0 : index
    %get3A_0 = arith.constant 0 : index
    %get3A_1 = vector.load %arg1[%get3A, %get3A_0] : memref<128x128xf32, #tpu.memory_space<vmem>>, vector<128x128xf32>
    %get3A_2 = arith.constant 0 : index
    %get3A_3 = arith.constant 0 : index
    %get3A_4 = vector.load %arg0[%get3A_2, %get3A_3] : memref<10000x128xf32, #tpu.memory_space<vmem>>, vector<10000x128xf32>
    %dot_general3A = arith.constant dense<0.000000e+00> : vector<128x10000xf32>
    %dot_general3A_5 = tpu.matmul %get3A_1, %get3A_4, %dot_general3A {dimension_numbers = #tpu.dot_dimension_numbers<[1], [1], [0], [0], [0, 0, 1, 0], [], []>, precision = #tpu.contract_precision<fp32>, transpose_lhs_hint = false} : vector<128x128xf32>, vector<10000x128xf32>, vector<128x10000xf32> -> vector<128x10000xf32>
    %get3A_6 = arith.constant 0 : index
    %get3A_7 = vector.load %arg2[%get3A_6] : memref<128xf32, #tpu.memory_space<vmem>>, vector<128xf32>
    %broadcast_in_dim3A = vector.shape_cast %get3A_7 : vector<128xf32> to vector<128x1xf32>
    %add3A = vector.broadcast %broadcast_in_dim3A : vector<128x1xf32> to vector<128x10000xf32>
    %add3A_8 = arith.addf %dot_general3A_5, %add3A : vector<128x10000xf32>
    %broadcast_in_dim3A_9 = arith.constant 0.000000e+00 : f32
    %broadcast_in_dim3A_10 = vector.broadcast %broadcast_in_dim3A_9 : f32 to vector<128x240xf32>
    %concatenate3A = tpu.concatenate %add3A_8, %broadcast_in_dim3A_10 in 1 : vector<128x10000xf32>, vector<128x240xf32> -> vector<128x10240xf32>
    %get3A_11 = arith.constant 0 : index
    %get3A_12 = arith.constant 0 : index
    %get3A_13 = vector.load %arg3[%get3A_11, %get3A_12] : memref<1x128xf32, #tpu.memory_space<vmem>>, vector<1x128xf32>
    %get3A_14 = arith.constant 0 : index
    %get3A_15 = arith.constant 0 : index
    %get3A_16 = vector.load %arg4[%get3A_14, %get3A_15] : memref<1x128xf32, #tpu.memory_space<vmem>>, vector<1x128xf32>
    %reshape3A = vector.shape_cast %concatenate3A : vector<128x10240xf32> to vector<16x8x10240xf32>
    %swap3A = arith.constant 0 : index
    %swap3A_17 = arith.constant 0 : index
    %swap3A_18 = arith.constant 0 : index
    %swap3A_19 = vector.load %arg5[%swap3A, %swap3A_17, %swap3A_18] : memref<16x8x10240xf32, #tpu.memory_space<vmem>>, vector<16x8x10240xf32>
    tpu.vector_store %arg5[%swap3A, %swap3A_17, %swap3A_18], %reshape3A {strides = array<i32>} : memref<16x8x10240xf32, #tpu.memory_space<vmem>>, vector<16x8x10240xf32>,
    %dot_general3A_20 = arith.constant dense<0.000000e+00> : vector<1x10240xf32>
    %dot_general3A_21 = tpu.matmul %get3A_13, %concatenate3A, %dot_general3A_20 {dimension_numbers = #tpu.dot_dimension_numbers<[1], [0], [0], [1], [0, 0, 1, 1], [], []>, precision = #tpu.contract_precision<fp32>, transpose_lhs_hint = false} : vector<1x128xf32>, vector<128x10240xf32>, vector<1x10240xf32> -> vector<1x10240xf32>
    %reshape3A_22 = vector.shape_cast %dot_general3A_21 : vector<1x10240xf32> to vector<1x32x320xf32>
    %swap3A_23 = arith.constant 0 : index
    %swap3A_24 = arith.constant 0 : index
    %swap3A_25 = arith.constant 0 : index
    %swap3A_26 = vector.load %arg6[%swap3A_23, %swap3A_24, %swap3A_25] : memref<1x32x320xf32, #tpu.memory_space<vmem>>, vector<1x32x320xf32>
    tpu.vector_store %arg6[%swap3A_23, %swap3A_24, %swap3A_25], %reshape3A_22 {strides = array<i32>} : memref<1x32x320xf32, #tpu.memory_space<vmem>>, vector<1x32x320xf32>,
    %dot_general3A_27 = arith.constant dense<0.000000e+00> : vector<1x10240xf32>
    %dot_general3A_28 = tpu.matmul %get3A_16, %concatenate3A, %dot_general3A_27 {dimension_numbers = #tpu.dot_dimension_numbers<[1], [0], [0], [1], [0, 0, 1, 1], [], []>, precision = #tpu.contract_precision<fp32>, transpose_lhs_hint = false} : vector<1x128xf32>, vector<128x10240xf32>, vector<1x10240xf32> -> vector<1x10240xf32>
    %reshape3A_29 = vector.shape_cast %dot_general3A_28 : vector<1x10240xf32> to vector<1x32x320xf32>
    %swap3A_30 = arith.constant 0 : index
    %swap3A_31 = arith.constant 0 : index
    %swap3A_32 = arith.constant 0 : index
    %swap3A_33 = vector.load %arg7[%swap3A_30, %swap3A_31, %swap3A_32] : memref<1x32x320xf32, #tpu.memory_space<vmem>>, vector<1x32x320xf32>
    tpu.vector_store %arg7[%swap3A_30, %swap3A_31, %swap3A_32], %reshape3A_29 {strides = array<i32>} : memref<1x32x320xf32, #tpu.memory_space<vmem>>, vector<1x32x320xf32>,
    return
  }
}

module attributes {stable_mosaic.version = 14 : i64} {
  func.func @_tc_hidden_body(%arg0: memref<32x128x320xf32, #tpu.memory_space<vmem>>, %arg1: memref<128x128xf32, #tpu.memory_space<vmem>>, %arg2: memref<128xf32, #tpu.memory_space<vmem>>, %arg3: memref<1x128xf32, #tpu.memory_space<vmem>>, %arg4: memref<1x128xf32, #tpu.memory_space<vmem>>, %arg5: memref<16x8x10240xf32, #tpu.memory_space<vmem>>, %arg6: memref<1x32x320xf32, #tpu.memory_space<vmem>>, %arg7: memref<1x32x320xf32, #tpu.memory_space<vmem>>) attributes {dimension_semantics = [], scalar_prefetch = 0 : i64, scratch_operands = 0 : i64, tpu.core_type = #tpu.core_type<tc>} {
    %get3A = arith.constant 0 : index
    %get3A_0 = arith.constant 0 : index
    %get3A_1 = arith.constant 0 : index
    %get3A_2 = vector.load %arg0[%get3A, %get3A_0, %get3A_1] : memref<32x128x320xf32, #tpu.memory_space<vmem>>, vector<32x128x320xf32>
    %max3A = arith.constant 0.000000e+00 : f32
    %max3A_3 = vector.broadcast %max3A : f32 to vector<32x128x320xf32>
    %max3A_4 = arith.maximumf %get3A_2, %max3A_3 : vector<32x128x320xf32>
    %get3A_5 = arith.constant 0 : index
    %get3A_6 = arith.constant 0 : index
    %get3A_7 = vector.load %arg1[%get3A_5, %get3A_6] : memref<128x128xf32, #tpu.memory_space<vmem>>, vector<128x128xf32>
    %dot_general3A = arith.constant dense<0.000000e+00> : vector<128x32x320xf32>
    %dot_general3A_8 = tpu.matmul %get3A_7, %max3A_4, %dot_general3A {dimension_numbers = #tpu.dot_dimension_numbers<[1], [1], [0], [0, 2], [0, 0, 1, 0, 1, 2], [], []>, precision = #tpu.contract_precision<fp32>, transpose_lhs_hint = false} : vector<128x128xf32>, vector<32x128x320xf32>, vector<128x32x320xf32> -> vector<128x32x320xf32>
    %reshape3A = vector.shape_cast %dot_general3A_8 : vector<128x32x320xf32> to vector<128x10240xf32>
    %get3A_9 = arith.constant 0 : index
    %get3A_10 = vector.load %arg2[%get3A_9] : memref<128xf32, #tpu.memory_space<vmem>>, vector<128xf32>
    %broadcast_in_dim3A = vector.shape_cast %get3A_10 : vector<128xf32> to vector<128x1xf32>
    %add3A = vector.broadcast %broadcast_in_dim3A : vector<128x1xf32> to vector<128x10240xf32>
    %add3A_11 = arith.addf %reshape3A, %add3A : vector<128x10240xf32>
    %get3A_12 = arith.constant 0 : index
    %get3A_13 = arith.constant 0 : index
    %get3A_14 = vector.load %arg3[%get3A_12, %get3A_13] : memref<1x128xf32, #tpu.memory_space<vmem>>, vector<1x128xf32>
    %get3A_15 = arith.constant 0 : index
    %get3A_16 = arith.constant 0 : index
    %get3A_17 = vector.load %arg4[%get3A_15, %get3A_16] : memref<1x128xf32, #tpu.memory_space<vmem>>, vector<1x128xf32>
    %reshape3A_18 = vector.shape_cast %add3A_11 : vector<128x10240xf32> to vector<16x8x10240xf32>
    %swap3A = arith.constant 0 : index
    %swap3A_19 = arith.constant 0 : index
    %swap3A_20 = arith.constant 0 : index
    %swap3A_21 = vector.load %arg5[%swap3A, %swap3A_19, %swap3A_20] : memref<16x8x10240xf32, #tpu.memory_space<vmem>>, vector<16x8x10240xf32>
    tpu.vector_store %arg5[%swap3A, %swap3A_19, %swap3A_20], %reshape3A_18 {strides = array<i32>} : memref<16x8x10240xf32, #tpu.memory_space<vmem>>, vector<16x8x10240xf32>,
    %dot_general3A_22 = arith.constant dense<0.000000e+00> : vector<1x10240xf32>
    %dot_general3A_23 = tpu.matmul %get3A_14, %add3A_11, %dot_general3A_22 {dimension_numbers = #tpu.dot_dimension_numbers<[1], [0], [0], [1], [0, 0, 1, 1], [], []>, precision = #tpu.contract_precision<fp32>, transpose_lhs_hint = false} : vector<1x128xf32>, vector<128x10240xf32>, vector<1x10240xf32> -> vector<1x10240xf32>
    %reshape3A_24 = vector.shape_cast %dot_general3A_23 : vector<1x10240xf32> to vector<1x32x320xf32>
    %swap3A_25 = arith.constant 0 : index
    %swap3A_26 = arith.constant 0 : index
    %swap3A_27 = arith.constant 0 : index
    %swap3A_28 = vector.load %arg6[%swap3A_25, %swap3A_26, %swap3A_27] : memref<1x32x320xf32, #tpu.memory_space<vmem>>, vector<1x32x320xf32>
    tpu.vector_store %arg6[%swap3A_25, %swap3A_26, %swap3A_27], %reshape3A_24 {strides = array<i32>} : memref<1x32x320xf32, #tpu.memory_space<vmem>>, vector<1x32x320xf32>,
    %dot_general3A_29 = arith.constant dense<0.000000e+00> : vector<1x10240xf32>
    %dot_general3A_30 = tpu.matmul %get3A_17, %add3A_11, %dot_general3A_29 {dimension_numbers = #tpu.dot_dimension_numbers<[1], [0], [0], [1], [0, 0, 1, 1], [], []>, precision = #tpu.contract_precision<fp32>, transpose_lhs_hint = false} : vector<1x128xf32>, vector<128x10240xf32>, vector<1x10240xf32> -> vector<1x10240xf32>
    %reshape3A_31 = vector.shape_cast %dot_general3A_30 : vector<1x10240xf32> to vector<1x32x320xf32>
    %swap3A_32 = arith.constant 0 : index
    %swap3A_33 = arith.constant 0 : index
    %swap3A_34 = arith.constant 0 : index
    %swap3A_35 = vector.load %arg7[%swap3A_32, %swap3A_33, %swap3A_34] : memref<1x32x320xf32, #tpu.memory_space<vmem>>, vector<1x32x320xf32>
    tpu.vector_store %arg7[%swap3A_32, %swap3A_33, %swap3A_34], %reshape3A_31 {strides = array<i32>} : memref<1x32x320xf32, #tpu.memory_space<vmem>>, vector<1x32x320xf32>,
    return
  }
}

module attributes {stable_mosaic.version = 14 : i64} {
  func.func @_tc_final_body(%arg0: memref<32x128x320xf32, #tpu.memory_space<vmem>>, %arg1: memref<64x128xf32, #tpu.memory_space<vmem>>, %arg2: memref<64xf32, #tpu.memory_space<vmem>>, %arg3: memref<10000x64xf32, #tpu.memory_space<vmem>>) attributes {dimension_semantics = [], scalar_prefetch = 0 : i64, scratch_operands = 0 : i64, tpu.core_type = #tpu.core_type<tc>} {
    %get3A = arith.constant 0 : index
    %get3A_0 = arith.constant 0 : index
    %get3A_1 = arith.constant 0 : index
    %get3A_2 = vector.load %arg0[%get3A, %get3A_0, %get3A_1] : memref<32x128x320xf32, #tpu.memory_space<vmem>>, vector<32x128x320xf32>
    %get3A_3 = arith.constant 0 : index
    %get3A_4 = arith.constant 0 : index
    %get3A_5 = vector.load %arg1[%get3A_3, %get3A_4] : memref<64x128xf32, #tpu.memory_space<vmem>>, vector<64x128xf32>
    %dot_general3A = arith.constant dense<0.000000e+00> : vector<32x320x64xf32>
    %dot_general3A_6 = tpu.matmul %get3A_2, %get3A_5, %dot_general3A {dimension_numbers = #tpu.dot_dimension_numbers<[1], [1], [0, 2], [0], [0, 0, 0, 2, 1, 0], [], []>, precision = #tpu.contract_precision<fp32>, transpose_lhs_hint = false} : vector<32x128x320xf32>, vector<64x128xf32>, vector<32x320x64xf32> -> vector<32x320x64xf32>
    %reshape3A = vector.shape_cast %dot_general3A_6 : vector<32x320x64xf32> to vector<10240x64xf32>
    %slice3A = vector.extract_strided_slice %reshape3A {offsets = [0, 0], sizes = [10000, 64], strides = [1, 1]} : vector<10240x64xf32> to vector<10000x64xf32>
    %get3A_7 = arith.constant 0 : index
    %get3A_8 = vector.load %arg2[%get3A_7] : memref<64xf32, #tpu.memory_space<vmem>>, vector<64xf32>
    %broadcast_in_dim3A = vector.shape_cast %get3A_8 : vector<64xf32> to vector<1x64xf32>
    %add3A = vector.broadcast %broadcast_in_dim3A : vector<1x64xf32> to vector<10000x64xf32>
    %add3A_9 = arith.addf %slice3A, %add3A : vector<10000x64xf32>
    %swap3A = arith.constant 0 : index
    %swap3A_10 = arith.constant 0 : index
    %swap3A_11 = vector.load %arg3[%swap3A, %swap3A_10] : memref<10000x64xf32, #tpu.memory_space<vmem>>, vector<10000x64xf32>
    tpu.vector_store %arg3[%swap3A, %swap3A_10], %add3A_9 {strides = array<i32>} : memref<10000x64xf32, #tpu.memory_space<vmem>>, vector<10000x64xf32>,
    return
  }
}

</mosaic_0001>

<sc_bundles>
// kernel: kernel.12.cloned.1.call-start
scs
__scs_entry_jumppad:
0x0: {  	(pc) =	sbr.rel $0x88, $3  }
0x1: {  	(tag) =	ssettag $0x0;
	lr =	simm.s32 $0x1  }
0x2: {  	[smem:$0x3F90] =	sst lr;
	_ =	strace $0xD0000000  }
0x3: {  	_ = 	snop  }
0x4: {  	_ = 	snop  }
0x5: {  	_ = 	snop  }
0x6: {  	_ = 	snop  }
0x7: {  	_ = 	snop  }
__scs_overlays_trampoline_lowered:
0x8: {  	[smem:$0x3F9F] =	sst s0  }
0x9: {  	[smem:$0x3FA0] =	sst s1  }
0xa: {  	[smem:$0x3FA1] =	sst s2  }
0xb: {  	[smem:$0x3FA2] =	sst s3  }
0xc: {  	[smem:$0x3FA3] =	sst s4  }
0xd: {  	[smem:$0x3FA4] =	sst s5  }
0xe: {  	[smem:$0x3FA5] =	sst s6  }
0xf: {  	[smem:$0x3FA6] =	sst s7  }
0x10: {  	[smem:$0x3FA7] =	sst s8  }
0x11: {  	[smem:$0x3FA8] =	sst s9;
	s0 =	simm.s32 @!p0 $0x0  }
0x12: {  	s1 =	sld [smem:$0x3F8E];
	s0 =	simm.s32 @p0 $0x1  }
0x13: {  	[smem:$0x3FA9] =	sst s0;
	s0 =	simm.s32 @!p1 $0x0  }
0x14: {  	s2 =	sld [smem:$0x3F8D];
	s0 =	simm.s32 @p1 $0x1  }
0x15: {  	[smem:$0x3FAA] =	sst s0;
	s0 =	simm.s32 @!p2 $0x0  }
0x16: {  	s3 =	sld [smem:$0x3FDB];
	s0 =	simm.s32 @p2 $0x1  }
0x17: {  	s4 =	simm.s32 $0x1BF5;
	[smem:$0x3FAC] =	sst s0  }
0x18: {  	s0 =	sld [smem:$0x3F8F];
	_ =	swait.ge [sflag:s4], $0x0  }
0x19: {  	s7 =	sld [smem:$0x3F90]  }
0x1a: {  	s8 =	sadd.s32 $0xFFFFE003, lr  }
0x1b: {  	s9 =	sadd.s32 $0xFFFFFEF7, lr;
	s5 =	simm.s32 $0xFFFFFFFF;
	p2 =	slt.u32 s8, $0xFFFFF086  }
0x1c: {  	p1 =	slt.u32 s9, $0xF7A;
	s5 =	simm.s32 @!p2 $0x0  }
0x1d: {  	s5 =	simm.s32 @p1 $0x1;
	p0 =	seq.s32 s7, s2  }
0x1e: {  	s7 =	smul.u32 @!p0 $0xF7A, s2;
	p2 =	seq.s32 @!p0 s5, $0x0  }
0x1f: {  	s9 =	smul.u32 $0xF7A, s1;
	s8 =	simm.s32 @!p0 $0x1BF5;
	p2 =	por !p2, p0  }
0x20: {  	[sflag:s8] =	ssyncset.s32 @!p0 $0xFFFFF086;
	s6 =	sadd.s32 @!p0 s3, s7;
	s7 =	simm.s32 @!p0 $0x108  }
0x21: {  	s3 =	sadd.s32 s3, s9;
	s6 =	sadd.s32 @!p0 $0x88, s6;
	s7 =	simm.s32 @p2 $0x1082  }
0x22: {  	[simem:s7], [sflag:s8] =	dma.local @!p0 [hbm:s6], $0xF7A  }
0x23: {  	s9 =	sor.u32 $0xD0000000, s2;
	s6 =	simm.s32 $0x108;
	_ =	swait.ge @!p0 [sflag:s8], $0x0  }
0x24: {  	s3 =	sadd.s32 $0x88, s3;
	s6 =	simm.s32 @!p1 $0x1082;
	[sflag:s4] =	ssyncset.s32 $0xFFFFF086  }
0x25: {  	[simem:s6], [sflag:s4] =	dma.local [hbm:s3], $0xF7A  }
0x26: {  	[smem:$0x3F90] =	sst s1;
	(tag) =	ssettag s2;
	_ =	strace s9  }
0x27: {  	s1 =	sld [smem:$0x3FA0]  }
0x28: {  	s2 =	sld [smem:$0x3FA1]  }
0x29: {  	s4 =	sld [smem:$0x3FA3]  }
0x2a: {  	p0 =	seq.s32 s5, $0x0;
	s5 =	sld [smem:$0x3FA4]  }
0x2b: {  	s6 =	sld [smem:$0x3FA5]  }
0x2c: {  	s7 =	sld [smem:$0x3FA6]  }
0x2d: {  	s3 =	simm.s32 $0x108;
	s8 =	sld [smem:$0x3FA7]  }
0x2e: {  	s3 =	simm.s32 @!p0 $0x1082;
	s9 =	sld [smem:$0x3FA8]  }
0x2f: {  	lr =	sadd.s32 s0, s3;
	s0 =	sld [smem:$0x3F9F]  }
0x30: {  	s3 =	sld [smem:$0x3FA2]  }
0x31: {  	[smem:$0x3FAB] =	sst s10  }
0x32: {  	s10 =	sld [smem:$0x3FA9];
	_ =	sdelay $0x3  }
0x33: {  	p0 =	seq.s32 s10, $0x1;
	s10 =	sld [smem:$0x3FAB];
	_ =	sdelay $0x3  }
0x34: {  	[smem:$0x3FAB] =	sst s10  }
0x35: {  	s10 =	sld [smem:$0x3FAA];
	_ =	sdelay $0x3  }
0x36: {  	p1 =	seq.s32 s10, $0x1;
	s10 =	sld [smem:$0x3FAB];
	_ =	sdelay $0x3  }
0x37: {  	[smem:$0x3FAB] =	sst s10  }
0x38: {  	s10 =	sld [smem:$0x3FAC]  }
0x39: {  	_ = 	snop;
	(pc) =	sbr.ind lr, $3  }
0x3a: {  	_ = 	snop  }
0x3b: {  	_ = 	snop  }
0x3c: {  	p2 =	seq.s32 s10, $0x1;
	s10 =	sld [smem:$0x3FAB]  }
0x3d: {  	_ =	shalt  }
0x3e: {  	_ =	shalt  }
0x3f: {  	_ =	shalt  }
0x40: {  	_ =	shalt  }
0x41: {  	_ =	shalt  }
0x42: {  	_ =	shalt  }
0x43: {  	_ =	shalt  }
0x44: {  	_ =	shalt  }
0x45: {  	_ =	shalt  }
0x46: {  	_ =	shalt  }
0x47: {  	_ =	shalt  }
0x48: {  	_ =	shalt  }
0x49: {  	_ =	shalt  }
0x4a: {  	_ =	shalt  }
0x4b: {  	_ =	shalt  }
0x4c: {  	_ =	shalt  }
0x4d: {  	_ =	shalt  }
0x4e: {  	_ =	shalt  }
0x4f: {  	_ =	shalt  }
0x50: {  	_ =	shalt  }
0x51: {  	_ =	shalt  }
0x52: {  	_ =	shalt  }
0x53: {  	_ =	shalt  }
0x54: {  	_ =	shalt  }
0x55: {  	_ =	shalt  }
0x56: {  	_ =	shalt  }
0x57: {  	_ =	shalt  }
0x58: {  	_ =	shalt  }
0x59: {  	_ =	shalt  }
0x5a: {  	_ =	shalt  }
0x5b: {  	_ =	shalt  }
0x5c: {  	_ =	shalt  }
0x5d: {  	_ =	shalt  }
0x5e: {  	_ =	shalt  }
0x5f: {  	_ =	shalt  }
0x60: {  	_ =	shalt  }
0x61: {  	_ =	shalt  }
0x62: {  	_ =	shalt  }
0x63: {  	_ =	shalt  }
0x64: {  	_ =	shalt  }
0x65: {  	_ =	shalt  }
0x66: {  	_ =	shalt  }
0x67: {  	_ =	shalt  }
0x68: {  	_ =	shalt  }
0x69: {  	_ =	shalt  }
0x6a: {  	_ =	shalt  }
0x6b: {  	_ =	shalt  }
0x6c: {  	_ =	shalt  }
0x6d: {  	_ =	shalt  }
0x6e: {  	_ =	shalt  }
0x6f: {  	_ =	shalt  }
0x70: {  	_ =	shalt  }
0x71: {  	_ =	shalt  }
0x72: {  	_ =	shalt  }
0x73: {  	_ =	shalt  }
0x74: {  	_ =	shalt  }
0x75: {  	_ =	shalt  }
0x76: {  	_ =	shalt  }
0x77: {  	_ =	shalt  }
0x78: {  	_ =	shalt  }
0x79: {  	_ =	shalt  }
0x7a: {  	_ =	shalt  }
0x7b: {  	_ =	shalt  }
0x7c: {  	_ =	shalt  }
0x7d: {  	_ =	shalt  }
0x7e: {  	_ =	shalt  }
0x7f: {  	_ =	shalt  }
0x80: {  	_ =	shalt  }
0x81: {  	_ =	shalt  }
0x82: {  	_ =	shalt  }
0x83: {  	_ =	shalt  }
0x84: {  	_ =	shalt  }
0x85: {  	_ =	shalt  }
0x86: {  	_ =	shalt  }
0x87: {  	_ =	shalt  }
.Lfunc_end0:
.L_simem_size_0:
called_computation.1_lowered:
.L_overlay_start_0:
0x88: {  	s2 =	sld [smem:$0x3FD9]  }
0x89: {  	s3 =	sld [smem:$0x3FFE];
	_ =	sdelay $0x1  }
0x8a: {  	s1 =	srdreg.scid  }
0x8b: {  	s0 =	sand.u32 $0x1, s1  }
0x8c: {  	s17 =	sshll.u32 s0, $0xA;
	s2 =	sadd.s32 s3, s2  }
0x8d: {  	s2 =	sadd.s32 s2, s17  }
0x8e: {  	[smem:$0x3FB7] =	sst s2  }
0x8f: {  	_ = 	snop  }
0x90: {  	s2 =	sld [smem:$0x3FD0];
	(tm) =	ssettm $0x1  }
0x91: {  	s18 =	sld [smem:$0x3FFB];
	_ =	sdelay $0x3  }
0x92: {  	_ =	strace s18  }
0x93: {  	s3 =	sld [smem:$0x3FFC];
	_ =	sdelay $0x3  }
0x94: {  	_ =	strace s3  }
0x95: {  	s3 =	sld [smem:$0x3FFD];
	_ =	sdelay $0x3  }
0x96: {  	_ =	strace s3  }
0x97: {  	_ =	strace $0x8FFFFFFF  }
0x98: {  	s19 =	sld [smem:$0x3FDB];
	_ =	sdelay $0x1  }
0x99: {  	s4 =	simm.s32 $_scs_section_size  }
0x9a: {  	s5 =	simm.s32 $_size__tile_overlayer_lowered;
	s6 =	simm.s32 $_tile_overlayer_lowered  }
0x9b: {  	s22 =	simm.s32 $0x1BFF;
	s21 =	sshll.u32 s6, $0x1;
	s3 =	sadd.s32 s4, s19  }
0x9c: {  	s7 =	simm.s32 $0x0;
	s20 =	sshll.u32 s5, $0x1;
	s5 =	sadd.s32 s21, s3  }
0x9d: {  	[timem:s7], [sflag:s22] =	dma.local [hbm:s5], s20  }
0x9e: {  	_ =	swait.ge [sflag:s22], s20  }
0x9f: {  	s4 =	ssub.s32 $0x0, s20;
	[sflag:s22] =	ssyncset.done $0x0  }
0xa0: {  	[sflag:s22] =	ssyncadd.s32 s4;
	_ =	sdelay $0x1  }
0xa1: {  	s23 =	simm.s32 $0x1B8B  }
0xa2: {  	_ =	swait.ge [sflag:s23], $0x1  }
0xa3: {  	[sflag:s23] =	ssyncset.done $0x0  }
0xa4: {  	s25 =	simm.s32 $0x1B8E;
	s24 =	sld [smem:$0x3FFE];
	[sflag:s23] =	ssyncadd.s32 $0xFFFFFFFF  }
0xa5: {  	s26 =	simm.s32 $execute0_lowered;
	[smem:$0x3FD2] =	sst s25  }
0xa6: {  	s5 =	sshll.u32 s26, $0x1;
	_ =	strace $0x80000049;
	[dreg:$0x1] =	wrdreg $0xFFFFFFFF  }
0xa7: {  	s28 =	simm.s32 $_size_execute0_lowered;
	s3 =	sadd.s32 s3, s5;
	[dreg:$0x0] =	wrdreg $0x0  }
0xa8: {  	s5 =	sshll.u32 s28, $0x1;
	[dreg:$0x2] =	wrdreg s3  }
0xa9: {  	[dreg:$0x3] =	wrdreg s5  }
0xaa: {  	[dreg:$0x4] =	wrdreg $0xC0  }
0xab: {  	_ =	task [dreg:s7], $0x5FFFF  }
0xac: {  	[dreg:$0x1] =	wrdreg $0xFFFFFFFF  }
0xad: {  	[dreg:$0x0] =	wrdreg $0x60  }
0xae: {  	[dreg:$0x2] =	wrdreg s24  }
0xaf: {  	[dreg:$0x3] =	wrdreg s2  }
0xb0: {  	[dreg:$0x4] =	wrdreg $0x9  }
0xb1: {  	_ =	task.clear_ibuf [dreg:s7], $0x5FFFF;
	_ =	strace $0x90000049  }
0xb2: {  	s29 =	simm.s32 $0x9;
	_ =	strace $0x8000004B  }
0xb3: {  	_ =	swait.ge [sflag:s29], $0x1  }
0xb4: {  	[sflag:s29] =	ssyncadd.s32 $0xFFFFFFFF  }
0xb5: {  	_ =	strace $0x9000004B  }
0xb6: {  	_ =	sfence  }
0xb7: {  	s30 =	sld [smem:$0x0];
	_ =	sdelay $0x2  }
0xb8: {  	s31 =	sshll.u32 s1, $0xD;
	s1 =	sshrl.u32 s1, $0x2  }
0xb9: {  	s3 =	sand.u32 $0x4000, s31;
	s1 =	sadd.s32 s1, s30  }
0xba: {  	s0 =	sor.u32 s3, s0;
	s1 =	sshll.u32 s1, $0x11  }
0xbb: {  	s0 =	sor.u32 s1, s0  }
0xbc: {  	s0 =	sadd.s32 $0x8F2B, s0  }
0xbd: {  	[sflag:s0] =	ssyncadd.remote.s32 $0x1  }
0xbe: {  	_ =	sfence.sel $0xFFFF  }
0xbf: {  	[dreg:$0x0] =	wrdreg $0xFFFFFFFF;
	(pc) =	sbr.abs _section_cstart, $3  }
0xc0: {  	[dreg:$0x1] =	wrdreg $0xFFFFFFFF  }
0xc1: {  	_ =	task.clear_ibuf [dreg:s7], $0x2FFFF;
	_ =	strace $0x9FFFFFFF  }
0xc2: {  	(tm) =	ssettm $0x7FFFFFFF  }
0xc3: {  	_ =	shalt  }
tec
execute0_lowered:
.L_overlay_start_1:
0x0: {  	(tag) =	ssettag $0x1  }
0x1: {  	s0 =	rddreg [dreg:$0x0];
	s1 =	srdreg.scid  }
0x2: {  	s2 =	stileid.u32;
	s6 =	rddreg [dreg:$0x1]  }
0x3: {  	s13 =	simm.s32 $0x1;
	s16 =	simm.s32 $0x8400;
	s17 =	simm.s32 $0xAC00  }
0x4: {  	s19 =	simm.s32 $0xAD80;
	s1 =	sand.u32 $0x1, s1;
	s3 =	sshll.u32 s2, $0x1  }
0x5: {  	s20 =	simm.s32 $0xAF00;
	s21 =	simm.s32 $0x1EF00;
	s11 =	sor.u32 s1, s3  }
0x6: {  	s22 =	simm.s32 $0x0;
	s2 =	simm.s32 $0x0;
	s4 =	smul.u32 $0x30, s11  }
0x7: {  	[smem:$0x7FF] =	sst s2;
	s3 =	sadd.s32 $0x4C200, s0;
	s7 =	smul.u32 $0x580, s11  }
0x8: {  	s1 =	ssub.s32 $0x2, s1;
	s5 =	sshll.u32 s11, $0x4;
	s11 =	smul.u32 $0xC000, s11  }
.Ltmp0:
0x9: {  	_ =	strace $0x8000004A;
	s31 =	sshrl.u32 s1, $0x1;
	(pc) =	sbr.rel .LBB2_1-.Ltmp0, $4  }
0xa: {  	s10 =	sadd.s32 s5, s0;
	s5 =	sadd.s32 $0x74E00, s0;
	s9 =	sadd.s32 s4, s0  }
0xb: {  	s4 =	sadd.s32 $0x74800, s0;
	s8 =	sadd.s32 s7, s0;
	s0 =	ssub.s32 s1, s31  }
0xc: {  	s6 =	sadd.s32 s6, s7;
	s10 =	sadd.s32 $0x4C000, s10;
	s7 =	sadd.s32 $0x36000, s8  }
0xd: {  	v25 =	vimm.f32 $0.0e+00;
	s8 =	sadd.s32 $0x2B000, s8;
	s9 =	sadd.s32 $0x74200, s9;
	s12 =	smax.u32 s0, $0x1  }
.LBB2_51:
0xe: {  	s22 =	sadd.s32 $0x1, s22  }
0xf: {  	p0 =	sne.s32 s22, s12  }
.Ltmp1:
0x10: {  	_ = 	snop;
	(pc) =	sbr.rel @!p0 .LBB2_52-.Ltmp1, $1  }
0x11: {  	_ =	sdelay $0x3  }
.LBB2_1:
0x12: {  	[tilespmem:s2], [sflag:$0x1] =	stream.linear.gather [hbm4b:s6+s2], $0x2C00, $0x38;
	[tilespmem:$0x1FB80] =	vst v63  }
0x13: {  	_ =	swait.ge [sflag:s13], $0x2C00  }
0x14: {  	[sflag:s13] =	ssyncset.done $0x0  }
0x15: {  	s0 =	simm.s32 $0x2C00;
	[sflag:s13] =	ssyncadd.s32 $0xFFFFD400  }
0x16: {  	[tilespmem:s0], [sflag:$0x1] =	stream.linear.gather [hbm4b:s7+s2], $0x2C00, $0x38;
	[tilespmem:$0x1FB80] =	vst v63  }
0x17: {  	_ =	swait.ge [sflag:s13], $0x2C00  }
0x18: {  	[sflag:s13] =	ssyncset.done $0x0  }
0x19: {  	s29 =	simm.s32 $0x5800;
	[sflag:s13] =	ssyncadd.s32 $0xFFFFD400  }
0x1a: {  	[tilespmem:s29], [sflag:$0x1] =	stream.linear.gather [hbm4b:s8+s2], $0x2C00, $0x38;
	[tilespmem:$0x1FB80] =	vst v63  }
0x1b: {  	_ =	swait.ge [sflag:s13], $0x2C00  }
0x1c: {  	[sflag:s13] =	ssyncset.done $0x0  }
0x1d: {  	[sflag:s13] =	ssyncadd.s32 $0xFFFFD400  }
0x1e: {  	[tilespmem:s16], [sflag:$0x1] =	stream.linear.gather [hbm4b:s4+s2], $0x2800, $0x38;
	[tilespmem:$0x1FB80] =	vst v63  }
0x1f: {  	_ =	swait.ge [sflag:s13], $0x2800  }
0x20: {  	[sflag:s13] =	ssyncset.done $0x0  }
0x21: {  	[sflag:s13] =	ssyncadd.s32 $0xFFFFD800  }
0x22: {  	[tilespmem:s17], [sflag:$0x1] =	stream.linear.gather [hbm4b:s9+s2], $0x180, $0x38;
	[tilespmem:$0x1FB80] =	vst v63  }
0x23: {  	_ =	swait.ge [sflag:s13], $0x180  }
0x24: {  	[sflag:s13] =	ssyncset.done $0x0  }
0x25: {  	s30 =	simm.s32 $0x1FB00;
	[sflag:s13] =	ssyncadd.s32 $0xFFFFFE80  }
0x26: {  	[tilespmem:s30], [sflag:$0x1] =	stream.linear.gather [hbm4b:s10+s2], $0x80, $0x38;
	[tilespmem:$0x1FB80] =	vst v63  }
0x27: {  	_ =	swait.ge [sflag:s13], $0x80  }
0x28: {  	[sflag:s13] =	ssyncset.done $0x0  }
0x29: {  	[sflag:s13] =	ssyncadd.s32 $0xFFFFFF80  }
0x2a: {  	v1 =	vld [tilespmem:$0x1FB00];
	_ =	sdelay $0x4  }
0x2b: {  	v1 =	vxor.u32 $0x80000000, v1  }
0x2c: {  	(xrf0) =	vmax.scan.msk.u32 $0xffff, v1;
	_ =	sdelay $0x5  }
0x2d: {  	v1, _, _ =	vpop (xrf0)  }
0x2e: {  	(v2sf) =	vpush v1, $0xF;
	_ =	sdelay $0x8  }
0x2f: {  	[tilespmem:$0xAD80] =	vst v25  }
0x30: {  	[tilespmem:$0xAD90] =	vst v25  }
0x31: {  	[tilespmem:$0xADA0] =	vst v25  }
0x32: {  	[tilespmem:$0xADB0] =	vst v25  }
0x33: {  	[tilespmem:$0xADC0] =	vst v25  }
0x34: {  	[tilespmem:$0xADD0] =	vst v25  }
0x35: {  	[tilespmem:$0xADE0] =	vst v25;
	s31 =	spop (v2sf)  }
0x36: {  	[tilespmem:$0xADF0] =	vst v25;
	s0 =	sadd.s32 $0x8000000F, s31  }
0x37: {  	[tilespmem:$0xAE00] =	vst v25;
	s1 =	sshra.s32 s0, $0x1F  }
0x38: {  	[tilespmem:$0xAE10] =	vst v25;
	s1 =	sshrl.u32 s1, $0x1C  }
0x39: {  	[tilespmem:$0xAE20] =	vst v25;
	s0 =	sadd.s32 s1, s0  }
0x3a: {  	[tilespmem:$0xAE30] =	vst v25;
	s23 =	sshra.s32 s0, $0x4  }
0x3b: {  	[tilespmem:$0xAE40] =	vst v25;
	s0 =	sshrl.u32 s23, $0x1E  }
0x3c: {  	[tilespmem:$0xAE50] =	vst v25;
	s0 =	sadd.s32 s0, s23  }
0x3d: {  	[tilespmem:$0xAE60] =	vst v25;
	s24 =	sand.u32 $0xFFFFFFFC, s0  }
0x3e: {  	[tilespmem:$0xAE70] =	vst v25;
	p0 =	slt.s32 s24, $0x1  }
.Ltmp2:
0x3f: {  	[tilespmem:$0xAE80] =	vst v25;
	(pc) =	sbr.rel @p0 .LBB2_4-.Ltmp2, $4  }
0x40: {  	[tilespmem:$0xAE90] =	vst v25  }
0x41: {  	[tilespmem:$0xAEA0] =	vst v25  }
0x42: {  	[tilespmem:$0xAEB0] =	vst v25  }
0x43: {  	[tilespmem:$0xAEC0] =	vst v25  }
0x44: {  	s0 =	simm.s32 $0x5820  }
0x45: {  	v15 =	vld [tilespmem:s0+$0xFFFFFFF0]  }
0x46: {  	v4 =	vld [tilespmem:s0+$0x0]  }
0x47: {  	s1 =	simm.s32 $0x20;
	v5 =	vld [tilespmem:s0+$0x10]  }
0x48: {  	s14 =	simm.s32 $0x2C20;
	v6 =	vld [tilespmem:s1+$0x10]  }
0x49: {  	v9 =	vld [tilespmem:s14+$0x10]  }
0x4a: {  	v7 =	vld [tilespmem:s1+$0x0]  }
0x4b: {  	v3 =	vld [tilespmem:s14+$0x0]  }
0x4c: {  	v8 =	vld [tilespmem:s1+$0xFFFFFFF0]  }
0x4d: {  	v1 =	vld [tilespmem:s14+$0xFFFFFFF0]  }
0x4e: {  	v2 =	vld [tilespmem:s14+$0xFFFFFFE0]  }
0x4f: {  	v10 =	vld [tilespmem:s1+$0xFFFFFFE0]  }
0x50: {  	v6 =	vld.idx.msk [tilespmem:v6+s16+$0x0], $0xffff  }
0x51: {  	p2 =	sgt.s32 s24, $0x4;
	v11 =	vld.idx.msk [tilespmem:v9+s17+$0x0], $0xffff  }
.Ltmp3:
0x52: {  	v13 =	vld.idx.msk [tilespmem:v7+s16+$0x0], $0xffff;
	(pc) =	sbr.rel @!p2 .LBB2_3-.Ltmp3, $4  }
0x53: {  	v17 =	vld.idx.msk [tilespmem:v3+s17+$0x0], $0xffff  }
0x54: {  	v12 =	vld.idx.msk [tilespmem:v8+s16+$0x0], $0xffff  }
0x55: {  	v18 =	vld.idx.msk [tilespmem:v1+s17+$0x0], $0xffff  }
0x56: {  	p1 =	por $0x0, $0x0;
	v8 =	vld.idx.msk [tilespmem:v2+s17+$0x0], $0xffff;
	v20 =	vadd.f32 v6, v11  }
0x57: {  	_ =	sdelay $0x2  }
0x58: {  	v6 =	vadd.f32 v13, v17;
	v5 =	vadd.f32 v20, v5  }
0x59: {  	v10 =	vld.idx.msk [tilespmem:v10+s16+$0x0], $0xffff  }
0x5a: {  	v13 =	vadd.f32 v6, v4;
	v6 =	vmul.f32 $9.999999770e-03, v5;
	v12 =	vadd.f32 v12, v18  }
0x5b: {  	vm0 =	vge.f32 v5, $0.0e+00  }
0x5c: {  	v11 =	vld [tilespmem:s0+$0xFFFFFFE0];
	s1 =	simm.s32 $0x5860;
	v6 =	vsel vm0, v5, v6;
	v12 =	vadd.f32 v12, v15  }
0x5d: {  	s14 =	simm.s32 $0x60;
	v7 =	vld [tilespmem:s1+$0xFFFFFFF0];
	v14 =	vmul.f32 $9.999999770e-03, v13;
	v15 =	vmul.f32 $1.442695020e+00, v6  }
0x5e: {  	s25 =	simm.s32 $0x2C60;
	v17 =	vld [tilespmem:s14+$0x10];
	vm0 =	vge.f32 v13, $0.0e+00;
	v8 =	vadd.f32 v10, v8;
	v16 =	vmul.f32 $9.999999770e-03, v12  }
0x5f: {  	v19 =	vld [tilespmem:s25+$0xFFFFFFE0];
	v13 =	vsel vm0, v13, v14;
	vm0 =	vge.f32 v12, $0.0e+00;
	(erf) = vpow2.f32 v15  }
0x60: {  	v4 =	vld [tilespmem:s1+$0x0];
	v13 =	vmul.f32 $1.442695020e+00, v13;
	v12 =	vsel vm0, v12, v16  }
0x61: {  	v6 =	vld [tilespmem:s25+$0x10];
	v8 =	vadd.f32 v8, v11;
	v12 =	vmul.f32 $1.442695020e+00, v12  }
0x62: {  	v14 =	vld [tilespmem:s14+$0x0];
	(erf) = vpow2.f32 v13  }
0x63: {  	v15 =	vld [tilespmem:s25+$0x0];
	(erf) = vpow2.f32 v12;
	v12 =	vmul.f32 $9.999999770e-03, v8  }
0x64: {  	v18 =	vld [tilespmem:s14+$0xFFFFFFF0];
	vm1 =	vge.f32 v8, $0.0e+00  }
0x65: {  	v5 =	vld [tilespmem:s1+$0x10];
	v8 =	vsel vm1, v8, v12  }
0x66: {  	v16 =	vld [tilespmem:s25+$0xFFFFFFF0];
	vm0 =	vlt.s32 v9, $0x140;
	v8 =	vmul.f32 $1.442695020e+00, v8  }
0x67: {  	v10 =	vld [tilespmem:s14+$0xFFFFFFE0]  }
0x68: {  	v11 =	vld.idx.msk [tilespmem:v17+s16+$0x0], $0xffff;
	v21 =	vpop (erf);
	(erf) = vpow2.f32 v8  }
0x69: {  	v20 =	vld.idx.msk [tilespmem:v6+s17+$0x0], $0xffff  }
0x6a: {  	p2 =	sgt.s32 s24, $0x8;
	vm1 =	vlt.s32 v3, $0x140;
	v13 =	vld.idx.msk [tilespmem:v14+s16+$0x0], $0xffff  }
.Ltmp4:
0x6b: {  	v17 =	vld.idx.msk [tilespmem:v15+s17+$0x0], $0xffff;
	(pc) =	sbr.rel @!p2 .LBB2_11-.Ltmp4, $4  }
0x6c: {  	[tilespmem:v9+s19+$0x0] =	vst.idx.add.f32.msk vm0, v21;
	vm0 =	vlt.s32 v1, $0x140  }
0x6d: {  	vm2 =	vlt.s32 v2, $0x140;
	v12 =	vld.idx.msk [tilespmem:v18+s16+$0x0], $0xffff  }
0x6e: {  	v18 =	vld.idx.msk [tilespmem:v16+s17+$0x0], $0xffff;
	v14 =	vpop (erf)  }
0x6f: {  	s26 =	simm.s32 $0x8;
	p1 =	por $0x1, $0x1;
	s28 =	simm.s32 $0x5860;
	v8 =	vld.idx.msk [tilespmem:v19+s17+$0x0], $0xffff;
	[tilespmem:s0+$0x10] =	vst v21;
	v20 =	vadd.f32 v11, v20;
	v11 =	vpop (erf)  }
.LBB2_12:
0x70: {  	s26 =	sadd.s32 $0x4, s26;
	[tilespmem:v3+s19+$0x0] =	vst.idx.add.f32.msk vm1, v14;
	v3 =	vmov v15  }
0x71: {  	p2 =	slt.s32 s26, s24;
	v9 =	vld.idx.msk [tilespmem:v10+s16+$0x0], $0xffff;
	v10 =	vadd.f32 v13, v17;
	v5 =	vadd.f32 v20, v5;
	[tilespmem:s0+$0x0] =	vst v14;
	v13 =	vpop (erf)  }
0x72: {  	[tilespmem:v1+s19+$0x0] =	vst.idx.add.f32.msk vm0, v11;
	v1 =	vmov v16  }
0x73: {  	v10 =	vadd.f32 v10, v4;
	v4 =	vmul.f32 $9.999999770e-03, v5;
	[tilespmem:v2+s19+$0x0] =	vst.idx.add.f32.msk vm2, v13;
	v2 =	vmov v19  }
0x74: {  	s28 =	sadd.s32 $0x40, s28;
	v12 =	vadd.f32 v12, v18;
	vm0 =	vge.f32 v5, $0.0e+00;
	v14 =	vld [tilespmem:s1+$0xFFFFFFE0];
	[tilespmem:s0+$0xFFFFFFE0] =	vst v13  }
0x75: {  	v13 =	vld [tilespmem:s28+$0xFFFFFFF0];
	v15 =	vmul.f32 $9.999999770e-03, v10;
	v16 =	vsel vm0, v5, v4;
	[tilespmem:s0+$0xFFFFFFF0] =	vst v11;
	s0 =	smov.u32 s1;
	s1 =	smov.u32 s28  }
0x76: {  	v11 =	vadd.f32 v12, v7;
	vm0 =	vge.f32 v10, $0.0e+00;
	v4 =	vld [tilespmem:s28+$0x0]  }
0x77: {  	s14 =	sadd.s32 $0x40, s14;
	v0 =	vadd.f32 v9, v8;
	v9 =	vmul.f32 $1.442695020e+00, v16;
	v5 =	vld [tilespmem:s28+$0x10];
	v8 =	vsel vm0, v10, v15  }
0x78: {  	s25 =	sadd.s32 $0x40, s25;
	v10 =	vmul.f32 $9.999999770e-03, v11;
	v12 =	vld [tilespmem:s14+$0x10];
	v8 =	vmul.f32 $1.442695020e+00, v8  }
0x79: {  	vm0 =	vge.f32 v11, $0.0e+00;
	v18 =	vld [tilespmem:s25+$0x10];
	v14 =	vadd.f32 v0, v14  }
0x7a: {  	v17 =	vld [tilespmem:s14+$0x0];
	(erf) = vpow2.f32 v9;
	v7 =	vmov v13  }
0x7b: {  	v10 =	vsel vm0, v11, v10;
	v15 =	vld [tilespmem:s25+$0x0];
	v9 =	vmul.f32 $9.999999770e-03, v14;
	(erf) = vpow2.f32 v8  }
0x7c: {  	v11 =	vmul.f32 $1.442695020e+00, v10;
	vm0 =	vge.f32 v14, $0.0e+00;
	v8 =	vld [tilespmem:s14+$0xFFFFFFF0]  }
0x7d: {  	v16 =	vld [tilespmem:s25+$0xFFFFFFF0];
	v9 =	vsel vm0, v14, v9  }
0x7e: {  	vm2 =	vlt.s32 v6, $0x140;
	v10 =	vld [tilespmem:s14+$0xFFFFFFE0];
	v9 =	vmul.f32 $1.442695020e+00, v9;
	(erf) = vpow2.f32 v11  }
0x7f: {  	v19 =	vld [tilespmem:s25+$0xFFFFFFE0]  }
0x80: {  	v11 =	vld.idx.msk [tilespmem:v12+s16+$0x0], $0xffff;
	(erf) = vpow2.f32 v9  }
0x81: {  	v9 =	vld.idx.msk [tilespmem:v18+s17+$0x0], $0xffff  }
0x82: {  	vm1 =	vlt.s32 v3, $0x140;
	v13 =	vld.idx.msk [tilespmem:v17+s16+$0x0], $0xffff  }
.Ltmp5:
0x83: {  	v17 =	vld.idx.msk [tilespmem:v15+s17+$0x0], $0xffff;
	v20 =	vpop (erf);
	(pc) =	sbr.rel @p2 .LBB2_12-.Ltmp5, $4  }
0x84: {  	vm0 =	vlt.s32 v1, $0x140;
	[tilespmem:v6+s19+$0x0] =	vst.idx.add.f32.msk vm2, v20;
	v14 =	vpop (erf);
	v6 =	vmov v18  }
0x85: {  	vm2 =	vlt.s32 v2, $0x140;
	v12 =	vld.idx.msk [tilespmem:v8+s16+$0x0], $0xffff;
	[tilespmem:s0+$0x10] =	vst v20  }
0x86: {  	v18 =	vld.idx.msk [tilespmem:v16+s17+$0x0], $0xffff  }
0x87: {  	v20 =	vadd.f32 v11, v9;
	v8 =	vld.idx.msk [tilespmem:v19+s17+$0x0], $0xffff;
	v11 =	vpop (erf)  }
0x88: {  	v21 =	vmov v3;
	v22 =	vmov v1;
	v23 =	vmov v2  }
0x89: {  	s14 =	smov.u32 s0;
	v3 =	vmovc v15;
	v1 =	vmovc v16;
	v2 =	vmov v19;
	s0 =	smov.u32 s1;
	v15 =	vmov v7;
	v9 =	vmov v6  }
.LBB2_14:
0x8a: {  	_ =	sdelay $0x3  }
0x8b: {  	v6 =	vld.idx.msk [tilespmem:v10+s16+$0x0], $0xffff  }
0x8c: {  	v5 =	vadd.f32 v20, v5;
	v7 =	vadd.f32 v13, v17  }
0x8d: {  	v53 =	vld [tilespmem:s0+$0xFFFFFFE0];
	v55 =	vadd.f32 v12, v18  }
0x8e: {  	v54 =	vmul.f32 $9.999999770e-03, v5;
	v4 =	vadd.f32 v7, v4  }
0x8f: {  	vm3 =	vge.f32 v5, $0.0e+00;
	v7 =	vadd.f32 v55, v15  }
0x90: {  	v5 =	vsel vm3, v5, v54;
	v56 =	vmul.f32 $9.999999770e-03, v4;
	v6 =	vadd.f32 v6, v8  }
0x91: {  	vm9 =	vge.f32 v4, $0.0e+00;
	v5 =	vmul.f32 $1.442695020e+00, v5  }
0x92: {  	v57 =	vmul.f32 $9.999999770e-03, v7;
	v4 =	vsel vm9, v4, v56;
	v6 =	vadd.f32 v6, v53  }
0x93: {  	vm10 =	vge.f32 v7, $0.0e+00;
	(erf) = vpow2.f32 v5;
	v4 =	vmul.f32 $1.442695020e+00, v4  }
0x94: {  	v7 =	vsel vm10, v7, v57;
	v58 =	vmul.f32 $9.999999770e-03, v6  }
0x95: {  	v59 =	vmul.f32 $1.442695020e+00, v7;
	vm11 =	vge.f32 v6, $0.0e+00;
	(erf) = vpow2.f32 v4  }
0x96: {  	v5 =	vsel vm11, v6, v58  }
0x97: {  	vm12 =	vlt.s32 v9, $0x140;
	[tilespmem:v21+s19+$0x0] =	vst.idx.add.f32.msk @p1 vm1, v14;
	(erf) = vpow2.f32 v59;
	v5 =	vmul.f32 $1.442695020e+00, v5  }
0x98: {  	[tilespmem:v22+s19+$0x0] =	vst.idx.add.f32.msk @p1 vm0, v11  }
0x99: {  	vm13 =	vlt.s32 v3, $0x140;
	[tilespmem:s14+$0x0] =	vst @p1 v14;
	(erf) = vpow2.f32 v5  }
0x9a: {  	[tilespmem:s14+$0xFFFFFFF0] =	vst @p1 v11;
	v4 =	vpop @p1 (erf)  }
0x9b: {  	vm14 =	vlt.s32 v1, $0x140;
	[tilespmem:v23+s19+$0x0] =	vst.idx.add.f32.msk @p1 vm2, v4  }
0x9c: {  	[tilespmem:s14+$0xFFFFFFE0] =	vst @p1 v4;
	v60 =	vpop (erf)  }
0x9d: {  	vm15 =	vlt.s32 v2, $0x140;
	[tilespmem:v9+s19+$0x0] =	vst.idx.add.f32.msk vm12, v60  }
0x9e: {  	v61 =	vpop (erf);
	[tilespmem:s0+$0x10] =	vst v60  }
0x9f: {  	[tilespmem:v3+s19+$0x0] =	vst.idx.add.f32.msk vm13, v61  }
0xa0: {  	v62 =	vpop (erf);
	[tilespmem:s0+$0x0] =	vst v61  }
0xa1: {  	[tilespmem:v1+s19+$0x0] =	vst.idx.add.f32.msk vm14, v62  }
0xa2: {  	[tilespmem:s0+$0xFFFFFFF0] =	vst v62;
	v63 =	vpop (erf)  }
0xa3: {  	[tilespmem:v2+s19+$0x0] =	vst.idx.add.f32.msk vm15, v63  }
0xa4: {  	[tilespmem:s0+$0xFFFFFFE0] =	vst v63  }
.LBB2_4:
0xa5: {  	s25 =	ssub.s32 s23, s24  }
0xa6: {  	p1 =	slt.s32 s25, $0x1  }
.Ltmp6:
0xa7: {  	_ = 	snop;
	(pc) =	sbr.rel @p1 .LBB2_7-.Ltmp6, $3  }
0xa8: {  	_ =	sdelay $0x1  }
0xa9: {  	s0 =	sshll.u32 s23, $0x6;
	s1 =	sshll.u32 s25, $0x6  }
0xaa: {  	s1 =	ssub.s32 s0, s1  }
0xab: {  	s0 =	sshra.s32 s1, $0x2  }
0xac: {  	s28 =	smov.u32 s24;
	s14 =	sadd.s32 $0x2C00, s0;
	s26 =	sadd.s32 $0x5800, s0  }
.LBB2_6:
0xad: {  	v1 =	vld [tilespmem:s14+$0x0]  }
0xae: {  	v2 =	vld [tilespmem:s0+$0x0];
	_ =	sdelay $0x6  }
0xaf: {  	v3 =	vld.idx.msk [tilespmem:v1+s17+$0x0], $0xffff  }
0xb0: {  	v2 =	vld.idx.msk [tilespmem:v2+s16+$0x0], $0xffff;
	_ =	sdelay $0x1  }
0xb1: {  	v4 =	vld [tilespmem:s26+$0x0];
	_ =	sdelay $0x2  }
0xb2: {  	v2 =	vadd.f32 v2, v3;
	_ =	sdelay $0x1  }
0xb3: {  	v2 =	vadd.f32 v2, v4;
	_ =	sdelay $0x1  }
0xb4: {  	v63 =	vmul.f32 $9.999999770e-03, v2  }
0xb5: {  	vm0 =	vge.f32 v2, $0.0e+00  }
0xb6: {  	v2 =	vsel vm0, v2, v63  }
0xb7: {  	v2 =	vmul.f32 $1.442695020e+00, v2;
	_ =	sdelay $0x1  }
0xb8: {  	(erf) = vpow2.f32 v2;
	_ =	sdelay $0x3  }
0xb9: {  	vm15 =	vlt.s32 v1, $0x140  }
0xba: {  	s28 =	sadd.s32 $0x1, s28  }
0xbb: {  	p2 =	slt.s32 s28, s23  }
.Ltmp7:
0xbc: {  	_ = 	snop;
	(pc) =	sbr.rel @p2 .LBB2_6-.Ltmp7, $4  }
0xbd: {  	_ = 	snop  }
0xbe: {  	v2 =	vpop (erf)  }
0xbf: {  	[tilespmem:v1+s19+$0x0] =	vst.idx.add.f32.msk vm15, v2  }
0xc0: {  	s14 =	sadd.s32 $0x10, s14;
	s0 =	sadd.s32 $0x10, s0;
	[tilespmem:s26+$0x0] =	vst v2;
	s26 =	sadd.s32 $0x10, s26  }
.LBB2_7:
.Ltmp8:
0xc1: {  	(pc) =	sbr.rel @p0 .LBB2_15-.Ltmp8, $1  }
0xc2: {  	_ =	sdelay $0x3  }
0xc3: {  	s14 =	simm.s32 $0x2C20  }
0xc4: {  	v5 =	vld [tilespmem:s14+$0x10]  }
0xc5: {  	v1 =	vld [tilespmem:s14+$0xFFFFFFF0]  }
0xc6: {  	v4 =	vld [tilespmem:s14+$0xFFFFFFE0];
	_ =	sdelay $0x2  }
0xc7: {  	p4 =	sgt.s32 s24, $0x4;
	v7 =	vld [tilespmem:s14+$0x0]  }
.Ltmp9:
0xc8: {  	_ = 	snop;
	(pc) =	sbr.rel @!p4 .LBB2_9-.Ltmp9, $4  }
0xc9: {  	_ = 	snop  }
0xca: {  	v2 =	vld.idx.msk [tilespmem:v5+s19+$0x0], $0xffff  }
0xcb: {  	s0 =	simm.s32 $0x5820;
	v3 =	vld.idx.msk [tilespmem:v1+s19+$0x0], $0xffff  }
0xcc: {  	p2 =	por $0x0, $0x0;
	p3 =	por $0x0, $0x0;
	s14 =	simm.s32 $0x2C60;
	vm5 =	vlt.s32 v1, $0x140;
	vm1 =	vlt.s32 v7, $0x140;
	vm0 =	vlt.s32 v4, $0x140;
	v4 =	vld.idx.msk [tilespmem:v4+s19+$0x0], $0xffff  }
0xcd: {  	v1 =	vld [tilespmem:s14+$0x10]  }
0xce: {  	v8 =	vld [tilespmem:s14+$0xFFFFFFF0]  }
0xcf: {  	v9 =	vld [tilespmem:s14+$0xFFFFFFE0];
	_ =	sdelay $0x1  }
0xd0: {  	v14 =	vld [tilespmem:s14+$0x0]  }
0xd1: {  	v7 =	vld.idx.msk [tilespmem:v7+s19+$0x0], $0xffff;
	p4 =	sgt.s32 s24, $0x8  }
.Ltmp10:
0xd2: {  	v2 =	vadd.f32 $1.000000020e-16, v2;
	(pc) =	sbr.rel @!p4 .LBB2_35-.Ltmp10, $4  }
0xd3: {  	vm2 =	vmmov vm5;
	vm4 =	vmmov vm1;
	v6 =	vld [tilespmem:s0+$0x10];
	v3 =	vadd.f32 $1.000000020e-16, v3  }
0xd4: {  	vm3 =	vmmov vm0;
	(erf) = vrcp.f32 v2;
	v4 =	vadd.f32 $1.000000020e-16, v4;
	v2 =	vld.idx.msk [tilespmem:v1+s19+$0x0], $0xffff  }
0xd5: {  	(erf) = vrcp.f32 v3;
	vm5 =	vlt.s32 v8, $0x140;
	vm1 =	vlt.s32 v14, $0x140;
	v3 =	vld.idx.msk [tilespmem:v8+s19+$0x0], $0xffff  }
0xd6: {  	s14 =	simm.s32 $0x2CA0;
	p2 =	por $0x1, $0x1;
	vm0 =	vlt.s32 v9, $0x140;
	v10 =	vadd.f32 $1.000000020e-16, v7;
	(erf) = vrcp.f32 v4;
	v4 =	vld.idx.msk [tilespmem:v9+s19+$0x0], $0xffff  }
0xd7: {  	_ =	sdelay $0x1  }
0xd8: {  	v7 =	vld [tilespmem:s14+$0x10]  }
0xd9: {  	v11 =	vld [tilespmem:s14+$0xFFFFFFF0]  }
0xda: {  	v9 =	vld [tilespmem:s14+$0x0];
	(erf) = vrcp.f32 v10;
	v2 =	vadd.f32 $1.000000020e-16, v2  }
0xdb: {  	v13 =	vld [tilespmem:s14+$0xFFFFFFE0]  }
0xdc: {  	v12 =	vld [tilespmem:s0+$0xFFFFFFE0];
	v3 =	vadd.f32 $1.000000020e-16, v3;
	v8 =	vpop (erf);
	(erf) = vrcp.f32 v2  }
0xdd: {  	vm6 =	vmmov vm2;
	v10 =	vld.idx.msk [tilespmem:v14+s19+$0x0], $0xffff;
	v4 =	vadd.f32 $1.000000020e-16, v4  }
0xde: {  	vm2 =	vmmov vm5;
	vm5 =	vlt.s32 v5, $0x140;
	v5 =	vld [tilespmem:s0+$0xFFFFFFF0];
	p4 =	sgt.s32 s24, $0xC;
	v14 =	vpop (erf);
	(erf) = vrcp.f32 v3  }
.Ltmp11:
0xdf: {  	v6 =	vmul.f32 v8, v6;
	v8 =	vld [tilespmem:s0+$0x0];
	v16 =	vpop (erf);
	(erf) = vrcp.f32 v4;
	(pc) =	sbr.rel @!p4 .LBB2_37-.Ltmp11, $4  }
0xe0: {  	vm7 =	vmmov vm4;
	vm8 =	vmmov vm3;
	s14 =	simm.s32 $0x5860;
	v2 =	vld.idx.msk [tilespmem:v7+s19+$0x0], $0xffff  }
0xe1: {  	vm4 =	vmmov vm1;
	vm3 =	vmmov vm0;
	v15 =	vnsel vm5, $0x0, v6;
	v6 =	vld [tilespmem:s14+$0x10]  }
0xe2: {  	s28 =	simm.s32 $0xC;
	vm1 =	vlt.s32 v9, $0x140;
	v10 =	vadd.f32 $1.000000020e-16, v10;
	v3 =	vld.idx.msk [tilespmem:v11+s19+$0x0], $0xffff;
	v12 =	vmul.f32 v16, v12  }
0xe3: {  	s29 =	simm.s32 $0x2CE0;
	p3 =	por $0x1, $0x1;
	s26 =	simm.s32 $0x5820;
	vm0 =	vlt.s32 v13, $0x140;
	v4 =	vld.idx.msk [tilespmem:v13+s19+$0x0], $0xffff;
	v13 =	vmul.f32 v14, v5;
	vm5 =	vlt.s32 v11, $0x140;
	[tilespmem:s0+$0x10] =	vst v15;
	v11 =	vpop (erf)  }
.LBB2_38:
0xe4: {  	v5 =	vld [tilespmem:s29+$0x10];
	s28 =	sadd.s32 $0x4, s28;
	(erf) = vrcp.f32 v10;
	v10 =	vnsel vm8, $0x0, v12;
	v8 =	vmul.f32 v11, v8  }
0xe5: {  	v12 =	vld [tilespmem:s29+$0xFFFFFFF0];
	p4 =	slt.s32 s28, s24;
	v11 =	vpop (erf);
	[tilespmem:s26+$0xFFFFFFE0] =	vst v10;
	v10 =	vnsel vm6, $0x0, v13;
	vm6 =	vmmov vm2;
	vm2 =	vmmov vm5  }
0xe6: {  	v2 =	vadd.f32 $1.000000020e-16, v2;
	v13 =	vld [tilespmem:s29+$0x0];
	v6 =	vmul.f32 v11, v6;
	[tilespmem:s26+$0xFFFFFFF0] =	vst v10;
	v8 =	vnsel vm7, $0x0, v8  }
0xe7: {  	vm5 =	vlt.s32 v1, $0x140;
	v1 =	vmov v7;
	vm7 =	vmmov vm4;
	v14 =	vld [tilespmem:s29+$0xFFFFFFE0];
	v15 =	vpop (erf);
	[tilespmem:s26+$0x0] =	vst v8;
	s26 =	smov.u32 s14  }
0xe8: {  	v3 =	vadd.f32 $1.000000020e-16, v3;
	v10 =	vld.idx.msk [tilespmem:v9+s19+$0x0], $0xffff;
	(erf) = vrcp.f32 v2;
	v2 =	vnsel vm5, $0x0, v6;
	v16 =	vpop (erf)  }
0xe9: {  	vm8 =	vmmov vm3;
	vm4 =	vmmov vm1;
	v4 =	vadd.f32 $1.000000020e-16, v4;
	v17 =	vld [tilespmem:s14+$0xFFFFFFE0];
	[tilespmem:s14+$0x10] =	vst v2;
	v7 =	vmovc v5  }
0xea: {  	vm3 =	vmmov vm0;
	vm5 =	vlt.s32 v12, $0x140;
	(erf) = vrcp.f32 v3;
	v18 =	vld [tilespmem:s14+$0xFFFFFFF0]  }
.Ltmp12:
0xeb: {  	vm1 =	vlt.s32 v13, $0x140;
	(erf) = vrcp.f32 v4;
	v8 =	vld [tilespmem:s14+$0x0];
	v9 =	vmov v13;
	(pc) =	sbr.rel @p4 .LBB2_38-.Ltmp12, $4  }
0xec: {  	s14 =	sadd.s32 $0x40, s14;
	vm0 =	vlt.s32 v14, $0x140;
	v2 =	vld.idx.msk [tilespmem:v5+s19+$0x0], $0xffff  }
0xed: {  	v6 =	vld [tilespmem:s14+$0x10];
	v11 =	vpop (erf)  }
0xee: {  	v10 =	vadd.f32 $1.000000020e-16, v10;
	v3 =	vld.idx.msk [tilespmem:v12+s19+$0x0], $0xffff;
	v12 =	vmul.f32 v16, v17  }
0xef: {  	s29 =	sadd.s32 $0x40, s29;
	v4 =	vld.idx.msk [tilespmem:v14+s19+$0x0], $0xffff;
	v13 =	vmul.f32 v15, v18  }
0xf0: {  	v5 =	vmov v1;
	v1 =	vmov v7;
	v14 =	vmov v9  }
.LBB2_40:
0xf1: {  	_ =	sdelay $0x3  }
0xf2: {  	v7 =	vld.idx.msk [tilespmem:v14+s19+$0x0], $0xffff;
	_ =	sdelay $0x1  }
0xf3: {  	v2 =	vadd.f32 $1.000000020e-16, v2;
	(erf) = vrcp.f32 @p2 v10  }
0xf4: {  	v3 =	vadd.f32 $1.000000020e-16, v3  }
0xf5: {  	v10 =	vld @p2 [tilespmem:s14+$0xFFFFFFF0];
	(erf) = vrcp.f32 v2;
	v47 =	vadd.f32 $1.000000020e-16, v4  }
0xf6: {  	v8 =	vmul.f32 @p3 v11, v8;
	v4 =	vld @p2 [tilespmem:s14+$0xFFFFFFE0];
	(erf) = vrcp.f32 v3;
	v48 =	vadd.f32 $1.000000020e-16, v7  }
0xf7: {  	v9 =	vnsel @p3 vm6, $0x0, v13;
	vm6 =	vmmov @p2 vm2;
	v11 =	vld @p2 [tilespmem:s14+$0x0];
	(erf) = vrcp.f32 v47  }
0xf8: {  	s28 =	sadd.s32 @p2 $0x40, s14;
	vm13 =	vmmov vm5;
	vm5 =	vlt.s32 @p2 v5, $0x140;
	v3 =	vpop @p2 (erf);
	(erf) = vrcp.f32 v48  }
0xf9: {  	vm4 =	vmmov @p2 vm4;
	s0 =	smov.u32 @p2 s28;
	v7 =	vnsel @p3 vm8, $0x0, v12;
	v3 =	vmul.f32 @p2 v3, v6;
	v6 =	vpop @p2 (erf)  }
0xfa: {  	vm1 =	vmmov vm1;
	vm3 =	vmmov @p2 vm3;
	v8 =	vnsel @p3 vm7, $0x0, v8;
	v49 =	vld [tilespmem:s0+$0x10];
	v2 =	vpop @p2 (erf)  }
0xfb: {  	vm0 =	vmmov vm0;
	vm3 =	vmmov @p2 vm3;
	v51 =	vld [tilespmem:s0+$0xFFFFFFF0];
	[tilespmem:s26+$0x0] =	vst @p3 v8;
	v2 =	vmul.f32 @p2 v2, v4  }
0xfc: {  	v50 =	vld [tilespmem:s0+$0xFFFFFFE0];
	v8 =	vpsel p2, v11, v0;
	[tilespmem:s26+$0xFFFFFFE0] =	vst @p3 v7;
	v6 =	vmul.f32 @p2 v6, v10;
	v3 =	vnsel @p2 vm5, $0x0, v3;
	v7 =	vpop @p2 (erf)  }
0xfd: {  	[tilespmem:s26+$0xFFFFFFF0] =	vst @p3 v9;
	v53 =	vld [tilespmem:s0+$0x0];
	s26 =	smov.u32 @p2 s14;
	vm5 =	vmmov @p2 vm6;
	v7 =	vpsel p2, v7, v0;
	v2 =	vpsel p2, v2, v0  }
0xfe: {  	[tilespmem:s14+$0x10] =	vst @p2 v3;
	s14 =	smov.u32 @p2 s26;
	v3 =	vpsel p2, v6, v0;
	v52 =	vpop (erf);
	v6 =	vmul.f32 @p2 v7, v8;
	v2 =	vnsel @p2 vm3, $0x0, v2  }
0xff: {  	vm3 =	vmmov @p2 vm4;
	v55 =	vmul.f32 v52, v49;
	v54 =	vpop (erf);
	[tilespmem:s14+$0xFFFFFFE0] =	vst @p2 v2;
	v2 =	vnsel @p2 vm5, $0x0, v3  }
0x100: {  	vm14 =	vlt.s32 v1, $0x140;
	v56 =	vpop (erf);
	[tilespmem:s14+$0xFFFFFFF0] =	vst @p2 v2;
	v2 =	vnsel @p2 vm3, $0x0, v6;
	v60 =	vmul.f32 v54, v51  }
0x101: {  	vm2 =	vmmov vm13;
	v58 =	vnsel vm14, $0x0, v55;
	v57 =	vmul.f32 v56, v50;
	[tilespmem:s14+$0x0] =	vst @p2 v2;
	v59 =	vpop (erf)  }
0x102: {  	vm0 =	vmmov vm0;
	[tilespmem:s0+$0x10] =	vst v58;
	v62 =	vnsel vm2, $0x0, v60;
	v61 =	vmul.f32 v59, v53  }
0x103: {  	vm15 =	vmmov vm1;
	v1 =	vnsel vm0, $0x0, v57;
	[tilespmem:s0+$0xFFFFFFF0] =	vst v62  }
0x104: {  	[tilespmem:s0+$0xFFFFFFE0] =	vst v1;
	v63 =	vnsel vm15, $0x0, v61  }
0x105: {  	[tilespmem:s0+$0x0] =	vst v63  }
.LBB2_15:
0x106: {  	p2 =	sgt.s32 s25, $0x0  }
.Ltmp13:
0x107: {  	_ = 	snop;
	(pc) =	sbr.rel @!p2 .LBB2_16-.Ltmp13, $1  }
0x108: {  	_ =	sdelay $0x3  }
0x109: {  	s14 =	sshra.s32 s1, $0x2  }
0x10a: {  	s25 =	smov.u32 s24;
	s0 =	sadd.s32 $0x2C00, s14;
	s14 =	sadd.s32 $0x5800, s14  }
.LBB2_42:
0x10b: {  	v1 =	vld [tilespmem:s0+$0x0];
	_ =	sdelay $0x7  }
0x10c: {  	v2 =	vld.idx.msk [tilespmem:v1+s19+$0x0], $0xffff;
	_ =	sdelay $0x4  }
0x10d: {  	v2 =	vadd.f32 $1.000000020e-16, v2;
	_ =	sdelay $0x1  }
0x10e: {  	(erf) = vrcp.f32 v2;
	_ =	sdelay $0x4  }
0x10f: {  	v63 =	vld [tilespmem:s14+$0x0];
	_ =	sdelay $0x1  }
0x110: {  	s25 =	sadd.s32 $0x1, s25  }
0x111: {  	p2 =	slt.s32 s25, s23  }
.Ltmp14:
0x112: {  	v3 =	vpop (erf);
	(pc) =	sbr.rel @p2 .LBB2_42-.Ltmp14, $4  }
0x113: {  	v2 =	vmul.f32 v3, v63  }
0x114: {  	vm0 =	vlt.s32 v1, $0x140  }
0x115: {  	v1 =	vnsel vm0, $0x0, v2  }
0x116: {  	s0 =	sadd.s32 $0x10, s0;
	[tilespmem:s14+$0x0] =	vst v1;
	s14 =	sadd.s32 $0x10, s14  }
.LBB2_16:
.Ltmp15:
0x117: {  	(pc) =	sbr.rel .LBB2_17-.Ltmp15, $3  }
0x118: {  	_ =	sdelay $0x1  }
0x119: {  	s25 =	sshra.s32 s1, $0x2;
	s29 =	simm.s32 $0x0  }
0x11a: {  	s30 =	simm.s32 $0x0;
	s26 =	sadd.s32 $0x2C00, s25;
	s28 =	sadd.s32 $0x5800, s25  }
.LBB2_50:
0x11b: {  	s0 =	smul.u32 $0xC00, s30;
	_ =	sdelay $0x1  }
0x11c: {  	s30 =	sadd.s32 $0x1, s30;
	s0 =	sadd.s32 s11, s0  }
0x11d: {  	p2 =	sne.s32 s30, $0x10;
	s0 =	sshrl.u32 s0, $0x3  }
.Ltmp16:
0x11e: {  	s0 =	sadd.s32 s5, s0;
	(pc) =	sbr.rel @!p2 .LBB2_51-.Ltmp16, $4  }
0x11f: {  	[hbm4b:s0+s2] =	stream.linear.scatter [tilespmem:s21], [sflag:$0x1], $0xC00, $0x38;
	[tilespmem:$0x1FB80] =	vst v63  }
0x120: {  	_ =	swait.ge [sflag:s13], $0xC00  }
0x121: {  	[sflag:s13] =	ssyncset.done $0x0  }
0x122: {  	[sflag:s13] =	ssyncadd.s32 $0xFFFFF400  }
.LBB2_17:
0x123: {  	s0 =	smul.u32 $0x2800, s30;
	_ =	sdelay $0x1  }
0x124: {  	s0 =	sadd.s32 s3, s0  }
0x125: {  	[tilespmem:s20], [sflag:$0x1] =	stream.linear.gather [hbm4b:s0+s29], $0x14000, $0x38;
	[tilespmem:$0x1FB80] =	vst v63  }
0x126: {  	_ =	swait.ge [sflag:s13], $0x14000  }
0x127: {  	s31 =	sand.u32 $0x70, s29;
	s1 =	sand.u32 $0xC00, s29;
	[sflag:s13] =	ssyncset.done $0x0  }
0x128: {  	s0 =	sor.u32 s31, s1;
	[sflag:s13] =	ssyncadd.s32 $0xFFFEC000  }
0x129: {  	s14 =	simm.s32 $0x0;
	s1 =	simm.s32 $0x10;
	[tilespmem:s0+$0x1EF00] =	vst v25  }
.LBB2_18:
0x12a: {  	p2 =	sne.s32 s1, $0x130  }
.Ltmp17:
0x12b: {  	_ = 	snop;
	(pc) =	sbr.rel @p2 .LBB2_18-.Ltmp17, $4  }
0x12c: {  	s14 =	sadd.s32 $0x80, s14  }
0x12d: {  	s0 =	sand.u32 $0x70, s1;
	s31 =	sand.u32 $0xC00, s14  }
0x12e: {  	s0 =	sor.u32 s0, s31  }
0x12f: {  	s1 =	sadd.s32 $0x10, s1;
	[tilespmem:s0+$0x1EF00] =	vst v25;
	s0 =	simm.s32 $0x0  }
0x130: {  	s1 =	sand.u32 $0x70, s0;
	s14 =	sand.u32 $0xC00, s0  }
0x131: {  	s1 =	sor.u32 s1, s14  }
0x132: {  	s31 =	simm.s32 $0x0;
	s14 =	simm.s32 $0x10;
	[tilespmem:s1+$0x1EF80] =	vst v25  }
.LBB2_20:
0x133: {  	p2 =	sne.s32 s14, $0x130  }
.Ltmp18:
0x134: {  	_ = 	snop;
	(pc) =	sbr.rel @p2 .LBB2_20-.Ltmp18, $4  }
0x135: {  	s31 =	sadd.s32 $0x80, s31  }
0x136: {  	s15 =	sand.u32 $0x70, s14;
	s18 =	sand.u32 $0xC00, s31  }
0x137: {  	s15 =	sor.u32 s15, s18  }
0x138: {  	s14 =	sadd.s32 $0x10, s14;
	[tilespmem:s15+$0x1EF80] =	vst v25  }
0x139: {  	s14 =	simm.s32 $0x10;
	[tilespmem:s1+$0x1F000] =	vst v25  }
.LBB2_22:
0x13a: {  	p2 =	sne.s32 s14, $0x130  }
.Ltmp19:
0x13b: {  	_ = 	snop;
	(pc) =	sbr.rel @p2 .LBB2_22-.Ltmp19, $4  }
0x13c: {  	s0 =	sadd.s32 $0x80, s0  }
0x13d: {  	s1 =	sand.u32 $0x70, s14;
	s15 =	sand.u32 $0xC00, s0  }
0x13e: {  	s1 =	sor.u32 s1, s15  }
0x13f: {  	s14 =	sadd.s32 $0x10, s14;
	[tilespmem:s1+$0x1F000] =	vst v25;
	s1 =	simm.s32 $0x0  }
0x140: {  	s0 =	sand.u32 $0x70, s1;
	s14 =	sand.u32 $0xC00, s1  }
0x141: {  	s0 =	sor.u32 s0, s14  }
0x142: {  	s31 =	simm.s32 $0x0;
	s14 =	simm.s32 $0x10;
	[tilespmem:s0+$0x1F080] =	vst v25  }
.LBB2_24:
0x143: {  	p2 =	sne.s32 s14, $0x130  }
.Ltmp20:
0x144: {  	_ = 	snop;
	(pc) =	sbr.rel @p2 .LBB2_24-.Ltmp20, $4  }
0x145: {  	s31 =	sadd.s32 $0x80, s31  }
0x146: {  	s15 =	sand.u32 $0x70, s14;
	s18 =	sand.u32 $0xC00, s31  }
0x147: {  	s15 =	sor.u32 s15, s18  }
0x148: {  	s14 =	sadd.s32 $0x10, s14;
	[tilespmem:s15+$0x1F080] =	vst v25  }
0x149: {  	s14 =	simm.s32 $0x10;
	[tilespmem:s0+$0x1F100] =	vst v25  }
.LBB2_26:
0x14a: {  	p2 =	sne.s32 s14, $0x130  }
.Ltmp21:
0x14b: {  	_ = 	snop;
	(pc) =	sbr.rel @p2 .LBB2_26-.Ltmp21, $4  }
0x14c: {  	s1 =	sadd.s32 $0x80, s1  }
0x14d: {  	s0 =	sand.u32 $0x70, s14;
	s15 =	sand.u32 $0xC00, s1  }
0x14e: {  	s0 =	sor.u32 s0, s15  }
0x14f: {  	s14 =	sadd.s32 $0x10, s14;
	[tilespmem:s0+$0x1F100] =	vst v25;
	s0 =	simm.s32 $0x0  }
0x150: {  	s1 =	sand.u32 $0x70, s0;
	s14 =	sand.u32 $0xC00, s0  }
0x151: {  	s1 =	sor.u32 s1, s14  }
0x152: {  	s31 =	simm.s32 $0x0;
	s14 =	simm.s32 $0x10;
	[tilespmem:s1+$0x1F180] =	vst v25  }
.LBB2_28:
0x153: {  	p2 =	sne.s32 s14, $0x130  }
.Ltmp22:
0x154: {  	_ = 	snop;
	(pc) =	sbr.rel @p2 .LBB2_28-.Ltmp22, $4  }
0x155: {  	s31 =	sadd.s32 $0x80, s31  }
0x156: {  	s15 =	sand.u32 $0x70, s14;
	s18 =	sand.u32 $0xC00, s31  }
0x157: {  	s15 =	sor.u32 s15, s18  }
0x158: {  	s14 =	sadd.s32 $0x10, s14;
	[tilespmem:s15+$0x1F180] =	vst v25  }
0x159: {  	s14 =	simm.s32 $0x10;
	[tilespmem:s1+$0x1F200] =	vst v25  }
.LBB2_30:
0x15a: {  	p2 =	sne.s32 s14, $0x130  }
.Ltmp23:
0x15b: {  	_ = 	snop;
	(pc) =	sbr.rel @p2 .LBB2_30-.Ltmp23, $4  }
0x15c: {  	s0 =	sadd.s32 $0x80, s0  }
0x15d: {  	s1 =	sand.u32 $0x70, s14;
	s15 =	sand.u32 $0xC00, s0  }
0x15e: {  	s1 =	sor.u32 s1, s15  }
0x15f: {  	s14 =	sadd.s32 $0x10, s14;
	[tilespmem:s1+$0x1F200] =	vst v25  }
0x160: {  	[tilespmem:$0x1F280] =	vst v25  }
0x161: {  	[tilespmem:$0x1F290] =	vst v25  }
0x162: {  	[tilespmem:$0x1F2A0] =	vst v25  }
0x163: {  	[tilespmem:$0x1F2B0] =	vst v25  }
0x164: {  	[tilespmem:$0x1F2C0] =	vst v25  }
0x165: {  	[tilespmem:$0x1F2D0] =	vst v25  }
0x166: {  	[tilespmem:$0x1F2E0] =	vst v25  }
0x167: {  	[tilespmem:$0x1F2F0] =	vst v25  }
0x168: {  	[tilespmem:$0x1F680] =	vst v25  }
0x169: {  	[tilespmem:$0x1F690] =	vst v25  }
0x16a: {  	[tilespmem:$0x1F6A0] =	vst v25  }
0x16b: {  	[tilespmem:$0x1F6B0] =	vst v25  }
0x16c: {  	[tilespmem:$0x1F6C0] =	vst v25  }
0x16d: {  	[tilespmem:$0x1F6D0] =	vst v25  }
0x16e: {  	[tilespmem:$0x1F6E0] =	vst v25  }
.Ltmp24:
0x16f: {  	[tilespmem:$0x1F6F0] =	vst v25;
	(pc) =	sbr.rel @p0 .LBB2_48-.Ltmp24, $4  }
0x170: {  	[tilespmem:$0x1FA80] =	vst v25  }
0x171: {  	[tilespmem:$0x1FA90] =	vst v25  }
0x172: {  	[tilespmem:$0x1FAA0] =	vst v25  }
0x173: {  	[tilespmem:$0x1FAB0] =	vst v25  }
0x174: {  	s14 =	simm.s32 $0x20  }
0x175: {  	v1 =	vld [tilespmem:s14+$0x10];
	_ =	sdelay $0x4  }
0x176: {  	v4 =	vld [tilespmem:s14+$0xFFFFFFF0];
	v2 =	vshll.u32 v1, $0x3  }
0x177: {  	s1 =	simm.s32 $0x2C20;
	v1 =	vand.u32 $0x7F, v1;
	v2 =	vand.u32 $0xFFFFFC00, v2  }
0x178: {  	v3 =	vor.u32 v1, v2;
	v2 =	vld [tilespmem:s1+$0x10];
	_ =	sdelay $0x2  }
0x179: {  	s0 =	simm.s32 $0x5820;
	v5 =	vld [tilespmem:s14+$0xFFFFFFE0];
	v9 =	vshll.u32 v4, $0x3  }
0x17a: {  	v4 =	vand.u32 $0x7F, v4;
	v9 =	vand.u32 $0xFFFFFC00, v9;
	v1 =	vld [tilespmem:s0+$0x10]  }
0x17b: {  	v57 =	vor.u32 v4, v9;
	v7 =	vld.idx.msk [tilespmem:v3+s20+$0x0], $0xffff;
	v6 =	vshll.u32 v2, $0x3  }
0x17c: {  	v8 =	vld [tilespmem:s14+$0x0];
	vm0 =	vlt.s32 v2, $0x140;
	v2 =	vand.u32 $0x7F, v2;
	v6 =	vand.u32 $0xFFFFFC00, v6  }
0x17d: {  	v2 =	vor.u32 v2, v6  }
0x17e: {  	v12 =	vld [tilespmem:s1+$0xFFFFFFE0];
	v10 =	vshll.u32 v5, $0x3;
	v11 =	vor.u32 $0x80, v3  }
0x17f: {  	v13 =	vld [tilespmem:s1+$0xFFFFFFF0];
	v5 =	vand.u32 $0x7F, v5;
	v6 =	vand.u32 $0xFFFFFC00, v10  }
0x180: {  	v58 =	vld [tilespmem:s1+$0x0];
	v6 =	vor.u32 v5, v6;
	v7 =	vmul.f32 v7, v1  }
0x181: {  	v9 =	vshll.u32 v8, $0x3;
	v16 =	vld.idx.msk [tilespmem:v57+s20+$0x0], $0xffff  }
0x182: {  	v8 =	vand.u32 $0x7F, v8;
	v9 =	vand.u32 $0xFFFFFC00, v9;
	[tilespmem:v2+s21+$0x0] =	vst.idx.add.f32.msk vm0, v7  }
0x183: {  	v7 =	vor.u32 v8, v9;
	v8 =	vld.idx.msk [tilespmem:v11+s20+$0x0], $0xffff  }
0x184: {  	v14 =	vshll.u32 v13, $0x3;
	v17 =	vand.u32 $0x7F, v12;
	v10 =	vld [tilespmem:s0+$0xFFFFFFE0]  }
0x185: {  	vm2 =	vlt.s32 v12, $0x140;
	v18 =	vor.u32 $0x80, v2;
	v9 =	vld.idx.msk [tilespmem:v6+s20+$0x0], $0xffff;
	v11 =	vshll.u32 v12, $0x3  }
0x186: {  	vm4 =	vlt.s32 v13, $0x140;
	v19 =	vor.u32 $0x100, v3;
	v15 =	vand.u32 $0xFFFFFC00, v11;
	v11 =	vld [tilespmem:s0+$0xFFFFFFF0]  }
0x187: {  	v14 =	vand.u32 $0xFFFFFC00, v14;
	v12 =	vand.u32 $0x7F, v13;
	v28 =	vor.u32 v17, v15  }
0x188: {  	v29 =	vor.u32 v12, v14;
	v12 =	vld [tilespmem:s0+$0x0];
	v8 =	vmul.f32 v8, v1  }
0x189: {  	vm1 =	vlt.s32 v58, $0x140;
	v14 =	vor.u32 $0x80, v6;
	v13 =	vld.idx.msk [tilespmem:v7+s20+$0x0], $0xffff  }
0x18a: {  	v15 =	vshll.u32 v58, $0x3;
	v17 =	vor.u32 $0x80, v57;
	v9 =	vmul.f32 v9, v10;
	[tilespmem:v18+s21+$0x0] =	vst.idx.add.f32.msk vm0, v8  }
0x18b: {  	v15 =	vand.u32 $0xFFFFFC00, v15;
	v59 =	vmul.f32 v16, v11;
	v8 =	vand.u32 $0x7F, v58;
	v16 =	vld.idx.msk [tilespmem:v19+s20+$0x0], $0xffff  }
0x18c: {  	[tilespmem:v28+s21+$0x0] =	vst.idx.add.f32.msk vm2, v9;
	v30 =	vor.u32 v8, v15  }
0x18d: {  	v60 =	vor.u32 $0x100, v2;
	[tilespmem:v29+s21+$0x0] =	vst.idx.add.f32.msk vm4, v59  }
0x18e: {  	v9 =	vor.u32 $0x180, v3;
	v8 =	vld.idx.msk [tilespmem:v14+s20+$0x0], $0xffff  }
0x18f: {  	v14 =	vor.u32 $0x80, v7;
	v13 =	vmul.f32 v13, v12;
	v15 =	vld.idx.msk [tilespmem:v17+s20+$0x0], $0xffff  }
0x190: {  	v17 =	vor.u32 $0x80, v28;
	v16 =	vmul.f32 v16, v1  }
0x191: {  	v18 =	vor.u32 $0x80, v29;
	[tilespmem:v30+s21+$0x0] =	vst.idx.add.f32.msk vm1, v13  }
0x192: {  	v13 =	vor.u32 $0x100, v6;
	[tilespmem:v60+s21+$0x0] =	vst.idx.add.f32.msk vm0, v16  }
0x193: {  	v61 =	vor.u32 $0x100, v57;
	v8 =	vmul.f32 v8, v10;
	v9 =	vld.idx.msk [tilespmem:v9+s20+$0x0], $0xffff  }
0x194: {  	v14 =	vld.idx.msk [tilespmem:v14+s20+$0x0], $0xffff;
	v15 =	vmul.f32 v15, v11  }
0x195: {  	[tilespmem:v17+s21+$0x0] =	vst.idx.add.f32.msk vm2, v8;
	v8 =	vor.u32 $0x180, v2  }
0x196: {  	vm1 =	vmmov vm1;
	[tilespmem:v18+s21+$0x0] =	vst.idx.add.f32.msk vm4, v15;
	v15 =	vor.u32 $0x200, v3  }
0x197: {  	v16 =	vor.u32 $0x80, v30;
	v13 =	vld.idx.msk [tilespmem:v13+s20+$0x0], $0xffff  }
0x198: {  	v17 =	vor.u32 $0x100, v7;
	v4 =	vld.idx.msk [tilespmem:v61+s20+$0x0], $0xffff;
	v9 =	vmul.f32 v9, v1  }
0x199: {  	v18 =	vor.u32 $0x100, v28  }
0x19a: {  	v19 =	vor.u32 $0x100, v29;
	v14 =	vmul.f32 v14, v12;
	[tilespmem:v8+s21+$0x0] =	vst.idx.add.f32.msk vm0, v9  }
0x19b: {  	v8 =	vor.u32 $0x180, v6;
	v9 =	vld.idx.msk [tilespmem:v15+s20+$0x0], $0xffff  }
0x19c: {  	[tilespmem:v16+s21+$0x0] =	vst.idx.add.f32.msk vm1, v14;
	v13 =	vmul.f32 v13, v10;
	v15 =	vor.u32 $0x180, v57  }
0x19d: {  	v16 =	vor.u32 $0x200, v2;
	v14 =	vld.idx.msk [tilespmem:v17+s20+$0x0], $0xffff;
	v4 =	vmul.f32 v4, v11  }
0x19e: {  	[tilespmem:v18+s21+$0x0] =	vst.idx.add.f32.msk vm2, v13;
	v13 =	vor.u32 $0x280, v3  }
0x19f: {  	v17 =	vor.u32 $0x100, v30;
	[tilespmem:v19+s21+$0x0] =	vst.idx.add.f32.msk vm4, v4  }
0x1a0: {  	v62 =	vor.u32 $0x180, v7;
	v8 =	vld.idx.msk [tilespmem:v8+s20+$0x0], $0xffff;
	v9 =	vmul.f32 v9, v1  }
0x1a1: {  	v15 =	vld.idx.msk [tilespmem:v15+s20+$0x0], $0xffff  }
0x1a2: {  	v18 =	vor.u32 $0x180, v28;
	v14 =	vmul.f32 v14, v12;
	[tilespmem:v16+s21+$0x0] =	vst.idx.add.f32.msk vm0, v9  }
0x1a3: {  	v9 =	vor.u32 $0x180, v29;
	v13 =	vld.idx.msk [tilespmem:v13+s20+$0x0], $0xffff  }
0x1a4: {  	[tilespmem:v17+s21+$0x0] =	vst.idx.add.f32.msk vm1, v14;
	v16 =	vor.u32 $0x200, v6  }
0x1a5: {  	v14 =	vor.u32 $0x280, v2;
	v4 =	vld.idx.msk [tilespmem:v62+s20+$0x0], $0xffff;
	v8 =	vmul.f32 v8, v10  }
0x1a6: {  	v0 =	vor.u32 $0x300, v3;
	v15 =	vmul.f32 v15, v11  }
0x1a7: {  	v19 =	vor.u32 $0x180, v30;
	[tilespmem:v18+s21+$0x0] =	vst.idx.add.f32.msk vm2, v8  }
0x1a8: {  	v17 =	vor.u32 $0x200, v57;
	[tilespmem:v9+s21+$0x0] =	vst.idx.add.f32.msk vm4, v15;
	v8 =	vmul.f32 v13, v1  }
0x1a9: {  	v15 =	vor.u32 $0x200, v7;
	v9 =	vld.idx.msk [tilespmem:v16+s20+$0x0], $0xffff  }
0x1aa: {  	vm3 =	vmmov vm2;
	v42 =	vor.u32 $0x280, v57;
	v4 =	vmul.f32 v4, v12;
	[tilespmem:v14+s21+$0x0] =	vst.idx.add.f32.msk vm0, v8  }
0x1ab: {  	v38 =	vor.u32 $0x300, v57;
	v35 =	vor.u32 $0x380, v3;
	v16 =	vor.u32 $0x200, v28;
	v23 =	vld.idx.msk [tilespmem:v0+s20+$0x0], $0xffff  }
0x1ac: {  	v33 =	vor.u32 $0x300, v2;
	v31 =	vor.u32 $0x280, v6;
	v40 =	vor.u32 $0x380, v6;
	[tilespmem:v19+s21+$0x0] =	vst.idx.add.f32.msk vm1, v4  }
0x1ad: {  	v39 =	vor.u32 $0x300, v7;
	v41 =	vor.u32 $0x380, v7;
	v22 =	vor.u32 $0x200, v29;
	v32 =	vld.idx.msk [tilespmem:v17+s20+$0x0], $0xffff  }
0x1ae: {  	p3 =	sgt.s32 s24, $0x4;
	v20 =	vor.u32 $0x300, v28;
	v27 =	vor.u32 $0x200, v30;
	v34 =	vld.idx.msk [tilespmem:v15+s20+$0x0], $0xffff;
	v63 =	vmul.f32 v9, v10  }
.Ltmp25:
0x1af: {  	v24 =	vor.u32 $0x300, v30;
	v62 =	vor.u32 $0x300, v6;
	v18 =	vor.u32 $0x380, v29;
	(pc) =	sbr.rel @!p3 .LBB2_33-.Ltmp25, $4  }
0x1b0: {  	v13 =	vor.u32 $0x280, v29;
	v19 =	vor.u32 $0x300, v29;
	[tilespmem:v16+s21+$0x0] =	vst.idx.add.f32.msk vm2, v63;
	v6 =	vmul.f32 v23, v1  }
0x1b1: {  	v17 =	vor.u32 $0x380, v28;
	v14 =	vor.u32 $0x280, v7;
	v8 =	vor.u32 $0x280, v28;
	v31 =	vld.idx.msk [tilespmem:v31+s20+$0x0], $0xffff  }
0x1b2: {  	v0 =	vor.u32 $0x280, v30;
	v32 =	vmul.f32 v32, v11;
	v63 =	vor.u32 $0x380, v30;
	[tilespmem:v33+s21+$0x0] =	vst.idx.add.f32.msk vm0, v6  }
0x1b3: {  	p2 =	por $0x0, $0x0;
	s0 =	simm.s32 $0x60;
	vm2 =	vmmov vm4;
	v23 =	vor.u32 $0x380, v57;
	v30 =	vmul.f32 v34, v12;
	v29 =	vld.idx.msk [tilespmem:v35+s20+$0x0], $0xffff  }
0x1b4: {  	v5 =	vld [tilespmem:s0+$0x10];
	_ =	sdelay $0x3  }
0x1b5: {  	v7 =	vld [tilespmem:s0+$0xFFFFFFE0]  }
0x1b6: {  	v2 =	vor.u32 $0x380, v2;
	v33 =	vld [tilespmem:s0+$0x0];
	v6 =	vshll.u32 v5, $0x3  }
0x1b7: {  	s31 =	simm.s32 $0x2C60;
	[tilespmem:v22+s21+$0x0] =	vst.idx.add.f32.msk vm2, v32;
	v5 =	vand.u32 $0x7F, v5;
	v6 =	vand.u32 $0xFFFFFC00, v6  }
0x1b8: {  	v28 =	vor.u32 v5, v6;
	v5 =	vld [tilespmem:s31+$0x10]  }
0x1b9: {  	[tilespmem:v27+s21+$0x0] =	vst.idx.add.f32.msk vm1, v30;
	v1 =	vmul.f32 v29, v1  }
0x1ba: {  	v25 =	vld.idx.msk [tilespmem:v42+s20+$0x0], $0xffff  }
0x1bb: {  	s1 =	simm.s32 $0x5860;
	[tilespmem:v2+s21+$0x0] =	vst.idx.add.f32.msk vm0, v1  }
0x1bc: {  	v1 =	vld [tilespmem:s1+$0x10]  }
0x1bd: {  	v29 =	vld.idx.msk [tilespmem:v28+s20+$0x0], $0xffff;
	v2 =	vshll.u32 v5, $0x3  }
0x1be: {  	v9 =	vld.idx.msk [tilespmem:v14+s20+$0x0], $0xffff;
	vm0 =	vlt.s32 v5, $0x140;
	v5 =	vand.u32 $0x7F, v5;
	v2 =	vand.u32 $0xFFFFFC00, v2  }
0x1bf: {  	v34 =	vmul.f32 v31, v10;
	v6 =	vld [tilespmem:s0+$0xFFFFFFF0];
	v2 =	vor.u32 v5, v2  }
0x1c0: {  	v27 =	vld [tilespmem:s31+$0xFFFFFFE0];
	v5 =	vor.u32 $0x80, v28  }
0x1c1: {  	[tilespmem:v8+s21+$0x0] =	vst.idx.add.f32.msk vm3, v34;
	v26 =	vshll.u32 v7, $0x3  }
0x1c2: {  	v7 =	vand.u32 $0x7F, v7;
	v4 =	vld.idx.msk [tilespmem:v62+s20+$0x0], $0xffff;
	v26 =	vand.u32 $0xFFFFFC00, v26;
	v30 =	vmul.f32 v29, v1  }
0x1c3: {  	v29 =	vor.u32 v7, v26;
	v7 =	vld [tilespmem:s31+$0xFFFFFFF0]  }
0x1c4: {  	v9 =	vmul.f32 v9, v12;
	v26 =	vshll.u32 v6, $0x3;
	[tilespmem:v2+s21+$0x0] =	vst.idx.add.f32.msk vm0, v30  }
0x1c5: {  	v6 =	vand.u32 $0x7F, v6;
	v26 =	vand.u32 $0xFFFFFC00, v26;
	v43 =	vld.idx.msk [tilespmem:v5+s20+$0x0], $0xffff  }
0x1c6: {  	[tilespmem:v0+s21+$0x0] =	vst.idx.add.f32.msk vm1, v9;
	v30 =	vor.u32 v6, v26  }
0x1c7: {  	v31 =	vshll.u32 v33, $0x3;
	v26 =	vld [tilespmem:s31+$0x0];
	v6 =	vor.u32 $0x80, v2  }
0x1c8: {  	v33 =	vand.u32 $0x7F, v33;
	v31 =	vand.u32 $0xFFFFFC00, v31;
	v5 =	vld [tilespmem:s1+$0xFFFFFFE0]  }
0x1c9: {  	v45 =	vshll.u32 v27, $0x3;
	v31 =	vor.u32 v33, v31;
	v35 =	vld.idx.msk [tilespmem:v29+s20+$0x0], $0xffff;
	v36 =	vshll.u32 v7, $0x3  }
0x1ca: {  	v14 =	vand.u32 $0x7F, v7;
	vm6 =	vlt.s32 v7, $0x140;
	v7 =	vld [tilespmem:s1+$0x0];
	v8 =	vmul.f32 v43, v1  }
0x1cb: {  	vm5 =	vlt.s32 v27, $0x140;
	v32 =	vand.u32 $0xFFFFFC00, v45;
	v46 =	vld.idx.msk [tilespmem:v30+s20+$0x0], $0xffff  }
0x1cc: {  	[tilespmem:v6+s21+$0x0] =	vst.idx.add.f32.msk vm0, v8;
	v8 =	vmul.f32 v25, v11;
	v25 =	vand.u32 $0x7F, v27;
	v27 =	vor.u32 $0x100, v28  }
0x1cd: {  	v6 =	vld [tilespmem:s1+$0xFFFFFFF0];
	v32 =	vor.u32 v25, v32  }
0x1ce: {  	v44 =	vor.u32 $0x80, v29;
	v37 =	vor.u32 $0x80, v30;
	v36 =	vand.u32 $0xFFFFFC00, v36;
	[tilespmem:v13+s21+$0x0] =	vst.idx.add.f32.msk vm2, v8  }
0x1cf: {  	v36 =	vor.u32 v14, v36;
	vm7 =	vlt.s32 v26, $0x140;
	v25 =	vshll.u32 v26, $0x3;
	v8 =	vld.idx.msk [tilespmem:v31+s20+$0x0], $0xffff  }
0x1d0: {  	v16 =	vld.idx.msk [tilespmem:v39+s20+$0x0], $0xffff;
	v9 =	vand.u32 $0x7F, v26;
	v25 =	vand.u32 $0xFFFFFC00, v25;
	v13 =	vmul.f32 v35, v5  }
0x1d1: {  	v47 =	vor.u32 v9, v25;
	v9 =	vld.idx.msk [tilespmem:v27+s20+$0x0], $0xffff  }
0x1d2: {  	v14 =	vor.u32 $0x80, v31;
	v25 =	vmul.f32 v46, v6;
	[tilespmem:v32+s21+$0x0] =	vst.idx.add.f32.msk vm5, v13  }
0x1d3: {  	v26 =	vor.u32 $0x100, v2;
	v13 =	vld.idx.msk [tilespmem:v44+s20+$0x0], $0xffff  }
0x1d4: {  	v8 =	vmul.f32 v8, v7;
	[tilespmem:v36+s21+$0x0] =	vst.idx.add.f32.msk vm6, v25  }
0x1d5: {  	v27 =	vld.idx.msk [tilespmem:v37+s20+$0x0], $0xffff  }
0x1d6: {  	v25 =	vor.u32 $0x80, v32;
	[tilespmem:v47+s21+$0x0] =	vst.idx.add.f32.msk vm7, v8;
	v8 =	vmul.f32 v9, v1  }
0x1d7: {  	v4 =	vmul.f32 v4, v10;
	v9 =	vor.u32 $0x80, v36;
	v14 =	vld.idx.msk [tilespmem:v14+s20+$0x0], $0xffff  }
0x1d8: {  	[tilespmem:v26+s21+$0x0] =	vst.idx.add.f32.msk vm0, v8;
	v8 =	vor.u32 $0x180, v28  }
0x1d9: {  	[tilespmem:v20+s21+$0x0] =	vst.idx.add.f32.msk vm3, v4;
	v13 =	vmul.f32 v13, v5  }
0x1da: {  	v15 =	vld.idx.msk [tilespmem:v38+s20+$0x0], $0xffff;
	v26 =	vor.u32 $0x80, v47;
	v27 =	vmul.f32 v27, v6  }
0x1db: {  	[tilespmem:v25+s21+$0x0] =	vst.idx.add.f32.msk vm5, v13;
	v13 =	vor.u32 $0x100, v29  }
0x1dc: {  	v25 =	vor.u32 $0x100, v30;
	[tilespmem:v9+s21+$0x0] =	vst.idx.add.f32.msk vm6, v27  }
0x1dd: {  	v9 =	vor.u32 $0x100, v31;
	v14 =	vmul.f32 v14, v7;
	v8 =	vld.idx.msk [tilespmem:v8+s20+$0x0], $0xffff  }
0x1de: {  	v3 =	vld.idx.msk [tilespmem:v40+s20+$0x0], $0xffff  }
0x1df: {  	[tilespmem:v26+s21+$0x0] =	vst.idx.add.f32.msk vm7, v14;
	v14 =	vor.u32 $0x180, v2  }
0x1e0: {  	vm4 =	vmmov vm1;
	v26 =	vor.u32 $0x200, v28;
	v13 =	vld.idx.msk [tilespmem:v13+s20+$0x0], $0xffff  }
0x1e1: {  	v15 =	vmul.f32 v15, v11;
	v25 =	vld.idx.msk [tilespmem:v25+s20+$0x0], $0xffff  }
0x1e2: {  	v27 =	vor.u32 $0x100, v32;
	v9 =	vld.idx.msk [tilespmem:v9+s20+$0x0], $0xffff;
	v8 =	vmul.f32 v8, v1  }
0x1e3: {  	v4 =	vor.u32 $0x100, v36;
	[tilespmem:v19+s21+$0x0] =	vst.idx.add.f32.msk vm2, v15  }
0x1e4: {  	[tilespmem:v14+s21+$0x0] =	vst.idx.add.f32.msk vm0, v8;
	v8 =	vor.u32 $0x100, v47;
	v14 =	vmul.f32 v16, v12  }
0x1e5: {  	v22 =	vor.u32 $0x180, v29;
	v13 =	vmul.f32 v13, v5;
	v16 =	vld.idx.msk [tilespmem:v26+s20+$0x0], $0xffff  }
0x1e6: {  	v15 =	vor.u32 $0x180, v30;
	v20 =	vmul.f32 v25, v6;
	[tilespmem:v24+s21+$0x0] =	vst.idx.add.f32.msk vm4, v14  }
0x1e7: {  	v9 =	vmul.f32 v9, v7;
	[tilespmem:v27+s21+$0x0] =	vst.idx.add.f32.msk vm5, v13;
	v13 =	vor.u32 $0x200, v2  }
0x1e8: {  	[tilespmem:v4+s21+$0x0] =	vst.idx.add.f32.msk vm6, v20;
	v14 =	vor.u32 $0x180, v31  }
0x1e9: {  	v4 =	vor.u32 $0x280, v28;
	[tilespmem:v8+s21+$0x0] =	vst.idx.add.f32.msk vm7, v9  }
0x1ea: {  	v8 =	vld.idx.msk [tilespmem:v22+s20+$0x0], $0xffff;
	v9 =	vmul.f32 v16, v1  }
0x1eb: {  	v15 =	vld.idx.msk [tilespmem:v15+s20+$0x0], $0xffff  }
0x1ec: {  	[tilespmem:v13+s21+$0x0] =	vst.idx.add.f32.msk vm0, v9;
	v9 =	vor.u32 $0x180, v32  }
0x1ed: {  	v14 =	vld.idx.msk [tilespmem:v14+s20+$0x0], $0xffff;
	v13 =	vor.u32 $0x180, v36  }
0x1ee: {  	vm1 =	vmmov vm7;
	v16 =	vor.u32 $0x200, v29;
	v4 =	vld.idx.msk [tilespmem:v4+s20+$0x0], $0xffff  }
0x1ef: {  	v21 =	vld.idx.msk [tilespmem:v23+s20+$0x0], $0xffff;
	v24 =	vor.u32 $0x180, v47;
	v8 =	vmul.f32 v8, v5  }
0x1f0: {  	v19 =	vor.u32 $0x280, v2;
	v20 =	vld.idx.msk [tilespmem:v41+s20+$0x0], $0xffff;
	v15 =	vmul.f32 v15, v6  }
0x1f1: {  	v23 =	vor.u32 $0x300, v28;
	[tilespmem:v9+s21+$0x0] =	vst.idx.add.f32.msk vm5, v8  }
0x1f2: {  	v0 =	vmul.f32 v14, v7;
	[tilespmem:v13+s21+$0x0] =	vst.idx.add.f32.msk vm6, v15  }
0x1f3: {  	v50 =	vor.u32 $0x200, v30;
	v4 =	vmul.f32 v4, v1;
	v57 =	vld.idx.msk [tilespmem:v16+s20+$0x0], $0xffff  }
0x1f4: {  	v51 =	vor.u32 $0x200, v31;
	v61 =	vor.u32 $0x380, v28;
	v59 =	vor.u32 $0x280, v29;
	[tilespmem:v24+s21+$0x0] =	vst.idx.add.f32.msk vm1, v0  }
0x1f5: {  	v62 =	vor.u32 $0x300, v29;
	v0 =	vor.u32 $0x280, v36;
	[tilespmem:v19+s21+$0x0] =	vst.idx.add.f32.msk vm0, v4;
	v4 =	vmul.f32 v3, v10  }
0x1f6: {  	v40 =	vor.u32 $0x380, v29;
	v42 =	vor.u32 $0x280, v30;
	v58 =	vor.u32 $0x200, v32;
	v10 =	vld.idx.msk [tilespmem:v23+s20+$0x0], $0xffff;
	[tilespmem:$0x1FFF0] =	vst v0  }
0x1f7: {  	v43 =	vor.u32 $0x380, v31;
	v48 =	vor.u32 $0x300, v32;
	v54 =	vor.u32 $0x280, v47;
	[tilespmem:v17+s21+$0x0] =	vst.idx.add.f32.msk vm3, v4  }
0x1f8: {  	v11 =	vmul.f32 v21, v11;
	v26 =	vor.u32 $0x300, v36;
	v23 =	vor.u32 $0x300, v2;
	v33 =	vld.idx.msk [tilespmem:v50+s20+$0x0], $0xffff  }
0x1f9: {  	p3 =	sgt.s32 s24, $0x8;
	v27 =	vor.u32 $0x200, v47;
	v22 =	vor.u32 $0x200, v36;
	v34 =	vld.idx.msk [tilespmem:v51+s20+$0x0], $0xffff;
	v0 =	vmul.f32 v57, v5  }
.Ltmp26:
0x1fa: {  	v28 =	vmul.f32 v20, v12;
	v14 =	vor.u32 $0x280, v31;
	v8 =	vor.u32 $0x280, v32;
	[tilespmem:v18+s21+$0x0] =	vst.idx.add.f32.msk vm2, v11;
	(pc) =	sbr.rel @!p3 .LBB2_44-.Ltmp26, $4  }
0x1fb: {  	v15 =	vor.u32 $0x380, v32;
	v24 =	vor.u32 $0x300, v47;
	[tilespmem:v58+s21+$0x0] =	vst.idx.add.f32.msk vm5, v0;
	v10 =	vmul.f32 v10, v1  }
0x1fc: {  	v19 =	vor.u32 $0x300, v31;
	v17 =	vor.u32 $0x300, v30;
	v18 =	vor.u32 $0x380, v36;
	v31 =	vld.idx.msk [tilespmem:v59+s20+$0x0], $0xffff  }
0x1fd: {  	v11 =	vor.u32 $0x380, v47;
	vm3 =	vmmov vm5;
	vm2 =	vmmov vm6;
	[tilespmem:v23+s21+$0x0] =	vst.idx.add.f32.msk vm0, v10  }
0x1fe: {  	s14 =	simm.s32 $0xA0;
	p2 =	por $0x1, $0x1;
	s0 =	simm.s32 $0x8;
	v32 =	vmul.f32 v33, v6;
	v23 =	vor.u32 $0x380, v30;
	v30 =	vmul.f32 v34, v7;
	v29 =	vld.idx.msk [tilespmem:v61+s20+$0x0], $0xffff  }
.LBB2_45:
0x1ff: {  	_ = 	snop  }
0x200: {  	v10 =	vld [tilespmem:s14+$0x10]  }
0x201: {  	v12 =	vld [tilespmem:s14+$0xFFFFFFF0]  }
0x202: {  	v33 =	vld [tilespmem:s14+$0x0]  }
0x203: {  	v34 =	vld [tilespmem:s14+$0xFFFFFFE0]  }
0x204: {  	[tilespmem:v22+s21+$0x0] =	vst.idx.add.f32.msk vm2, v32  }
0x205: {  	v2 =	vor.u32 $0x380, v2;
	s31 =	sadd.s32 $0x40, s31;
	[tilespmem:v27+s21+$0x0] =	vst.idx.add.f32.msk vm1, v30  }
0x206: {  	v61 =	vld [tilespmem:s31+$0xFFFFFFE0]  }
0x207: {  	v44 =	vld.idx.msk [tilespmem:v42+s20+$0x0], $0xffff  }
0x208: {  	v57 =	vld [tilespmem:s31+$0xFFFFFFF0];
	v1 =	vmul.f32 v29, v1  }
0x209: {  	[tilespmem:$0x1FF90] =	vst v26;
	v60 =	vld.idx.msk [tilespmem:v14+s20+$0x0], $0xffff;
	v26 =	vshll.u32 v10, $0x3;
	v27 =	vshll.u32 v12, $0x3;
	v10 =	vand.u32 $0x7F, v10  }
0x20a: {  	v26 =	vand.u32 $0xFFFFFC00, v26;
	v25 =	vand.u32 $0xFFFFFC00, v27;
	v27 =	vshll.u32 v33, $0x3;
	[tilespmem:v2+s21+$0x0] =	vst.idx.add.f32.msk vm0, v1  }
0x20b: {  	v10 =	vor.u32 v10, v26;
	v26 =	vand.u32 $0xFFFFFC00, v27;
	v27 =	vld [tilespmem:s31+$0x10]  }
0x20c: {  	v35 =	vmul.f32 v31, v5;
	v31 =	vld [tilespmem:$0x1FFF0];
	v12 =	vand.u32 $0x7F, v12;
	v2 =	vshll.u32 v34, $0x3  }
0x20d: {  	s1 =	sadd.s32 $0x40, s1;
	v1 =	vand.u32 $0x7F, v34;
	v2 =	vand.u32 $0xFFFFFC00, v2;
	v46 =	vor.u32 v12, v25;
	v25 =	vld [tilespmem:s31+$0x0]  }
0x20e: {  	v29 =	vand.u32 $0x7F, v33;
	v12 =	vld [tilespmem:s1+$0xFFFFFFE0];
	v30 =	vshll.u32 v57, $0x3;
	v45 =	vor.u32 v1, v2  }
0x20f: {  	v52 =	vand.u32 $0x7F, v57;
	v47 =	vor.u32 v29, v26;
	v1 =	vld [tilespmem:s1+$0x10];
	v30 =	vand.u32 $0xFFFFFC00, v30  }
0x210: {  	v52 =	vor.u32 v52, v30;
	v26 =	vld.idx.msk [tilespmem:v10+s20+$0x0], $0xffff;
	v2 =	vshll.u32 v27, $0x3  }
0x211: {  	v30 =	vld [tilespmem:s1+$0x0];
	vm0 =	vlt.s32 v27, $0x140;
	v27 =	vand.u32 $0x7F, v27;
	v2 =	vand.u32 $0xFFFFFC00, v2  }
0x212: {  	v39 =	vld.idx.msk [tilespmem:v46+s20+$0x0], $0xffff;
	v2 =	vor.u32 v27, v2  }
0x213: {  	v58 =	vand.u32 $0x7F, v61;
	v41 =	vor.u32 $0x80, v10;
	v37 =	vld.idx.msk [tilespmem:v45+s20+$0x0], $0xffff  }
0x214: {  	vm5 =	vlt.s32 v61, $0x140;
	v29 =	vshll.u32 v61, $0x3;
	v53 =	vand.u32 $0x7F, v25;
	v51 =	vld.idx.msk [tilespmem:v47+s20+$0x0], $0xffff  }
0x215: {  	[tilespmem:v8+s21+$0x0] =	vst.idx.add.f32.msk vm3, v35;
	v27 =	vand.u32 $0xFFFFFC00, v29;
	v29 =	vshll.u32 v25, $0x3;
	v26 =	vmul.f32 v26, v1  }
0x216: {  	[tilespmem:$0x1FFE0] =	vst v18;
	v18 =	vmovc v54;
	vm7 =	vlt.s32 v25, $0x140;
	v59 =	vand.u32 $0xFFFFFC00, v29;
	v29 =	vld [tilespmem:s1+$0xFFFFFFF0];
	v54 =	vor.u32 v58, v27  }
0x217: {  	v53 =	vor.u32 v53, v59;
	[tilespmem:v2+s21+$0x0] =	vst.idx.add.f32.msk vm0, v26  }
0x218: {  	v32 =	vmov v48;
	vm6 =	vlt.s32 v57, $0x140;
	v48 =	vor.u32 $0x80, v45;
	v27 =	vld.idx.msk [tilespmem:v41+s20+$0x0], $0xffff  }
0x219: {  	[tilespmem:v63+s21+$0x0] =	vst.idx.add.f32.msk vm4, v28;
	v25 =	vmul.f32 v37, v12  }
0x21a: {  	v62 =	vld.idx.msk [tilespmem:v62+s20+$0x0], $0xffff;
	v8 =	vmul.f32 v51, v30;
	v51 =	vor.u32 $0x80, v2  }
0x21b: {  	v4 =	vor.u32 $0x100, v10;
	[tilespmem:v54+s21+$0x0] =	vst.idx.add.f32.msk vm5, v25  }
0x21c: {  	v50 =	vor.u32 $0x80, v47;
	v9 =	vmul.f32 v39, v29;
	[tilespmem:v53+s21+$0x0] =	vst.idx.add.f32.msk vm7, v8  }
0x21d: {  	v49 =	vor.u32 $0x80, v46;
	v26 =	vmovc v19;
	v19 =	vmovc v17;
	v17 =	vmov v11;
	v48 =	vld.idx.msk [tilespmem:v48+s20+$0x0], $0xffff;
	v11 =	vmul.f32 v27, v1  }
0x21e: {  	v38 =	vor.u32 $0x100, v46;
	[tilespmem:v52+s21+$0x0] =	vst.idx.add.f32.msk vm6, v9  }
0x21f: {  	v13 =	vor.u32 $0x180, v10;
	v0 =	vor.u32 $0x180, v45;
	v3 =	vor.u32 $0x300, v47;
	[tilespmem:v51+s21+$0x0] =	vst.idx.add.f32.msk vm0, v11  }
0x220: {  	[tilespmem:$0x1FFA0] =	vst v0;
	v0 =	vor.u32 $0x180, v46;
	v56 =	vor.u32 $0x80, v52;
	v55 =	vor.u32 $0x80, v54;
	v63 =	vld.idx.msk [tilespmem:v4+s20+$0x0], $0xffff  }
0x221: {  	v57 =	vor.u32 $0x100, v54;
	v33 =	vor.u32 $0x200, v54;
	v50 =	vld.idx.msk [tilespmem:v50+s20+$0x0], $0xffff;
	v11 =	vmul.f32 v44, v6  }
0x222: {  	[tilespmem:$0x1FFB0] =	vst v0;
	v16 =	vor.u32 $0x280, v54;
	v25 =	vor.u32 $0x100, v2;
	v49 =	vld.idx.msk [tilespmem:v49+s20+$0x0], $0xffff;
	v44 =	vmul.f32 v60, v7  }
0x223: {  	v59 =	vor.u32 $0x80, v53;
	v61 =	vor.u32 $0x100, v53;
	v35 =	vor.u32 $0x180, v53;
	[tilespmem:v31+s21+$0x0] =	vst.idx.add.f32.msk vm2, v11  }
0x224: {  	v41 =	vor.u32 $0x180, v54;
	v51 =	vor.u32 $0x280, v52;
	v60 =	vor.u32 $0x280, v53;
	[tilespmem:v18+s21+$0x0] =	vst.idx.add.f32.msk vm1, v44  }
0x225: {  	v4 =	vor.u32 $0x300, v54;
	v11 =	vmovc v51;
	v51 =	vor.u32 $0x380, v54;
	v54 =	vmovc v60;
	v60 =	vld.idx.msk [tilespmem:v26+s20+$0x0], $0xffff;
	v44 =	vmul.f32 v63, v1  }
0x226: {  	v9 =	vor.u32 $0x300, v53;
	v27 =	vor.u32 $0x200, v53;
	[tilespmem:$0x1FFF0] =	vst v11;
	v11 =	vor.u32 $0x380, v53;
	v53 =	vld.idx.msk [tilespmem:v19+s20+$0x0], $0xffff  }
0x227: {  	v0 =	vor.u32 $0x300, v46;
	v19 =	vmov v3;
	v3 =	vmul.f32 v49, v29;
	[tilespmem:v25+s21+$0x0] =	vst.idx.add.f32.msk vm0, v44  }
0x228: {  	[tilespmem:$0x1FFC0] =	vst v40;
	v40 =	vor.u32 $0x100, v45;
	v63 =	vmovc v17;
	v17 =	vmov v0;
	v0 =	vmul.f32 v48, v12;
	v13 =	vld.idx.msk [tilespmem:v13+s20+$0x0], $0xffff  }
0x229: {  	v36 =	vor.u32 $0x100, v47;
	[tilespmem:v56+s21+$0x0] =	vst.idx.add.f32.msk vm6, v3  }
0x22a: {  	v25 =	vmul.f32 v50, v30;
	[tilespmem:v55+s21+$0x0] =	vst.idx.add.f32.msk vm5, v0;
	v0 =	vor.u32 $0x180, v2  }
0x22b: {  	v38 =	vld.idx.msk [tilespmem:v38+s20+$0x0], $0xffff  }
0x22c: {  	[tilespmem:v59+s21+$0x0] =	vst.idx.add.f32.msk vm7, v25  }
0x22d: {  	v56 =	vor.u32 $0x200, v10;
	v25 =	vld.idx.msk [tilespmem:v40+s20+$0x0], $0xffff;
	v13 =	vmul.f32 v13, v1  }
0x22e: {  	v36 =	vld.idx.msk [tilespmem:v36+s20+$0x0], $0xffff  }
0x22f: {  	vm4 =	vmmov vm1;
	v62 =	vmul.f32 v62, v5;
	[tilespmem:v0+s21+$0x0] =	vst.idx.add.f32.msk vm0, v13  }
0x230: {  	vm1 =	vmmov vm7;
	v13 =	vld [tilespmem:$0x1FF90]  }
0x231: {  	[tilespmem:v32+s21+$0x0] =	vst.idx.add.f32.msk vm3, v62  }
0x232: {  	[tilespmem:$0x1FFD0] =	vst v43;
	v20 =	vmovc v15;
	v15 =	vor.u32 $0x300, v45;
	v48 =	vmov v4;
	v4 =	vmul.f32 v25, v12;
	v0 =	vld.idx.msk [tilespmem:v56+s20+$0x0], $0xffff  }
0x233: {  	v8 =	vor.u32 $0x300, v52;
	v59 =	vmul.f32 v60, v7;
	v62 =	vmov v15;
	v15 =	vld [tilespmem:$0x1FFD0]  }
0x234: {  	v26 =	vmov v8;
	v8 =	vor.u32 $0x200, v2;
	[tilespmem:v57+s21+$0x0] =	vst.idx.add.f32.msk vm5, v4;
	v4 =	vmul.f32 v36, v30  }
0x235: {  	[tilespmem:v24+s21+$0x0] =	vst.idx.add.f32.msk vm4, v59  }
0x236: {  	v58 =	vor.u32 $0x100, v52;
	v3 =	vmul.f32 v53, v6;
	[tilespmem:v61+s21+$0x0] =	vst.idx.add.f32.msk vm1, v4  }
0x237: {  	v4 =	vld [tilespmem:$0x1FFA0];
	v0 =	vmul.f32 v0, v1  }
0x238: {  	[tilespmem:v13+s21+$0x0] =	vst.idx.add.f32.msk vm2, v3  }
0x239: {  	v3 =	vmul.f32 v38, v29;
	[tilespmem:v8+s21+$0x0] =	vst.idx.add.f32.msk vm0, v0  }
0x23a: {  	v8 =	vld [tilespmem:$0x1FFC0]  }
0x23b: {  	[tilespmem:v58+s21+$0x0] =	vst.idx.add.f32.msk vm6, v3;
	v3 =	vor.u32 $0x280, v10  }
0x23c: {  	v24 =	vmov v9;
	v9 =	vld [tilespmem:$0x1FFB0];
	_ =	sdelay $0x2  }
0x23d: {  	v4 =	vld.idx.msk [tilespmem:v4+s20+$0x0], $0xffff  }
0x23e: {  	v43 =	vor.u32 $0x180, v47;
	v0 =	vld.idx.msk [tilespmem:v3+s20+$0x0], $0xffff;
	_ =	sdelay $0x1  }
0x23f: {  	v13 =	vor.u32 $0x280, v2;
	v8 =	vld.idx.msk [tilespmem:v8+s20+$0x0], $0xffff  }
0x240: {  	v28 =	vor.u32 $0x200, v45;
	v61 =	vld.idx.msk [tilespmem:v15+s20+$0x0], $0xffff  }
0x241: {  	v9 =	vld.idx.msk [tilespmem:v9+s20+$0x0], $0xffff;
	v4 =	vmul.f32 v4, v12  }
0x242: {  	v3 =	vld.idx.msk [tilespmem:v43+s20+$0x0], $0xffff;
	v0 =	vmul.f32 v0, v1  }
0x243: {  	[tilespmem:v41+s21+$0x0] =	vst.idx.add.f32.msk vm5, v4  }
0x244: {  	v21 =	vor.u32 $0x180, v52;
	[tilespmem:v13+s21+$0x0] =	vst.idx.add.f32.msk vm0, v0;
	v0 =	vmul.f32 v8, v5  }
0x245: {  	v31 =	vor.u32 $0x300, v10;
	v4 =	vld.idx.msk [tilespmem:v28+s20+$0x0], $0xffff  }
0x246: {  	[tilespmem:v20+s21+$0x0] =	vst.idx.add.f32.msk vm3, v0  }
0x247: {  	v39 =	vor.u32 $0x200, v46;
	v9 =	vmul.f32 v9, v29;
	v0 =	vld [tilespmem:$0x1FFE0]  }
0x248: {  	v37 =	vor.u32 $0x200, v47;
	v25 =	vld.idx.msk [tilespmem:v23+s20+$0x0], $0xffff  }
0x249: {  	[tilespmem:v21+s21+$0x0] =	vst.idx.add.f32.msk vm6, v9;
	v3 =	vmul.f32 v3, v30  }
0x24a: {  	v8 =	vld.idx.msk [tilespmem:v31+s20+$0x0], $0xffff  }
0x24b: {  	v34 =	vor.u32 $0x280, v45;
	v5 =	vmov v12;
	[tilespmem:v35+s21+$0x0] =	vst.idx.add.f32.msk vm1, v3  }
0x24c: {  	s0 =	sadd.s32 $0x4, s0;
	v42 =	vor.u32 $0x280, v46;
	v3 =	vld.idx.msk [tilespmem:v39+s20+$0x0], $0xffff;
	v13 =	vor.u32 $0x300, v2;
	v4 =	vmul.f32 v4, v5  }
0x24d: {  	p3 =	slt.s32 s0, s24;
	v14 =	vor.u32 $0x280, v47;
	v10 =	vor.u32 $0x380, v10;
	v9 =	vmul.f32 v25, v6;
	v12 =	vld.idx.msk [tilespmem:v37+s20+$0x0], $0xffff  }
.Ltmp27:
0x24e: {  	v22 =	vor.u32 $0x200, v52;
	v45 =	vor.u32 $0x380, v45;
	v47 =	vor.u32 $0x380, v47;
	[tilespmem:v33+s21+$0x0] =	vst.idx.add.f32.msk vm5, v4;
	(pc) =	sbr.rel @p3 .LBB2_45-.Ltmp27, $4  }
0x24f: {  	v46 =	vor.u32 $0x380, v46;
	v52 =	vor.u32 $0x380, v52;
	[tilespmem:v0+s21+$0x0] =	vst.idx.add.f32.msk vm2, v9;
	v0 =	vmul.f32 v8, v1  }
0x250: {  	v18 =	vmovc v52;
	v40 =	vmovc v45;
	v15 =	vmov v51;
	v23 =	vmov v46;
	v43 =	vmov v47;
	v31 =	vld.idx.msk [tilespmem:v34+s20+$0x0], $0xffff  }
0x251: {  	v6 =	vmovc v29;
	v28 =	vmul.f32 v61, v7;
	v7 =	vmov v30;
	vm3 =	vmmov vm5;
	[tilespmem:v13+s21+$0x0] =	vst.idx.add.f32.msk vm0, v0  }
0x252: {  	s14 =	sadd.s32 $0x40, s14;
	v32 =	vmul.f32 v3, v6;
	v30 =	vmul.f32 v12, v7;
	vm2 =	vmmov vm6;
	v8 =	vmovc v16;
	v29 =	vld.idx.msk [tilespmem:v10+s20+$0x0], $0xffff  }
0x253: {  	v33 =	vmov v63;
	v10 =	vmov v5;
	v63 =	vmov v11  }
0x254: {  	v11 =	vmovc v6;
	v12 =	vmovc v7;
	v0 =	vmov v54;
	v38 =	vmov v17;
	v39 =	vmov v19  }
0x255: {  	v13 =	vld [tilespmem:$0x1FFF0];
	v20 =	vmovc v48;
	v19 =	vmovc v26;
	v41 =	vmov v43;
	v17 =	vmov v15;
	v25 =	vimm.f32 $0.0e+00  }
.LBB2_47:
0x256: {  	_ =	sdelay $0x4  }
0x257: {  	[tilespmem:v22+s21+$0x0] =	vst.idx.add.f32.msk vm2, v32  }
0x258: {  	[tilespmem:v27+s21+$0x0] =	vst.idx.add.f32.msk vm1, v30  }
0x259: {  	v3 =	vld.idx.msk [tilespmem:v42+s20+$0x0], $0xffff  }
0x25a: {  	v4 =	vld.idx.msk [tilespmem:v14+s20+$0x0], $0xffff;
	_ =	sdelay $0x1  }
0x25b: {  	v5 =	vmul.f32 v31, v10;
	_ =	sdelay $0x1  }
0x25c: {  	[tilespmem:v8+s21+$0x0] =	vst.idx.add.f32.msk vm3, v5;
	v3 =	vmul.f32 v3, v11  }
0x25d: {  	v5 =	vld.idx.msk [tilespmem:v62+s20+$0x0], $0xffff;
	v4 =	vmul.f32 v4, v12  }
0x25e: {  	[tilespmem:v13+s21+$0x0] =	vst.idx.add.f32.msk vm2, v3  }
0x25f: {  	[tilespmem:v0+s21+$0x0] =	vst.idx.add.f32.msk vm1, v4  }
0x260: {  	v53 =	vld.idx.msk [tilespmem:v38+s20+$0x0], $0xffff  }
0x261: {  	v54 =	vld.idx.msk [tilespmem:v39+s20+$0x0], $0xffff  }
0x262: {  	vm15 =	vmmov vm1  }
0x263: {  	v55 =	vmul.f32 v5, v10;
	_ =	sdelay $0x1  }
0x264: {  	[tilespmem:v20+s21+$0x0] =	vst.idx.add.f32.msk vm3, v55;
	v0 =	vmul.f32 v53, v11  }
0x265: {  	v57 =	vld.idx.msk [tilespmem:v40+s20+$0x0], $0xffff;
	v3 =	vmul.f32 v54, v12  }
0x266: {  	[tilespmem:v19+s21+$0x0] =	vst.idx.add.f32.msk vm2, v0  }
0x267: {  	[tilespmem:v24+s21+$0x0] =	vst.idx.add.f32.msk vm15, v3  }
0x268: {  	v56 =	vor.u32 $0x380, v2;
	v58 =	vld.idx.msk [tilespmem:v23+s20+$0x0], $0xffff  }
0x269: {  	v59 =	vld.idx.msk [tilespmem:v41+s20+$0x0], $0xffff;
	_ =	sdelay $0x1  }
0x26a: {  	v1 =	vmul.f32 v29, v1  }
0x26b: {  	[tilespmem:v33+s21+$0x0] =	vst.idx.add.f32.msk @p2 vm4, v28;
	v60 =	vmul.f32 v57, v10  }
0x26c: {  	[tilespmem:v56+s21+$0x0] =	vst.idx.add.f32.msk vm0, v1;
	v61 =	vmul.f32 v58, v11  }
0x26d: {  	[tilespmem:v17+s21+$0x0] =	vst.idx.add.f32.msk vm3, v60;
	v62 =	vmul.f32 v59, v12  }
0x26e: {  	[tilespmem:v18+s21+$0x0] =	vst.idx.add.f32.msk vm2, v61  }
0x26f: {  	[tilespmem:v63+s21+$0x0] =	vst.idx.add.f32.msk vm15, v62  }
.LBB2_48:
.Ltmp28:
0x270: {  	(pc) =	sbr.rel @p1 .LBB2_50-.Ltmp28, $3  }
0x271: {  	_ =	sdelay $0x1  }
0x272: {  	s0 =	smov.u32 s28  }
0x273: {  	s1 =	smov.u32 s26;
	s14 =	smov.u32 s25;
	s31 =	smov.u32 s24  }
.LBB2_49:
0x274: {  	v0 =	vld [tilespmem:s14+$0x0];
	_ =	sdelay $0x4  }
0x275: {  	v1 =	vshll.u32 v0, $0x3  }
0x276: {  	v0 =	vand.u32 $0x7F, v0;
	v1 =	vand.u32 $0xFFFFFC00, v1  }
0x277: {  	v2 =	vld [tilespmem:s1+$0x0];
	v0 =	vor.u32 v0, v1;
	_ =	sdelay $0x3  }
0x278: {  	v52 =	vld [tilespmem:s0+$0x0]  }
0x279: {  	v4 =	vshll.u32 v2, $0x3;
	v3 =	vld.idx.msk [tilespmem:v0+s20+$0x0], $0xffff  }
0x27a: {  	vm0 =	vlt.s32 v2, $0x140;
	v2 =	vand.u32 $0x7F, v2;
	v4 =	vand.u32 $0xFFFFFC00, v4  }
0x27b: {  	v2 =	vor.u32 v2, v4  }
0x27c: {  	v53 =	vor.u32 $0x80, v0;
	_ =	sdelay $0x1  }
0x27d: {  	v3 =	vmul.f32 v3, v52;
	_ =	sdelay $0x1  }
0x27e: {  	[tilespmem:v2+s21+$0x0] =	vst.idx.add.f32.msk vm0, v3  }
0x27f: {  	v3 =	vld.idx.msk [tilespmem:v53+s20+$0x0], $0xffff;
	_ =	sdelay $0x1  }
0x280: {  	v54 =	vor.u32 $0x80, v2  }
0x281: {  	v5 =	vor.u32 $0x100, v0;
	_ =	sdelay $0x1  }
0x282: {  	v3 =	vmul.f32 v3, v52;
	_ =	sdelay $0x1  }
0x283: {  	[tilespmem:v54+s21+$0x0] =	vst.idx.add.f32.msk vm0, v3  }
0x284: {  	v3 =	vld.idx.msk [tilespmem:v5+s20+$0x0], $0xffff;
	_ =	sdelay $0x1  }
0x285: {  	v55 =	vor.u32 $0x100, v2  }
0x286: {  	v56 =	vor.u32 $0x180, v0;
	_ =	sdelay $0x1  }
0x287: {  	v3 =	vmul.f32 v3, v52;
	_ =	sdelay $0x1  }
0x288: {  	[tilespmem:v55+s21+$0x0] =	vst.idx.add.f32.msk vm0, v3  }
0x289: {  	v3 =	vld.idx.msk [tilespmem:v56+s20+$0x0], $0xffff;
	_ =	sdelay $0x1  }
0x28a: {  	v57 =	vor.u32 $0x180, v2  }
0x28b: {  	v58 =	vor.u32 $0x200, v0;
	_ =	sdelay $0x1  }
0x28c: {  	v3 =	vmul.f32 v3, v52;
	_ =	sdelay $0x1  }
0x28d: {  	[tilespmem:v57+s21+$0x0] =	vst.idx.add.f32.msk vm0, v3  }
0x28e: {  	v3 =	vld.idx.msk [tilespmem:v58+s20+$0x0], $0xffff;
	_ =	sdelay $0x1  }
0x28f: {  	v59 =	vor.u32 $0x200, v2  }
0x290: {  	v60 =	vor.u32 $0x280, v0;
	_ =	sdelay $0x1  }
0x291: {  	v3 =	vmul.f32 v3, v52;
	_ =	sdelay $0x1  }
0x292: {  	[tilespmem:v59+s21+$0x0] =	vst.idx.add.f32.msk vm0, v3  }
0x293: {  	v3 =	vld.idx.msk [tilespmem:v60+s20+$0x0], $0xffff;
	_ =	sdelay $0x1  }
0x294: {  	v61 =	vor.u32 $0x280, v2  }
0x295: {  	v62 =	vor.u32 $0x300, v0;
	_ =	sdelay $0x1  }
0x296: {  	v3 =	vmul.f32 v3, v52;
	_ =	sdelay $0x1  }
0x297: {  	[tilespmem:v61+s21+$0x0] =	vst.idx.add.f32.msk vm0, v3  }
0x298: {  	v3 =	vld.idx.msk [tilespmem:v62+s20+$0x0], $0xffff;
	_ =	sdelay $0x1  }
0x299: {  	v63 =	vor.u32 $0x300, v2  }
0x29a: {  	v0 =	vor.u32 $0x380, v0;
	_ =	sdelay $0x1  }
0x29b: {  	v3 =	vmul.f32 v3, v52;
	_ =	sdelay $0x1  }
0x29c: {  	[tilespmem:v63+s21+$0x0] =	vst.idx.add.f32.msk vm0, v3  }
0x29d: {  	v0 =	vld.idx.msk [tilespmem:v0+s20+$0x0], $0xffff  }
0x29e: {  	s31 =	sadd.s32 $0x1, s31  }
0x29f: {  	p2 =	slt.s32 s31, s23;
	v2 =	vor.u32 $0x380, v2  }
.Ltmp29:
0x2a0: {  	_ = 	snop;
	(pc) =	sbr.rel @p2 .LBB2_49-.Ltmp29, $3  }
0x2a1: {  	_ = 	snop  }
0x2a2: {  	v0 =	vmul.f32 v0, v52;
	_ =	sdelay $0x1  }
0x2a3: {  	s14 =	sadd.s32 $0x10, s14;
	s1 =	sadd.s32 $0x10, s1;
	s0 =	sadd.s32 $0x10, s0;
	[tilespmem:v2+s21+$0x0] =	vst.idx.add.f32.msk vm0, v0  }
.Ltmp30:
0x2a4: {  	_ = 	snop;
	(pc) =	sbr.rel .LBB2_50-.Ltmp30, $1  }
0x2a5: {  	_ =	sdelay $0x3  }
.LBB2_33:
.Ltmp31:
0x2a6: {  	(pc) =	sbr.rel .LBB2_47-.Ltmp31, $2  }
0x2a7: {  	_ =	sdelay $0x2  }
0x2a8: {  	_ = 	snop  }
.LBB2_44:
.Ltmp32:
0x2a9: {  	(pc) =	sbr.rel .LBB2_47-.Ltmp32, $4  }
0x2aa: {  	_ = 	snop  }
0x2ab: {  	v33 =	vmov v63;
	v10 =	vmov v5;
	v63 =	vmov v11  }
0x2ac: {  	v11 =	vmovc v6;
	v12 =	vmovc v7;
	v0 =	vmov v54;
	v38 =	vmov v17;
	v39 =	vmov v19  }
0x2ad: {  	v13 =	vld [tilespmem:$0x1FFF0];
	v20 =	vmovc v48;
	v19 =	vmovc v26;
	v41 =	vmov v43;
	v17 =	vmov v15;
	v25 =	vimm.f32 $0.0e+00  }
.LBB2_3:
.Ltmp33:
0x2ae: {  	(pc) =	sbr.rel .LBB2_14-.Ltmp33, $2  }
0x2af: {  	_ =	sdelay $0x2  }
0x2b0: {  	_ = 	snop  }
.LBB2_9:
.Ltmp34:
0x2b1: {  	(pc) =	sbr.rel .LBB2_40-.Ltmp34, $2  }
0x2b2: {  	_ =	sdelay $0x2  }
0x2b3: {  	v1 =	vmov v5;
	s14 =	simm.s32 $0x5820;
	v14 =	vmov v7  }
.LBB2_11:
.Ltmp35:
0x2b4: {  	(pc) =	sbr.rel .LBB2_14-.Ltmp35, $3  }
0x2b5: {  	_ =	sdelay $0x1  }
0x2b6: {  	v21 =	vmov v3;
	v22 =	vmov v1;
	v23 =	vmov v2  }
0x2b7: {  	v3 =	vmovc v15;
	s14 =	simm.s32 $0x5820;
	v1 =	vmovc v16;
	v2 =	vmov v19;
	s0 =	simm.s32 $0x5860;
	v15 =	vmov v7;
	v9 =	vmov v6  }
.LBB2_35:
.Ltmp36:
0x2b8: {  	(pc) =	sbr.rel .LBB2_40-.Ltmp36, $2  }
0x2b9: {  	_ =	sdelay $0x2  }
0x2ba: {  	s14 =	simm.s32 $0x5820  }
.LBB2_37:
.Ltmp37:
0x2bb: {  	(pc) =	sbr.rel .LBB2_40-.Ltmp37, $2  }
0x2bc: {  	_ =	sdelay $0x2  }
0x2bd: {  	v5 =	vmov v1;
	s26 =	simm.s32 $0x5820;
	v1 =	vmov v7;
	v14 =	vmov v9  }
.LBB2_52:
0x2be: {  	_ =	sfence.sel $0x180000  }
0x2bf: {  	[bflag:$0x0] =	sbarrier.arrive $0xFFFF  }
0x2c0: {  	_ =	strace $0x9000004A  }
0x2c1: {  	s0 =	stileid.u32;
	[bflag:$0x2] =	sbarrier.arrive $0xFFFF  }
0x2c2: {  	p0 =	sne.s32 s0, $0x0;
	s0 =	rddreg [dreg:$0x2]  }
0x2c3: {  	s0 =	sadd.s32 @!p0 $0x100000, s0  }
0x2c4: {  	[sflag:s0] =	ssyncadd.tile.s32 @!p0 $0x1;
	_ =	shalt  }
.Lfunc_end2:
_tile_overlayer_lowered:
.L_overlay_start_2:
0x2c5: {  	(tag) =	ssettag $0x2  }
0x2c6: {  	s0 =	rddreg [dreg:$0x0];
	s2 =	stileid.u32  }
0x2c7: {  	s1 =	rddreg [dreg:$0x1];
	p0 =	sne.s32 s2, $0x0  }
0x2c8: {  	s3 =	rddreg [dreg:$0x2];
	[bflag:$0x3] =	sbarrier.arrive $0xFFFF;
	s2 =	simm.s32 @!p0 $0x1C01  }
0x2c9: {  	[timem:s3], [sflag:s2] =	dma.local @!p0 [hbm:s0], s1  }
0x2ca: {  	s0 =	simm.s32 @!p0 $0x1  }
0x2cb: {  	_ =	swait.ge @!p0 [sflag:s0], s1  }
0x2cc: {  	s1 =	ssub.s32 @!p0 $0x0, s1;
	[sflag:s0] =	ssyncset.done @!p0 $0x0  }
0x2cd: {  	[sflag:s0] =	ssyncadd.s32 @!p0 s1  }
0x2ce: {  	[bflag:$0x3] =	sbarrier.arrive $0xFFFF  }
0x2cf: {  	_ =	shalt  }

// kernel: kernel.15.cloned.1.call-start
scs
__scs_entry_jumppad:
0x0: {  	(pc) =	sbr.rel $0x88, $3  }
0x1: {  	(tag) =	ssettag $0x0;
	lr =	simm.s32 $0x1  }
0x2: {  	[smem:$0x3F90] =	sst lr;
	_ =	strace $0xD0000000  }
0x3: {  	_ = 	snop  }
0x4: {  	_ = 	snop  }
0x5: {  	_ = 	snop  }
0x6: {  	_ = 	snop  }
0x7: {  	_ = 	snop  }
__scs_overlays_trampoline_lowered:
0x8: {  	[smem:$0x3F9F] =	sst s0  }
0x9: {  	[smem:$0x3FA0] =	sst s1  }
0xa: {  	[smem:$0x3FA1] =	sst s2  }
0xb: {  	[smem:$0x3FA2] =	sst s3  }
0xc: {  	[smem:$0x3FA3] =	sst s4  }
0xd: {  	[smem:$0x3FA4] =	sst s5  }
0xe: {  	[smem:$0x3FA5] =	sst s6  }
0xf: {  	[smem:$0x3FA6] =	sst s7  }
0x10: {  	[smem:$0x3FA7] =	sst s8  }
0x11: {  	[smem:$0x3FA8] =	sst s9;
	s0 =	simm.s32 @!p0 $0x0  }
0x12: {  	s1 =	sld [smem:$0x3F8E];
	s0 =	simm.s32 @p0 $0x1  }
0x13: {  	[smem:$0x3FA9] =	sst s0;
	s0 =	simm.s32 @!p1 $0x0  }
0x14: {  	s2 =	sld [smem:$0x3F8D];
	s0 =	simm.s32 @p1 $0x1  }
0x15: {  	[smem:$0x3FAA] =	sst s0;
	s0 =	simm.s32 @!p2 $0x0  }
0x16: {  	s3 =	sld [smem:$0x3FDB];
	s0 =	simm.s32 @p2 $0x1  }
0x17: {  	s4 =	simm.s32 $0x1BF5;
	[smem:$0x3FAC] =	sst s0  }
0x18: {  	s0 =	sld [smem:$0x3F8F];
	_ =	swait.ge [sflag:s4], $0x0  }
0x19: {  	s7 =	sld [smem:$0x3F90]  }
0x1a: {  	s8 =	sadd.s32 $0xFFFFE003, lr  }
0x1b: {  	s9 =	sadd.s32 $0xFFFFFEF7, lr;
	s5 =	simm.s32 $0xFFFFFFFF;
	p2 =	slt.u32 s8, $0xFFFFF086  }
0x1c: {  	p1 =	slt.u32 s9, $0xF7A;
	s5 =	simm.s32 @!p2 $0x0  }
0x1d: {  	s5 =	simm.s32 @p1 $0x1;
	p0 =	seq.s32 s7, s2  }
0x1e: {  	s7 =	smul.u32 @!p0 $0xF7A, s2;
	p2 =	seq.s32 @!p0 s5, $0x0  }
0x1f: {  	s9 =	smul.u32 $0xF7A, s1;
	s8 =	simm.s32 @!p0 $0x1BF5;
	p2 =	por !p2, p0  }
0x20: {  	[sflag:s8] =	ssyncset.s32 @!p0 $0xFFFFF086;
	s6 =	sadd.s32 @!p0 s3, s7;
	s7 =	simm.s32 @!p0 $0x108  }
0x21: {  	s3 =	sadd.s32 s3, s9;
	s6 =	sadd.s32 @!p0 $0x88, s6;
	s7 =	simm.s32 @p2 $0x1082  }
0x22: {  	[simem:s7], [sflag:s8] =	dma.local @!p0 [hbm:s6], $0xF7A  }
0x23: {  	s9 =	sor.u32 $0xD0000000, s2;
	s6 =	simm.s32 $0x108;
	_ =	swait.ge @!p0 [sflag:s8], $0x0  }
0x24: {  	s3 =	sadd.s32 $0x88, s3;
	s6 =	simm.s32 @!p1 $0x1082;
	[sflag:s4] =	ssyncset.s32 $0xFFFFF086  }
0x25: {  	[simem:s6], [sflag:s4] =	dma.local [hbm:s3], $0xF7A  }
0x26: {  	[smem:$0x3F90] =	sst s1;
	(tag) =	ssettag s2;
	_ =	strace s9  }
0x27: {  	s1 =	sld [smem:$0x3FA0]  }
0x28: {  	s2 =	sld [smem:$0x3FA1]  }
0x29: {  	s4 =	sld [smem:$0x3FA3]  }
0x2a: {  	p0 =	seq.s32 s5, $0x0;
	s5 =	sld [smem:$0x3FA4]  }
0x2b: {  	s6 =	sld [smem:$0x3FA5]  }
0x2c: {  	s7 =	sld [smem:$0x3FA6]  }
0x2d: {  	s3 =	simm.s32 $0x108;
	s8 =	sld [smem:$0x3FA7]  }
0x2e: {  	s3 =	simm.s32 @!p0 $0x1082;
	s9 =	sld [smem:$0x3FA8]  }
0x2f: {  	lr =	sadd.s32 s0, s3;
	s0 =	sld [smem:$0x3F9F]  }
0x30: {  	s3 =	sld [smem:$0x3FA2]  }
0x31: {  	[smem:$0x3FAB] =	sst s10  }
0x32: {  	s10 =	sld [smem:$0x3FA9];
	_ =	sdelay $0x3  }
0x33: {  	p0 =	seq.s32 s10, $0x1;
	s10 =	sld [smem:$0x3FAB];
	_ =	sdelay $0x3  }
0x34: {  	[smem:$0x3FAB] =	sst s10  }
0x35: {  	s10 =	sld [smem:$0x3FAA];
	_ =	sdelay $0x3  }
0x36: {  	p1 =	seq.s32 s10, $0x1;
	s10 =	sld [smem:$0x3FAB];
	_ =	sdelay $0x3  }
0x37: {  	[smem:$0x3FAB] =	sst s10  }
0x38: {  	s10 =	sld [smem:$0x3FAC]  }
0x39: {  	_ = 	snop;
	(pc) =	sbr.ind lr, $3  }
0x3a: {  	_ = 	snop  }
0x3b: {  	_ = 	snop  }
0x3c: {  	p2 =	seq.s32 s10, $0x1;
	s10 =	sld [smem:$0x3FAB]  }
0x3d: {  	_ =	shalt  }
0x3e: {  	_ =	shalt  }
0x3f: {  	_ =	shalt  }
0x40: {  	_ =	shalt  }
0x41: {  	_ =	shalt  }
0x42: {  	_ =	shalt  }
0x43: {  	_ =	shalt  }
0x44: {  	_ =	shalt  }
0x45: {  	_ =	shalt  }
0x46: {  	_ =	shalt  }
0x47: {  	_ =	shalt  }
0x48: {  	_ =	shalt  }
0x49: {  	_ =	shalt  }
0x4a: {  	_ =	shalt  }
0x4b: {  	_ =	shalt  }
0x4c: {  	_ =	shalt  }
0x4d: {  	_ =	shalt  }
0x4e: {  	_ =	shalt  }
0x4f: {  	_ =	shalt  }
0x50: {  	_ =	shalt  }
0x51: {  	_ =	shalt  }
0x52: {  	_ =	shalt  }
0x53: {  	_ =	shalt  }
0x54: {  	_ =	shalt  }
0x55: {  	_ =	shalt  }
0x56: {  	_ =	shalt  }
0x57: {  	_ =	shalt  }
0x58: {  	_ =	shalt  }
0x59: {  	_ =	shalt  }
0x5a: {  	_ =	shalt  }
0x5b: {  	_ =	shalt  }
0x5c: {  	_ =	shalt  }
0x5d: {  	_ =	shalt  }
0x5e: {  	_ =	shalt  }
0x5f: {  	_ =	shalt  }
0x60: {  	_ =	shalt  }
0x61: {  	_ =	shalt  }
0x62: {  	_ =	shalt  }
0x63: {  	_ =	shalt  }
0x64: {  	_ =	shalt  }
0x65: {  	_ =	shalt  }
0x66: {  	_ =	shalt  }
0x67: {  	_ =	shalt  }
0x68: {  	_ =	shalt  }
0x69: {  	_ =	shalt  }
0x6a: {  	_ =	shalt  }
0x6b: {  	_ =	shalt  }
0x6c: {  	_ =	shalt  }
0x6d: {  	_ =	shalt  }
0x6e: {  	_ =	shalt  }
0x6f: {  	_ =	shalt  }
0x70: {  	_ =	shalt  }
0x71: {  	_ =	shalt  }
0x72: {  	_ =	shalt  }
0x73: {  	_ =	shalt  }
0x74: {  	_ =	shalt  }
0x75: {  	_ =	shalt  }
0x76: {  	_ =	shalt  }
0x77: {  	_ =	shalt  }
0x78: {  	_ =	shalt  }
0x79: {  	_ =	shalt  }
0x7a: {  	_ =	shalt  }
0x7b: {  	_ =	shalt  }
0x7c: {  	_ =	shalt  }
0x7d: {  	_ =	shalt  }
0x7e: {  	_ =	shalt  }
0x7f: {  	_ =	shalt  }
0x80: {  	_ =	shalt  }
0x81: {  	_ =	shalt  }
0x82: {  	_ =	shalt  }
0x83: {  	_ =	shalt  }
0x84: {  	_ =	shalt  }
0x85: {  	_ =	shalt  }
0x86: {  	_ =	shalt  }
0x87: {  	_ =	shalt  }
.Lfunc_end0:
.L_simem_size_0:
called_computation.2_lowered:
.L_overlay_start_0:
0x88: {  	s2 =	sld [smem:$0x3FD9]  }
0x89: {  	s3 =	sld [smem:$0x3FFE];
	_ =	sdelay $0x1  }
0x8a: {  	s1 =	srdreg.scid  }
0x8b: {  	s0 =	sand.u32 $0x1, s1  }
0x8c: {  	s17 =	sshll.u32 s0, $0xA;
	s2 =	sadd.s32 s3, s2  }
0x8d: {  	s2 =	sadd.s32 s2, s17  }
0x8e: {  	[smem:$0x3FB7] =	sst s2  }
0x8f: {  	_ = 	snop  }
0x90: {  	s2 =	sld [smem:$0x3FD0];
	(tm) =	ssettm $0x1  }
0x91: {  	s18 =	sld [smem:$0x3FFB];
	_ =	sdelay $0x3  }
0x92: {  	_ =	strace s18  }
0x93: {  	s3 =	sld [smem:$0x3FFC];
	_ =	sdelay $0x3  }
0x94: {  	_ =	strace s3  }
0x95: {  	s3 =	sld [smem:$0x3FFD];
	_ =	sdelay $0x3  }
0x96: {  	_ =	strace s3  }
0x97: {  	_ =	strace $0x8FFFFFFF  }
0x98: {  	s19 =	sld [smem:$0x3FDB];
	_ =	sdelay $0x1  }
0x99: {  	s4 =	simm.s32 $_scs_section_size  }
0x9a: {  	s5 =	simm.s32 $_size__tile_overlayer_lowered;
	s6 =	simm.s32 $_tile_overlayer_lowered  }
0x9b: {  	s22 =	simm.s32 $0x1BFF;
	s21 =	sshll.u32 s6, $0x1;
	s3 =	sadd.s32 s4, s19  }
0x9c: {  	s7 =	simm.s32 $0x0;
	s20 =	sshll.u32 s5, $0x1;
	s5 =	sadd.s32 s21, s3  }
0x9d: {  	[timem:s7], [sflag:s22] =	dma.local [hbm:s5], s20  }
0x9e: {  	_ =	swait.ge [sflag:s22], s20  }
0x9f: {  	s4 =	ssub.s32 $0x0, s20;
	[sflag:s22] =	ssyncset.done $0x0  }
0xa0: {  	[sflag:s22] =	ssyncadd.s32 s4;
	_ =	sdelay $0x1  }
0xa1: {  	s23 =	simm.s32 $0x1B8B  }
0xa2: {  	_ =	swait.ge [sflag:s23], $0x1  }
0xa3: {  	[sflag:s23] =	ssyncset.done $0x0  }
0xa4: {  	s25 =	simm.s32 $0x1B8E;
	s24 =	sld [smem:$0x3FFE];
	[sflag:s23] =	ssyncadd.s32 $0xFFFFFFFF  }
0xa5: {  	s26 =	simm.s32 $execute0_lowered;
	[smem:$0x3FD2] =	sst s25  }
0xa6: {  	s5 =	sshll.u32 s26, $0x1;
	_ =	strace $0x8000004C;
	[dreg:$0x1] =	wrdreg $0xFFFFFFFF  }
0xa7: {  	s28 =	simm.s32 $_size_execute0_lowered;
	s3 =	sadd.s32 s3, s5;
	[dreg:$0x0] =	wrdreg $0x0  }
0xa8: {  	s5 =	sshll.u32 s28, $0x1;
	[dreg:$0x2] =	wrdreg s3  }
0xa9: {  	[dreg:$0x3] =	wrdreg s5  }
0xaa: {  	[dreg:$0x4] =	wrdreg $0xC0  }
0xab: {  	_ =	task [dreg:s7], $0x5FFFF  }
0xac: {  	[dreg:$0x1] =	wrdreg $0xFFFFFFFF  }
0xad: {  	[dreg:$0x0] =	wrdreg $0x60  }
0xae: {  	[dreg:$0x2] =	wrdreg s24  }
0xaf: {  	[dreg:$0x3] =	wrdreg s2  }
0xb0: {  	[dreg:$0x4] =	wrdreg $0x9  }
0xb1: {  	_ =	task.clear_ibuf [dreg:s7], $0x5FFFF;
	_ =	strace $0x9000004C  }
0xb2: {  	s29 =	simm.s32 $0x9;
	_ =	strace $0x8000004E  }
0xb3: {  	_ =	swait.ge [sflag:s29], $0x1  }
0xb4: {  	[sflag:s29] =	ssyncadd.s32 $0xFFFFFFFF  }
0xb5: {  	_ =	strace $0x9000004E  }
0xb6: {  	_ =	sfence  }
0xb7: {  	s30 =	sld [smem:$0x0];
	_ =	sdelay $0x2  }
0xb8: {  	s31 =	sshll.u32 s1, $0xD;
	s1 =	sshrl.u32 s1, $0x2  }
0xb9: {  	s3 =	sand.u32 $0x4000, s31;
	s1 =	sadd.s32 s1, s30  }
0xba: {  	s0 =	sor.u32 s3, s0;
	s1 =	sshll.u32 s1, $0x11  }
0xbb: {  	s0 =	sor.u32 s1, s0  }
0xbc: {  	s0 =	sadd.s32 $0x8F2B, s0  }
0xbd: {  	[sflag:s0] =	ssyncadd.remote.s32 $0x1  }
0xbe: {  	_ =	sfence.sel $0xFFFF  }
0xbf: {  	[dreg:$0x0] =	wrdreg $0xFFFFFFFF;
	(pc) =	sbr.abs _section_cstart, $3  }
0xc0: {  	[dreg:$0x1] =	wrdreg $0xFFFFFFFF  }
0xc1: {  	_ =	task.clear_ibuf [dreg:s7], $0x2FFFF;
	_ =	strace $0x9FFFFFFF  }
0xc2: {  	(tm) =	ssettm $0x7FFFFFFF  }
0xc3: {  	_ =	shalt  }
tec
execute0_lowered:
.L_overlay_start_1:
0x0: {  	(tag) =	ssettag $0x1  }
0x1: {  	s0 =	rddreg [dreg:$0x0];
	s1 =	srdreg.scid  }
0x2: {  	s2 =	stileid.u32;
	s6 =	rddreg [dreg:$0x1]  }
0x3: {  	s13 =	simm.s32 $0x1;
	s16 =	simm.s32 $0x8400;
	s17 =	simm.s32 $0xAC00  }
0x4: {  	s19 =	simm.s32 $0xAD80;
	s1 =	sand.u32 $0x1, s1;
	s3 =	sshll.u32 s2, $0x1  }
0x5: {  	s20 =	simm.s32 $0xAF00;
	s21 =	simm.s32 $0x1EF00;
	s11 =	sor.u32 s1, s3  }
0x6: {  	s22 =	simm.s32 $0x0;
	s2 =	simm.s32 $0x0;
	s4 =	smul.u32 $0x30, s11  }
0x7: {  	[smem:$0x7FF] =	sst s2;
	s3 =	sadd.s32 $0x3800, s0;
	s7 =	smul.u32 $0x580, s11  }
0x8: {  	s1 =	ssub.s32 $0x2, s1;
	s5 =	sshll.u32 s11, $0x4;
	s11 =	smul.u32 $0xC000, s11  }
.Ltmp0:
0x9: {  	_ =	strace $0x8000004D;
	s31 =	sshrl.u32 s1, $0x1;
	(pc) =	sbr.rel .LBB2_1-.Ltmp0, $4  }
0xa: {  	s10 =	sadd.s32 s5, s0;
	s5 =	sadd.s32 $0x4C200, s0;
	s9 =	sadd.s32 s4, s0  }
0xb: {  	s4 =	sadd.s32 $0x2BE00, s0;
	s8 =	sadd.s32 s7, s0;
	s0 =	ssub.s32 s1, s31  }
0xc: {  	s6 =	sadd.s32 s6, s7;
	s10 =	sadd.s32 $0x4C000, s10;
	s7 =	sadd.s32 $0x36000, s8  }
0xd: {  	v25 =	vimm.f32 $0.0e+00;
	s8 =	sadd.s32 $0x41000, s8;
	s9 =	sadd.s32 $0x2B800, s9;
	s12 =	smax.u32 s0, $0x1  }
.LBB2_51:
0xe: {  	s22 =	sadd.s32 $0x1, s22  }
0xf: {  	p0 =	sne.s32 s22, s12  }
.Ltmp1:
0x10: {  	_ = 	snop;
	(pc) =	sbr.rel @!p0 .LBB2_52-.Ltmp1, $1  }
0x11: {  	_ =	sdelay $0x3  }
.LBB2_1:
0x12: {  	[tilespmem:s2], [sflag:$0x1] =	stream.linear.gather [hbm4b:s6+s2], $0x2C00, $0x38;
	[tilespmem:$0x1FB80] =	vst v63  }
0x13: {  	_ =	swait.ge [sflag:s13], $0x2C00  }
0x14: {  	[sflag:s13] =	ssyncset.done $0x0  }
0x15: {  	s0 =	simm.s32 $0x2C00;
	[sflag:s13] =	ssyncadd.s32 $0xFFFFD400  }
0x16: {  	[tilespmem:s0], [sflag:$0x1] =	stream.linear.gather [hbm4b:s7+s2], $0x2C00, $0x38;
	[tilespmem:$0x1FB80] =	vst v63  }
0x17: {  	_ =	swait.ge [sflag:s13], $0x2C00  }
0x18: {  	[sflag:s13] =	ssyncset.done $0x0  }
0x19: {  	s29 =	simm.s32 $0x5800;
	[sflag:s13] =	ssyncadd.s32 $0xFFFFD400  }
0x1a: {  	[tilespmem:s29], [sflag:$0x1] =	stream.linear.gather [hbm4b:s8+s2], $0x2C00, $0x38;
	[tilespmem:$0x1FB80] =	vst v63  }
0x1b: {  	_ =	swait.ge [sflag:s13], $0x2C00  }
0x1c: {  	[sflag:s13] =	ssyncset.done $0x0  }
0x1d: {  	[sflag:s13] =	ssyncadd.s32 $0xFFFFD400  }
0x1e: {  	[tilespmem:s16], [sflag:$0x1] =	stream.linear.gather [hbm4b:s4+s2], $0x2800, $0x38;
	[tilespmem:$0x1FB80] =	vst v63  }
0x1f: {  	_ =	swait.ge [sflag:s13], $0x2800  }
0x20: {  	[sflag:s13] =	ssyncset.done $0x0  }
0x21: {  	[sflag:s13] =	ssyncadd.s32 $0xFFFFD800  }
0x22: {  	[tilespmem:s17], [sflag:$0x1] =	stream.linear.gather [hbm4b:s9+s2], $0x180, $0x38;
	[tilespmem:$0x1FB80] =	vst v63  }
0x23: {  	_ =	swait.ge [sflag:s13], $0x180  }
0x24: {  	[sflag:s13] =	ssyncset.done $0x0  }
0x25: {  	s30 =	simm.s32 $0x1FB00;
	[sflag:s13] =	ssyncadd.s32 $0xFFFFFE80  }
0x26: {  	[tilespmem:s30], [sflag:$0x1] =	stream.linear.gather [hbm4b:s10+s2], $0x80, $0x38;
	[tilespmem:$0x1FB80] =	vst v63  }
0x27: {  	_ =	swait.ge [sflag:s13], $0x80  }
0x28: {  	[sflag:s13] =	ssyncset.done $0x0  }
0x29: {  	[sflag:s13] =	ssyncadd.s32 $0xFFFFFF80  }
0x2a: {  	v1 =	vld [tilespmem:$0x1FB00];
	_ =	sdelay $0x4  }
0x2b: {  	v1 =	vxor.u32 $0x80000000, v1  }
0x2c: {  	(xrf0) =	vmax.scan.msk.u32 $0xffff, v1;
	_ =	sdelay $0x5  }
0x2d: {  	v1, _, _ =	vpop (xrf0)  }
0x2e: {  	(v2sf) =	vpush v1, $0xF;
	_ =	sdelay $0x8  }
0x2f: {  	[tilespmem:$0xAD80] =	vst v25  }
0x30: {  	[tilespmem:$0xAD90] =	vst v25  }
0x31: {  	[tilespmem:$0xADA0] =	vst v25  }
0x32: {  	[tilespmem:$0xADB0] =	vst v25  }
0x33: {  	[tilespmem:$0xADC0] =	vst v25  }
0x34: {  	[tilespmem:$0xADD0] =	vst v25  }
0x35: {  	[tilespmem:$0xADE0] =	vst v25;
	s31 =	spop (v2sf)  }
0x36: {  	[tilespmem:$0xADF0] =	vst v25;
	s0 =	sadd.s32 $0x8000000F, s31  }
0x37: {  	[tilespmem:$0xAE00] =	vst v25;
	s1 =	sshra.s32 s0, $0x1F  }
0x38: {  	[tilespmem:$0xAE10] =	vst v25;
	s1 =	sshrl.u32 s1, $0x1C  }
0x39: {  	[tilespmem:$0xAE20] =	vst v25;
	s0 =	sadd.s32 s1, s0  }
0x3a: {  	[tilespmem:$0xAE30] =	vst v25;
	s23 =	sshra.s32 s0, $0x4  }
0x3b: {  	[tilespmem:$0xAE40] =	vst v25;
	s0 =	sshrl.u32 s23, $0x1E  }
0x3c: {  	[tilespmem:$0xAE50] =	vst v25;
	s0 =	sadd.s32 s0, s23  }
0x3d: {  	[tilespmem:$0xAE60] =	vst v25;
	s24 =	sand.u32 $0xFFFFFFFC, s0  }
0x3e: {  	[tilespmem:$0xAE70] =	vst v25;
	p0 =	slt.s32 s24, $0x1  }
.Ltmp2:
0x3f: {  	[tilespmem:$0xAE80] =	vst v25;
	(pc) =	sbr.rel @p0 .LBB2_4-.Ltmp2, $4  }
0x40: {  	[tilespmem:$0xAE90] =	vst v25  }
0x41: {  	[tilespmem:$0xAEA0] =	vst v25  }
0x42: {  	[tilespmem:$0xAEB0] =	vst v25  }
0x43: {  	[tilespmem:$0xAEC0] =	vst v25  }
0x44: {  	s0 =	simm.s32 $0x5820  }
0x45: {  	v15 =	vld [tilespmem:s0+$0xFFFFFFF0]  }
0x46: {  	v4 =	vld [tilespmem:s0+$0x0]  }
0x47: {  	s1 =	simm.s32 $0x20;
	v5 =	vld [tilespmem:s0+$0x10]  }
0x48: {  	s14 =	simm.s32 $0x2C20;
	v6 =	vld [tilespmem:s1+$0x10]  }
0x49: {  	v9 =	vld [tilespmem:s14+$0x10]  }
0x4a: {  	v7 =	vld [tilespmem:s1+$0x0]  }
0x4b: {  	v3 =	vld [tilespmem:s14+$0x0]  }
0x4c: {  	v8 =	vld [tilespmem:s1+$0xFFFFFFF0]  }
0x4d: {  	v1 =	vld [tilespmem:s14+$0xFFFFFFF0]  }
0x4e: {  	v2 =	vld [tilespmem:s14+$0xFFFFFFE0]  }
0x4f: {  	v10 =	vld [tilespmem:s1+$0xFFFFFFE0]  }
0x50: {  	v6 =	vld.idx.msk [tilespmem:v6+s16+$0x0], $0xffff  }
0x51: {  	p2 =	sgt.s32 s24, $0x4;
	v11 =	vld.idx.msk [tilespmem:v9+s17+$0x0], $0xffff  }
.Ltmp3:
0x52: {  	v13 =	vld.idx.msk [tilespmem:v7+s16+$0x0], $0xffff;
	(pc) =	sbr.rel @!p2 .LBB2_3-.Ltmp3, $4  }
0x53: {  	v17 =	vld.idx.msk [tilespmem:v3+s17+$0x0], $0xffff  }
0x54: {  	v12 =	vld.idx.msk [tilespmem:v8+s16+$0x0], $0xffff  }
0x55: {  	v18 =	vld.idx.msk [tilespmem:v1+s17+$0x0], $0xffff  }
0x56: {  	p1 =	por $0x0, $0x0;
	v8 =	vld.idx.msk [tilespmem:v2+s17+$0x0], $0xffff;
	v20 =	vadd.f32 v6, v11  }
0x57: {  	_ =	sdelay $0x2  }
0x58: {  	v6 =	vadd.f32 v13, v17;
	v5 =	vadd.f32 v20, v5  }
0x59: {  	v10 =	vld.idx.msk [tilespmem:v10+s16+$0x0], $0xffff  }
0x5a: {  	v13 =	vadd.f32 v6, v4;
	v6 =	vmul.f32 $9.999999770e-03, v5;
	v12 =	vadd.f32 v12, v18  }
0x5b: {  	vm0 =	vge.f32 v5, $0.0e+00  }
0x5c: {  	v11 =	vld [tilespmem:s0+$0xFFFFFFE0];
	s1 =	simm.s32 $0x5860;
	v6 =	vsel vm0, v5, v6;
	v12 =	vadd.f32 v12, v15  }
0x5d: {  	s14 =	simm.s32 $0x60;
	v7 =	vld [tilespmem:s1+$0xFFFFFFF0];
	v14 =	vmul.f32 $9.999999770e-03, v13;
	v15 =	vmul.f32 $1.442695020e+00, v6  }
0x5e: {  	s25 =	simm.s32 $0x2C60;
	v17 =	vld [tilespmem:s14+$0x10];
	vm0 =	vge.f32 v13, $0.0e+00;
	v8 =	vadd.f32 v10, v8;
	v16 =	vmul.f32 $9.999999770e-03, v12  }
0x5f: {  	v19 =	vld [tilespmem:s25+$0xFFFFFFE0];
	v13 =	vsel vm0, v13, v14;
	vm0 =	vge.f32 v12, $0.0e+00;
	(erf) = vpow2.f32 v15  }
0x60: {  	v4 =	vld [tilespmem:s1+$0x0];
	v13 =	vmul.f32 $1.442695020e+00, v13;
	v12 =	vsel vm0, v12, v16  }
0x61: {  	v6 =	vld [tilespmem:s25+$0x10];
	v8 =	vadd.f32 v8, v11;
	v12 =	vmul.f32 $1.442695020e+00, v12  }
0x62: {  	v14 =	vld [tilespmem:s14+$0x0];
	(erf) = vpow2.f32 v13  }
0x63: {  	v15 =	vld [tilespmem:s25+$0x0];
	(erf) = vpow2.f32 v12;
	v12 =	vmul.f32 $9.999999770e-03, v8  }
0x64: {  	v18 =	vld [tilespmem:s14+$0xFFFFFFF0];
	vm1 =	vge.f32 v8, $0.0e+00  }
0x65: {  	v5 =	vld [tilespmem:s1+$0x10];
	v8 =	vsel vm1, v8, v12  }
0x66: {  	v16 =	vld [tilespmem:s25+$0xFFFFFFF0];
	vm0 =	vlt.s32 v9, $0x140;
	v8 =	vmul.f32 $1.442695020e+00, v8  }
0x67: {  	v10 =	vld [tilespmem:s14+$0xFFFFFFE0]  }
0x68: {  	v11 =	vld.idx.msk [tilespmem:v17+s16+$0x0], $0xffff;
	v21 =	vpop (erf);
	(erf) = vpow2.f32 v8  }
0x69: {  	v20 =	vld.idx.msk [tilespmem:v6+s17+$0x0], $0xffff  }
0x6a: {  	p2 =	sgt.s32 s24, $0x8;
	vm1 =	vlt.s32 v3, $0x140;
	v13 =	vld.idx.msk [tilespmem:v14+s16+$0x0], $0xffff  }
.Ltmp4:
0x6b: {  	v17 =	vld.idx.msk [tilespmem:v15+s17+$0x0], $0xffff;
	(pc) =	sbr.rel @!p2 .LBB2_11-.Ltmp4, $4  }
0x6c: {  	[tilespmem:v9+s19+$0x0] =	vst.idx.add.f32.msk vm0, v21;
	vm0 =	vlt.s32 v1, $0x140  }
0x6d: {  	vm2 =	vlt.s32 v2, $0x140;
	v12 =	vld.idx.msk [tilespmem:v18+s16+$0x0], $0xffff  }
0x6e: {  	v18 =	vld.idx.msk [tilespmem:v16+s17+$0x0], $0xffff;
	v14 =	vpop (erf)  }
0x6f: {  	s26 =	simm.s32 $0x8;
	p1 =	por $0x1, $0x1;
	s28 =	simm.s32 $0x5860;
	v8 =	vld.idx.msk [tilespmem:v19+s17+$0x0], $0xffff;
	[tilespmem:s0+$0x10] =	vst v21;
	v20 =	vadd.f32 v11, v20;
	v11 =	vpop (erf)  }
.LBB2_12:
0x70: {  	s26 =	sadd.s32 $0x4, s26;
	[tilespmem:v3+s19+$0x0] =	vst.idx.add.f32.msk vm1, v14;
	v3 =	vmov v15  }
0x71: {  	p2 =	slt.s32 s26, s24;
	v9 =	vld.idx.msk [tilespmem:v10+s16+$0x0], $0xffff;
	v10 =	vadd.f32 v13, v17;
	v5 =	vadd.f32 v20, v5;
	[tilespmem:s0+$0x0] =	vst v14;
	v13 =	vpop (erf)  }
0x72: {  	[tilespmem:v1+s19+$0x0] =	vst.idx.add.f32.msk vm0, v11;
	v1 =	vmov v16  }
0x73: {  	v10 =	vadd.f32 v10, v4;
	v4 =	vmul.f32 $9.999999770e-03, v5;
	[tilespmem:v2+s19+$0x0] =	vst.idx.add.f32.msk vm2, v13;
	v2 =	vmov v19  }
0x74: {  	s28 =	sadd.s32 $0x40, s28;
	v12 =	vadd.f32 v12, v18;
	vm0 =	vge.f32 v5, $0.0e+00;
	v14 =	vld [tilespmem:s1+$0xFFFFFFE0];
	[tilespmem:s0+$0xFFFFFFE0] =	vst v13  }
0x75: {  	v13 =	vld [tilespmem:s28+$0xFFFFFFF0];
	v15 =	vmul.f32 $9.999999770e-03, v10;
	v16 =	vsel vm0, v5, v4;
	[tilespmem:s0+$0xFFFFFFF0] =	vst v11;
	s0 =	smov.u32 s1;
	s1 =	smov.u32 s28  }
0x76: {  	v11 =	vadd.f32 v12, v7;
	vm0 =	vge.f32 v10, $0.0e+00;
	v4 =	vld [tilespmem:s28+$0x0]  }
0x77: {  	s14 =	sadd.s32 $0x40, s14;
	v0 =	vadd.f32 v9, v8;
	v9 =	vmul.f32 $1.442695020e+00, v16;
	v5 =	vld [tilespmem:s28+$0x10];
	v8 =	vsel vm0, v10, v15  }
0x78: {  	s25 =	sadd.s32 $0x40, s25;
	v10 =	vmul.f32 $9.999999770e-03, v11;
	v12 =	vld [tilespmem:s14+$0x10];
	v8 =	vmul.f32 $1.442695020e+00, v8  }
0x79: {  	vm0 =	vge.f32 v11, $0.0e+00;
	v18 =	vld [tilespmem:s25+$0x10];
	v14 =	vadd.f32 v0, v14  }
0x7a: {  	v17 =	vld [tilespmem:s14+$0x0];
	(erf) = vpow2.f32 v9;
	v7 =	vmov v13  }
0x7b: {  	v10 =	vsel vm0, v11, v10;
	v15 =	vld [tilespmem:s25+$0x0];
	v9 =	vmul.f32 $9.999999770e-03, v14;
	(erf) = vpow2.f32 v8  }
0x7c: {  	v11 =	vmul.f32 $1.442695020e+00, v10;
	vm0 =	vge.f32 v14, $0.0e+00;
	v8 =	vld [tilespmem:s14+$0xFFFFFFF0]  }
0x7d: {  	v16 =	vld [tilespmem:s25+$0xFFFFFFF0];
	v9 =	vsel vm0, v14, v9  }
0x7e: {  	vm2 =	vlt.s32 v6, $0x140;
	v10 =	vld [tilespmem:s14+$0xFFFFFFE0];
	v9 =	vmul.f32 $1.442695020e+00, v9;
	(erf) = vpow2.f32 v11  }
0x7f: {  	v19 =	vld [tilespmem:s25+$0xFFFFFFE0]  }
0x80: {  	v11 =	vld.idx.msk [tilespmem:v12+s16+$0x0], $0xffff;
	(erf) = vpow2.f32 v9  }
0x81: {  	v9 =	vld.idx.msk [tilespmem:v18+s17+$0x0], $0xffff  }
0x82: {  	vm1 =	vlt.s32 v3, $0x140;
	v13 =	vld.idx.msk [tilespmem:v17+s16+$0x0], $0xffff  }
.Ltmp5:
0x83: {  	v17 =	vld.idx.msk [tilespmem:v15+s17+$0x0], $0xffff;
	v20 =	vpop (erf);
	(pc) =	sbr.rel @p2 .LBB2_12-.Ltmp5, $4  }
0x84: {  	vm0 =	vlt.s32 v1, $0x140;
	[tilespmem:v6+s19+$0x0] =	vst.idx.add.f32.msk vm2, v20;
	v14 =	vpop (erf);
	v6 =	vmov v18  }
0x85: {  	vm2 =	vlt.s32 v2, $0x140;
	v12 =	vld.idx.msk [tilespmem:v8+s16+$0x0], $0xffff;
	[tilespmem:s0+$0x10] =	vst v20  }
0x86: {  	v18 =	vld.idx.msk [tilespmem:v16+s17+$0x0], $0xffff  }
0x87: {  	v20 =	vadd.f32 v11, v9;
	v8 =	vld.idx.msk [tilespmem:v19+s17+$0x0], $0xffff;
	v11 =	vpop (erf)  }
0x88: {  	v21 =	vmov v3;
	v22 =	vmov v1;
	v23 =	vmov v2  }
0x89: {  	s14 =	smov.u32 s0;
	v3 =	vmovc v15;
	v1 =	vmovc v16;
	v2 =	vmov v19;
	s0 =	smov.u32 s1;
	v15 =	vmov v7;
	v9 =	vmov v6  }
.LBB2_14:
0x8a: {  	_ =	sdelay $0x3  }
0x8b: {  	v6 =	vld.idx.msk [tilespmem:v10+s16+$0x0], $0xffff  }
0x8c: {  	v5 =	vadd.f32 v20, v5;
	v7 =	vadd.f32 v13, v17  }
0x8d: {  	v53 =	vld [tilespmem:s0+$0xFFFFFFE0];
	v55 =	vadd.f32 v12, v18  }
0x8e: {  	v54 =	vmul.f32 $9.999999770e-03, v5;
	v4 =	vadd.f32 v7, v4  }
0x8f: {  	vm3 =	vge.f32 v5, $0.0e+00;
	v7 =	vadd.f32 v55, v15  }
0x90: {  	v5 =	vsel vm3, v5, v54;
	v56 =	vmul.f32 $9.999999770e-03, v4;
	v6 =	vadd.f32 v6, v8  }
0x91: {  	vm9 =	vge.f32 v4, $0.0e+00;
	v5 =	vmul.f32 $1.442695020e+00, v5  }
0x92: {  	v57 =	vmul.f32 $9.999999770e-03, v7;
	v4 =	vsel vm9, v4, v56;
	v6 =	vadd.f32 v6, v53  }
0x93: {  	vm10 =	vge.f32 v7, $0.0e+00;
	(erf) = vpow2.f32 v5;
	v4 =	vmul.f32 $1.442695020e+00, v4  }
0x94: {  	v7 =	vsel vm10, v7, v57;
	v58 =	vmul.f32 $9.999999770e-03, v6  }
0x95: {  	v59 =	vmul.f32 $1.442695020e+00, v7;
	vm11 =	vge.f32 v6, $0.0e+00;
	(erf) = vpow2.f32 v4  }
0x96: {  	v5 =	vsel vm11, v6, v58  }
0x97: {  	vm12 =	vlt.s32 v9, $0x140;
	[tilespmem:v21+s19+$0x0] =	vst.idx.add.f32.msk @p1 vm1, v14;
	(erf) = vpow2.f32 v59;
	v5 =	vmul.f32 $1.442695020e+00, v5  }
0x98: {  	[tilespmem:v22+s19+$0x0] =	vst.idx.add.f32.msk @p1 vm0, v11  }
0x99: {  	vm13 =	vlt.s32 v3, $0x140;
	[tilespmem:s14+$0x0] =	vst @p1 v14;
	(erf) = vpow2.f32 v5  }
0x9a: {  	[tilespmem:s14+$0xFFFFFFF0] =	vst @p1 v11;
	v4 =	vpop @p1 (erf)  }
0x9b: {  	vm14 =	vlt.s32 v1, $0x140;
	[tilespmem:v23+s19+$0x0] =	vst.idx.add.f32.msk @p1 vm2, v4  }
0x9c: {  	[tilespmem:s14+$0xFFFFFFE0] =	vst @p1 v4;
	v60 =	vpop (erf)  }
0x9d: {  	vm15 =	vlt.s32 v2, $0x140;
	[tilespmem:v9+s19+$0x0] =	vst.idx.add.f32.msk vm12, v60  }
0x9e: {  	v61 =	vpop (erf);
	[tilespmem:s0+$0x10] =	vst v60  }
0x9f: {  	[tilespmem:v3+s19+$0x0] =	vst.idx.add.f32.msk vm13, v61  }
0xa0: {  	v62 =	vpop (erf);
	[tilespmem:s0+$0x0] =	vst v61  }
0xa1: {  	[tilespmem:v1+s19+$0x0] =	vst.idx.add.f32.msk vm14, v62  }
0xa2: {  	[tilespmem:s0+$0xFFFFFFF0] =	vst v62;
	v63 =	vpop (erf)  }
0xa3: {  	[tilespmem:v2+s19+$0x0] =	vst.idx.add.f32.msk vm15, v63  }
0xa4: {  	[tilespmem:s0+$0xFFFFFFE0] =	vst v63  }
.LBB2_4:
0xa5: {  	s25 =	ssub.s32 s23, s24  }
0xa6: {  	p1 =	slt.s32 s25, $0x1  }
.Ltmp6:
0xa7: {  	_ = 	snop;
	(pc) =	sbr.rel @p1 .LBB2_7-.Ltmp6, $3  }
0xa8: {  	_ =	sdelay $0x1  }
0xa9: {  	s0 =	sshll.u32 s23, $0x6;
	s1 =	sshll.u32 s25, $0x6  }
0xaa: {  	s1 =	ssub.s32 s0, s1  }
0xab: {  	s0 =	sshra.s32 s1, $0x2  }
0xac: {  	s28 =	smov.u32 s24;
	s14 =	sadd.s32 $0x2C00, s0;
	s26 =	sadd.s32 $0x5800, s0  }
.LBB2_6:
0xad: {  	v1 =	vld [tilespmem:s14+$0x0]  }
0xae: {  	v2 =	vld [tilespmem:s0+$0x0];
	_ =	sdelay $0x6  }
0xaf: {  	v3 =	vld.idx.msk [tilespmem:v1+s17+$0x0], $0xffff  }
0xb0: {  	v2 =	vld.idx.msk [tilespmem:v2+s16+$0x0], $0xffff;
	_ =	sdelay $0x1  }
0xb1: {  	v4 =	vld [tilespmem:s26+$0x0];
	_ =	sdelay $0x2  }
0xb2: {  	v2 =	vadd.f32 v2, v3;
	_ =	sdelay $0x1  }
0xb3: {  	v2 =	vadd.f32 v2, v4;
	_ =	sdelay $0x1  }
0xb4: {  	v63 =	vmul.f32 $9.999999770e-03, v2  }
0xb5: {  	vm0 =	vge.f32 v2, $0.0e+00  }
0xb6: {  	v2 =	vsel vm0, v2, v63  }
0xb7: {  	v2 =	vmul.f32 $1.442695020e+00, v2;
	_ =	sdelay $0x1  }
0xb8: {  	(erf) = vpow2.f32 v2;
	_ =	sdelay $0x3  }
0xb9: {  	vm15 =	vlt.s32 v1, $0x140  }
0xba: {  	s28 =	sadd.s32 $0x1, s28  }
0xbb: {  	p2 =	slt.s32 s28, s23  }
.Ltmp7:
0xbc: {  	_ = 	snop;
	(pc) =	sbr.rel @p2 .LBB2_6-.Ltmp7, $4  }
0xbd: {  	_ = 	snop  }
0xbe: {  	v2 =	vpop (erf)  }
0xbf: {  	[tilespmem:v1+s19+$0x0] =	vst.idx.add.f32.msk vm15, v2  }
0xc0: {  	s14 =	sadd.s32 $0x10, s14;
	s0 =	sadd.s32 $0x10, s0;
	[tilespmem:s26+$0x0] =	vst v2;
	s26 =	sadd.s32 $0x10, s26  }
.LBB2_7:
.Ltmp8:
0xc1: {  	(pc) =	sbr.rel @p0 .LBB2_15-.Ltmp8, $1  }
0xc2: {  	_ =	sdelay $0x3  }
0xc3: {  	s14 =	simm.s32 $0x2C20  }
0xc4: {  	v5 =	vld [tilespmem:s14+$0x10]  }
0xc5: {  	v1 =	vld [tilespmem:s14+$0xFFFFFFF0]  }
0xc6: {  	v4 =	vld [tilespmem:s14+$0xFFFFFFE0];
	_ =	sdelay $0x2  }
0xc7: {  	p4 =	sgt.s32 s24, $0x4;
	v7 =	vld [tilespmem:s14+$0x0]  }
.Ltmp9:
0xc8: {  	_ = 	snop;
	(pc) =	sbr.rel @!p4 .LBB2_9-.Ltmp9, $4  }
0xc9: {  	_ = 	snop  }
0xca: {  	v2 =	vld.idx.msk [tilespmem:v5+s19+$0x0], $0xffff  }
0xcb: {  	s0 =	simm.s32 $0x5820;
	v3 =	vld.idx.msk [tilespmem:v1+s19+$0x0], $0xffff  }
0xcc: {  	p2 =	por $0x0, $0x0;
	p3 =	por $0x0, $0x0;
	s14 =	simm.s32 $0x2C60;
	vm5 =	vlt.s32 v1, $0x140;
	vm1 =	vlt.s32 v7, $0x140;
	vm0 =	vlt.s32 v4, $0x140;
	v4 =	vld.idx.msk [tilespmem:v4+s19+$0x0], $0xffff  }
0xcd: {  	v1 =	vld [tilespmem:s14+$0x10]  }
0xce: {  	v8 =	vld [tilespmem:s14+$0xFFFFFFF0]  }
0xcf: {  	v9 =	vld [tilespmem:s14+$0xFFFFFFE0];
	_ =	sdelay $0x1  }
0xd0: {  	v14 =	vld [tilespmem:s14+$0x0]  }
0xd1: {  	v7 =	vld.idx.msk [tilespmem:v7+s19+$0x0], $0xffff;
	p4 =	sgt.s32 s24, $0x8  }
.Ltmp10:
0xd2: {  	v2 =	vadd.f32 $1.000000020e-16, v2;
	(pc) =	sbr.rel @!p4 .LBB2_35-.Ltmp10, $4  }
0xd3: {  	vm2 =	vmmov vm5;
	vm4 =	vmmov vm1;
	v6 =	vld [tilespmem:s0+$0x10];
	v3 =	vadd.f32 $1.000000020e-16, v3  }
0xd4: {  	vm3 =	vmmov vm0;
	(erf) = vrcp.f32 v2;
	v4 =	vadd.f32 $1.000000020e-16, v4;
	v2 =	vld.idx.msk [tilespmem:v1+s19+$0x0], $0xffff  }
0xd5: {  	(erf) = vrcp.f32 v3;
	vm5 =	vlt.s32 v8, $0x140;
	vm1 =	vlt.s32 v14, $0x140;
	v3 =	vld.idx.msk [tilespmem:v8+s19+$0x0], $0xffff  }
0xd6: {  	s14 =	simm.s32 $0x2CA0;
	p2 =	por $0x1, $0x1;
	vm0 =	vlt.s32 v9, $0x140;
	v10 =	vadd.f32 $1.000000020e-16, v7;
	(erf) = vrcp.f32 v4;
	v4 =	vld.idx.msk [tilespmem:v9+s19+$0x0], $0xffff  }
0xd7: {  	_ =	sdelay $0x1  }
0xd8: {  	v7 =	vld [tilespmem:s14+$0x10]  }
0xd9: {  	v11 =	vld [tilespmem:s14+$0xFFFFFFF0]  }
0xda: {  	v9 =	vld [tilespmem:s14+$0x0];
	(erf) = vrcp.f32 v10;
	v2 =	vadd.f32 $1.000000020e-16, v2  }
0xdb: {  	v13 =	vld [tilespmem:s14+$0xFFFFFFE0]  }
0xdc: {  	v12 =	vld [tilespmem:s0+$0xFFFFFFE0];
	v3 =	vadd.f32 $1.000000020e-16, v3;
	v8 =	vpop (erf);
	(erf) = vrcp.f32 v2  }
0xdd: {  	vm6 =	vmmov vm2;
	v10 =	vld.idx.msk [tilespmem:v14+s19+$0x0], $0xffff;
	v4 =	vadd.f32 $1.000000020e-16, v4  }
0xde: {  	vm2 =	vmmov vm5;
	vm5 =	vlt.s32 v5, $0x140;
	v5 =	vld [tilespmem:s0+$0xFFFFFFF0];
	p4 =	sgt.s32 s24, $0xC;
	v14 =	vpop (erf);
	(erf) = vrcp.f32 v3  }
.Ltmp11:
0xdf: {  	v6 =	vmul.f32 v8, v6;
	v8 =	vld [tilespmem:s0+$0x0];
	v16 =	vpop (erf);
	(erf) = vrcp.f32 v4;
	(pc) =	sbr.rel @!p4 .LBB2_37-.Ltmp11, $4  }
0xe0: {  	vm7 =	vmmov vm4;
	vm8 =	vmmov vm3;
	s14 =	simm.s32 $0x5860;
	v2 =	vld.idx.msk [tilespmem:v7+s19+$0x0], $0xffff  }
0xe1: {  	vm4 =	vmmov vm1;
	vm3 =	vmmov vm0;
	v15 =	vnsel vm5, $0x0, v6;
	v6 =	vld [tilespmem:s14+$0x10]  }
0xe2: {  	s28 =	simm.s32 $0xC;
	vm1 =	vlt.s32 v9, $0x140;
	v10 =	vadd.f32 $1.000000020e-16, v10;
	v3 =	vld.idx.msk [tilespmem:v11+s19+$0x0], $0xffff;
	v12 =	vmul.f32 v16, v12  }
0xe3: {  	s29 =	simm.s32 $0x2CE0;
	p3 =	por $0x1, $0x1;
	s26 =	simm.s32 $0x5820;
	vm0 =	vlt.s32 v13, $0x140;
	v4 =	vld.idx.msk [tilespmem:v13+s19+$0x0], $0xffff;
	v13 =	vmul.f32 v14, v5;
	vm5 =	vlt.s32 v11, $0x140;
	[tilespmem:s0+$0x10] =	vst v15;
	v11 =	vpop (erf)  }
.LBB2_38:
0xe4: {  	v5 =	vld [tilespmem:s29+$0x10];
	s28 =	sadd.s32 $0x4, s28;
	(erf) = vrcp.f32 v10;
	v10 =	vnsel vm8, $0x0, v12;
	v8 =	vmul.f32 v11, v8  }
0xe5: {  	v12 =	vld [tilespmem:s29+$0xFFFFFFF0];
	p4 =	slt.s32 s28, s24;
	v11 =	vpop (erf);
	[tilespmem:s26+$0xFFFFFFE0] =	vst v10;
	v10 =	vnsel vm6, $0x0, v13;
	vm6 =	vmmov vm2;
	vm2 =	vmmov vm5  }
0xe6: {  	v2 =	vadd.f32 $1.000000020e-16, v2;
	v13 =	vld [tilespmem:s29+$0x0];
	v6 =	vmul.f32 v11, v6;
	[tilespmem:s26+$0xFFFFFFF0] =	vst v10;
	v8 =	vnsel vm7, $0x0, v8  }
0xe7: {  	vm5 =	vlt.s32 v1, $0x140;
	v1 =	vmov v7;
	vm7 =	vmmov vm4;
	v14 =	vld [tilespmem:s29+$0xFFFFFFE0];
	v15 =	vpop (erf);
	[tilespmem:s26+$0x0] =	vst v8;
	s26 =	smov.u32 s14  }
0xe8: {  	v3 =	vadd.f32 $1.000000020e-16, v3;
	v10 =	vld.idx.msk [tilespmem:v9+s19+$0x0], $0xffff;
	(erf) = vrcp.f32 v2;
	v2 =	vnsel vm5, $0x0, v6;
	v16 =	vpop (erf)  }
0xe9: {  	vm8 =	vmmov vm3;
	vm4 =	vmmov vm1;
	v4 =	vadd.f32 $1.000000020e-16, v4;
	v17 =	vld [tilespmem:s14+$0xFFFFFFE0];
	[tilespmem:s14+$0x10] =	vst v2;
	v7 =	vmovc v5  }
0xea: {  	vm3 =	vmmov vm0;
	vm5 =	vlt.s32 v12, $0x140;
	(erf) = vrcp.f32 v3;
	v18 =	vld [tilespmem:s14+$0xFFFFFFF0]  }
.Ltmp12:
0xeb: {  	vm1 =	vlt.s32 v13, $0x140;
	(erf) = vrcp.f32 v4;
	v8 =	vld [tilespmem:s14+$0x0];
	v9 =	vmov v13;
	(pc) =	sbr.rel @p4 .LBB2_38-.Ltmp12, $4  }
0xec: {  	s14 =	sadd.s32 $0x40, s14;
	vm0 =	vlt.s32 v14, $0x140;
	v2 =	vld.idx.msk [tilespmem:v5+s19+$0x0], $0xffff  }
0xed: {  	v6 =	vld [tilespmem:s14+$0x10];
	v11 =	vpop (erf)  }
0xee: {  	v10 =	vadd.f32 $1.000000020e-16, v10;
	v3 =	vld.idx.msk [tilespmem:v12+s19+$0x0], $0xffff;
	v12 =	vmul.f32 v16, v17  }
0xef: {  	s29 =	sadd.s32 $0x40, s29;
	v4 =	vld.idx.msk [tilespmem:v14+s19+$0x0], $0xffff;
	v13 =	vmul.f32 v15, v18  }
0xf0: {  	v5 =	vmov v1;
	v1 =	vmov v7;
	v14 =	vmov v9  }
.LBB2_40:
0xf1: {  	_ =	sdelay $0x3  }
0xf2: {  	v7 =	vld.idx.msk [tilespmem:v14+s19+$0x0], $0xffff;
	_ =	sdelay $0x1  }
0xf3: {  	v2 =	vadd.f32 $1.000000020e-16, v2;
	(erf) = vrcp.f32 @p2 v10  }
0xf4: {  	v3 =	vadd.f32 $1.000000020e-16, v3  }
0xf5: {  	v10 =	vld @p2 [tilespmem:s14+$0xFFFFFFF0];
	(erf) = vrcp.f32 v2;
	v47 =	vadd.f32 $1.000000020e-16, v4  }
0xf6: {  	v8 =	vmul.f32 @p3 v11, v8;
	v4 =	vld @p2 [tilespmem:s14+$0xFFFFFFE0];
	(erf) = vrcp.f32 v3;
	v48 =	vadd.f32 $1.000000020e-16, v7  }
0xf7: {  	v9 =	vnsel @p3 vm6, $0x0, v13;
	vm6 =	vmmov @p2 vm2;
	v11 =	vld @p2 [tilespmem:s14+$0x0];
	(erf) = vrcp.f32 v47  }
0xf8: {  	s28 =	sadd.s32 @p2 $0x40, s14;
	vm13 =	vmmov vm5;
	vm5 =	vlt.s32 @p2 v5, $0x140;
	v3 =	vpop @p2 (erf);
	(erf) = vrcp.f32 v48  }
0xf9: {  	vm4 =	vmmov @p2 vm4;
	s0 =	smov.u32 @p2 s28;
	v7 =	vnsel @p3 vm8, $0x0, v12;
	v3 =	vmul.f32 @p2 v3, v6;
	v6 =	vpop @p2 (erf)  }
0xfa: {  	vm1 =	vmmov vm1;
	vm3 =	vmmov @p2 vm3;
	v8 =	vnsel @p3 vm7, $0x0, v8;
	v49 =	vld [tilespmem:s0+$0x10];
	v2 =	vpop @p2 (erf)  }
0xfb: {  	vm0 =	vmmov vm0;
	vm3 =	vmmov @p2 vm3;
	v51 =	vld [tilespmem:s0+$0xFFFFFFF0];
	[tilespmem:s26+$0x0] =	vst @p3 v8;
	v2 =	vmul.f32 @p2 v2, v4  }
0xfc: {  	v50 =	vld [tilespmem:s0+$0xFFFFFFE0];
	v8 =	vpsel p2, v11, v0;
	[tilespmem:s26+$0xFFFFFFE0] =	vst @p3 v7;
	v6 =	vmul.f32 @p2 v6, v10;
	v3 =	vnsel @p2 vm5, $0x0, v3;
	v7 =	vpop @p2 (erf)  }
0xfd: {  	[tilespmem:s26+$0xFFFFFFF0] =	vst @p3 v9;
	v53 =	vld [tilespmem:s0+$0x0];
	s26 =	smov.u32 @p2 s14;
	vm5 =	vmmov @p2 vm6;
	v7 =	vpsel p2, v7, v0;
	v2 =	vpsel p2, v2, v0  }
0xfe: {  	[tilespmem:s14+$0x10] =	vst @p2 v3;
	s14 =	smov.u32 @p2 s26;
	v3 =	vpsel p2, v6, v0;
	v52 =	vpop (erf);
	v6 =	vmul.f32 @p2 v7, v8;
	v2 =	vnsel @p2 vm3, $0x0, v2  }
0xff: {  	vm3 =	vmmov @p2 vm4;
	v55 =	vmul.f32 v52, v49;
	v54 =	vpop (erf);
	[tilespmem:s14+$0xFFFFFFE0] =	vst @p2 v2;
	v2 =	vnsel @p2 vm5, $0x0, v3  }
0x100: {  	vm14 =	vlt.s32 v1, $0x140;
	v56 =	vpop (erf);
	[tilespmem:s14+$0xFFFFFFF0] =	vst @p2 v2;
	v2 =	vnsel @p2 vm3, $0x0, v6;
	v60 =	vmul.f32 v54, v51  }
0x101: {  	vm2 =	vmmov vm13;
	v58 =	vnsel vm14, $0x0, v55;
	v57 =	vmul.f32 v56, v50;
	[tilespmem:s14+$0x0] =	vst @p2 v2;
	v59 =	vpop (erf)  }
0x102: {  	vm0 =	vmmov vm0;
	[tilespmem:s0+$0x10] =	vst v58;
	v62 =	vnsel vm2, $0x0, v60;
	v61 =	vmul.f32 v59, v53  }
0x103: {  	vm15 =	vmmov vm1;
	v1 =	vnsel vm0, $0x0, v57;
	[tilespmem:s0+$0xFFFFFFF0] =	vst v62  }
0x104: {  	[tilespmem:s0+$0xFFFFFFE0] =	vst v1;
	v63 =	vnsel vm15, $0x0, v61  }
0x105: {  	[tilespmem:s0+$0x0] =	vst v63  }
.LBB2_15:
0x106: {  	p2 =	sgt.s32 s25, $0x0  }
.Ltmp13:
0x107: {  	_ = 	snop;
	(pc) =	sbr.rel @!p2 .LBB2_16-.Ltmp13, $1  }
0x108: {  	_ =	sdelay $0x3  }
0x109: {  	s14 =	sshra.s32 s1, $0x2  }
0x10a: {  	s25 =	smov.u32 s24;
	s0 =	sadd.s32 $0x2C00, s14;
	s14 =	sadd.s32 $0x5800, s14  }
.LBB2_42:
0x10b: {  	v1 =	vld [tilespmem:s0+$0x0];
	_ =	sdelay $0x7  }
0x10c: {  	v2 =	vld.idx.msk [tilespmem:v1+s19+$0x0], $0xffff;
	_ =	sdelay $0x4  }
0x10d: {  	v2 =	vadd.f32 $1.000000020e-16, v2;
	_ =	sdelay $0x1  }
0x10e: {  	(erf) = vrcp.f32 v2;
	_ =	sdelay $0x4  }
0x10f: {  	v63 =	vld [tilespmem:s14+$0x0];
	_ =	sdelay $0x1  }
0x110: {  	s25 =	sadd.s32 $0x1, s25  }
0x111: {  	p2 =	slt.s32 s25, s23  }
.Ltmp14:
0x112: {  	v3 =	vpop (erf);
	(pc) =	sbr.rel @p2 .LBB2_42-.Ltmp14, $4  }
0x113: {  	v2 =	vmul.f32 v3, v63  }
0x114: {  	vm0 =	vlt.s32 v1, $0x140  }
0x115: {  	v1 =	vnsel vm0, $0x0, v2  }
0x116: {  	s0 =	sadd.s32 $0x10, s0;
	[tilespmem:s14+$0x0] =	vst v1;
	s14 =	sadd.s32 $0x10, s14  }
.LBB2_16:
.Ltmp15:
0x117: {  	(pc) =	sbr.rel .LBB2_17-.Ltmp15, $3  }
0x118: {  	_ =	sdelay $0x1  }
0x119: {  	s25 =	sshra.s32 s1, $0x2;
	s29 =	simm.s32 $0x0  }
0x11a: {  	s30 =	simm.s32 $0x0;
	s26 =	sadd.s32 $0x2C00, s25;
	s28 =	sadd.s32 $0x5800, s25  }
.LBB2_50:
0x11b: {  	s0 =	smul.u32 $0xC00, s30;
	_ =	sdelay $0x1  }
0x11c: {  	s30 =	sadd.s32 $0x1, s30;
	s0 =	sadd.s32 s11, s0  }
0x11d: {  	p2 =	sne.s32 s30, $0x10;
	s0 =	sshrl.u32 s0, $0x3  }
.Ltmp16:
0x11e: {  	s0 =	sadd.s32 s5, s0;
	(pc) =	sbr.rel @!p2 .LBB2_51-.Ltmp16, $4  }
0x11f: {  	[hbm4b:s0+s2] =	stream.linear.scatter [tilespmem:s21], [sflag:$0x1], $0xC00, $0x38;
	[tilespmem:$0x1FB80] =	vst v63  }
0x120: {  	_ =	swait.ge [sflag:s13], $0xC00  }
0x121: {  	[sflag:s13] =	ssyncset.done $0x0  }
0x122: {  	[sflag:s13] =	ssyncadd.s32 $0xFFFFF400  }
.LBB2_17:
0x123: {  	s0 =	smul.u32 $0x2800, s30;
	_ =	sdelay $0x1  }
0x124: {  	s0 =	sadd.s32 s3, s0  }
0x125: {  	[tilespmem:s20], [sflag:$0x1] =	stream.linear.gather [hbm4b:s0+s29], $0x14000, $0x38;
	[tilespmem:$0x1FB80] =	vst v63  }
0x126: {  	_ =	swait.ge [sflag:s13], $0x14000  }
0x127: {  	s31 =	sand.u32 $0x70, s29;
	s1 =	sand.u32 $0xC00, s29;
	[sflag:s13] =	ssyncset.done $0x0  }
0x128: {  	s0 =	sor.u32 s31, s1;
	[sflag:s13] =	ssyncadd.s32 $0xFFFEC000  }
0x129: {  	s14 =	simm.s32 $0x0;
	s1 =	simm.s32 $0x10;
	[tilespmem:s0+$0x1EF00] =	vst v25  }
.LBB2_18:
0x12a: {  	p2 =	sne.s32 s1, $0x130  }
.Ltmp17:
0x12b: {  	_ = 	snop;
	(pc) =	sbr.rel @p2 .LBB2_18-.Ltmp17, $4  }
0x12c: {  	s14 =	sadd.s32 $0x80, s14  }
0x12d: {  	s0 =	sand.u32 $0x70, s1;
	s31 =	sand.u32 $0xC00, s14  }
0x12e: {  	s0 =	sor.u32 s0, s31  }
0x12f: {  	s1 =	sadd.s32 $0x10, s1;
	[tilespmem:s0+$0x1EF00] =	vst v25;
	s0 =	simm.s32 $0x0  }
0x130: {  	s1 =	sand.u32 $0x70, s0;
	s14 =	sand.u32 $0xC00, s0  }
0x131: {  	s1 =	sor.u32 s1, s14  }
0x132: {  	s31 =	simm.s32 $0x0;
	s14 =	simm.s32 $0x10;
	[tilespmem:s1+$0x1EF80] =	vst v25  }
.LBB2_20:
0x133: {  	p2 =	sne.s32 s14, $0x130  }
.Ltmp18:
0x134: {  	_ = 	snop;
	(pc) =	sbr.rel @p2 .LBB2_20-.Ltmp18, $4  }
0x135: {  	s31 =	sadd.s32 $0x80, s31  }
0x136: {  	s15 =	sand.u32 $0x70, s14;
	s18 =	sand.u32 $0xC00, s31  }
0x137: {  	s15 =	sor.u32 s15, s18  }
0x138: {  	s14 =	sadd.s32 $0x10, s14;
	[tilespmem:s15+$0x1EF80] =	vst v25  }
0x139: {  	s14 =	simm.s32 $0x10;
	[tilespmem:s1+$0x1F000] =	vst v25  }
.LBB2_22:
0x13a: {  	p2 =	sne.s32 s14, $0x130  }
.Ltmp19:
0x13b: {  	_ = 	snop;
	(pc) =	sbr.rel @p2 .LBB2_22-.Ltmp19, $4  }
0x13c: {  	s0 =	sadd.s32 $0x80, s0  }
0x13d: {  	s1 =	sand.u32 $0x70, s14;
	s15 =	sand.u32 $0xC00, s0  }
0x13e: {  	s1 =	sor.u32 s1, s15  }
0x13f: {  	s14 =	sadd.s32 $0x10, s14;
	[tilespmem:s1+$0x1F000] =	vst v25;
	s1 =	simm.s32 $0x0  }
0x140: {  	s0 =	sand.u32 $0x70, s1;
	s14 =	sand.u32 $0xC00, s1  }
0x141: {  	s0 =	sor.u32 s0, s14  }
0x142: {  	s31 =	simm.s32 $0x0;
	s14 =	simm.s32 $0x10;
	[tilespmem:s0+$0x1F080] =	vst v25  }
.LBB2_24:
0x143: {  	p2 =	sne.s32 s14, $0x130  }
.Ltmp20:
0x144: {  	_ = 	snop;
	(pc) =	sbr.rel @p2 .LBB2_24-.Ltmp20, $4  }
0x145: {  	s31 =	sadd.s32 $0x80, s31  }
0x146: {  	s15 =	sand.u32 $0x70, s14;
	s18 =	sand.u32 $0xC00, s31  }
0x147: {  	s15 =	sor.u32 s15, s18  }
0x148: {  	s14 =	sadd.s32 $0x10, s14;
	[tilespmem:s15+$0x1F080] =	vst v25  }
0x149: {  	s14 =	simm.s32 $0x10;
	[tilespmem:s0+$0x1F100] =	vst v25  }
.LBB2_26:
0x14a: {  	p2 =	sne.s32 s14, $0x130  }
.Ltmp21:
0x14b: {  	_ = 	snop;
	(pc) =	sbr.rel @p2 .LBB2_26-.Ltmp21, $4  }
0x14c: {  	s1 =	sadd.s32 $0x80, s1  }
0x14d: {  	s0 =	sand.u32 $0x70, s14;
	s15 =	sand.u32 $0xC00, s1  }
0x14e: {  	s0 =	sor.u32 s0, s15  }
0x14f: {  	s14 =	sadd.s32 $0x10, s14;
	[tilespmem:s0+$0x1F100] =	vst v25;
	s0 =	simm.s32 $0x0  }
0x150: {  	s1 =	sand.u32 $0x70, s0;
	s14 =	sand.u32 $0xC00, s0  }
0x151: {  	s1 =	sor.u32 s1, s14  }
0x152: {  	s31 =	simm.s32 $0x0;
	s14 =	simm.s32 $0x10;
	[tilespmem:s1+$0x1F180] =	vst v25  }
.LBB2_28:
0x153: {  	p2 =	sne.s32 s14, $0x130  }
.Ltmp22:
0x154: {  	_ = 	snop;
	(pc) =	sbr.rel @p2 .LBB2_28-.Ltmp22, $4  }
0x155: {  	s31 =	sadd.s32 $0x80, s31  }
0x156: {  	s15 =	sand.u32 $0x70, s14;
	s18 =	sand.u32 $0xC00, s31  }
0x157: {  	s15 =	sor.u32 s15, s18  }
0x158: {  	s14 =	sadd.s32 $0x10, s14;
	[tilespmem:s15+$0x1F180] =	vst v25  }
0x159: {  	s14 =	simm.s32 $0x10;
	[tilespmem:s1+$0x1F200] =	vst v25  }
.LBB2_30:
0x15a: {  	p2 =	sne.s32 s14, $0x130  }
.Ltmp23:
0x15b: {  	_ = 	snop;
	(pc) =	sbr.rel @p2 .LBB2_30-.Ltmp23, $4  }
0x15c: {  	s0 =	sadd.s32 $0x80, s0  }
0x15d: {  	s1 =	sand.u32 $0x70, s14;
	s15 =	sand.u32 $0xC00, s0  }
0x15e: {  	s1 =	sor.u32 s1, s15  }
0x15f: {  	s14 =	sadd.s32 $0x10, s14;
	[tilespmem:s1+$0x1F200] =	vst v25  }
0x160: {  	[tilespmem:$0x1F280] =	vst v25  }
0x161: {  	[tilespmem:$0x1F290] =	vst v25  }
0x162: {  	[tilespmem:$0x1F2A0] =	vst v25  }
0x163: {  	[tilespmem:$0x1F2B0] =	vst v25  }
0x164: {  	[tilespmem:$0x1F2C0] =	vst v25  }
0x165: {  	[tilespmem:$0x1F2D0] =	vst v25  }
0x166: {  	[tilespmem:$0x1F2E0] =	vst v25  }
0x167: {  	[tilespmem:$0x1F2F0] =	vst v25  }
0x168: {  	[tilespmem:$0x1F680] =	vst v25  }
0x169: {  	[tilespmem:$0x1F690] =	vst v25  }
0x16a: {  	[tilespmem:$0x1F6A0] =	vst v25  }
0x16b: {  	[tilespmem:$0x1F6B0] =	vst v25  }
0x16c: {  	[tilespmem:$0x1F6C0] =	vst v25  }
0x16d: {  	[tilespmem:$0x1F6D0] =	vst v25  }
0x16e: {  	[tilespmem:$0x1F6E0] =	vst v25  }
.Ltmp24:
0x16f: {  	[tilespmem:$0x1F6F0] =	vst v25;
	(pc) =	sbr.rel @p0 .LBB2_48-.Ltmp24, $4  }
0x170: {  	[tilespmem:$0x1FA80] =	vst v25  }
0x171: {  	[tilespmem:$0x1FA90] =	vst v25  }
0x172: {  	[tilespmem:$0x1FAA0] =	vst v25  }
0x173: {  	[tilespmem:$0x1FAB0] =	vst v25  }
0x174: {  	s14 =	simm.s32 $0x20  }
0x175: {  	v1 =	vld [tilespmem:s14+$0x10];
	_ =	sdelay $0x4  }
0x176: {  	v4 =	vld [tilespmem:s14+$0xFFFFFFF0];
	v2 =	vshll.u32 v1, $0x3  }
0x177: {  	s1 =	simm.s32 $0x2C20;
	v1 =	vand.u32 $0x7F, v1;
	v2 =	vand.u32 $0xFFFFFC00, v2  }
0x178: {  	v3 =	vor.u32 v1, v2;
	v2 =	vld [tilespmem:s1+$0x10];
	_ =	sdelay $0x2  }
0x179: {  	s0 =	simm.s32 $0x5820;
	v5 =	vld [tilespmem:s14+$0xFFFFFFE0];
	v9 =	vshll.u32 v4, $0x3  }
0x17a: {  	v4 =	vand.u32 $0x7F, v4;
	v9 =	vand.u32 $0xFFFFFC00, v9;
	v1 =	vld [tilespmem:s0+$0x10]  }
0x17b: {  	v57 =	vor.u32 v4, v9;
	v7 =	vld.idx.msk [tilespmem:v3+s20+$0x0], $0xffff;
	v6 =	vshll.u32 v2, $0x3  }
0x17c: {  	v8 =	vld [tilespmem:s14+$0x0];
	vm0 =	vlt.s32 v2, $0x140;
	v2 =	vand.u32 $0x7F, v2;
	v6 =	vand.u32 $0xFFFFFC00, v6  }
0x17d: {  	v2 =	vor.u32 v2, v6  }
0x17e: {  	v12 =	vld [tilespmem:s1+$0xFFFFFFE0];
	v10 =	vshll.u32 v5, $0x3;
	v11 =	vor.u32 $0x80, v3  }
0x17f: {  	v13 =	vld [tilespmem:s1+$0xFFFFFFF0];
	v5 =	vand.u32 $0x7F, v5;
	v6 =	vand.u32 $0xFFFFFC00, v10  }
0x180: {  	v58 =	vld [tilespmem:s1+$0x0];
	v6 =	vor.u32 v5, v6;
	v7 =	vmul.f32 v7, v1  }
0x181: {  	v9 =	vshll.u32 v8, $0x3;
	v16 =	vld.idx.msk [tilespmem:v57+s20+$0x0], $0xffff  }
0x182: {  	v8 =	vand.u32 $0x7F, v8;
	v9 =	vand.u32 $0xFFFFFC00, v9;
	[tilespmem:v2+s21+$0x0] =	vst.idx.add.f32.msk vm0, v7  }
0x183: {  	v7 =	vor.u32 v8, v9;
	v8 =	vld.idx.msk [tilespmem:v11+s20+$0x0], $0xffff  }
0x184: {  	v14 =	vshll.u32 v13, $0x3;
	v17 =	vand.u32 $0x7F, v12;
	v10 =	vld [tilespmem:s0+$0xFFFFFFE0]  }
0x185: {  	vm2 =	vlt.s32 v12, $0x140;
	v18 =	vor.u32 $0x80, v2;
	v9 =	vld.idx.msk [tilespmem:v6+s20+$0x0], $0xffff;
	v11 =	vshll.u32 v12, $0x3  }
0x186: {  	vm4 =	vlt.s32 v13, $0x140;
	v19 =	vor.u32 $0x100, v3;
	v15 =	vand.u32 $0xFFFFFC00, v11;
	v11 =	vld [tilespmem:s0+$0xFFFFFFF0]  }
0x187: {  	v14 =	vand.u32 $0xFFFFFC00, v14;
	v12 =	vand.u32 $0x7F, v13;
	v28 =	vor.u32 v17, v15  }
0x188: {  	v29 =	vor.u32 v12, v14;
	v12 =	vld [tilespmem:s0+$0x0];
	v8 =	vmul.f32 v8, v1  }
0x189: {  	vm1 =	vlt.s32 v58, $0x140;
	v14 =	vor.u32 $0x80, v6;
	v13 =	vld.idx.msk [tilespmem:v7+s20+$0x0], $0xffff  }
0x18a: {  	v15 =	vshll.u32 v58, $0x3;
	v17 =	vor.u32 $0x80, v57;
	v9 =	vmul.f32 v9, v10;
	[tilespmem:v18+s21+$0x0] =	vst.idx.add.f32.msk vm0, v8  }
0x18b: {  	v15 =	vand.u32 $0xFFFFFC00, v15;
	v59 =	vmul.f32 v16, v11;
	v8 =	vand.u32 $0x7F, v58;
	v16 =	vld.idx.msk [tilespmem:v19+s20+$0x0], $0xffff  }
0x18c: {  	[tilespmem:v28+s21+$0x0] =	vst.idx.add.f32.msk vm2, v9;
	v30 =	vor.u32 v8, v15  }
0x18d: {  	v60 =	vor.u32 $0x100, v2;
	[tilespmem:v29+s21+$0x0] =	vst.idx.add.f32.msk vm4, v59  }
0x18e: {  	v9 =	vor.u32 $0x180, v3;
	v8 =	vld.idx.msk [tilespmem:v14+s20+$0x0], $0xffff  }
0x18f: {  	v14 =	vor.u32 $0x80, v7;
	v13 =	vmul.f32 v13, v12;
	v15 =	vld.idx.msk [tilespmem:v17+s20+$0x0], $0xffff  }
0x190: {  	v17 =	vor.u32 $0x80, v28;
	v16 =	vmul.f32 v16, v1  }
0x191: {  	v18 =	vor.u32 $0x80, v29;
	[tilespmem:v30+s21+$0x0] =	vst.idx.add.f32.msk vm1, v13  }
0x192: {  	v13 =	vor.u32 $0x100, v6;
	[tilespmem:v60+s21+$0x0] =	vst.idx.add.f32.msk vm0, v16  }
0x193: {  	v61 =	vor.u32 $0x100, v57;
	v8 =	vmul.f32 v8, v10;
	v9 =	vld.idx.msk [tilespmem:v9+s20+$0x0], $0xffff  }
0x194: {  	v14 =	vld.idx.msk [tilespmem:v14+s20+$0x0], $0xffff;
	v15 =	vmul.f32 v15, v11  }
0x195: {  	[tilespmem:v17+s21+$0x0] =	vst.idx.add.f32.msk vm2, v8;
	v8 =	vor.u32 $0x180, v2  }
0x196: {  	vm1 =	vmmov vm1;
	[tilespmem:v18+s21+$0x0] =	vst.idx.add.f32.msk vm4, v15;
	v15 =	vor.u32 $0x200, v3  }
0x197: {  	v16 =	vor.u32 $0x80, v30;
	v13 =	vld.idx.msk [tilespmem:v13+s20+$0x0], $0xffff  }
0x198: {  	v17 =	vor.u32 $0x100, v7;
	v4 =	vld.idx.msk [tilespmem:v61+s20+$0x0], $0xffff;
	v9 =	vmul.f32 v9, v1  }
0x199: {  	v18 =	vor.u32 $0x100, v28  }
0x19a: {  	v19 =	vor.u32 $0x100, v29;
	v14 =	vmul.f32 v14, v12;
	[tilespmem:v8+s21+$0x0] =	vst.idx.add.f32.msk vm0, v9  }
0x19b: {  	v8 =	vor.u32 $0x180, v6;
	v9 =	vld.idx.msk [tilespmem:v15+s20+$0x0], $0xffff  }
0x19c: {  	[tilespmem:v16+s21+$0x0] =	vst.idx.add.f32.msk vm1, v14;
	v13 =	vmul.f32 v13, v10;
	v15 =	vor.u32 $0x180, v57  }
0x19d: {  	v16 =	vor.u32 $0x200, v2;
	v14 =	vld.idx.msk [tilespmem:v17+s20+$0x0], $0xffff;
	v4 =	vmul.f32 v4, v11  }
0x19e: {  	[tilespmem:v18+s21+$0x0] =	vst.idx.add.f32.msk vm2, v13;
	v13 =	vor.u32 $0x280, v3  }
0x19f: {  	v17 =	vor.u32 $0x100, v30;
	[tilespmem:v19+s21+$0x0] =	vst.idx.add.f32.msk vm4, v4  }
0x1a0: {  	v62 =	vor.u32 $0x180, v7;
	v8 =	vld.idx.msk [tilespmem:v8+s20+$0x0], $0xffff;
	v9 =	vmul.f32 v9, v1  }
0x1a1: {  	v15 =	vld.idx.msk [tilespmem:v15+s20+$0x0], $0xffff  }
0x1a2: {  	v18 =	vor.u32 $0x180, v28;
	v14 =	vmul.f32 v14, v12;
	[tilespmem:v16+s21+$0x0] =	vst.idx.add.f32.msk vm0, v9  }
0x1a3: {  	v9 =	vor.u32 $0x180, v29;
	v13 =	vld.idx.msk [tilespmem:v13+s20+$0x0], $0xffff  }
0x1a4: {  	[tilespmem:v17+s21+$0x0] =	vst.idx.add.f32.msk vm1, v14;
	v16 =	vor.u32 $0x200, v6  }
0x1a5: {  	v14 =	vor.u32 $0x280, v2;
	v4 =	vld.idx.msk [tilespmem:v62+s20+$0x0], $0xffff;
	v8 =	vmul.f32 v8, v10  }
0x1a6: {  	v0 =	vor.u32 $0x300, v3;
	v15 =	vmul.f32 v15, v11  }
0x1a7: {  	v19 =	vor.u32 $0x180, v30;
	[tilespmem:v18+s21+$0x0] =	vst.idx.add.f32.msk vm2, v8  }
0x1a8: {  	v17 =	vor.u32 $0x200, v57;
	[tilespmem:v9+s21+$0x0] =	vst.idx.add.f32.msk vm4, v15;
	v8 =	vmul.f32 v13, v1  }
0x1a9: {  	v15 =	vor.u32 $0x200, v7;
	v9 =	vld.idx.msk [tilespmem:v16+s20+$0x0], $0xffff  }
0x1aa: {  	vm3 =	vmmov vm2;
	v42 =	vor.u32 $0x280, v57;
	v4 =	vmul.f32 v4, v12;
	[tilespmem:v14+s21+$0x0] =	vst.idx.add.f32.msk vm0, v8  }
0x1ab: {  	v38 =	vor.u32 $0x300, v57;
	v35 =	vor.u32 $0x380, v3;
	v16 =	vor.u32 $0x200, v28;
	v23 =	vld.idx.msk [tilespmem:v0+s20+$0x0], $0xffff  }
0x1ac: {  	v33 =	vor.u32 $0x300, v2;
	v31 =	vor.u32 $0x280, v6;
	v40 =	vor.u32 $0x380, v6;
	[tilespmem:v19+s21+$0x0] =	vst.idx.add.f32.msk vm1, v4  }
0x1ad: {  	v39 =	vor.u32 $0x300, v7;
	v41 =	vor.u32 $0x380, v7;
	v22 =	vor.u32 $0x200, v29;
	v32 =	vld.idx.msk [tilespmem:v17+s20+$0x0], $0xffff  }
0x1ae: {  	p3 =	sgt.s32 s24, $0x4;
	v20 =	vor.u32 $0x300, v28;
	v27 =	vor.u32 $0x200, v30;
	v34 =	vld.idx.msk [tilespmem:v15+s20+$0x0], $0xffff;
	v63 =	vmul.f32 v9, v10  }
.Ltmp25:
0x1af: {  	v24 =	vor.u32 $0x300, v30;
	v62 =	vor.u32 $0x300, v6;
	v18 =	vor.u32 $0x380, v29;
	(pc) =	sbr.rel @!p3 .LBB2_33-.Ltmp25, $4  }
0x1b0: {  	v13 =	vor.u32 $0x280, v29;
	v19 =	vor.u32 $0x300, v29;
	[tilespmem:v16+s21+$0x0] =	vst.idx.add.f32.msk vm2, v63;
	v6 =	vmul.f32 v23, v1  }
0x1b1: {  	v17 =	vor.u32 $0x380, v28;
	v14 =	vor.u32 $0x280, v7;
	v8 =	vor.u32 $0x280, v28;
	v31 =	vld.idx.msk [tilespmem:v31+s20+$0x0], $0xffff  }
0x1b2: {  	v0 =	vor.u32 $0x280, v30;
	v32 =	vmul.f32 v32, v11;
	v63 =	vor.u32 $0x380, v30;
	[tilespmem:v33+s21+$0x0] =	vst.idx.add.f32.msk vm0, v6  }
0x1b3: {  	p2 =	por $0x0, $0x0;
	s0 =	simm.s32 $0x60;
	vm2 =	vmmov vm4;
	v23 =	vor.u32 $0x380, v57;
	v30 =	vmul.f32 v34, v12;
	v29 =	vld.idx.msk [tilespmem:v35+s20+$0x0], $0xffff  }
0x1b4: {  	v5 =	vld [tilespmem:s0+$0x10];
	_ =	sdelay $0x3  }
0x1b5: {  	v7 =	vld [tilespmem:s0+$0xFFFFFFE0]  }
0x1b6: {  	v2 =	vor.u32 $0x380, v2;
	v33 =	vld [tilespmem:s0+$0x0];
	v6 =	vshll.u32 v5, $0x3  }
0x1b7: {  	s31 =	simm.s32 $0x2C60;
	[tilespmem:v22+s21+$0x0] =	vst.idx.add.f32.msk vm2, v32;
	v5 =	vand.u32 $0x7F, v5;
	v6 =	vand.u32 $0xFFFFFC00, v6  }
0x1b8: {  	v28 =	vor.u32 v5, v6;
	v5 =	vld [tilespmem:s31+$0x10]  }
0x1b9: {  	[tilespmem:v27+s21+$0x0] =	vst.idx.add.f32.msk vm1, v30;
	v1 =	vmul.f32 v29, v1  }
0x1ba: {  	v25 =	vld.idx.msk [tilespmem:v42+s20+$0x0], $0xffff  }
0x1bb: {  	s1 =	simm.s32 $0x5860;
	[tilespmem:v2+s21+$0x0] =	vst.idx.add.f32.msk vm0, v1  }
0x1bc: {  	v1 =	vld [tilespmem:s1+$0x10]  }
0x1bd: {  	v29 =	vld.idx.msk [tilespmem:v28+s20+$0x0], $0xffff;
	v2 =	vshll.u32 v5, $0x3  }
0x1be: {  	v9 =	vld.idx.msk [tilespmem:v14+s20+$0x0], $0xffff;
	vm0 =	vlt.s32 v5, $0x140;
	v5 =	vand.u32 $0x7F, v5;
	v2 =	vand.u32 $0xFFFFFC00, v2  }
0x1bf: {  	v34 =	vmul.f32 v31, v10;
	v6 =	vld [tilespmem:s0+$0xFFFFFFF0];
	v2 =	vor.u32 v5, v2  }
0x1c0: {  	v27 =	vld [tilespmem:s31+$0xFFFFFFE0];
	v5 =	vor.u32 $0x80, v28  }
0x1c1: {  	[tilespmem:v8+s21+$0x0] =	vst.idx.add.f32.msk vm3, v34;
	v26 =	vshll.u32 v7, $0x3  }
0x1c2: {  	v7 =	vand.u32 $0x7F, v7;
	v4 =	vld.idx.msk [tilespmem:v62+s20+$0x0], $0xffff;
	v26 =	vand.u32 $0xFFFFFC00, v26;
	v30 =	vmul.f32 v29, v1  }
0x1c3: {  	v29 =	vor.u32 v7, v26;
	v7 =	vld [tilespmem:s31+$0xFFFFFFF0]  }
0x1c4: {  	v9 =	vmul.f32 v9, v12;
	v26 =	vshll.u32 v6, $0x3;
	[tilespmem:v2+s21+$0x0] =	vst.idx.add.f32.msk vm0, v30  }
0x1c5: {  	v6 =	vand.u32 $0x7F, v6;
	v26 =	vand.u32 $0xFFFFFC00, v26;
	v43 =	vld.idx.msk [tilespmem:v5+s20+$0x0], $0xffff  }
0x1c6: {  	[tilespmem:v0+s21+$0x0] =	vst.idx.add.f32.msk vm1, v9;
	v30 =	vor.u32 v6, v26  }
0x1c7: {  	v31 =	vshll.u32 v33, $0x3;
	v26 =	vld [tilespmem:s31+$0x0];
	v6 =	vor.u32 $0x80, v2  }
0x1c8: {  	v33 =	vand.u32 $0x7F, v33;
	v31 =	vand.u32 $0xFFFFFC00, v31;
	v5 =	vld [tilespmem:s1+$0xFFFFFFE0]  }
0x1c9: {  	v45 =	vshll.u32 v27, $0x3;
	v31 =	vor.u32 v33, v31;
	v35 =	vld.idx.msk [tilespmem:v29+s20+$0x0], $0xffff;
	v36 =	vshll.u32 v7, $0x3  }
0x1ca: {  	v14 =	vand.u32 $0x7F, v7;
	vm6 =	vlt.s32 v7, $0x140;
	v7 =	vld [tilespmem:s1+$0x0];
	v8 =	vmul.f32 v43, v1  }
0x1cb: {  	vm5 =	vlt.s32 v27, $0x140;
	v32 =	vand.u32 $0xFFFFFC00, v45;
	v46 =	vld.idx.msk [tilespmem:v30+s20+$0x0], $0xffff  }
0x1cc: {  	[tilespmem:v6+s21+$0x0] =	vst.idx.add.f32.msk vm0, v8;
	v8 =	vmul.f32 v25, v11;
	v25 =	vand.u32 $0x7F, v27;
	v27 =	vor.u32 $0x100, v28  }
0x1cd: {  	v6 =	vld [tilespmem:s1+$0xFFFFFFF0];
	v32 =	vor.u32 v25, v32  }
0x1ce: {  	v44 =	vor.u32 $0x80, v29;
	v37 =	vor.u32 $0x80, v30;
	v36 =	vand.u32 $0xFFFFFC00, v36;
	[tilespmem:v13+s21+$0x0] =	vst.idx.add.f32.msk vm2, v8  }
0x1cf: {  	v36 =	vor.u32 v14, v36;
	vm7 =	vlt.s32 v26, $0x140;
	v25 =	vshll.u32 v26, $0x3;
	v8 =	vld.idx.msk [tilespmem:v31+s20+$0x0], $0xffff  }
0x1d0: {  	v16 =	vld.idx.msk [tilespmem:v39+s20+$0x0], $0xffff;
	v9 =	vand.u32 $0x7F, v26;
	v25 =	vand.u32 $0xFFFFFC00, v25;
	v13 =	vmul.f32 v35, v5  }
0x1d1: {  	v47 =	vor.u32 v9, v25;
	v9 =	vld.idx.msk [tilespmem:v27+s20+$0x0], $0xffff  }
0x1d2: {  	v14 =	vor.u32 $0x80, v31;
	v25 =	vmul.f32 v46, v6;
	[tilespmem:v32+s21+$0x0] =	vst.idx.add.f32.msk vm5, v13  }
0x1d3: {  	v26 =	vor.u32 $0x100, v2;
	v13 =	vld.idx.msk [tilespmem:v44+s20+$0x0], $0xffff  }
0x1d4: {  	v8 =	vmul.f32 v8, v7;
	[tilespmem:v36+s21+$0x0] =	vst.idx.add.f32.msk vm6, v25  }
0x1d5: {  	v27 =	vld.idx.msk [tilespmem:v37+s20+$0x0], $0xffff  }
0x1d6: {  	v25 =	vor.u32 $0x80, v32;
	[tilespmem:v47+s21+$0x0] =	vst.idx.add.f32.msk vm7, v8;
	v8 =	vmul.f32 v9, v1  }
0x1d7: {  	v4 =	vmul.f32 v4, v10;
	v9 =	vor.u32 $0x80, v36;
	v14 =	vld.idx.msk [tilespmem:v14+s20+$0x0], $0xffff  }
0x1d8: {  	[tilespmem:v26+s21+$0x0] =	vst.idx.add.f32.msk vm0, v8;
	v8 =	vor.u32 $0x180, v28  }
0x1d9: {  	[tilespmem:v20+s21+$0x0] =	vst.idx.add.f32.msk vm3, v4;
	v13 =	vmul.f32 v13, v5  }
0x1da: {  	v15 =	vld.idx.msk [tilespmem:v38+s20+$0x0], $0xffff;
	v26 =	vor.u32 $0x80, v47;
	v27 =	vmul.f32 v27, v6  }
0x1db: {  	[tilespmem:v25+s21+$0x0] =	vst.idx.add.f32.msk vm5, v13;
	v13 =	vor.u32 $0x100, v29  }
0x1dc: {  	v25 =	vor.u32 $0x100, v30;
	[tilespmem:v9+s21+$0x0] =	vst.idx.add.f32.msk vm6, v27  }
0x1dd: {  	v9 =	vor.u32 $0x100, v31;
	v14 =	vmul.f32 v14, v7;
	v8 =	vld.idx.msk [tilespmem:v8+s20+$0x0], $0xffff  }
0x1de: {  	v3 =	vld.idx.msk [tilespmem:v40+s20+$0x0], $0xffff  }
0x1df: {  	[tilespmem:v26+s21+$0x0] =	vst.idx.add.f32.msk vm7, v14;
	v14 =	vor.u32 $0x180, v2  }
0x1e0: {  	vm4 =	vmmov vm1;
	v26 =	vor.u32 $0x200, v28;
	v13 =	vld.idx.msk [tilespmem:v13+s20+$0x0], $0xffff  }
0x1e1: {  	v15 =	vmul.f32 v15, v11;
	v25 =	vld.idx.msk [tilespmem:v25+s20+$0x0], $0xffff  }
0x1e2: {  	v27 =	vor.u32 $0x100, v32;
	v9 =	vld.idx.msk [tilespmem:v9+s20+$0x0], $0xffff;
	v8 =	vmul.f32 v8, v1  }
0x1e3: {  	v4 =	vor.u32 $0x100, v36;
	[tilespmem:v19+s21+$0x0] =	vst.idx.add.f32.msk vm2, v15  }
0x1e4: {  	[tilespmem:v14+s21+$0x0] =	vst.idx.add.f32.msk vm0, v8;
	v8 =	vor.u32 $0x100, v47;
	v14 =	vmul.f32 v16, v12  }
0x1e5: {  	v22 =	vor.u32 $0x180, v29;
	v13 =	vmul.f32 v13, v5;
	v16 =	vld.idx.msk [tilespmem:v26+s20+$0x0], $0xffff  }
0x1e6: {  	v15 =	vor.u32 $0x180, v30;
	v20 =	vmul.f32 v25, v6;
	[tilespmem:v24+s21+$0x0] =	vst.idx.add.f32.msk vm4, v14  }
0x1e7: {  	v9 =	vmul.f32 v9, v7;
	[tilespmem:v27+s21+$0x0] =	vst.idx.add.f32.msk vm5, v13;
	v13 =	vor.u32 $0x200, v2  }
0x1e8: {  	[tilespmem:v4+s21+$0x0] =	vst.idx.add.f32.msk vm6, v20;
	v14 =	vor.u32 $0x180, v31  }
0x1e9: {  	v4 =	vor.u32 $0x280, v28;
	[tilespmem:v8+s21+$0x0] =	vst.idx.add.f32.msk vm7, v9  }
0x1ea: {  	v8 =	vld.idx.msk [tilespmem:v22+s20+$0x0], $0xffff;
	v9 =	vmul.f32 v16, v1  }
0x1eb: {  	v15 =	vld.idx.msk [tilespmem:v15+s20+$0x0], $0xffff  }
0x1ec: {  	[tilespmem:v13+s21+$0x0] =	vst.idx.add.f32.msk vm0, v9;
	v9 =	vor.u32 $0x180, v32  }
0x1ed: {  	v14 =	vld.idx.msk [tilespmem:v14+s20+$0x0], $0xffff;
	v13 =	vor.u32 $0x180, v36  }
0x1ee: {  	vm1 =	vmmov vm7;
	v16 =	vor.u32 $0x200, v29;
	v4 =	vld.idx.msk [tilespmem:v4+s20+$0x0], $0xffff  }
0x1ef: {  	v21 =	vld.idx.msk [tilespmem:v23+s20+$0x0], $0xffff;
	v24 =	vor.u32 $0x180, v47;
	v8 =	vmul.f32 v8, v5  }
0x1f0: {  	v19 =	vor.u32 $0x280, v2;
	v20 =	vld.idx.msk [tilespmem:v41+s20+$0x0], $0xffff;
	v15 =	vmul.f32 v15, v6  }
0x1f1: {  	v23 =	vor.u32 $0x300, v28;
	[tilespmem:v9+s21+$0x0] =	vst.idx.add.f32.msk vm5, v8  }
0x1f2: {  	v0 =	vmul.f32 v14, v7;
	[tilespmem:v13+s21+$0x0] =	vst.idx.add.f32.msk vm6, v15  }
0x1f3: {  	v50 =	vor.u32 $0x200, v30;
	v4 =	vmul.f32 v4, v1;
	v57 =	vld.idx.msk [tilespmem:v16+s20+$0x0], $0xffff  }
0x1f4: {  	v51 =	vor.u32 $0x200, v31;
	v61 =	vor.u32 $0x380, v28;
	v59 =	vor.u32 $0x280, v29;
	[tilespmem:v24+s21+$0x0] =	vst.idx.add.f32.msk vm1, v0  }
0x1f5: {  	v62 =	vor.u32 $0x300, v29;
	v0 =	vor.u32 $0x280, v36;
	[tilespmem:v19+s21+$0x0] =	vst.idx.add.f32.msk vm0, v4;
	v4 =	vmul.f32 v3, v10  }
0x1f6: {  	v40 =	vor.u32 $0x380, v29;
	v42 =	vor.u32 $0x280, v30;
	v58 =	vor.u32 $0x200, v32;
	v10 =	vld.idx.msk [tilespmem:v23+s20+$0x0], $0xffff;
	[tilespmem:$0x1FFF0] =	vst v0  }
0x1f7: {  	v43 =	vor.u32 $0x380, v31;
	v48 =	vor.u32 $0x300, v32;
	v54 =	vor.u32 $0x280, v47;
	[tilespmem:v17+s21+$0x0] =	vst.idx.add.f32.msk vm3, v4  }
0x1f8: {  	v11 =	vmul.f32 v21, v11;
	v26 =	vor.u32 $0x300, v36;
	v23 =	vor.u32 $0x300, v2;
	v33 =	vld.idx.msk [tilespmem:v50+s20+$0x0], $0xffff  }
0x1f9: {  	p3 =	sgt.s32 s24, $0x8;
	v27 =	vor.u32 $0x200, v47;
	v22 =	vor.u32 $0x200, v36;
	v34 =	vld.idx.msk [tilespmem:v51+s20+$0x0], $0xffff;
	v0 =	vmul.f32 v57, v5  }
.Ltmp26:
0x1fa: {  	v28 =	vmul.f32 v20, v12;
	v14 =	vor.u32 $0x280, v31;
	v8 =	vor.u32 $0x280, v32;
	[tilespmem:v18+s21+$0x0] =	vst.idx.add.f32.msk vm2, v11;
	(pc) =	sbr.rel @!p3 .LBB2_44-.Ltmp26, $4  }
0x1fb: {  	v15 =	vor.u32 $0x380, v32;
	v24 =	vor.u32 $0x300, v47;
	[tilespmem:v58+s21+$0x0] =	vst.idx.add.f32.msk vm5, v0;
	v10 =	vmul.f32 v10, v1  }
0x1fc: {  	v19 =	vor.u32 $0x300, v31;
	v17 =	vor.u32 $0x300, v30;
	v18 =	vor.u32 $0x380, v36;
	v31 =	vld.idx.msk [tilespmem:v59+s20+$0x0], $0xffff  }
0x1fd: {  	v11 =	vor.u32 $0x380, v47;
	vm3 =	vmmov vm5;
	vm2 =	vmmov vm6;
	[tilespmem:v23+s21+$0x0] =	vst.idx.add.f32.msk vm0, v10  }
0x1fe: {  	s14 =	simm.s32 $0xA0;
	p2 =	por $0x1, $0x1;
	s0 =	simm.s32 $0x8;
	v32 =	vmul.f32 v33, v6;
	v23 =	vor.u32 $0x380, v30;
	v30 =	vmul.f32 v34, v7;
	v29 =	vld.idx.msk [tilespmem:v61+s20+$0x0], $0xffff  }
.LBB2_45:
0x1ff: {  	_ = 	snop  }
0x200: {  	v10 =	vld [tilespmem:s14+$0x10]  }
0x201: {  	v12 =	vld [tilespmem:s14+$0xFFFFFFF0]  }
0x202: {  	v33 =	vld [tilespmem:s14+$0x0]  }
0x203: {  	v34 =	vld [tilespmem:s14+$0xFFFFFFE0]  }
0x204: {  	[tilespmem:v22+s21+$0x0] =	vst.idx.add.f32.msk vm2, v32  }
0x205: {  	v2 =	vor.u32 $0x380, v2;
	s31 =	sadd.s32 $0x40, s31;
	[tilespmem:v27+s21+$0x0] =	vst.idx.add.f32.msk vm1, v30  }
0x206: {  	v61 =	vld [tilespmem:s31+$0xFFFFFFE0]  }
0x207: {  	v44 =	vld.idx.msk [tilespmem:v42+s20+$0x0], $0xffff  }
0x208: {  	v57 =	vld [tilespmem:s31+$0xFFFFFFF0];
	v1 =	vmul.f32 v29, v1  }
0x209: {  	[tilespmem:$0x1FF90] =	vst v26;
	v60 =	vld.idx.msk [tilespmem:v14+s20+$0x0], $0xffff;
	v26 =	vshll.u32 v10, $0x3;
	v27 =	vshll.u32 v12, $0x3;
	v10 =	vand.u32 $0x7F, v10  }
0x20a: {  	v26 =	vand.u32 $0xFFFFFC00, v26;
	v25 =	vand.u32 $0xFFFFFC00, v27;
	v27 =	vshll.u32 v33, $0x3;
	[tilespmem:v2+s21+$0x0] =	vst.idx.add.f32.msk vm0, v1  }
0x20b: {  	v10 =	vor.u32 v10, v26;
	v26 =	vand.u32 $0xFFFFFC00, v27;
	v27 =	vld [tilespmem:s31+$0x10]  }
0x20c: {  	v35 =	vmul.f32 v31, v5;
	v31 =	vld [tilespmem:$0x1FFF0];
	v12 =	vand.u32 $0x7F, v12;
	v2 =	vshll.u32 v34, $0x3  }
0x20d: {  	s1 =	sadd.s32 $0x40, s1;
	v1 =	vand.u32 $0x7F, v34;
	v2 =	vand.u32 $0xFFFFFC00, v2;
	v46 =	vor.u32 v12, v25;
	v25 =	vld [tilespmem:s31+$0x0]  }
0x20e: {  	v29 =	vand.u32 $0x7F, v33;
	v12 =	vld [tilespmem:s1+$0xFFFFFFE0];
	v30 =	vshll.u32 v57, $0x3;
	v45 =	vor.u32 v1, v2  }
0x20f: {  	v52 =	vand.u32 $0x7F, v57;
	v47 =	vor.u32 v29, v26;
	v1 =	vld [tilespmem:s1+$0x10];
	v30 =	vand.u32 $0xFFFFFC00, v30  }
0x210: {  	v52 =	vor.u32 v52, v30;
	v26 =	vld.idx.msk [tilespmem:v10+s20+$0x0], $0xffff;
	v2 =	vshll.u32 v27, $0x3  }
0x211: {  	v30 =	vld [tilespmem:s1+$0x0];
	vm0 =	vlt.s32 v27, $0x140;
	v27 =	vand.u32 $0x7F, v27;
	v2 =	vand.u32 $0xFFFFFC00, v2  }
0x212: {  	v39 =	vld.idx.msk [tilespmem:v46+s20+$0x0], $0xffff;
	v2 =	vor.u32 v27, v2  }
0x213: {  	v58 =	vand.u32 $0x7F, v61;
	v41 =	vor.u32 $0x80, v10;
	v37 =	vld.idx.msk [tilespmem:v45+s20+$0x0], $0xffff  }
0x214: {  	vm5 =	vlt.s32 v61, $0x140;
	v29 =	vshll.u32 v61, $0x3;
	v53 =	vand.u32 $0x7F, v25;
	v51 =	vld.idx.msk [tilespmem:v47+s20+$0x0], $0xffff  }
0x215: {  	[tilespmem:v8+s21+$0x0] =	vst.idx.add.f32.msk vm3, v35;
	v27 =	vand.u32 $0xFFFFFC00, v29;
	v29 =	vshll.u32 v25, $0x3;
	v26 =	vmul.f32 v26, v1  }
0x216: {  	[tilespmem:$0x1FFE0] =	vst v18;
	v18 =	vmovc v54;
	vm7 =	vlt.s32 v25, $0x140;
	v59 =	vand.u32 $0xFFFFFC00, v29;
	v29 =	vld [tilespmem:s1+$0xFFFFFFF0];
	v54 =	vor.u32 v58, v27  }
0x217: {  	v53 =	vor.u32 v53, v59;
	[tilespmem:v2+s21+$0x0] =	vst.idx.add.f32.msk vm0, v26  }
0x218: {  	v32 =	vmov v48;
	vm6 =	vlt.s32 v57, $0x140;
	v48 =	vor.u32 $0x80, v45;
	v27 =	vld.idx.msk [tilespmem:v41+s20+$0x0], $0xffff  }
0x219: {  	[tilespmem:v63+s21+$0x0] =	vst.idx.add.f32.msk vm4, v28;
	v25 =	vmul.f32 v37, v12  }
0x21a: {  	v62 =	vld.idx.msk [tilespmem:v62+s20+$0x0], $0xffff;
	v8 =	vmul.f32 v51, v30;
	v51 =	vor.u32 $0x80, v2  }
0x21b: {  	v4 =	vor.u32 $0x100, v10;
	[tilespmem:v54+s21+$0x0] =	vst.idx.add.f32.msk vm5, v25  }
0x21c: {  	v50 =	vor.u32 $0x80, v47;
	v9 =	vmul.f32 v39, v29;
	[tilespmem:v53+s21+$0x0] =	vst.idx.add.f32.msk vm7, v8  }
0x21d: {  	v49 =	vor.u32 $0x80, v46;
	v26 =	vmovc v19;
	v19 =	vmovc v17;
	v17 =	vmov v11;
	v48 =	vld.idx.msk [tilespmem:v48+s20+$0x0], $0xffff;
	v11 =	vmul.f32 v27, v1  }
0x21e: {  	v38 =	vor.u32 $0x100, v46;
	[tilespmem:v52+s21+$0x0] =	vst.idx.add.f32.msk vm6, v9  }
0x21f: {  	v13 =	vor.u32 $0x180, v10;
	v0 =	vor.u32 $0x180, v45;
	v3 =	vor.u32 $0x300, v47;
	[tilespmem:v51+s21+$0x0] =	vst.idx.add.f32.msk vm0, v11  }
0x220: {  	[tilespmem:$0x1FFA0] =	vst v0;
	v0 =	vor.u32 $0x180, v46;
	v56 =	vor.u32 $0x80, v52;
	v55 =	vor.u32 $0x80, v54;
	v63 =	vld.idx.msk [tilespmem:v4+s20+$0x0], $0xffff  }
0x221: {  	v57 =	vor.u32 $0x100, v54;
	v33 =	vor.u32 $0x200, v54;
	v50 =	vld.idx.msk [tilespmem:v50+s20+$0x0], $0xffff;
	v11 =	vmul.f32 v44, v6  }
0x222: {  	[tilespmem:$0x1FFB0] =	vst v0;
	v16 =	vor.u32 $0x280, v54;
	v25 =	vor.u32 $0x100, v2;
	v49 =	vld.idx.msk [tilespmem:v49+s20+$0x0], $0xffff;
	v44 =	vmul.f32 v60, v7  }
0x223: {  	v59 =	vor.u32 $0x80, v53;
	v61 =	vor.u32 $0x100, v53;
	v35 =	vor.u32 $0x180, v53;
	[tilespmem:v31+s21+$0x0] =	vst.idx.add.f32.msk vm2, v11  }
0x224: {  	v41 =	vor.u32 $0x180, v54;
	v51 =	vor.u32 $0x280, v52;
	v60 =	vor.u32 $0x280, v53;
	[tilespmem:v18+s21+$0x0] =	vst.idx.add.f32.msk vm1, v44  }
0x225: {  	v4 =	vor.u32 $0x300, v54;
	v11 =	vmovc v51;
	v51 =	vor.u32 $0x380, v54;
	v54 =	vmovc v60;
	v60 =	vld.idx.msk [tilespmem:v26+s20+$0x0], $0xffff;
	v44 =	vmul.f32 v63, v1  }
0x226: {  	v9 =	vor.u32 $0x300, v53;
	v27 =	vor.u32 $0x200, v53;
	[tilespmem:$0x1FFF0] =	vst v11;
	v11 =	vor.u32 $0x380, v53;
	v53 =	vld.idx.msk [tilespmem:v19+s20+$0x0], $0xffff  }
0x227: {  	v0 =	vor.u32 $0x300, v46;
	v19 =	vmov v3;
	v3 =	vmul.f32 v49, v29;
	[tilespmem:v25+s21+$0x0] =	vst.idx.add.f32.msk vm0, v44  }
0x228: {  	[tilespmem:$0x1FFC0] =	vst v40;
	v40 =	vor.u32 $0x100, v45;
	v63 =	vmovc v17;
	v17 =	vmov v0;
	v0 =	vmul.f32 v48, v12;
	v13 =	vld.idx.msk [tilespmem:v13+s20+$0x0], $0xffff  }
0x229: {  	v36 =	vor.u32 $0x100, v47;
	[tilespmem:v56+s21+$0x0] =	vst.idx.add.f32.msk vm6, v3  }
0x22a: {  	v25 =	vmul.f32 v50, v30;
	[tilespmem:v55+s21+$0x0] =	vst.idx.add.f32.msk vm5, v0;
	v0 =	vor.u32 $0x180, v2  }
0x22b: {  	v38 =	vld.idx.msk [tilespmem:v38+s20+$0x0], $0xffff  }
0x22c: {  	[tilespmem:v59+s21+$0x0] =	vst.idx.add.f32.msk vm7, v25  }
0x22d: {  	v56 =	vor.u32 $0x200, v10;
	v25 =	vld.idx.msk [tilespmem:v40+s20+$0x0], $0xffff;
	v13 =	vmul.f32 v13, v1  }
0x22e: {  	v36 =	vld.idx.msk [tilespmem:v36+s20+$0x0], $0xffff  }
0x22f: {  	vm4 =	vmmov vm1;
	v62 =	vmul.f32 v62, v5;
	[tilespmem:v0+s21+$0x0] =	vst.idx.add.f32.msk vm0, v13  }
0x230: {  	vm1 =	vmmov vm7;
	v13 =	vld [tilespmem:$0x1FF90]  }
0x231: {  	[tilespmem:v32+s21+$0x0] =	vst.idx.add.f32.msk vm3, v62  }
0x232: {  	[tilespmem:$0x1FFD0] =	vst v43;
	v20 =	vmovc v15;
	v15 =	vor.u32 $0x300, v45;
	v48 =	vmov v4;
	v4 =	vmul.f32 v25, v12;
	v0 =	vld.idx.msk [tilespmem:v56+s20+$0x0], $0xffff  }
0x233: {  	v8 =	vor.u32 $0x300, v52;
	v59 =	vmul.f32 v60, v7;
	v62 =	vmov v15;
	v15 =	vld [tilespmem:$0x1FFD0]  }
0x234: {  	v26 =	vmov v8;
	v8 =	vor.u32 $0x200, v2;
	[tilespmem:v57+s21+$0x0] =	vst.idx.add.f32.msk vm5, v4;
	v4 =	vmul.f32 v36, v30  }
0x235: {  	[tilespmem:v24+s21+$0x0] =	vst.idx.add.f32.msk vm4, v59  }
0x236: {  	v58 =	vor.u32 $0x100, v52;
	v3 =	vmul.f32 v53, v6;
	[tilespmem:v61+s21+$0x0] =	vst.idx.add.f32.msk vm1, v4  }
0x237: {  	v4 =	vld [tilespmem:$0x1FFA0];
	v0 =	vmul.f32 v0, v1  }
0x238: {  	[tilespmem:v13+s21+$0x0] =	vst.idx.add.f32.msk vm2, v3  }
0x239: {  	v3 =	vmul.f32 v38, v29;
	[tilespmem:v8+s21+$0x0] =	vst.idx.add.f32.msk vm0, v0  }
0x23a: {  	v8 =	vld [tilespmem:$0x1FFC0]  }
0x23b: {  	[tilespmem:v58+s21+$0x0] =	vst.idx.add.f32.msk vm6, v3;
	v3 =	vor.u32 $0x280, v10  }
0x23c: {  	v24 =	vmov v9;
	v9 =	vld [tilespmem:$0x1FFB0];
	_ =	sdelay $0x2  }
0x23d: {  	v4 =	vld.idx.msk [tilespmem:v4+s20+$0x0], $0xffff  }
0x23e: {  	v43 =	vor.u32 $0x180, v47;
	v0 =	vld.idx.msk [tilespmem:v3+s20+$0x0], $0xffff;
	_ =	sdelay $0x1  }
0x23f: {  	v13 =	vor.u32 $0x280, v2;
	v8 =	vld.idx.msk [tilespmem:v8+s20+$0x0], $0xffff  }
0x240: {  	v28 =	vor.u32 $0x200, v45;
	v61 =	vld.idx.msk [tilespmem:v15+s20+$0x0], $0xffff  }
0x241: {  	v9 =	vld.idx.msk [tilespmem:v9+s20+$0x0], $0xffff;
	v4 =	vmul.f32 v4, v12  }
0x242: {  	v3 =	vld.idx.msk [tilespmem:v43+s20+$0x0], $0xffff;
	v0 =	vmul.f32 v0, v1  }
0x243: {  	[tilespmem:v41+s21+$0x0] =	vst.idx.add.f32.msk vm5, v4  }
0x244: {  	v21 =	vor.u32 $0x180, v52;
	[tilespmem:v13+s21+$0x0] =	vst.idx.add.f32.msk vm0, v0;
	v0 =	vmul.f32 v8, v5  }
0x245: {  	v31 =	vor.u32 $0x300, v10;
	v4 =	vld.idx.msk [tilespmem:v28+s20+$0x0], $0xffff  }
0x246: {  	[tilespmem:v20+s21+$0x0] =	vst.idx.add.f32.msk vm3, v0  }
0x247: {  	v39 =	vor.u32 $0x200, v46;
	v9 =	vmul.f32 v9, v29;
	v0 =	vld [tilespmem:$0x1FFE0]  }
0x248: {  	v37 =	vor.u32 $0x200, v47;
	v25 =	vld.idx.msk [tilespmem:v23+s20+$0x0], $0xffff  }
0x249: {  	[tilespmem:v21+s21+$0x0] =	vst.idx.add.f32.msk vm6, v9;
	v3 =	vmul.f32 v3, v30  }
0x24a: {  	v8 =	vld.idx.msk [tilespmem:v31+s20+$0x0], $0xffff  }
0x24b: {  	v34 =	vor.u32 $0x280, v45;
	v5 =	vmov v12;
	[tilespmem:v35+s21+$0x0] =	vst.idx.add.f32.msk vm1, v3  }
0x24c: {  	s0 =	sadd.s32 $0x4, s0;
	v42 =	vor.u32 $0x280, v46;
	v3 =	vld.idx.msk [tilespmem:v39+s20+$0x0], $0xffff;
	v13 =	vor.u32 $0x300, v2;
	v4 =	vmul.f32 v4, v5  }
0x24d: {  	p3 =	slt.s32 s0, s24;
	v14 =	vor.u32 $0x280, v47;
	v10 =	vor.u32 $0x380, v10;
	v9 =	vmul.f32 v25, v6;
	v12 =	vld.idx.msk [tilespmem:v37+s20+$0x0], $0xffff  }
.Ltmp27:
0x24e: {  	v22 =	vor.u32 $0x200, v52;
	v45 =	vor.u32 $0x380, v45;
	v47 =	vor.u32 $0x380, v47;
	[tilespmem:v33+s21+$0x0] =	vst.idx.add.f32.msk vm5, v4;
	(pc) =	sbr.rel @p3 .LBB2_45-.Ltmp27, $4  }
0x24f: {  	v46 =	vor.u32 $0x380, v46;
	v52 =	vor.u32 $0x380, v52;
	[tilespmem:v0+s21+$0x0] =	vst.idx.add.f32.msk vm2, v9;
	v0 =	vmul.f32 v8, v1  }
0x250: {  	v18 =	vmovc v52;
	v40 =	vmovc v45;
	v15 =	vmov v51;
	v23 =	vmov v46;
	v43 =	vmov v47;
	v31 =	vld.idx.msk [tilespmem:v34+s20+$0x0], $0xffff  }
0x251: {  	v6 =	vmovc v29;
	v28 =	vmul.f32 v61, v7;
	v7 =	vmov v30;
	vm3 =	vmmov vm5;
	[tilespmem:v13+s21+$0x0] =	vst.idx.add.f32.msk vm0, v0  }
0x252: {  	s14 =	sadd.s32 $0x40, s14;
	v32 =	vmul.f32 v3, v6;
	v30 =	vmul.f32 v12, v7;
	vm2 =	vmmov vm6;
	v8 =	vmovc v16;
	v29 =	vld.idx.msk [tilespmem:v10+s20+$0x0], $0xffff  }
0x253: {  	v33 =	vmov v63;
	v10 =	vmov v5;
	v63 =	vmov v11  }
0x254: {  	v11 =	vmovc v6;
	v12 =	vmovc v7;
	v0 =	vmov v54;
	v38 =	vmov v17;
	v39 =	vmov v19  }
0x255: {  	v13 =	vld [tilespmem:$0x1FFF0];
	v20 =	vmovc v48;
	v19 =	vmovc v26;
	v41 =	vmov v43;
	v17 =	vmov v15;
	v25 =	vimm.f32 $0.0e+00  }
.LBB2_47:
0x256: {  	_ =	sdelay $0x4  }
0x257: {  	[tilespmem:v22+s21+$0x0] =	vst.idx.add.f32.msk vm2, v32  }
0x258: {  	[tilespmem:v27+s21+$0x0] =	vst.idx.add.f32.msk vm1, v30  }
0x259: {  	v3 =	vld.idx.msk [tilespmem:v42+s20+$0x0], $0xffff  }
0x25a: {  	v4 =	vld.idx.msk [tilespmem:v14+s20+$0x0], $0xffff;
	_ =	sdelay $0x1  }
0x25b: {  	v5 =	vmul.f32 v31, v10;
	_ =	sdelay $0x1  }
0x25c: {  	[tilespmem:v8+s21+$0x0] =	vst.idx.add.f32.msk vm3, v5;
	v3 =	vmul.f32 v3, v11  }
0x25d: {  	v5 =	vld.idx.msk [tilespmem:v62+s20+$0x0], $0xffff;
	v4 =	vmul.f32 v4, v12  }
0x25e: {  	[tilespmem:v13+s21+$0x0] =	vst.idx.add.f32.msk vm2, v3  }
0x25f: {  	[tilespmem:v0+s21+$0x0] =	vst.idx.add.f32.msk vm1, v4  }
0x260: {  	v53 =	vld.idx.msk [tilespmem:v38+s20+$0x0], $0xffff  }
0x261: {  	v54 =	vld.idx.msk [tilespmem:v39+s20+$0x0], $0xffff  }
0x262: {  	vm15 =	vmmov vm1  }
0x263: {  	v55 =	vmul.f32 v5, v10;
	_ =	sdelay $0x1  }
0x264: {  	[tilespmem:v20+s21+$0x0] =	vst.idx.add.f32.msk vm3, v55;
	v0 =	vmul.f32 v53, v11  }
0x265: {  	v57 =	vld.idx.msk [tilespmem:v40+s20+$0x0], $0xffff;
	v3 =	vmul.f32 v54, v12  }
0x266: {  	[tilespmem:v19+s21+$0x0] =	vst.idx.add.f32.msk vm2, v0  }
0x267: {  	[tilespmem:v24+s21+$0x0] =	vst.idx.add.f32.msk vm15, v3  }
0x268: {  	v56 =	vor.u32 $0x380, v2;
	v58 =	vld.idx.msk [tilespmem:v23+s20+$0x0], $0xffff  }
0x269: {  	v59 =	vld.idx.msk [tilespmem:v41+s20+$0x0], $0xffff;
	_ =	sdelay $0x1  }
0x26a: {  	v1 =	vmul.f32 v29, v1  }
0x26b: {  	[tilespmem:v33+s21+$0x0] =	vst.idx.add.f32.msk @p2 vm4, v28;
	v60 =	vmul.f32 v57, v10  }
0x26c: {  	[tilespmem:v56+s21+$0x0] =	vst.idx.add.f32.msk vm0, v1;
	v61 =	vmul.f32 v58, v11  }
0x26d: {  	[tilespmem:v17+s21+$0x0] =	vst.idx.add.f32.msk vm3, v60;
	v62 =	vmul.f32 v59, v12  }
0x26e: {  	[tilespmem:v18+s21+$0x0] =	vst.idx.add.f32.msk vm2, v61  }
0x26f: {  	[tilespmem:v63+s21+$0x0] =	vst.idx.add.f32.msk vm15, v62  }
.LBB2_48:
.Ltmp28:
0x270: {  	(pc) =	sbr.rel @p1 .LBB2_50-.Ltmp28, $3  }
0x271: {  	_ =	sdelay $0x1  }
0x272: {  	s0 =	smov.u32 s28  }
0x273: {  	s1 =	smov.u32 s26;
	s14 =	smov.u32 s25;
	s31 =	smov.u32 s24  }
.LBB2_49:
0x274: {  	v0 =	vld [tilespmem:s14+$0x0];
	_ =	sdelay $0x4  }
0x275: {  	v1 =	vshll.u32 v0, $0x3  }
0x276: {  	v0 =	vand.u32 $0x7F, v0;
	v1 =	vand.u32 $0xFFFFFC00, v1  }
0x277: {  	v2 =	vld [tilespmem:s1+$0x0];
	v0 =	vor.u32 v0, v1;
	_ =	sdelay $0x3  }
0x278: {  	v52 =	vld [tilespmem:s0+$0x0]  }
0x279: {  	v4 =	vshll.u32 v2, $0x3;
	v3 =	vld.idx.msk [tilespmem:v0+s20+$0x0], $0xffff  }
0x27a: {  	vm0 =	vlt.s32 v2, $0x140;
	v2 =	vand.u32 $0x7F, v2;
	v4 =	vand.u32 $0xFFFFFC00, v4  }
0x27b: {  	v2 =	vor.u32 v2, v4  }
0x27c: {  	v53 =	vor.u32 $0x80, v0;
	_ =	sdelay $0x1  }
0x27d: {  	v3 =	vmul.f32 v3, v52;
	_ =	sdelay $0x1  }
0x27e: {  	[tilespmem:v2+s21+$0x0] =	vst.idx.add.f32.msk vm0, v3  }
0x27f: {  	v3 =	vld.idx.msk [tilespmem:v53+s20+$0x0], $0xffff;
	_ =	sdelay $0x1  }
0x280: {  	v54 =	vor.u32 $0x80, v2  }
0x281: {  	v5 =	vor.u32 $0x100, v0;
	_ =	sdelay $0x1  }
0x282: {  	v3 =	vmul.f32 v3, v52;
	_ =	sdelay $0x1  }
0x283: {  	[tilespmem:v54+s21+$0x0] =	vst.idx.add.f32.msk vm0, v3  }
0x284: {  	v3 =	vld.idx.msk [tilespmem:v5+s20+$0x0], $0xffff;
	_ =	sdelay $0x1  }
0x285: {  	v55 =	vor.u32 $0x100, v2  }
0x286: {  	v56 =	vor.u32 $0x180, v0;
	_ =	sdelay $0x1  }
0x287: {  	v3 =	vmul.f32 v3, v52;
	_ =	sdelay $0x1  }
0x288: {  	[tilespmem:v55+s21+$0x0] =	vst.idx.add.f32.msk vm0, v3  }
0x289: {  	v3 =	vld.idx.msk [tilespmem:v56+s20+$0x0], $0xffff;
	_ =	sdelay $0x1  }
0x28a: {  	v57 =	vor.u32 $0x180, v2  }
0x28b: {  	v58 =	vor.u32 $0x200, v0;
	_ =	sdelay $0x1  }
0x28c: {  	v3 =	vmul.f32 v3, v52;
	_ =	sdelay $0x1  }
0x28d: {  	[tilespmem:v57+s21+$0x0] =	vst.idx.add.f32.msk vm0, v3  }
0x28e: {  	v3 =	vld.idx.msk [tilespmem:v58+s20+$0x0], $0xffff;
	_ =	sdelay $0x1  }
0x28f: {  	v59 =	vor.u32 $0x200, v2  }
0x290: {  	v60 =	vor.u32 $0x280, v0;
	_ =	sdelay $0x1  }
0x291: {  	v3 =	vmul.f32 v3, v52;
	_ =	sdelay $0x1  }
0x292: {  	[tilespmem:v59+s21+$0x0] =	vst.idx.add.f32.msk vm0, v3  }
0x293: {  	v3 =	vld.idx.msk [tilespmem:v60+s20+$0x0], $0xffff;
	_ =	sdelay $0x1  }
0x294: {  	v61 =	vor.u32 $0x280, v2  }
0x295: {  	v62 =	vor.u32 $0x300, v0;
	_ =	sdelay $0x1  }
0x296: {  	v3 =	vmul.f32 v3, v52;
	_ =	sdelay $0x1  }
0x297: {  	[tilespmem:v61+s21+$0x0] =	vst.idx.add.f32.msk vm0, v3  }
0x298: {  	v3 =	vld.idx.msk [tilespmem:v62+s20+$0x0], $0xffff;
	_ =	sdelay $0x1  }
0x299: {  	v63 =	vor.u32 $0x300, v2  }
0x29a: {  	v0 =	vor.u32 $0x380, v0;
	_ =	sdelay $0x1  }
0x29b: {  	v3 =	vmul.f32 v3, v52;
	_ =	sdelay $0x1  }
0x29c: {  	[tilespmem:v63+s21+$0x0] =	vst.idx.add.f32.msk vm0, v3  }
0x29d: {  	v0 =	vld.idx.msk [tilespmem:v0+s20+$0x0], $0xffff  }
0x29e: {  	s31 =	sadd.s32 $0x1, s31  }
0x29f: {  	p2 =	slt.s32 s31, s23;
	v2 =	vor.u32 $0x380, v2  }
.Ltmp29:
0x2a0: {  	_ = 	snop;
	(pc) =	sbr.rel @p2 .LBB2_49-.Ltmp29, $3  }
0x2a1: {  	_ = 	snop  }
0x2a2: {  	v0 =	vmul.f32 v0, v52;
	_ =	sdelay $0x1  }
0x2a3: {  	s14 =	sadd.s32 $0x10, s14;
	s1 =	sadd.s32 $0x10, s1;
	s0 =	sadd.s32 $0x10, s0;
	[tilespmem:v2+s21+$0x0] =	vst.idx.add.f32.msk vm0, v0  }
.Ltmp30:
0x2a4: {  	_ = 	snop;
	(pc) =	sbr.rel .LBB2_50-.Ltmp30, $1  }
0x2a5: {  	_ =	sdelay $0x3  }
.LBB2_33:
.Ltmp31:
0x2a6: {  	(pc) =	sbr.rel .LBB2_47-.Ltmp31, $2  }
0x2a7: {  	_ =	sdelay $0x2  }
0x2a8: {  	_ = 	snop  }
.LBB2_44:
.Ltmp32:
0x2a9: {  	(pc) =	sbr.rel .LBB2_47-.Ltmp32, $4  }
0x2aa: {  	_ = 	snop  }
0x2ab: {  	v33 =	vmov v63;
	v10 =	vmov v5;
	v63 =	vmov v11  }
0x2ac: {  	v11 =	vmovc v6;
	v12 =	vmovc v7;
	v0 =	vmov v54;
	v38 =	vmov v17;
	v39 =	vmov v19  }
0x2ad: {  	v13 =	vld [tilespmem:$0x1FFF0];
	v20 =	vmovc v48;
	v19 =	vmovc v26;
	v41 =	vmov v43;
	v17 =	vmov v15;
	v25 =	vimm.f32 $0.0e+00  }
.LBB2_3:
.Ltmp33:
0x2ae: {  	(pc) =	sbr.rel .LBB2_14-.Ltmp33, $2  }
0x2af: {  	_ =	sdelay $0x2  }
0x2b0: {  	_ = 	snop  }
.LBB2_9:
.Ltmp34:
0x2b1: {  	(pc) =	sbr.rel .LBB2_40-.Ltmp34, $2  }
0x2b2: {  	_ =	sdelay $0x2  }
0x2b3: {  	v1 =	vmov v5;
	s14 =	simm.s32 $0x5820;
	v14 =	vmov v7  }
.LBB2_11:
.Ltmp35:
0x2b4: {  	(pc) =	sbr.rel .LBB2_14-.Ltmp35, $3  }
0x2b5: {  	_ =	sdelay $0x1  }
0x2b6: {  	v21 =	vmov v3;
	v22 =	vmov v1;
	v23 =	vmov v2  }
0x2b7: {  	v3 =	vmovc v15;
	s14 =	simm.s32 $0x5820;
	v1 =	vmovc v16;
	v2 =	vmov v19;
	s0 =	simm.s32 $0x5860;
	v15 =	vmov v7;
	v9 =	vmov v6  }
.LBB2_35:
.Ltmp36:
0x2b8: {  	(pc) =	sbr.rel .LBB2_40-.Ltmp36, $2  }
0x2b9: {  	_ =	sdelay $0x2  }
0x2ba: {  	s14 =	simm.s32 $0x5820  }
.LBB2_37:
.Ltmp37:
0x2bb: {  	(pc) =	sbr.rel .LBB2_40-.Ltmp37, $2  }
0x2bc: {  	_ =	sdelay $0x2  }
0x2bd: {  	v5 =	vmov v1;
	s26 =	simm.s32 $0x5820;
	v1 =	vmov v7;
	v14 =	vmov v9  }
.LBB2_52:
0x2be: {  	_ =	sfence.sel $0x180000  }
0x2bf: {  	[bflag:$0x0] =	sbarrier.arrive $0xFFFF  }
0x2c0: {  	_ =	strace $0x9000004D  }
0x2c1: {  	s0 =	stileid.u32;
	[bflag:$0x2] =	sbarrier.arrive $0xFFFF  }
0x2c2: {  	p0 =	sne.s32 s0, $0x0;
	s0 =	rddreg [dreg:$0x2]  }
0x2c3: {  	s0 =	sadd.s32 @!p0 $0x100000, s0  }
0x2c4: {  	[sflag:s0] =	ssyncadd.tile.s32 @!p0 $0x1;
	_ =	shalt  }
.Lfunc_end2:
_tile_overlayer_lowered:
.L_overlay_start_2:
0x2c5: {  	(tag) =	ssettag $0x2  }
0x2c6: {  	s0 =	rddreg [dreg:$0x0];
	s2 =	stileid.u32  }
0x2c7: {  	s1 =	rddreg [dreg:$0x1];
	p0 =	sne.s32 s2, $0x0  }
0x2c8: {  	s3 =	rddreg [dreg:$0x2];
	[bflag:$0x3] =	sbarrier.arrive $0xFFFF;
	s2 =	simm.s32 @!p0 $0x1C01  }
0x2c9: {  	[timem:s3], [sflag:s2] =	dma.local @!p0 [hbm:s0], s1  }
0x2ca: {  	s0 =	simm.s32 @!p0 $0x1  }
0x2cb: {  	_ =	swait.ge @!p0 [sflag:s0], s1  }
0x2cc: {  	s1 =	ssub.s32 @!p0 $0x0, s1;
	[sflag:s0] =	ssyncset.done @!p0 $0x0  }
0x2cd: {  	[sflag:s0] =	ssyncadd.s32 @!p0 s1  }
0x2ce: {  	[bflag:$0x3] =	sbarrier.arrive $0xFFFF  }
0x2cf: {  	_ =	shalt  }

// kernel: kernel.9.cloned.1.call-start
scs
__scs_entry_jumppad:
0x0: {  	(pc) =	sbr.rel $0x88, $3  }
0x1: {  	(tag) =	ssettag $0x0;
	lr =	simm.s32 $0x1  }
0x2: {  	[smem:$0x3F90] =	sst lr;
	_ =	strace $0xD0000000  }
0x3: {  	_ = 	snop  }
0x4: {  	_ = 	snop  }
0x5: {  	_ = 	snop  }
0x6: {  	_ = 	snop  }
0x7: {  	_ = 	snop  }
__scs_overlays_trampoline_lowered:
0x8: {  	[smem:$0x3F9F] =	sst s0  }
0x9: {  	[smem:$0x3FA0] =	sst s1  }
0xa: {  	[smem:$0x3FA1] =	sst s2  }
0xb: {  	[smem:$0x3FA2] =	sst s3  }
0xc: {  	[smem:$0x3FA3] =	sst s4  }
0xd: {  	[smem:$0x3FA4] =	sst s5  }
0xe: {  	[smem:$0x3FA5] =	sst s6  }
0xf: {  	[smem:$0x3FA6] =	sst s7  }
0x10: {  	[smem:$0x3FA7] =	sst s8  }
0x11: {  	[smem:$0x3FA8] =	sst s9;
	s0 =	simm.s32 @!p0 $0x0  }
0x12: {  	s1 =	sld [smem:$0x3F8E];
	s0 =	simm.s32 @p0 $0x1  }
0x13: {  	[smem:$0x3FA9] =	sst s0;
	s0 =	simm.s32 @!p1 $0x0  }
0x14: {  	s2 =	sld [smem:$0x3F8D];
	s0 =	simm.s32 @p1 $0x1  }
0x15: {  	[smem:$0x3FAA] =	sst s0;
	s0 =	simm.s32 @!p2 $0x0  }
0x16: {  	s3 =	sld [smem:$0x3FDB];
	s0 =	simm.s32 @p2 $0x1  }
0x17: {  	s4 =	simm.s32 $0x1BF5;
	[smem:$0x3FAC] =	sst s0  }
0x18: {  	s0 =	sld [smem:$0x3F8F];
	_ =	swait.ge [sflag:s4], $0x0  }
0x19: {  	s7 =	sld [smem:$0x3F90]  }
0x1a: {  	s8 =	sadd.s32 $0xFFFFE003, lr  }
0x1b: {  	s9 =	sadd.s32 $0xFFFFFEF7, lr;
	s5 =	simm.s32 $0xFFFFFFFF;
	p2 =	slt.u32 s8, $0xFFFFF086  }
0x1c: {  	p1 =	slt.u32 s9, $0xF7A;
	s5 =	simm.s32 @!p2 $0x0  }
0x1d: {  	s5 =	simm.s32 @p1 $0x1;
	p0 =	seq.s32 s7, s2  }
0x1e: {  	s7 =	smul.u32 @!p0 $0xF7A, s2;
	p2 =	seq.s32 @!p0 s5, $0x0  }
0x1f: {  	s9 =	smul.u32 $0xF7A, s1;
	s8 =	simm.s32 @!p0 $0x1BF5;
	p2 =	por !p2, p0  }
0x20: {  	[sflag:s8] =	ssyncset.s32 @!p0 $0xFFFFF086;
	s6 =	sadd.s32 @!p0 s3, s7;
	s7 =	simm.s32 @!p0 $0x108  }
0x21: {  	s3 =	sadd.s32 s3, s9;
	s6 =	sadd.s32 @!p0 $0x88, s6;
	s7 =	simm.s32 @p2 $0x1082  }
0x22: {  	[simem:s7], [sflag:s8] =	dma.local @!p0 [hbm:s6], $0xF7A  }
0x23: {  	s9 =	sor.u32 $0xD0000000, s2;
	s6 =	simm.s32 $0x108;
	_ =	swait.ge @!p0 [sflag:s8], $0x0  }
0x24: {  	s3 =	sadd.s32 $0x88, s3;
	s6 =	simm.s32 @!p1 $0x1082;
	[sflag:s4] =	ssyncset.s32 $0xFFFFF086  }
0x25: {  	[simem:s6], [sflag:s4] =	dma.local [hbm:s3], $0xF7A  }
0x26: {  	[smem:$0x3F90] =	sst s1;
	(tag) =	ssettag s2;
	_ =	strace s9  }
0x27: {  	s1 =	sld [smem:$0x3FA0]  }
0x28: {  	s2 =	sld [smem:$0x3FA1]  }
0x29: {  	s4 =	sld [smem:$0x3FA3]  }
0x2a: {  	p0 =	seq.s32 s5, $0x0;
	s5 =	sld [smem:$0x3FA4]  }
0x2b: {  	s6 =	sld [smem:$0x3FA5]  }
0x2c: {  	s7 =	sld [smem:$0x3FA6]  }
0x2d: {  	s3 =	simm.s32 $0x108;
	s8 =	sld [smem:$0x3FA7]  }
0x2e: {  	s3 =	simm.s32 @!p0 $0x1082;
	s9 =	sld [smem:$0x3FA8]  }
0x2f: {  	lr =	sadd.s32 s0, s3;
	s0 =	sld [smem:$0x3F9F]  }
0x30: {  	s3 =	sld [smem:$0x3FA2]  }
0x31: {  	[smem:$0x3FAB] =	sst s10  }
0x32: {  	s10 =	sld [smem:$0x3FA9];
	_ =	sdelay $0x3  }
0x33: {  	p0 =	seq.s32 s10, $0x1;
	s10 =	sld [smem:$0x3FAB];
	_ =	sdelay $0x3  }
0x34: {  	[smem:$0x3FAB] =	sst s10  }
0x35: {  	s10 =	sld [smem:$0x3FAA];
	_ =	sdelay $0x3  }
0x36: {  	p1 =	seq.s32 s10, $0x1;
	s10 =	sld [smem:$0x3FAB];
	_ =	sdelay $0x3  }
0x37: {  	[smem:$0x3FAB] =	sst s10  }
0x38: {  	s10 =	sld [smem:$0x3FAC]  }
0x39: {  	_ = 	snop;
	(pc) =	sbr.ind lr, $3  }
0x3a: {  	_ = 	snop  }
0x3b: {  	_ = 	snop  }
0x3c: {  	p2 =	seq.s32 s10, $0x1;
	s10 =	sld [smem:$0x3FAB]  }
0x3d: {  	_ =	shalt  }
0x3e: {  	_ =	shalt  }
0x3f: {  	_ =	shalt  }
0x40: {  	_ =	shalt  }
0x41: {  	_ =	shalt  }
0x42: {  	_ =	shalt  }
0x43: {  	_ =	shalt  }
0x44: {  	_ =	shalt  }
0x45: {  	_ =	shalt  }
0x46: {  	_ =	shalt  }
0x47: {  	_ =	shalt  }
0x48: {  	_ =	shalt  }
0x49: {  	_ =	shalt  }
0x4a: {  	_ =	shalt  }
0x4b: {  	_ =	shalt  }
0x4c: {  	_ =	shalt  }
0x4d: {  	_ =	shalt  }
0x4e: {  	_ =	shalt  }
0x4f: {  	_ =	shalt  }
0x50: {  	_ =	shalt  }
0x51: {  	_ =	shalt  }
0x52: {  	_ =	shalt  }
0x53: {  	_ =	shalt  }
0x54: {  	_ =	shalt  }
0x55: {  	_ =	shalt  }
0x56: {  	_ =	shalt  }
0x57: {  	_ =	shalt  }
0x58: {  	_ =	shalt  }
0x59: {  	_ =	shalt  }
0x5a: {  	_ =	shalt  }
0x5b: {  	_ =	shalt  }
0x5c: {  	_ =	shalt  }
0x5d: {  	_ =	shalt  }
0x5e: {  	_ =	shalt  }
0x5f: {  	_ =	shalt  }
0x60: {  	_ =	shalt  }
0x61: {  	_ =	shalt  }
0x62: {  	_ =	shalt  }
0x63: {  	_ =	shalt  }
0x64: {  	_ =	shalt  }
0x65: {  	_ =	shalt  }
0x66: {  	_ =	shalt  }
0x67: {  	_ =	shalt  }
0x68: {  	_ =	shalt  }
0x69: {  	_ =	shalt  }
0x6a: {  	_ =	shalt  }
0x6b: {  	_ =	shalt  }
0x6c: {  	_ =	shalt  }
0x6d: {  	_ =	shalt  }
0x6e: {  	_ =	shalt  }
0x6f: {  	_ =	shalt  }
0x70: {  	_ =	shalt  }
0x71: {  	_ =	shalt  }
0x72: {  	_ =	shalt  }
0x73: {  	_ =	shalt  }
0x74: {  	_ =	shalt  }
0x75: {  	_ =	shalt  }
0x76: {  	_ =	shalt  }
0x77: {  	_ =	shalt  }
0x78: {  	_ =	shalt  }
0x79: {  	_ =	shalt  }
0x7a: {  	_ =	shalt  }
0x7b: {  	_ =	shalt  }
0x7c: {  	_ =	shalt  }
0x7d: {  	_ =	shalt  }
0x7e: {  	_ =	shalt  }
0x7f: {  	_ =	shalt  }
0x80: {  	_ =	shalt  }
0x81: {  	_ =	shalt  }
0x82: {  	_ =	shalt  }
0x83: {  	_ =	shalt  }
0x84: {  	_ =	shalt  }
0x85: {  	_ =	shalt  }
0x86: {  	_ =	shalt  }
0x87: {  	_ =	shalt  }
.Lfunc_end0:
.L_simem_size_0:
called_computation_lowered:
.L_overlay_start_0:
0x88: {  	s2 =	sld [smem:$0x3FD9]  }
0x89: {  	s3 =	sld [smem:$0x3FFE];
	_ =	sdelay $0x1  }
0x8a: {  	s1 =	srdreg.scid  }
0x8b: {  	s0 =	sand.u32 $0x1, s1  }
0x8c: {  	s17 =	sshll.u32 s0, $0xA;
	s2 =	sadd.s32 s3, s2  }
0x8d: {  	s2 =	sadd.s32 s2, s17  }
0x8e: {  	[smem:$0x3FB7] =	sst s2  }
0x8f: {  	_ = 	snop  }
0x90: {  	s2 =	sld [smem:$0x3FD0];
	(tm) =	ssettm $0x1  }
0x91: {  	s18 =	sld [smem:$0x3FFB];
	_ =	sdelay $0x3  }
0x92: {  	_ =	strace s18  }
0x93: {  	s3 =	sld [smem:$0x3FFC];
	_ =	sdelay $0x3  }
0x94: {  	_ =	strace s3  }
0x95: {  	s3 =	sld [smem:$0x3FFD];
	_ =	sdelay $0x3  }
0x96: {  	_ =	strace s3  }
0x97: {  	_ =	strace $0x8FFFFFFF  }
0x98: {  	s19 =	sld [smem:$0x3FDB];
	_ =	sdelay $0x1  }
0x99: {  	s4 =	simm.s32 $_scs_section_size  }
0x9a: {  	s5 =	simm.s32 $_size__tile_overlayer_lowered;
	s6 =	simm.s32 $_tile_overlayer_lowered  }
0x9b: {  	s22 =	simm.s32 $0x1BFF;
	s21 =	sshll.u32 s6, $0x1;
	s3 =	sadd.s32 s4, s19  }
0x9c: {  	s7 =	simm.s32 $0x0;
	s20 =	sshll.u32 s5, $0x1;
	s5 =	sadd.s32 s21, s3  }
0x9d: {  	[timem:s7], [sflag:s22] =	dma.local [hbm:s5], s20  }
0x9e: {  	_ =	swait.ge [sflag:s22], s20  }
0x9f: {  	s4 =	ssub.s32 $0x0, s20;
	[sflag:s22] =	ssyncset.done $0x0  }
0xa0: {  	[sflag:s22] =	ssyncadd.s32 s4;
	_ =	sdelay $0x1  }
0xa1: {  	s23 =	simm.s32 $0x1B8B  }
0xa2: {  	_ =	swait.ge [sflag:s23], $0x1  }
0xa3: {  	[sflag:s23] =	ssyncset.done $0x0  }
0xa4: {  	s25 =	simm.s32 $0x1B8E;
	s24 =	sld [smem:$0x3FFE];
	[sflag:s23] =	ssyncadd.s32 $0xFFFFFFFF  }
0xa5: {  	s26 =	simm.s32 $execute0_lowered;
	[smem:$0x3FD2] =	sst s25  }
0xa6: {  	s5 =	sshll.u32 s26, $0x1;
	_ =	strace $0x80000046;
	[dreg:$0x1] =	wrdreg $0xFFFFFFFF  }
0xa7: {  	s28 =	simm.s32 $_size_execute0_lowered;
	s3 =	sadd.s32 s3, s5;
	[dreg:$0x0] =	wrdreg $0x0  }
0xa8: {  	s5 =	sshll.u32 s28, $0x1;
	[dreg:$0x2] =	wrdreg s3  }
0xa9: {  	[dreg:$0x3] =	wrdreg s5  }
0xaa: {  	[dreg:$0x4] =	wrdreg $0xC0  }
0xab: {  	_ =	task [dreg:s7], $0x5FFFF  }
0xac: {  	[dreg:$0x1] =	wrdreg $0xFFFFFFFF  }
0xad: {  	[dreg:$0x0] =	wrdreg $0x60  }
0xae: {  	[dreg:$0x2] =	wrdreg s24  }
0xaf: {  	[dreg:$0x3] =	wrdreg s2  }
0xb0: {  	[dreg:$0x4] =	wrdreg $0x9  }
0xb1: {  	_ =	task.clear_ibuf [dreg:s7], $0x5FFFF;
	_ =	strace $0x90000046  }
0xb2: {  	s29 =	simm.s32 $0x9;
	_ =	strace $0x80000048  }
0xb3: {  	_ =	swait.ge [sflag:s29], $0x1  }
0xb4: {  	[sflag:s29] =	ssyncadd.s32 $0xFFFFFFFF  }
0xb5: {  	_ =	strace $0x90000048  }
0xb6: {  	_ =	sfence  }
0xb7: {  	s30 =	sld [smem:$0x0];
	_ =	sdelay $0x2  }
0xb8: {  	s31 =	sshll.u32 s1, $0xD;
	s1 =	sshrl.u32 s1, $0x2  }
0xb9: {  	s3 =	sand.u32 $0x4000, s31;
	s1 =	sadd.s32 s1, s30  }
0xba: {  	s0 =	sor.u32 s3, s0;
	s1 =	sshll.u32 s1, $0x11  }
0xbb: {  	s0 =	sor.u32 s1, s0  }
0xbc: {  	s0 =	sadd.s32 $0x8F2B, s0  }
0xbd: {  	[sflag:s0] =	ssyncadd.remote.s32 $0x1  }
0xbe: {  	_ =	sfence.sel $0xFFFF  }
0xbf: {  	[dreg:$0x0] =	wrdreg $0xFFFFFFFF;
	(pc) =	sbr.abs _section_cstart, $3  }
0xc0: {  	[dreg:$0x1] =	wrdreg $0xFFFFFFFF  }
0xc1: {  	_ =	task.clear_ibuf [dreg:s7], $0x2FFFF;
	_ =	strace $0x9FFFFFFF  }
0xc2: {  	(tm) =	ssettm $0x7FFFFFFF  }
0xc3: {  	_ =	shalt  }
tec
execute0_lowered:
.L_overlay_start_1:
0x0: {  	(tag) =	ssettag $0x1  }
0x1: {  	s0 =	rddreg [dreg:$0x0]  }
0x2: {  	s1 =	rddreg [dreg:$0x1];
	s2 =	simm.s32 $0x0;
	s3 =	srdreg.scid  }
0x3: {  	s4 =	stileid.u32;
	s13 =	simm.s32 $0x2;
	s14 =	simm.s32 $0x80  }
0x4: {  	s15 =	simm.s32 $0x1;
	s19 =	simm.s32 $0x10100;
	s20 =	simm.s32 $0x12D00  }
0x5: {  	s21 =	simm.s32 $0x0;
	[smem:$0x7FF] =	sst s2;
	s7 =	sand.u32 $0x1, s3  }
0x6: {  	s31 =	sshll.u32 s4, $0x1;
	s3 =	sadd.s32 $0xD600, s0;
	s4 =	sadd.s32 $0x3800, s0  }
0x7: {  	s5 =	sadd.s32 $0x21200, s0;
	s6 =	sadd.s32 $0x17400, s0;
	s16 =	sor.u32 s7, s31  }
0x8: {  	_ =	strace $0x80000047;
	s7 =	ssub.s32 $0x2, s7;
	s8 =	smul.u32 $0x580, s16  }
0x9: {  	s9 =	sshll.u32 s16, $0x4;
	s10 =	sshrl.u32 s7, $0x1;
	s17 =	smul.u32 $0x140, s16  }
0xa: {  	s12 =	ssub.s32 s7, s10;
	s11 =	sadd.s32 s8, s0;
	s0 =	sadd.s32 s9, s0  }
0xb: {  	v2 =	vimm.s32 $0x140;
	v3 =	vimm.s32 $0x0;
	s8 =	sadd.s32 s1, s8;
	s12 =	smax.u32 s12, $0x1;
	s7 =	sadd.s32 $0x4C000, s0  }
0xc: {  	v4 =	vlaneseq.u32;
	v0 =	vmov s16;
	v1 =	vmov s17;
	s9 =	sadd.s32 $0x36000, s11;
	s10 =	sadd.s32 $0x2B000, s11;
	s11 =	sadd.s32 $0x41000, s11  }
.LBB2_1:
0xd: {  	s0 =	simm.s32 $0x0  }
.LBB2_2:
0xe: {  	p0 =	sne.s32 s0, $0xAFC0  }
.Ltmp0:
0xf: {  	_ = 	snop;
	(pc) =	sbr.rel @p0 .LBB2_2-.Ltmp0, $4  }
0x10: {  	_ = 	snop  }
0x11: {  	s1 =	sshra.s32 s0, $0x2  }
0x12: {  	[tilespmem:s1+$0xD500] =	vst v2  }
0x13: {  	s0 =	sadd.s32 $0x40, s0;
	[tilespmem:s1+$0x7D00] =	vst v3  }
0x14: {  	s25 =	simm.s32 $0x0;
	s22 =	simm.s32 $0x70;
	s23 =	simm.s32 $0x0  }
.LBB2_4:
0x15: {  	s0 =	smul.u32 $0x7D00, s23;
	_ =	sdelay $0x1  }
0x16: {  	s0 =	sshrl.u32 s0, $0x3  }
0x17: {  	s0 =	sadd.s32 s3, s0  }
0x18: {  	[tilespmem:s2], [sflag:$0x2] =	stream.linear.gather [hbm4b:s0+s2], $0x7D00, $0x38;
	[tilespmem:$0x15980] =	vst v63  }
0x19: {  	_ =	swait.ge [sflag:s13], $0x7D00  }
0x1a: {  	[sflag:s13] =	ssyncset.done $0x0  }
0x1b: {  	s16 =	simm.s32 $0x40;
	[sflag:s13] =	ssyncadd.s32 $0xFFFF8300  }
0x1c: {  	v5 =	vld [tilespmem:s16+$0xFFFFFFC0]  }
0x1d: {  	v6 =	vld [tilespmem:s16+$0xFFFFFFD0]  }
0x1e: {  	v7 =	vld [tilespmem:s16+$0xFFFFFFE0];
	_ =	sdelay $0x2  }
0x1f: {  	v9 =	vld [tilespmem:s16+$0xFFFFFFF0]  }
0x20: {  	v11 =	vld [tilespmem:s16+$0x0]  }
0x21: {  	v8 =	vmul.u32 $0x199A, v5;
	v10 =	vmul.u32 $0x199A, v6;
	v12 =	vmul.u32 $0x199A, v7;
	_ =	sdelay $0x1  }
0x22: {  	v13 =	vld [tilespmem:s16+$0x10];
	v8 =	vshrl.u32 v8, $0x15;
	v10 =	vshrl.u32 v10, $0x15;
	v12 =	vshrl.u32 v12, $0x15  }
0x23: {  	v15 =	vld [tilespmem:s16+$0x20];
	vm8 =	veq.s32 v8, v0;
	vm1 =	veq.s32 v10, v0;
	v10 =	vmul.u32 $0x199A, v9  }
0x24: {  	vm0 =	veq.s32 v12, v0;
	v12 =	vmul.u32 $0x199A, v11;
	v8 =	vmpcnt.ones.xlane vm8  }
0x25: {  	v16 =	vld [tilespmem:s16+$0x30];
	v14 =	vmpcnt.ones.xlane vm1;
	v10 =	vshrl.u32 v10, $0x15  }
0x26: {  	v12 =	vshrl.u32 v12, $0x15;
	v8 =	vxor.u32 $0x80000000, v8;
	vm2 =	veq.s32 v10, v0  }
0x27: {  	v10 =	vmul.u32 $0x199A, v13;
	(xrf0) =	vmax.scan.msk.u32 $0xffff, v8;
	v8 =	vxor.u32 $0x80000000, v14;
	v14 =	vmpcnt.ones.xlane vm0  }
0x28: {  	vm3 =	veq.s32 v12, v0;
	v12 =	vmul.u32 $0x199A, v15;
	(xrf0) =	vmax.scan.msk.u32 $0xffff, v8  }
0x29: {  	v10 =	vshrl.u32 v10, $0x15;
	v8 =	vxor.u32 $0x80000000, v14;
	v14 =	vmpcnt.ones.xlane vm2  }
0x2a: {  	vm4 =	veq.s32 v10, v0;
	v10 =	vshrl.u32 v12, $0x15;
	v12 =	vmul.u32 $0x199A, v16  }
0x2b: {  	(xrf0) =	vmax.scan.msk.u32 $0xffff, v8;
	v8 =	vxor.u32 $0x80000000, v14;
	v14 =	vmpcnt.ones.xlane vm3;
	_ =	sdelay $0x1  }
0x2c: {  	vm6 =	veq.s32 v10, v0;
	v17, _, _ =	vpop (xrf0);
	(xrf0) =	vmax.scan.msk.u32 $0xffff, v8;
	v8 =	vxor.u32 $0x80000000, v14  }
0x2d: {  	v10 =	vshrl.u32 v12, $0x15;
	v14 =	vmpcnt.ones.xlane vm4;
	(v2sf) =	vpush v17, $0xF;
	v12, _, _ =	vpop (xrf0);
	(xrf0) =	vmax.scan.msk.u32 $0xffff, v8  }
0x2e: {  	vm9 =	veq.s32 v10, v0  }
0x2f: {  	s24 =	simm.s32 $0xC0;
	v8 =	vxor.u32 $0x80000000, v14;
	v14 =	vmpcnt.ones.xlane vm6;
	(v2sf) =	vpush v12, $0xF  }
0x30: {  	v23 =	vld [tilespmem:s24+$0x10];
	v12 =	vmpcnt.ones.xlane vm9;
	v10, _, _ =	vpop (xrf0);
	(xrf0) =	vmax.scan.msk.u32 $0xffff, v8  }
0x31: {  	v17 =	vsub.s32 v7, v1;
	v8 =	vxor.u32 $0x80000000, v14;
	(v2sf) =	vpush v10, $0xF  }
0x32: {  	s18 =	sadd.s32 $0xFFFFFFE0, s22;
	v10 =	vsub.s32 v5, v1;
	v14 =	vsub.s32 v6, v1;
	v6 =	vld [tilespmem:s24+$0xFFFFFFC0];
	v7 =	vxor.u32 $0x80000000, v12;
	v5, _, _ =	vpop (xrf0);
	(xrf0) =	vmax.scan.msk.u32 $0xffff, v8  }
0x33: {  	v22 =	vor.u32 s18, v4;
	v8 =	vld [tilespmem:s24+$0xFFFFFFD0];
	(v2sf) =	vpush v5, $0xF;
	v5, _, _ =	vpop (xrf0);
	(xrf0) =	vmax.scan.msk.u32 $0xffff, v7  }
0x34: {  	v18 =	vsub.s32 v9, v1;
	v19 =	vsub.s32 v11, v1;
	v20 =	vsub.s32 v13, v1  }
0x35: {  	s17 =	sadd.s32 $0xFFFFFF90, s22;
	v62 =	vmul.u32 $0x199A, v23;
	v9 =	vsub.s32 v15, v1;
	(v2sf) =	vpush v5, $0xF  }
0x36: {  	v11 =	vld [tilespmem:s24+$0xFFFFFFE0];
	v15 =	vor.u32 s17, v4;
	vm5 =	vmmov vm3;
	vm14 =	vmmov vm4;
	v5, _, _ =	vpop (xrf0)  }
0x37: {  	vm7 =	vmmov vm6;
	v12 =	vld [tilespmem:s24+$0xFFFFFFF0];
	(v2sf) =	vpush v5, $0xF;
	v5 =	vmul.u32 $0x199A, v6  }
0x38: {  	vm3 =	vmmov vm2;
	v7 =	vsub.s32 v16, v1;
	v16 =	vmul.u32 $0x199A, v8;
	v13, _, _ =	vpop (xrf0)  }
0x39: {  	(v2sf) =	vpush v13, $0xF;
	v13 =	vshrl.u32 v5, $0x15;
	v5 =	vsub.s32 v8, v1;
	v8, _, _ =	vpop (xrf0)  }
0x3a: {  	v21 =	vld [tilespmem:s24+$0x0];
	vm2 =	vmmov vm1;
	vm1 =	veq.s32 v13, v0;
	(v2sf) =	vpush v8, $0xF  }
0x3b: {  	p0 =	slt.s32 s25, $0x2BF0;
	s0 =	smov.u32 s25;
	v8 =	vshrl.u32 v16, $0x15;
	v16 =	vmul.u32 $0x199A, v11;
	v13 =	vmpcnt.ones.xlane vm1  }
0x3c: {  	s0 =	simm.s32 @!p0 $0x2BF0;
	vm4 =	vmmov vm9;
	v24 =	vmul.u32 $0x199A, v12;
	vm6 =	veq.s32 v8, v0;
	s1 =	spop (v2sf)  }
0x3d: {  	[tilespmem:s0+$0xD500] =	vst.msk vm8, v10;
	v8 =	vsub.s32 v11, v1;
	v11 =	vshrl.u32 v16, $0x15;
	s1 =	sadd.s32 s1, s25;
	v10 =	vxor.u32 $0x80000000, v13  }
0x3e: {  	[tilespmem:s0+$0x7D00] =	vst.msk vm8, v15;
	v16 =	vld [tilespmem:s24+$0x20];
	v13 =	vmpcnt.ones.xlane vm6;
	s26 =	spop (v2sf);
	vm9 =	veq.s32 v11, v0;
	v11 =	vsub.s32 v12, v1;
	s25 =	sadd.s32 $0x80000000, s1  }
0x3f: {  	v61 =	vld [tilespmem:s24+$0x30];
	v12 =	vmul.u32 $0x199A, v21;
	(xrf0) =	vmax.scan.msk.u32 $0xffff, v10;
	v15 =	vmpcnt.ones.xlane vm9;
	v10 =	vshrl.u32 v24, $0x15;
	s1 =	sadd.s32 s26, s25  }
0x40: {  	vm0 =	vmmov vm0;
	p0 =	slt.s32 s25, $0x2BF0;
	v13 =	vxor.u32 $0x80000000, v13;
	s16 =	spop (v2sf);
	vm8 =	veq.s32 v10, v0;
	s26 =	sadd.s32 $0x80000000, s1  }
0x41: {  	s28 =	simm.s32 $0x8;
	v12 =	vshrl.u32 v12, $0x15;
	s25 =	simm.s32 @!p0 $0x2BF0;
	(xrf0) =	vmax.scan.msk.u32 $0xffff, v13;
	v13 =	vxor.u32 $0x80000000, v15;
	v15 =	vmpcnt.ones.xlane vm8;
	s0 =	sadd.s32 s16, s26  }
0x42: {  	v6 =	vsub.s32 v6, v1;
	v10 =	vsub.s32 v21, v1;
	vm10 =	veq.s32 v12, v0;
	p0 =	slt.s32 s26, $0x2BF0;
	[tilespmem:s25+$0xD500] =	vst.msk vm2, v14;
	s30 =	sadd.s32 $0x80000000, s0;
	s17 =	spop (v2sf)  }
0x43: {  	s29 =	smov.u32 s22;
	v14 =	vmul.u32 $0x199A, v16;
	(xrf0) =	vmax.scan.msk.u32 $0xffff, v13;
	s26 =	simm.s32 @!p0 $0x2BF0;
	v13 =	vxor.u32 $0x80000000, v15;
	v15 =	vmpcnt.ones.xlane vm10;
	s0 =	sadd.s32 s17, s30  }
0x44: {  	v21 =	vshrl.u32 v62, $0x15;
	v12 =	vsub.s32 v23, v1;
	p0 =	slt.s32 s30, $0x2BF0;
	[tilespmem:s26+$0xD500] =	vst.msk vm0, v17;
	s18 =	spop (v2sf);
	v17 =	vmul.u32 $0x199A, v61;
	s31 =	sadd.s32 $0x80000000, s0  }
0x45: {  	vm11 =	veq.s32 v21, v0;
	v14 =	vshrl.u32 v14, $0x15;
	s17 =	sadd.s32 $0xFFFFFFF0, s22;
	s30 =	simm.s32 @!p0 $0x2BF0;
	v63, _, _ =	vpop (xrf0);
	(xrf0) =	vmax.scan.msk.u32 $0xffff, v13;
	v13 =	vxor.u32 $0x80000000, v15;
	s0 =	sadd.s32 s18, s31  }
0x46: {  	v15 =	vmpcnt.ones.xlane vm11;
	vm12 =	veq.s32 v14, v0;
	v14 =	vsub.s32 v16, v1;
	p0 =	slt.s32 s31, $0x2BF0;
	s16 =	spop (v2sf);
	s1 =	sadd.s32 $0x80000000, s0  }
0x47: {  	(v2sf) =	vpush v63, $0xF;
	[tilespmem:s30+$0xD500] =	vst.msk vm3, v18;
	v16 =	vshrl.u32 v17, $0x15;
	v18 =	vmpcnt.ones.xlane vm12;
	s31 =	simm.s32 @!p0 $0x2BF0;
	p0 =	slt.s32 s1, $0x2BF0;
	s16 =	sadd.s32 s16, s1  }
0x48: {  	v15 =	vxor.u32 $0x80000000, v15;
	vm13 =	veq.s32 v16, v0;
	v17, _, _ =	vpop (xrf0);
	(xrf0) =	vmax.scan.msk.u32 $0xffff, v13;
	[tilespmem:s31+$0xD500] =	vst.msk vm5, v19;
	s1 =	simm.s32 @!p0 $0x2BF0;
	s16 =	sadd.s32 $0x80000000, s16;
	s18 =	spop (v2sf)  }
0x49: {  	s0 =	sadd.s32 $0xFFFFFFD0, s22;
	v13 =	vsub.s32 v61, v1;
	v16 =	vxor.u32 $0x80000000, v18;
	(v2sf) =	vpush v17, $0xF;
	v17, _, _ =	vpop (xrf0);
	[tilespmem:s1+$0xD500] =	vst.msk vm14, v20;
	p0 =	slt.s32 s16, $0x2BF0;
	s18 =	sadd.s32 s18, s16  }
0x4a: {  	(xrf0) =	vmax.scan.msk.u32 $0xffff, v15;
	v15 =	vmpcnt.ones.xlane vm13;
	(v2sf) =	vpush v17, $0xF;
	[tilespmem:s1+$0x7D00] =	vst.msk vm14, v22;
	s16 =	simm.s32 @!p0 $0x2BF0;
	s1 =	sadd.s32 $0x80000000, s18;
	s18 =	spop (v2sf)  }
.LBB2_5:
0x4b: {  	v17, _, _ =	vpop (xrf0);
	(xrf0) =	vmax.scan.msk.u32 $0xffff, v16  }
0x4c: {  	s28 =	sadd.s32 $0x8, s28;
	s24 =	sadd.s32 $0x80, s24;
	[tilespmem:s16+$0xD500] =	vst.msk vm7, v9;
	v18 =	vor.u32 s17, v4;
	s17 =	sadd.s32 s18, s1;
	v9 =	vmovc v14;
	vm15 =	vmmov vm0;
	vm0 =	vmmov vm9  }
0x4d: {  	p1 =	slt.s32 s1, $0x2BF0;
	v14 =	vld [tilespmem:s24+$0xFFFFFFC0];
	p0 =	slt.u32 s28, $0x7C8;
	v15 =	vxor.u32 $0x80000000, v15;
	(v2sf) =	vpush v17, $0xF;
	v17 =	vor.u32 s0, v4;
	[tilespmem:s16+$0x7D00] =	vst.msk vm7, v18;
	s0 =	sadd.s32 $0x80000000, s17  }
0x4e: {  	vm14 =	vmmov vm11;
	s1 =	simm.s32 @!p1 $0x2BF0;
	p2 =	slt.s32 s0, $0x2BF0;
	v16, _, _ =	vpop (xrf0);
	(xrf0) =	vmax.scan.msk.u32 $0xffff, v15;
	[tilespmem:s31+$0x7D00] =	vst.msk vm5, v17;
	vm5 =	vmmov vm10;
	s16 =	smov.u32 s0  }
0x4f: {  	s17 =	sadd.s32 $0xFFFFFFC0, s29;
	vm7 =	vmmov vm12;
	v15 =	vld [tilespmem:s24+$0xFFFFFFD0];
	s16 =	simm.s32 @!p2 $0x2BF0;
	(v2sf) =	vpush v16, $0xF;
	[tilespmem:s1+$0xD500] =	vst.msk vm4, v7;
	v16 =	vor.u32 s29, v4;
	v7 =	vmovc v13  }
0x50: {  	s18 =	sadd.s32 $0xFFFFFFB0, s29;
	v17 =	vor.u32 s17, v4;
	v13, _, _ =	vpop (xrf0);
	[tilespmem:s1+$0x7D00] =	vst.msk vm4, v16;
	vm4 =	vmmov vm13  }
0x51: {  	s1 =	sadd.s32 $0xFFFFFFA0, s29;
	s29 =	sadd.s32 $0x80, s29;
	v16 =	vld [tilespmem:s24+$0xFFFFFFE0];
	(v2sf) =	vpush v13, $0xF;
	v13 =	vor.u32 s18, v4;
	[tilespmem:s30+$0x7D00] =	vst.msk vm3, v17;
	vm3 =	vmmov vm8  }
0x52: {  	s17 =	sadd.s32 $0xFFFFFF90, s29;
	v20 =	vor.u32 s1, v4;
	v17 =	vmul.u32 $0x199A, v14;
	v14 =	vsub.s32 v14, v1;
	v18 =	vld [tilespmem:s24+$0xFFFFFFF0];
	v19, _, _ =	vpop (xrf0);
	[tilespmem:s26+$0x7D00] =	vst.msk vm15, v13  }
0x53: {  	v13 =	vor.u32 s17, v4;
	(v2sf) =	vpush v19, $0xF;
	[tilespmem:s25+$0x7D00] =	vst.msk vm2, v20;
	vm2 =	vmmov vm6  }
0x54: {  	s1 =	sadd.s32 $0xFFFFFFE0, s29;
	v17 =	vshrl.u32 v17, $0x15;
	v19 =	vmul.u32 $0x199A, v15;
	v15 =	vsub.s32 v15, v1;
	v20 =	vld [tilespmem:s24+$0x0];
	[tilespmem:s16+$0xD500] =	vst.msk vm1, v6;
	v6, _, _ =	vpop (xrf0)  }
0x55: {  	[tilespmem:s16+$0x7D00] =	vst.msk vm1, v13;
	vm1 =	veq.s32 v17, v0;
	v17 =	vor.u32 s1, v4;
	(v2sf) =	vpush v6, $0xF;
	v6 =	vmovc v14  }
0x56: {  	v13 =	vmpcnt.ones.xlane vm1;
	v14 =	vshrl.u32 v19, $0x15;
	v19 =	vmul.u32 $0x199A, v16;
	v21 =	vld [tilespmem:s24+$0x10];
	s1 =	spop (v2sf)  }
0x57: {  	vm6 =	veq.s32 v14, v0;
	v14 =	vsub.s32 v16, v1;
	v16 =	vmul.u32 $0x199A, v18;
	s0 =	sadd.s32 s1, s0  }
0x58: {  	v13 =	vxor.u32 $0x80000000, v13;
	v22 =	vmpcnt.ones.xlane vm6;
	v19 =	vshrl.u32 v19, $0x15;
	v23 =	vld [tilespmem:s24+$0x20];
	s25 =	sadd.s32 $0x80000000, s0;
	s0 =	spop (v2sf)  }
0x59: {  	v18 =	vsub.s32 v18, v1;
	vm9 =	veq.s32 v19, v0;
	v19 =	vmul.u32 $0x199A, v20;
	(xrf0) =	vmax.scan.msk.u32 $0xffff, v13;
	p1 =	slt.s32 s25, $0x2BF0;
	s0 =	sadd.s32 s0, s25  }
0x5a: {  	v16 =	vshrl.u32 v16, $0x15;
	v13 =	vxor.u32 $0x80000000, v22;
	v22 =	vmpcnt.ones.xlane vm9;
	v24 =	vld [tilespmem:s24+$0x30];
	s25 =	simm.s32 @!p1 $0x2BF0;
	s26 =	sadd.s32 $0x80000000, s0;
	s0 =	spop (v2sf)  }
0x5b: {  	vm8 =	veq.s32 v16, v0;
	v16 =	vsub.s32 v20, v1;
	v20 =	vmul.u32 $0x199A, v21;
	(xrf0) =	vmax.scan.msk.u32 $0xffff, v13;
	p1 =	slt.s32 s26, $0x2BF0;
	s0 =	sadd.s32 s0, s26  }
0x5c: {  	s30 =	sadd.s32 $0x80000000, s0;
	s0 =	spop (v2sf)  }
0x5d: {  	v19 =	vshrl.u32 v19, $0x15;
	v13 =	vxor.u32 $0x80000000, v22;
	v22 =	vmpcnt.ones.xlane vm8;
	[tilespmem:s25+$0xD500] =	vst.msk vm2, v5;
	s26 =	simm.s32 @!p1 $0x2BF0;
	v5 =	vmovc v15;
	s0 =	sadd.s32 s0, s30  }
0x5e: {  	vm10 =	veq.s32 v19, v0;
	v19 =	vsub.s32 v21, v1;
	v15 =	vmul.u32 $0x199A, v23;
	(xrf0) =	vmax.scan.msk.u32 $0xffff, v13;
	p1 =	slt.s32 s30, $0x2BF0;
	s31 =	sadd.s32 $0x80000000, s0  }
0x5f: {  	v21 =	vmpcnt.ones.xlane vm10;
	v13 =	vxor.u32 $0x80000000, v22;
	v22 =	vshrl.u32 v20, $0x15;
	[tilespmem:s26+$0xD500] =	vst.msk vm0, v8;
	s30 =	simm.s32 @!p1 $0x2BF0;
	s0 =	spop (v2sf);
	v8 =	vmovc v14;
	p1 =	slt.s32 s31, $0x2BF0  }
0x60: {  	vm11 =	veq.s32 v22, v0;
	v14 =	vshrl.u32 v15, $0x15;
	v15 =	vmul.u32 $0x199A, v24;
	v20, _, _ =	vpop (xrf0);
	(xrf0) =	vmax.scan.msk.u32 $0xffff, v13;
	s0 =	sadd.s32 s0, s31;
	s31 =	simm.s32 @!p1 $0x2BF0  }
.Ltmp1:
0x61: {  	v13 =	vxor.u32 $0x80000000, v21;
	v21 =	vmpcnt.ones.xlane vm11;
	(v2sf) =	vpush v20, $0xF;
	[tilespmem:s30+$0xD500] =	vst.msk vm3, v11;
	s1 =	sadd.s32 $0x80000000, s0;
	s16 =	spop (v2sf);
	(pc) =	sbr.rel @p0 .LBB2_5-.Ltmp1, $4  }
0x62: {  	vm12 =	veq.s32 v14, v0;
	v14 =	vsub.s32 v23, v1;
	s0 =	sadd.s32 $0xFFFFFFD0, s29;
	v15 =	vshrl.u32 v15, $0x15;
	v11, _, _ =	vpop (xrf0);
	(xrf0) =	vmax.scan.msk.u32 $0xffff, v13;
	p1 =	slt.s32 s1, $0x2BF0;
	s16 =	sadd.s32 s16, s1  }
0x63: {  	v20 =	vxor.u32 $0x80000000, v21;
	v21 =	vmpcnt.ones.xlane vm12;
	(v2sf) =	vpush v11, $0xF;
	[tilespmem:s31+$0xD500] =	vst.msk vm5, v10;
	s1 =	simm.s32 @!p1 $0x2BF0;
	s16 =	sadd.s32 $0x80000000, s16;
	s18 =	spop (v2sf);
	v11 =	vmovc v18;
	v10 =	vmovc v16  }
0x64: {  	s17 =	sadd.s32 $0xFFFFFFF0, s29;
	v13 =	vsub.s32 v24, v1;
	vm13 =	veq.s32 v15, v0;
	v18, _, _ =	vpop (xrf0);
	(xrf0) =	vmax.scan.msk.u32 $0xffff, v20;
	[tilespmem:s1+$0xD500] =	vst.msk vm14, v12;
	p1 =	slt.s32 s16, $0x2BF0;
	s18 =	sadd.s32 s18, s16  }
0x65: {  	v15 =	vmpcnt.ones.xlane vm13;
	v12 =	vmovc v19;
	v16 =	vxor.u32 $0x80000000, v21;
	(v2sf) =	vpush v18, $0xF;
	[tilespmem:s1+$0x7D00] =	vst.msk vm14, v17;
	s16 =	simm.s32 @!p1 $0x2BF0;
	s1 =	sadd.s32 $0x80000000, s18;
	s18 =	spop (v2sf)  }
0x66: {  	v17, _, _ =	vpop (xrf0)  }
0x67: {  	(xrf0) =	vmax.scan.msk.u32 $0xffff, v16;
	(v2sf) =	vpush v17, $0xF  }
0x68: {  	v56, _, _ =	vpop (xrf0)  }
0x69: {  	v15 =	vxor.u32 $0x80000000, v15;
	(v2sf) =	vpush v56, $0xF  }
0x6a: {  	(xrf0) =	vmax.scan.msk.u32 $0xffff, v15  }
0x6b: {  	v57, _, _ =	vpop (xrf0)  }
0x6c: {  	(v2sf) =	vpush v57, $0xF  }
0x6d: {  	v58, _, _ =	vpop (xrf0)  }
0x6e: {  	s18 =	sadd.s32 s18, s1;
	(v2sf) =	vpush v58, $0xF  }
0x6f: {  	[tilespmem:s16+$0xD500] =	vst.msk vm7, v9;
	v59 =	vor.u32 s17, v4;
	p0 =	slt.s32 s1, $0x2BF0;
	s28 =	sadd.s32 $0x80000000, s18  }
0x70: {  	v61 =	vor.u32 s0, v4;
	[tilespmem:s16+$0x7D00] =	vst.msk vm7, v59;
	s1 =	simm.s32 @!p0 $0x2BF0;
	s16 =	sadd.s32 $0x80, s29;
	v60, _, _ =	vpop (xrf0);
	s24 =	spop (v2sf)  }
0x71: {  	[tilespmem:s31+$0x7D00] =	vst.msk vm5, v61;
	p1 =	slt.s32 s28, $0x2BF0;
	s18 =	smov.u32 s28;
	(v2sf) =	vpush v60, $0xF;
	s0 =	sadd.s32 s24, s28  }
0x72: {  	[tilespmem:s1+$0xD500] =	vst.msk vm4, v7;
	v7 =	vor.u32 s29, v4;
	s18 =	simm.s32 @!p1 $0x2BF0;
	s0 =	sadd.s32 $0x80000000, s0;
	s31 =	spop (v2sf)  }
0x73: {  	[tilespmem:s1+$0x7D00] =	vst.msk vm4, v7;
	s28 =	sadd.s32 $0xFFFFFFC0, s29;
	s24 =	sadd.s32 $0xFFFFFFB0, s29;
	s17 =	sadd.s32 s31, s0  }
0x74: {  	[tilespmem:s18+$0xD500] =	vst.msk vm1, v6;
	v62 =	vor.u32 s28, v4;
	s28 =	sadd.s32 $0xFFFFFFA0, s29;
	s1 =	sadd.s32 $0x80000000, s17;
	s29 =	spop (v2sf)  }
0x75: {  	vm0 =	vmmov vm0;
	v7 =	vor.u32 s24, v4;
	[tilespmem:s30+$0x7D00] =	vst.msk vm3, v62;
	s30 =	sadd.s32 $0xFFFFFF90, s16;
	s17 =	sadd.s32 s29, s1  }
0x76: {  	v63 =	vor.u32 s28, v4;
	[tilespmem:s26+$0x7D00] =	vst.msk vm0, v7;
	p0 =	slt.s32 s0, $0x2BF0;
	s17 =	sadd.s32 $0x80000000, s17;
	s31 =	spop (v2sf)  }
0x77: {  	[tilespmem:s25+$0x7D00] =	vst.msk vm2, v63;
	v7 =	vor.u32 s30, v4;
	s0 =	simm.s32 @!p0 $0x2BF0;
	s28 =	sadd.s32 s31, s17  }
0x78: {  	vm0 =	vmmov vm6;
	p0 =	slt.s32 s1, $0x2BF0;
	[tilespmem:s18+$0x7D00] =	vst.msk vm1, v7;
	s18 =	sadd.s32 $0x80000000, s28;
	s29 =	spop (v2sf)  }
0x79: {  	vm1 =	vmmov vm9;
	[tilespmem:s0+$0xD500] =	vst.msk vm0, v5;
	s1 =	simm.s32 @!p0 $0x2BF0;
	p1 =	slt.s32 s17, $0x2BF0;
	s24 =	sadd.s32 s29, s18  }
0x7a: {  	vm9 =	vmmov vm8;
	[tilespmem:s1+$0xD500] =	vst.msk vm1, v8;
	s17 =	simm.s32 @!p1 $0x2BF0;
	p0 =	slt.s32 s18, $0x2BF0;
	s24 =	sadd.s32 $0x80000000, s24  }
0x7b: {  	vm10 =	vmmov vm10;
	[tilespmem:s17+$0xD500] =	vst.msk vm9, v11;
	s30 =	spop (v2sf);
	s18 =	simm.s32 @!p0 $0x2BF0;
	p0 =	slt.s32 s24, $0x2BF0  }
0x7c: {  	vm11 =	vmmov vm11;
	s25 =	sadd.s32 s30, s24;
	[tilespmem:s18+$0xD500] =	vst.msk vm10, v10;
	s30 =	sadd.s32 $0xFFFFFFD0, s16;
	s24 =	simm.s32 @!p0 $0x2BF0  }
0x7d: {  	s26 =	sadd.s32 $0xFFFFFFE0, s16;
	s25 =	sadd.s32 $0x80000000, s25;
	s31 =	spop (v2sf);
	v6 =	vor.u32 s30, v4;
	[tilespmem:s24+$0xD500] =	vst.msk vm11, v12  }
0x7e: {  	s23 =	sadd.s32 $0x1, s23;
	v5 =	vor.u32 s26, v4;
	s30 =	sadd.s32 $0xFFFFFFC0, s16;
	s29 =	sadd.s32 s31, s25;
	[tilespmem:s18+$0x7D00] =	vst.msk vm10, v6  }
0x7f: {  	s28 =	sadd.s32 $0xFFFFFFF0, s16;
	p0 =	slt.s32 s25, $0x2BF0;
	v6 =	vor.u32 s30, v4;
	[tilespmem:s24+$0x7D00] =	vst.msk vm11, v5;
	s26 =	sadd.s32 $0x80000000, s29  }
0x80: {  	vm14 =	vmmov vm12;
	s25 =	simm.s32 @!p0 $0x2BF0;
	s31 =	spop (v2sf);
	[tilespmem:s17+$0x7D00] =	vst.msk vm9, v6;
	p0 =	slt.s32 s26, $0x2BF0  }
0x81: {  	v5 =	vor.u32 s28, v4;
	[tilespmem:s25+$0xD500] =	vst.msk vm14, v14;
	s29 =	sadd.s32 s31, s26;
	s26 =	simm.s32 @!p0 $0x2BF0;
	p0 =	sne.s32 s23, $0xA  }
.Ltmp2:
0x82: {  	vm15 =	vmmov vm13;
	[tilespmem:s25+$0x7D00] =	vst.msk vm14, v5;
	(pc) =	sbr.rel @p0 .LBB2_4-.Ltmp2, $4  }
0x83: {  	s31 =	sadd.s32 $0xFFFFFFB0, s16;
	v5 =	vor.u32 s16, v4;
	s16 =	sadd.s32 $0xFFFFFFA0, s16;
	[tilespmem:s26+$0xD500] =	vst.msk vm15, v13  }
0x84: {  	v6 =	vor.u32 s16, v4;
	[tilespmem:s26+$0x7D00] =	vst.msk vm15, v5  }
0x85: {  	vm1 =	vmmov vm1;
	v5 =	vor.u32 s31, v4;
	[tilespmem:s0+$0x7D00] =	vst.msk vm0, v6  }
0x86: {  	s22 =	sadd.s32 $0x7D00, s22;
	s25 =	sadd.s32 $0x80000000, s29;
	[tilespmem:s1+$0x7D00] =	vst.msk vm1, v5  }
0x87: {  	p0 =	slt.s32 s25, $0x2BF0  }
0x88: {  	s25 =	simm.s32 @!p0 $0x2BF0  }
0x89: {  	v5 =	vmov s25  }
0x8a: {  	s0 =	simm.s32 $0xA900;
	s1 =	simm.s32 $0x7D00;
	[tilespmem:$0x15900] =	vst v5  }
0x8b: {  	[tilespmem:s0], [sflag:$0x1] =	stream.indirect.gather [hbm4b:s4+s14], $0x1, s1, s14, $0xb8;
	[tilespmem:$0x15980] =	vst v63  }
0x8c: {  	s30 =	simm.s32 $0x10100  }
0x8d: {  	[tilespmem:s30], [sflag:$0x1] =	stream.indirect.gather [hbm4b:s5+s14], $0x1, s1, s14, $0xb8;
	[tilespmem:$0x15980] =	vst v63  }
0x8e: {  	s31 =	simm.s32 $0x12D00  }
0x8f: {  	[tilespmem:s31], [sflag:$0x1] =	stream.indirect.gather [hbm4b:s6+s14], $0x1, s1, s14, $0xb8;
	[tilespmem:$0x15980] =	vst v63  }
0x90: {  	_ =	swait.ge [sflag:s15], $0x80  }
0x91: {  	[sflag:s15] =	ssyncset.done $0x0  }
0x92: {  	[sflag:s15] =	ssyncadd.s32 $0xFFFFFF80  }
0x93: {  	_ =	swait.ge [sflag:s15], $0x80  }
0x94: {  	[sflag:s15] =	ssyncset.done $0x0  }
0x95: {  	[sflag:s15] =	ssyncadd.s32 $0xFFFFFF80  }
0x96: {  	_ =	swait.ge [sflag:s15], $0x80  }
0x97: {  	s0 =	simm.s32 $0x400;
	s1 =	simm.s32 $0x80;
	[sflag:s15] =	ssyncset.done $0x0  }
.LBB2_8:
0x98: {  	s16 =	sadd.s32 $0xA900, s1  }
0x99: {  	s17 =	sadd.s32 $0x7D00, s1;
	[sflag:s15] =	ssyncadd.s32 $0xFFFFFF80;
	s18 =	smov.u32 s0  }
0x9a: {  	[tilespmem:s16], [sflag:$0x1] =	stream.indirect.gather [hbm4b:s4+s14], $0x1, s17, s14, $0xb8;
	[tilespmem:$0x15980] =	vst v63  }
0x9b: {  	p0 =	sne.s32 s0, $0xAE00;
	s0 =	sadd.s32 $0x200, s0;
	s16 =	sadd.s32 $0x10100, s1  }
0x9c: {  	[tilespmem:s16], [sflag:$0x1] =	stream.indirect.gather [hbm4b:s5+s14], $0x1, s17, s14, $0xb8;
	[tilespmem:$0x15980] =	vst v63  }
0x9d: {  	s1 =	sadd.s32 $0x12D00, s1  }
0x9e: {  	[tilespmem:s1], [sflag:$0x1] =	stream.indirect.gather [hbm4b:s6+s14], $0x1, s17, s14, $0xb8;
	[tilespmem:$0x15980] =	vst v63  }
0x9f: {  	_ =	swait.ge [sflag:s15], $0x80  }
0xa0: {  	[sflag:s15] =	ssyncset.done $0x0  }
0xa1: {  	[sflag:s15] =	ssyncadd.s32 $0xFFFFFF80  }
.Ltmp3:
0xa2: {  	_ =	swait.ge [sflag:s15], $0x80;
	(pc) =	sbr.rel @p0 .LBB2_8-.Ltmp3, $4  }
0xa3: {  	[sflag:s15] =	ssyncset.done $0x0  }
0xa4: {  	[sflag:s15] =	ssyncadd.s32 $0xFFFFFF80  }
0xa5: {  	_ =	swait.ge [sflag:s15], $0x80  }
0xa6: {  	s1 =	sshra.s32 s18, $0x2;
	[sflag:s15] =	ssyncset.done $0x0  }
0xa7: {  	s0 =	sadd.s32 $0xA900, s1;
	s16 =	sadd.s32 $0x7D00, s1;
	[sflag:s15] =	ssyncadd.s32 $0xFFFFFF80  }
0xa8: {  	[tilespmem:s0], [sflag:$0x1] =	stream.indirect.gather [hbm4b:s4+s14], $0x1, s16, s14, $0xb8;
	[tilespmem:$0x15980] =	vst v63  }
0xa9: {  	s26 =	sadd.s32 $0x10100, s1  }
0xaa: {  	[tilespmem:s26], [sflag:$0x1] =	stream.indirect.gather [hbm4b:s5+s14], $0x1, s16, s14, $0xb8;
	[tilespmem:$0x15980] =	vst v63  }
0xab: {  	s28 =	sadd.s32 $0x12D00, s1  }
0xac: {  	[tilespmem:s28], [sflag:$0x1] =	stream.indirect.gather [hbm4b:s6+s14], $0x1, s16, s14, $0xb8;
	[tilespmem:$0x15980] =	vst v63  }
0xad: {  	_ =	swait.ge [sflag:s15], $0x80  }
0xae: {  	[sflag:s15] =	ssyncset.done $0x0  }
0xaf: {  	[sflag:s15] =	ssyncadd.s32 $0xFFFFFF80  }
0xb0: {  	_ =	swait.ge [sflag:s15], $0x80  }
0xb1: {  	[sflag:s15] =	ssyncset.done $0x0  }
0xb2: {  	[sflag:s15] =	ssyncadd.s32 $0xFFFFFF80  }
0xb3: {  	_ =	swait.ge [sflag:s15], $0x80  }
0xb4: {  	[sflag:s15] =	ssyncset.done $0x0  }
0xb5: {  	s29 =	simm.s32 $0x15900;
	[sflag:s15] =	ssyncadd.s32 $0xFFFFFF80  }
0xb6: {  	[hbm4b:s7+s2] =	stream.linear.scatter [tilespmem:s29], [sflag:$0x2], $0x80, $0x38;
	[tilespmem:$0x15980] =	vst v63  }
0xb7: {  	_ =	swait.ge [sflag:s13], $0x80  }
0xb8: {  	[sflag:s13] =	ssyncset.done $0x0  }
0xb9: {  	s30 =	simm.s32 $0xA900;
	[sflag:s13] =	ssyncadd.s32 $0xFFFFFF80  }
0xba: {  	[hbm4b:s8+s2] =	stream.linear.scatter [tilespmem:s30], [sflag:$0x2], $0x2C00, $0x38;
	[tilespmem:$0x15980] =	vst v63  }
0xbb: {  	_ =	swait.ge [sflag:s13], $0x2C00  }
0xbc: {  	[sflag:s13] =	ssyncset.done $0x0  }
0xbd: {  	s31 =	simm.s32 $0xD500;
	[sflag:s13] =	ssyncadd.s32 $0xFFFFD400  }
0xbe: {  	[hbm4b:s9+s2] =	stream.linear.scatter [tilespmem:s31], [sflag:$0x2], $0x2C00, $0x38;
	[tilespmem:$0x15980] =	vst v63  }
0xbf: {  	_ =	swait.ge [sflag:s13], $0x2C00  }
0xc0: {  	[sflag:s13] =	ssyncset.done $0x0  }
0xc1: {  	[sflag:s13] =	ssyncadd.s32 $0xFFFFD400  }
0xc2: {  	[hbm4b:s10+s2] =	stream.linear.scatter [tilespmem:s19], [sflag:$0x2], $0x2C00, $0x38;
	[tilespmem:$0x15980] =	vst v63  }
0xc3: {  	s21 =	sadd.s32 $0x1, s21;
	_ =	swait.ge [sflag:s13], $0x2C00  }
0xc4: {  	p0 =	sne.s32 s21, s12;
	[sflag:s13] =	ssyncset.done $0x0  }
.Ltmp4:
0xc5: {  	[sflag:s13] =	ssyncadd.s32 $0xFFFFD400;
	(pc) =	sbr.rel @p0 .LBB2_1-.Ltmp4, $4  }
0xc6: {  	[hbm4b:s11+s2] =	stream.linear.scatter [tilespmem:s20], [sflag:$0x2], $0x2C00, $0x38;
	[tilespmem:$0x15980] =	vst v63  }
0xc7: {  	_ =	swait.ge [sflag:s13], $0x2C00  }
0xc8: {  	[sflag:s13] =	ssyncset.done $0x0  }
0xc9: {  	[sflag:s13] =	ssyncadd.s32 $0xFFFFD400  }
0xca: {  	_ =	sfence.sel $0x180000  }
0xcb: {  	[bflag:$0x0] =	sbarrier.arrive $0xFFFF  }
0xcc: {  	_ =	strace $0x90000047  }
0xcd: {  	s0 =	stileid.u32;
	[bflag:$0x2] =	sbarrier.arrive $0xFFFF  }
0xce: {  	p0 =	sne.s32 s0, $0x0;
	s0 =	rddreg [dreg:$0x2]  }
0xcf: {  	s0 =	sadd.s32 @!p0 $0x100000, s0  }
0xd0: {  	[sflag:s0] =	ssyncadd.tile.s32 @!p0 $0x1;
	_ =	shalt  }
.Lfunc_end2:
_tile_overlayer_lowered:
.L_overlay_start_2:
0xd1: {  	(tag) =	ssettag $0x2  }
0xd2: {  	s0 =	rddreg [dreg:$0x0];
	s2 =	stileid.u32  }
0xd3: {  	s1 =	rddreg [dreg:$0x1];
	p0 =	sne.s32 s2, $0x0  }
0xd4: {  	s3 =	rddreg [dreg:$0x2];
	[bflag:$0x3] =	sbarrier.arrive $0xFFFF;
	s2 =	simm.s32 @!p0 $0x1C02  }
0xd5: {  	[timem:s3], [sflag:s2] =	dma.local @!p0 [hbm:s0], s1  }
0xd6: {  	s0 =	simm.s32 @!p0 $0x2  }
0xd7: {  	_ =	swait.ge @!p0 [sflag:s0], s1  }
0xd8: {  	s1 =	ssub.s32 @!p0 $0x0, s1;
	[sflag:s0] =	ssyncset.done @!p0 $0x0  }
0xd9: {  	[sflag:s0] =	ssyncadd.s32 @!p0 s1  }
0xda: {  	[bflag:$0x3] =	sbarrier.arrive $0xFFFF  }
0xdb: {  	_ =	shalt  }

</sc_bundles>
